<compile_context>
chip_gen: v7x
topology: tpu7x:2x2x1
jax: 0.10.2.dev20260603
libtpu: 0.0.44.dev20260713+nightly
codegen_flags: <defaults>
</compile_context>

<pallas_src>
import functools
import math

import jax
import jax.numpy as jnp
from jax import lax
from jax.experimental import pallas as pl
from jax.experimental.pallas import tpu as pltpu
from jax.experimental.pallas import tpu_sc as plsc

N = 10000
E = 320000
Q = 65536
KK = 50
D = 128

NC, NS = 2, 16
NW = NC * NS
EPT = E // NW
QPT = Q // NW
NP = 10240
RPS = NP // NS

CHE = 80
CHQ = 128

BNS = 1.0 / math.sqrt(1.0 + 1e-5)



DB = 4
DGRP = (EPT // CHE) // DB
DREM = EPT // CHE - DGRP * DB
SB = 2
SGRP = (EPT // CHE) // SB
SREM = EPT // CHE - SGRP * SB


def _fill_idx(dstv, dstall, off):
    for j in range(CHE // 16):
        dstv[pl.ds(j * 16, 16)] = dstall[pl.ds(off + j * 16, 16)]


def _deg_body(dst_hbm, z_hbm, ones_hbm, out_hbm, dstall, onesv, degsp, lsem, *bufs):
    dstv = bufs[:DB]
    ssem = bufs[DB:]
    c = lax.axis_index("c")
    s = lax.axis_index("s")
    base = (c * NS + s) * EPT
    ldcp = pltpu.async_copy(dst_hbm.at[pl.ds(base, EPT)], dstall, lsem)
    pltpu.sync_copy(ones_hbm, onesv)
    pltpu.sync_copy(z_hbm.at[pl.ds(s * RPS, RPS)], degsp.at[pl.ds(s * RPS, RPS)])
    ldcp.wait()
    plsc.subcore_barrier()

    for k in range(DB):
        _fill_idx(dstv[k], dstall, k * CHE)
        pltpu.async_copy(onesv, degsp.at[dstv[k]], ssem[k], add=True)

    def group(i, _):
        for k in range(DB):
            pltpu.make_async_copy(onesv, degsp.at[dstv[k]], ssem[k]).wait()
            _fill_idx(dstv[k], dstall, ((i + 1) * DB + k) * CHE)
            pltpu.async_copy(onesv, degsp.at[dstv[k]], ssem[k], add=True)
        return ()

    lax.fori_loop(0, DGRP - 1, group, ())
    for k in range(DB):
        pltpu.make_async_copy(onesv, degsp.at[dstv[k]], ssem[k]).wait()
    for r in range(DREM):
        _fill_idx(dstv[r], dstall, (DGRP * DB + r) * CHE)
        pltpu.sync_copy(onesv, degsp.at[dstv[r]], add=True)
    plsc.subcore_barrier()
    pltpu.sync_copy(degsp.at[pl.ds(s * RPS, RPS)], out_hbm.at[c, pl.ds(s * RPS, RPS)])


@functools.cache
def _sc_mesh():
    return plsc.VectorSubcoreMesh(
        core_axis_name="c", subcore_axis_name="s", num_cores=NC, num_subcores=NS
    )


@functools.cache
def _deg_kernel():
    return pl.kernel(
        _deg_body,
        out_type=jax.ShapeDtypeStruct((NC, NP, D), jnp.float32),
        mesh=_sc_mesh(),
        scratch_types=(
            [
                pltpu.VMEM((EPT,), jnp.int32),
                pltpu.VMEM((CHE, D), jnp.float32),
                pltpu.VMEM_SHARED((NP, D), jnp.float32),
                pltpu.SemaphoreType.DMA,
            ]
            + [pltpu.VMEM((CHE,), jnp.int32)] * DB
            + [pltpu.SemaphoreType.DMA] * DB
        ),
    )


def _deg_call(dst, z, ones):
    return _deg_kernel()(dst, z, ones)


def _seg_body(hp_hbm, src_hbm, dst_hbm, z_hbm, out_hbm, acc, *bufs):
    srcv = bufs[0:4]
    dstv = bufs[4:8]
    rows = bufs[8:12]
    s1 = bufs[12:16]
    s2 = bufs[16:20]
    gsem = bufs[20:24]
    ssem = bufs[24:28]
    c = lax.axis_index("c")
    s = lax.axis_index("s")
    base = (c * NS + s) * EPT
    pltpu.sync_copy(z_hbm.at[pl.ds(s * RPS, RPS)], acc.at[pl.ds(s * RPS, RPS)])
    plsc.subcore_barrier()

    def idx_issue(cidx, k):
        off = base + cidx * CHE
        pltpu.async_copy(src_hbm.at[pl.ds(off, CHE)], srcv[k], s1[k])
        pltpu.async_copy(dst_hbm.at[pl.ds(off, CHE)], dstv[k], s2[k])

    def idx_wait(k):
        pltpu.make_async_copy(src_hbm.at[pl.ds(base, CHE)], srcv[k], s1[k]).wait()
        pltpu.make_async_copy(dst_hbm.at[pl.ds(base, CHE)], dstv[k], s2[k]).wait()

    def g_issue(k):
        pltpu.async_copy(hp_hbm.at[srcv[k]], rows[k], gsem[k])

    def g_wait(k):
        pltpu.make_async_copy(hp_hbm.at[srcv[k]], rows[k], gsem[k]).wait()

    def s_issue(k):
        pltpu.async_copy(rows[k], acc.at[dstv[k]], ssem[k], add=True)

    def s_wait(k):
        pltpu.make_async_copy(rows[k], acc.at[dstv[k]], ssem[k]).wait()

    for k in range(4):
        idx_issue(k, k)

    def it(i, _):
        for k in range(4):
            idx_wait(k)
            g_issue(k)
        for k in range(4):
            g_wait(k)
            s_issue(k)
        for k in range(4):
            s_wait(k)
            idx_issue((i + 1) * 4 + k, k)
        return ()

    lax.fori_loop(0, DGRP - 1, it, ())
    for k in range(4):
        idx_wait(k)
        g_issue(k)
    for k in range(4):
        g_wait(k)
        s_issue(k)
    for k in range(4):
        s_wait(k)
    for r in range(DREM):
        idx_issue(DGRP * 4 + r, r)
        idx_wait(r)
        g_issue(r)
        g_wait(r)
        pltpu.sync_copy(rows[r], acc.at[dstv[r]], add=True)
    plsc.subcore_barrier()
    pltpu.sync_copy(acc.at[pl.ds(s * RPS, RPS)], out_hbm.at[c, pl.ds(s * RPS, RPS)])


@functools.cache
def _seg_kernel():
    return pl.kernel(
        _seg_body,
        out_type=jax.ShapeDtypeStruct((NC, NP, D), jnp.float32),
        mesh=_sc_mesh(),
        scratch_types=(
            [pltpu.VMEM_SHARED((NP, D), jnp.float32)]
            + [pltpu.VMEM((CHE,), jnp.int32)] * 8
            + [pltpu.VMEM((CHE, D), jnp.float32)] * 4
            + [pltpu.SemaphoreType.DMA] * 16
        ),
    )


def _seg_call(hp, src, dst, z):
    return _seg_kernel()(hp, src, dst, z)


def _qmul_body(x_hbm, e0_hbm, e1_hbm, out_hbm, e0all, e1all,
               r0a, r1a, r0b, r1b, lsem0, lsem1, ga0, ga1, gb0, gb1, wsa, wsb):
    c = lax.axis_index("c")
    s = lax.axis_index("s")
    base = (c * NS + s) * QPT
    l0 = pltpu.async_copy(e0_hbm.at[pl.ds(base, QPT)], e0all, lsem0)
    l1 = pltpu.async_copy(e1_hbm.at[pl.ds(base, QPT)], e1all, lsem1)
    l0.wait()
    l1.wait()

    def sg(cidx, r0, r1, s0, s1):
        pltpu.async_copy(x_hbm.at[e0all.at[pl.ds(cidx * CHQ, CHQ)]], r0, s0)
        pltpu.async_copy(x_hbm.at[e1all.at[pl.ds(cidx * CHQ, CHQ)]], r1, s1)

    def wg(cidx, r0, r1, s0, s1):
        pltpu.make_async_copy(
            x_hbm.at[e0all.at[pl.ds(cidx * CHQ, CHQ)]], r0, s0).wait()
        pltpu.make_async_copy(
            x_hbm.at[e1all.at[pl.ds(cidx * CHQ, CHQ)]], r1, s1).wait()

    def mult(r0, r1):
        def mulrow(r, _):
            for j in range(D // 16):
                sl = pl.ds(j * 16, 16)
                r0[r, sl] = r0[r, sl] * r1[r, sl]
            return ()

        lax.fori_loop(0, CHQ, mulrow, ())

    def do_chunk(cidx, r0, r1, s0, s1, ws):
        wg(cidx, r0, r1, s0, s1)
        mult(r0, r1)
        return pltpu.async_copy(r0, out_hbm.at[pl.ds(base + cidx * CHQ, CHQ)], ws)

    nch = QPT // CHQ
    sg(0, r0a, r1a, ga0, ga1)
    sg(1, r0b, r1b, gb0, gb1)

    def it(i, _):
        a = 2 * i
        wa = do_chunk(a, r0a, r1a, ga0, ga1, wsa)
        wb = do_chunk(a + 1, r0b, r1b, gb0, gb1, wsb)
        wa.wait()
        sg(a + 2, r0a, r1a, ga0, ga1)
        wb.wait()
        sg(a + 3, r0b, r1b, gb0, gb1)
        return ()

    lax.fori_loop(0, nch // 2 - 1, it, ())
    a = nch - 2
    wa = do_chunk(a, r0a, r1a, ga0, ga1, wsa)
    wb = do_chunk(a + 1, r0b, r1b, gb0, gb1, wsb)
    wa.wait()
    wb.wait()


@functools.cache
def _qmul_kernel():
    return pl.kernel(
        _qmul_body,
        out_type=jax.ShapeDtypeStruct((Q, D), jnp.float32),
        mesh=_sc_mesh(),
        scratch_types=(
            [pltpu.VMEM((QPT,), jnp.int32)] * 2
            + [pltpu.VMEM((CHQ, D), jnp.float32)] * 4
            + [pltpu.SemaphoreType.DMA] * 8
        ),
    )


def _qmul_call(x, e0, e1):
    return _qmul_kernel()(x, e0, e1)


RB = 2000
GN = N // RB
QB = 2048


def _dis_body(p_ref, out_ref):
    deg = p_ref[0, :, 0] + p_ref[1, :, 0] + 1.0
    out_ref[...] = lax.rsqrt(deg)[:, None]


def _dis(parts):
    return pl.pallas_call(
        _dis_body,
        grid=(GN,),
        in_specs=[pl.BlockSpec((NC, RB, D), lambda i: (0, i, 0))],
        out_specs=pl.BlockSpec((RB, 1), lambda i: (i, 0)),
        out_shape=jax.ShapeDtypeStruct((N, 1), jnp.float32),
    )(parts)


def _pre1_body(x_ref, cw_ref, aw_ref, ab_ref, degp_ref,
               hp_ref, tmp_ref, vtz_ref, nf_ref, sums_ref, dis_ref):
    i = pl.program_id(0)
    dp = degp_ref[...]
    disv = lax.rsqrt(dp[0, :, 0] + dp[1, :, 0] + 1.0)[:, None]
    dis_ref[...] = disv
    x = x_ref[...]
    hp_ref[...] = (
        jnp.dot(x, cw_ref[...], preferred_element_type=jnp.float32) * disv
    )
    t = jnp.maximum(
        jnp.dot(x, aw_ref[...], preferred_element_type=jnp.float32)
        + ab_ref[...][None, :],
        0.0,
    )
    tmp_ref[...] = t
    u = t[:, :KK]
    v = t[:, KK:2 * KK]
    z = t[:, 2 * KK:3 * KK]
    vtz = lax.dot_general(
        v, z, (((0,), (0,)), ((), ())), preferred_element_type=jnp.float32
    )
    sums = jnp.stack([jnp.sum(u, axis=0), jnp.sum(v, axis=0)])

    @pl.when(i == 0)
    def _():
        vtz_ref[...] = vtz
        sums_ref[...] = sums

    @pl.when(i > 0)
    def _():
        vtz_ref[...] += vtz
        sums_ref[...] += sums

    @pl.when(i == GN - 1)
    def _():
        stot = sums_ref[...]
        nf_ref[...] = (jnp.sum(stot[0] * stot[1]) / N + 1e-6).reshape(1, 1)


def _pre1(x, conv_w, att_w, att_b, degp):
    return pl.pallas_call(
        _pre1_body,
        grid=(GN,),
        in_specs=[
            pl.BlockSpec((RB, D), lambda i: (i, 0)),
            pl.BlockSpec((D, D), lambda i: (0, 0)),
            pl.BlockSpec((D, 4 * KK), lambda i: (0, 0)),
            pl.BlockSpec((4 * KK,), lambda i: (0,)),
            pl.BlockSpec((NC, RB, D), lambda i: (0, i, 0)),
        ],
        out_specs=[
            pl.BlockSpec((RB, D), lambda i: (i, 0)),
            pl.BlockSpec((RB, 4 * KK), lambda i: (i, 0)),
            pl.BlockSpec((KK, KK), lambda i: (0, 0)),
            pl.BlockSpec((1, 1), lambda i: (0, 0)),
            pl.BlockSpec((2, KK), lambda i: (0, 0)),
            pl.BlockSpec((RB, 1), lambda i: (i, 0)),
        ],
        out_shape=[
            jax.ShapeDtypeStruct((N, D), jnp.float32),
            jax.ShapeDtypeStruct((N, 4 * KK), jnp.float32),
            jax.ShapeDtypeStruct((KK, KK), jnp.float32),
            jax.ShapeDtypeStruct((1, 1), jnp.float32),
            jax.ShapeDtypeStruct((2, KK), jnp.float32),
            jax.ShapeDtypeStruct((N, 1), jnp.float32),
        ],
    )(x, conv_w, att_w, att_b, degp)


def _pre_body(x_ref, cw_ref, aw_ref, ab_ref, dis_ref,
              hp_ref, tmp_ref, vtz_ref, nf_ref, sums_ref):
    i = pl.program_id(0)
    x = x_ref[...]
    hp_ref[...] = (
        jnp.dot(x, cw_ref[...], preferred_element_type=jnp.float32) * dis_ref[...]
    )
    t = jnp.maximum(
        jnp.dot(x, aw_ref[...], preferred_element_type=jnp.float32)
        + ab_ref[...][None, :],
        0.0,
    )
    tmp_ref[...] = t
    u = t[:, :KK]
    v = t[:, KK:2 * KK]
    z = t[:, 2 * KK:3 * KK]
    vtz = lax.dot_general(
        v, z, (((0,), (0,)), ((), ())), preferred_element_type=jnp.float32
    )
    sums = jnp.stack([jnp.sum(u, axis=0), jnp.sum(v, axis=0)])

    @pl.when(i == 0)
    def _():
        vtz_ref[...] = vtz
        sums_ref[...] = sums

    @pl.when(i > 0)
    def _():
        vtz_ref[...] += vtz
        sums_ref[...] += sums

    @pl.when(i == GN - 1)
    def _():
        stot = sums_ref[...]
        nf_ref[...] = (jnp.sum(stot[0] * stot[1]) / N + 1e-6).reshape(1, 1)


def _pre(x, conv_w, att_w, att_b, dis):
    return pl.pallas_call(
        _pre_body,
        grid=(GN,),
        in_specs=[
            pl.BlockSpec((RB, D), lambda i: (i, 0)),
            pl.BlockSpec((D, D), lambda i: (0, 0)),
            pl.BlockSpec((D, 4 * KK), lambda i: (0, 0)),
            pl.BlockSpec((4 * KK,), lambda i: (0,)),
            pl.BlockSpec((RB, 1), lambda i: (i, 0)),
        ],
        out_specs=[
            pl.BlockSpec((RB, D), lambda i: (i, 0)),
            pl.BlockSpec((RB, 4 * KK), lambda i: (i, 0)),
            pl.BlockSpec((KK, KK), lambda i: (0, 0)),
            pl.BlockSpec((1, 1), lambda i: (0, 0)),
            pl.BlockSpec((2, KK), lambda i: (0, 0)),
        ],
        out_shape=[
            jax.ShapeDtypeStruct((N, D), jnp.float32),
            jax.ShapeDtypeStruct((N, 4 * KK), jnp.float32),
            jax.ShapeDtypeStruct((KK, KK), jnp.float32),
            jax.ShapeDtypeStruct((1, 1), jnp.float32),
            jax.ShapeDtypeStruct((2, KK), jnp.float32),
        ],
    )(x, conv_w, att_w, att_b, dis)


def _mix_body(relu_bn, seg_ref, hp_ref, dis_ref, cb_ref, tmp_ref, vtz_ref,
              nf_ref, dwa_ref, dwb_ref, dwc_ref, db_ref, bng_ref, bnb_ref,
              out_ref):
    seg = seg_ref[0] + seg_ref[1]
    xl = jnp.maximum(
        dis_ref[...] * (seg + hp_ref[...]) + cb_ref[...][None, :], 0.0
    )
    t = tmp_ref[...]
    u = t[:, :KK]
    tt = t[:, 3 * KK:]
    wres = (
        jnp.dot(vtz_ref[...], dwa_ref[...], preferred_element_type=jnp.float32)
        / nf_ref[0, 0]
    )
    y = (
        jnp.dot(u, wres, preferred_element_type=jnp.float32)
        + jnp.dot(tt, dwb_ref[...], preferred_element_type=jnp.float32)
        + jnp.dot(xl, dwc_ref[...], preferred_element_type=jnp.float32)
        + db_ref[...][None, :]
    )
    if relu_bn:
        y = jnp.maximum(y, 0.0) * (bng_ref[...][None, :] * BNS) + bnb_ref[...][None, :]
    out_ref[...] = y


def _mix(segs, hp, dis, conv_b, tmp, vtz, nf, dr_w, dr_b, bn_g, bn_b, relu_bn):
    dwa = dr_w[:KK]
    dwb = dr_w[KK:2 * KK]
    dwc = dr_w[2 * KK:]
    return pl.pallas_call(
        functools.partial(_mix_body, relu_bn),
        grid=(GN,),
        in_specs=[
            pl.BlockSpec((NC, RB, D), lambda i: (0, i, 0)),
            pl.BlockSpec((RB, D), lambda i: (i, 0)),
            pl.BlockSpec((RB, 1), lambda i: (i, 0)),
            pl.BlockSpec((D,), lambda i: (0,)),
            pl.BlockSpec((RB, 4 * KK), lambda i: (i, 0)),
            pl.BlockSpec((KK, KK), lambda i: (0, 0)),
            pl.BlockSpec((1, 1), lambda i: (0, 0)),
            pl.BlockSpec((KK, D), lambda i: (0, 0)),
            pl.BlockSpec((KK, D), lambda i: (0, 0)),
            pl.BlockSpec((D, D), lambda i: (0, 0)),
            pl.BlockSpec((D,), lambda i: (0,)),
            pl.BlockSpec((D,), lambda i: (0,)),
            pl.BlockSpec((D,), lambda i: (0,)),
        ],
        out_specs=pl.BlockSpec((RB, D), lambda i: (i, 0)),
        out_shape=jax.ShapeDtypeStruct((N, D), jnp.float32),
    )(segs, hp, dis, conv_b, tmp, vtz, nf, dwa, dwb, dwc, dr_b, bn_g, bn_b)


def _mixpre_body(seg_ref, hp_ref, dis_ref, cb_ref, tmp_ref, vtz_ref,
                 nf_ref, dwa_ref, dwb_ref, dwc_ref, db_ref, bng_ref, bnb_ref,
                 cw2_ref, aw2_ref, ab2_ref,
                 hp2_ref, tmp2_ref, vtz2_ref, nf2_ref, sums2_ref):
    i = pl.program_id(0)
    seg = seg_ref[0] + seg_ref[1]
    disv = dis_ref[...]
    xl = jnp.maximum(
        disv * (seg + hp_ref[...]) + cb_ref[...][None, :], 0.0
    )
    t = tmp_ref[...]
    u = t[:, :KK]
    tt = t[:, 3 * KK:]
    wres = (
        jnp.dot(vtz_ref[...], dwa_ref[...], preferred_element_type=jnp.float32)
        / nf_ref[0, 0]
    )
    y = (
        jnp.dot(u, wres, preferred_element_type=jnp.float32)
        + jnp.dot(tt, dwb_ref[...], preferred_element_type=jnp.float32)
        + jnp.dot(xl, dwc_ref[...], preferred_element_type=jnp.float32)
        + db_ref[...][None, :]
    )
    y = jnp.maximum(y, 0.0) * (bng_ref[...][None, :] * BNS) + bnb_ref[...][None, :]
    hp2_ref[...] = (
        jnp.dot(y, cw2_ref[...], preferred_element_type=jnp.float32) * disv
    )
    t2 = jnp.maximum(
        jnp.dot(y, aw2_ref[...], preferred_element_type=jnp.float32)
        + ab2_ref[...][None, :],
        0.0,
    )
    tmp2_ref[...] = t2
    u2 = t2[:, :KK]
    v2 = t2[:, KK:2 * KK]
    z2 = t2[:, 2 * KK:3 * KK]
    vtz2 = lax.dot_general(
        v2, z2, (((0,), (0,)), ((), ())), preferred_element_type=jnp.float32
    )
    sums2 = jnp.stack([jnp.sum(u2, axis=0), jnp.sum(v2, axis=0)])

    @pl.when(i == 0)
    def _():
        vtz2_ref[...] = vtz2
        sums2_ref[...] = sums2

    @pl.when(i > 0)
    def _():
        vtz2_ref[...] += vtz2
        sums2_ref[...] += sums2

    @pl.when(i == GN - 1)
    def _():
        stot = sums2_ref[...]
        nf2_ref[...] = (jnp.sum(stot[0] * stot[1]) / N + 1e-6).reshape(1, 1)


def _mixpre(segs, hp, dis, conv_b, tmp, vtz, nf, dr_w, dr_b, bn_g, bn_b,
            cw2, aw2, ab2):
    dwa = dr_w[:KK]
    dwb = dr_w[KK:2 * KK]
    dwc = dr_w[2 * KK:]
    return pl.pallas_call(
        _mixpre_body,
        grid=(GN,),
        in_specs=[
            pl.BlockSpec((NC, RB, D), lambda i: (0, i, 0)),
            pl.BlockSpec((RB, D), lambda i: (i, 0)),
            pl.BlockSpec((RB, 1), lambda i: (i, 0)),
            pl.BlockSpec((D,), lambda i: (0,)),
            pl.BlockSpec((RB, 4 * KK), lambda i: (i, 0)),
            pl.BlockSpec((KK, KK), lambda i: (0, 0)),
            pl.BlockSpec((1, 1), lambda i: (0, 0)),
            pl.BlockSpec((KK, D), lambda i: (0, 0)),
            pl.BlockSpec((KK, D), lambda i: (0, 0)),
            pl.BlockSpec((D, D), lambda i: (0, 0)),
            pl.BlockSpec((D,), lambda i: (0,)),
            pl.BlockSpec((D,), lambda i: (0,)),
            pl.BlockSpec((D,), lambda i: (0,)),
            pl.BlockSpec((D, D), lambda i: (0, 0)),
            pl.BlockSpec((D, 4 * KK), lambda i: (0, 0)),
            pl.BlockSpec((4 * KK,), lambda i: (0,)),
        ],
        out_specs=[
            pl.BlockSpec((RB, D), lambda i: (i, 0)),
            pl.BlockSpec((RB, 4 * KK), lambda i: (i, 0)),
            pl.BlockSpec((KK, KK), lambda i: (0, 0)),
            pl.BlockSpec((1, 1), lambda i: (0, 0)),
            pl.BlockSpec((2, KK), lambda i: (0, 0)),
        ],
        out_shape=[
            jax.ShapeDtypeStruct((N, D), jnp.float32),
            jax.ShapeDtypeStruct((N, 4 * KK), jnp.float32),
            jax.ShapeDtypeStruct((KK, KK), jnp.float32),
            jax.ShapeDtypeStruct((1, 1), jnp.float32),
            jax.ShapeDtypeStruct((2, KK), jnp.float32),
        ],
    )(segs, hp, dis, conv_b, tmp, vtz, nf, dwa, dwb, dwc, dr_b, bn_g, bn_b,
      cw2, aw2, ab2)


def _pred_body(h_ref, w0_ref, b0_ref, w1_ref, b1_ref, out_ref):
    y = jnp.maximum(
        jnp.dot(h_ref[...], w0_ref[...], preferred_element_type=jnp.float32)
        + b0_ref[...][None, :],
        0.0,
    )
    logit = jnp.dot(y, w1_ref[...], preferred_element_type=jnp.float32) + b1_ref[0]
    out_ref[...] = jax.nn.sigmoid(logit)


def _pred(h, w0, b0, w1, b1):
    return pl.pallas_call(
        _pred_body,
        grid=(Q // QB,),
        in_specs=[
            pl.BlockSpec((QB, D), lambda i: (i, 0)),
            pl.BlockSpec((D, D), lambda i: (0, 0)),
            pl.BlockSpec((D,), lambda i: (0,)),
            pl.BlockSpec((D, 1), lambda i: (0, 0)),
            pl.BlockSpec((1,), lambda i: (0,)),
        ],
        out_specs=pl.BlockSpec((QB, 1), lambda i: (i, 0)),
        out_shape=jax.ShapeDtypeStruct((Q, 1), jnp.float32),
    )(h, w0, b0, w1, b1)




def kernel(adj_t, edges, emb, conv_w1, conv_b1, conv_w2, conv_b2, att_w0,
           att_b0, att_w1, att_b1, dr_w0, dr_b0, dr_w1, dr_b1, bn_g, bn_b,
           pred_w0, pred_b0, pred_w1, pred_b1):
    src = adj_t[0]
    dst = adj_t[1]
    e0 = edges[0]
    e1 = edges[1]
    z = jnp.zeros((NP, D), jnp.float32)
    ones = jnp.ones((CHE, D), jnp.float32)

    degp = _deg_call(dst, z, ones)

    hp1, tmp1, vtz1, nf1, _, dis = _pre1(emb, conv_w1, att_w0, att_b0, degp)
    seg1 = _seg_call(hp1, src, dst, z)
    hp2, tmp2, vtz2, nf2, _ = _mixpre(seg1, hp1, dis, conv_b1, tmp1, vtz1,
                                      nf1, dr_w0, dr_b0, bn_g, bn_b,
                                      conv_w2, att_w1, att_b1)
    seg2 = _seg_call(hp2, src, dst, z)
    x3 = _mix(seg2, hp2, dis, conv_b2, tmp2, vtz2, nf2,
              dr_w1, dr_b1, bn_g, bn_b, False)

    h = _qmul_call(x3, e0, e1)
    return _pred(h, pred_w0, pred_b0, pred_w1, pred_b1)

# --- scband reference (transcript-rebuilt; emitter-appended) ---
"""Pipeline reference for scband-gcn-lrga-44504451121633 (READ-ONLY COPY).

The authoritative reference and input builder live on the scoring server;
editing this copy changes nothing except your own understanding.
"""

import jax, jax.numpy as jnp
import numpy as np

N_NODES = 10000
N_EDGES = 320000
N_QUERY = 65536
K = 50
D = 128

def _dense(key, shape, fan_in):
    return jax.random.normal(key, shape, dtype=jnp.float32) / np.sqrt(fan_in)

def setup_inputs(seed: int = 0):
    key = jax.random.key(seed)
    ks = jax.random.split(key, 12)
    inp = {}
    inp["adj_t"] = jax.random.randint(ks[0], (2, N_EDGES), 0, N_NODES, dtype=jnp.int32)
    inp["edges"] = jax.random.randint(ks[1], (2, N_QUERY), 0, N_NODES, dtype=jnp.int32)
    inp["emb"] = _dense(ks[2], (N_NODES, D), D)
    inp["conv_w1"] = _dense(ks[3], (D, D), D)
    inp["conv_b1"] = jnp.zeros((D,), jnp.float32)
    inp["conv_w2"] = _dense(ks[4], (D, D), D)
    inp["conv_b2"] = jnp.zeros((D,), jnp.float32)
    inp["att_w0"] = _dense(ks[5], (D, 4 * K), D)
    inp["att_b0"] = jnp.zeros((4 * K,), jnp.float32)
    inp["att_w1"] = _dense(ks[6], (D, 4 * K), D)
    inp["att_b1"] = jnp.zeros((4 * K,), jnp.float32)
    inp["dr_w0"] = _dense(ks[7], (2 * K + D, D), 2 * K + D)
    inp["dr_b0"] = jnp.zeros((D,), jnp.float32)
    inp["dr_w1"] = _dense(ks[8], (2 * K + D, D), 2 * K + D)
    inp["dr_b1"] = jnp.zeros((D,), jnp.float32)
    inp["bn_g"] = jnp.ones((D,), jnp.float32)
    inp["bn_b"] = jnp.zeros((D,), jnp.float32)
    inp["pred_w0"] = _dense(ks[9], (D, D), D)
    inp["pred_b0"] = jnp.zeros((D,), jnp.float32)
    inp["pred_w1"] = _dense(ks[10], (D, 1), D)
    inp["pred_b1"] = jnp.zeros((1,), jnp.float32)
    return inp

def _gcn_norm(edge_index, n):
    loop = jnp.arange(n, dtype=edge_index.dtype)
    src = jnp.concatenate([edge_index[0], loop])
    dst = jnp.concatenate([edge_index[1], loop])
    deg = jnp.zeros((n,), jnp.float32).at[dst].add(1.0)
    dis = jnp.where(deg > 0, 1.0 / jnp.sqrt(deg), 0.0)
    return src, dst, dis[src] * dis[dst]

def _gcn_conv(x, src, dst, norm, W, b):
    h = x @ W
    out = jnp.zeros_like(h).at[dst].add(h[src] * norm[:, None])
    return out + b

def _lrga(x, W, b):
    tmp = jax.nn.relu(x @ W + b)
    U = tmp[:, :K]
    V = tmp[:, K:2 * K]
    Z = tmp[:, 2 * K:3 * K]
    T = tmp[:, 3 * K:]
    res = U @ (V.T @ Z)
    nf = jnp.sum(U @ jnp.sum(V, axis=0)[:, None]) / x.shape[0] + 1e-6
    return jnp.concatenate([res / nf, T], axis=1)

def reference(adj_t, edges, emb, conv_w1, conv_b1, conv_w2, conv_b2, att_w0, att_b0, att_w1, att_b1, dr_w0, dr_b0, dr_w1, dr_b1, bn_g, bn_b, pred_w0, pred_b0, pred_w1, pred_b1):
    src, dst, norm = _gcn_norm(adj_t, N_NODES)
    x = emb
    x_local = jax.nn.relu(_gcn_conv(x, src, dst, norm, conv_w1, conv_b1))
    x_global = _lrga(x, att_w0, att_b0)
    x = jax.nn.relu(jnp.concatenate([x_global, x_local], axis=1) @ dr_w0 + dr_b0)
    x = bn_g * x / jnp.sqrt(1.0 + 1e-5) + bn_b
    x_local = jax.nn.relu(_gcn_conv(x, src, dst, norm, conv_w2, conv_b2))
    x_global = _lrga(x, att_w1, att_b1)
    x = jnp.concatenate([x_global, x_local], axis=1) @ dr_w1 + dr_b1
    h = x[edges[0]] * x[edges[1]]
    h = jax.nn.relu(h @ pred_w0 + pred_b0)
    return jax.nn.sigmoid(h @ pred_w1 + pred_b1)

if __name__ == "__main__":
    import jax
    _d = setup_inputs()
    print(jax.jit(kernel)(*tuple(_d.values())))

</pallas_src>

<mosaic_0001>
#map = affine_map<(d0, d1) -> (0, 0)>
#map1 = affine_map<(d0, d1) -> (0)>
#map2 = affine_map<(d0, d1) -> (0, 0, 0)>
module attributes {stable_mosaic.version = 14 : i64} {
  func.func @_seg_body(%arg0: i32, %arg1: i32, %arg2: memref<10000x128xf32, #tpu.memory_space<hbm>>, %arg3: memref<320000xi32, #tpu.memory_space<hbm>>, %arg4: memref<320000xi32, #tpu.memory_space<hbm>>, %arg5: memref<10240x128xf32, #tpu.memory_space<hbm>>, %arg6: memref<2x10240x128xf32, #tpu.memory_space<hbm>>, %arg7: memref<10240x128xf32, #tpu.memory_space<vmem_shared>>, %arg8: memref<80xi32, #tpu.memory_space<vmem>>, %arg9: memref<80xi32, #tpu.memory_space<vmem>>, %arg10: memref<80xi32, #tpu.memory_space<vmem>>, %arg11: memref<80xi32, #tpu.memory_space<vmem>>, %arg12: memref<80xi32, #tpu.memory_space<vmem>>, %arg13: memref<80xi32, #tpu.memory_space<vmem>>, %arg14: memref<80xi32, #tpu.memory_space<vmem>>, %arg15: memref<80xi32, #tpu.memory_space<vmem>>, %arg16: memref<80x128xf32, #tpu.memory_space<vmem>>, %arg17: memref<80x128xf32, #tpu.memory_space<vmem>>, %arg18: memref<80x128xf32, #tpu.memory_space<vmem>>, %arg19: memref<80x128xf32, #tpu.memory_space<vmem>>, %arg20: memref<!tpu.dma_semaphore, #tpu.memory_space<semaphore_mem>>, %arg21: memref<!tpu.dma_semaphore, #tpu.memory_space<semaphore_mem>>, %arg22: memref<!tpu.dma_semaphore, #tpu.memory_space<semaphore_mem>>, %arg23: memref<!tpu.dma_semaphore, #tpu.memory_space<semaphore_mem>>, %arg24: memref<!tpu.dma_semaphore, #tpu.memory_space<semaphore_mem>>, %arg25: memref<!tpu.dma_semaphore, #tpu.memory_space<semaphore_mem>>, %arg26: memref<!tpu.dma_semaphore, #tpu.memory_space<semaphore_mem>>, %arg27: memref<!tpu.dma_semaphore, #tpu.memory_space<semaphore_mem>>, %arg28: memref<!tpu.dma_semaphore, #tpu.memory_space<semaphore_mem>>, %arg29: memref<!tpu.dma_semaphore, #tpu.memory_space<semaphore_mem>>, %arg30: memref<!tpu.dma_semaphore, #tpu.memory_space<semaphore_mem>>, %arg31: memref<!tpu.dma_semaphore, #tpu.memory_space<semaphore_mem>>, %arg32: memref<!tpu.dma_semaphore, #tpu.memory_space<semaphore_mem>>, %arg33: memref<!tpu.dma_semaphore, #tpu.memory_space<semaphore_mem>>, %arg34: memref<!tpu.dma_semaphore, #tpu.memory_space<semaphore_mem>>, %arg35: memref<!tpu.dma_semaphore, #tpu.memory_space<semaphore_mem>>) attributes {dimension_semantics = [#tpu.dimension_semantics<core_parallel>, #tpu.dimension_semantics<subcore_parallel>], iteration_bounds = array<i64: 2, 16>, scalar_prefetch = 0 : i64, scratch_operands = 29 : i64, tpu.core_type = #tpu.core_type<sc_vector_subcore>, window_params = [{transform_indices = #map}, {transform_indices = #map1}, {transform_indices = #map1}, {transform_indices = #map}, {transform_indices = #map2}]} {
    %mul3A = arith.constant 16 : i32
    %mul3A_0 = arith.muli %arg0, %mul3A : i32
    %add3A = arith.addi %mul3A_0, %arg1 : i32
    %mul3A_1 = arith.constant 10000 : i32
    %mul3A_2 = arith.muli %add3A, %mul3A_1 : i32
    %mul3A_3 = arith.constant 640 : i32
    %mul3A_4 = arith.muli %arg1, %mul3A_3 : i32
    %mul3A_5 = arith.constant 640 : i32
    %mul3A_6 = arith.muli %arg1, %mul3A_5 : i32
    "tpu.region"() ({
      %run_scoped3A = tpu.sem_alloc : memref<!tpu.dma_semaphore, #tpu.memory_space<semaphore_mem>>
      %dma_start3A_118 = arith.constant 0 : i32
      %dma_start3A_119 = tpu.memref_slice %arg7[%mul3A_6, %dma_start3A_118] : memref<10240x128xf32, #tpu.memory_space<vmem_shared>> -> memref<640x128xf32, #tpu.memory_space<vmem_shared>>
      %dma_start3A_120 = arith.constant 0 : i32
      %dma_start3A_121 = tpu.memref_slice %arg5[%mul3A_4, %dma_start3A_120] : memref<10240x128xf32, #tpu.memory_space<hbm>> -> memref<640x128xf32, #tpu.memory_space<hbm>>
      tpu.enqueue_dma source(%dma_start3A_121 : memref<640x128xf32, #tpu.memory_space<hbm>>) target(%dma_start3A_119 : memref<640x128xf32, #tpu.memory_space<vmem_shared>>) target_semaphore(%run_scoped3A : memref<!tpu.dma_semaphore, #tpu.memory_space<semaphore_mem>>)
      %dma_wait3A_122 = arith.constant 0 : i32
      %dma_wait3A_123 = tpu.memref_slice %arg7[%mul3A_6, %dma_wait3A_122] : memref<10240x128xf32, #tpu.memory_space<vmem_shared>> -> memref<640x128xf32, #tpu.memory_space<vmem_shared>>
      %dma_wait3A_124 = arith.constant 0 : i32
      %dma_wait3A_125 = tpu.memref_slice %arg5[%mul3A_4, %dma_wait3A_124] : memref<10240x128xf32, #tpu.memory_space<hbm>> -> memref<640x128xf32, #tpu.memory_space<hbm>>
      tpu.wait_dma2 semaphore(%run_scoped3A : memref<!tpu.dma_semaphore, #tpu.memory_space<semaphore_mem>>) src(%dma_wait3A_125 : memref<640x128xf32, #tpu.memory_space<hbm>>) dst(%dma_wait3A_123 : memref<640x128xf32, #tpu.memory_space<vmem_shared>>)
      tpu.yield
    }) : () -> ()
    %barrier3A = arith.constant 0 : index
    tpu.barrier barrier_id(%barrier3A)
    %add3A_7 = arith.constant 0 : i32
    %add3A_8 = arith.addi %mul3A_2, %add3A_7 : i32
    %dma_start3A = tpu.memref_slice %arg3[%add3A_8] : memref<320000xi32, #tpu.memory_space<hbm>> -> memref<80xi32, #tpu.memory_space<hbm>>
    %dma_start3A_9 = tpu.memref_slice %arg3[%add3A_8] : memref<320000xi32, #tpu.memory_space<hbm>> -> memref<80xi32, #tpu.memory_space<hbm>>
    tpu.enqueue_dma source(%dma_start3A_9 : memref<80xi32, #tpu.memory_space<hbm>>) target(%arg8 : memref<80xi32, #tpu.memory_space<vmem>>) target_semaphore(%arg20 : memref<!tpu.dma_semaphore, #tpu.memory_space<semaphore_mem>>)
    %dma_start3A_10 = tpu.memref_slice %arg4[%add3A_8] : memref<320000xi32, #tpu.memory_space<hbm>> -> memref<80xi32, #tpu.memory_space<hbm>>
    %dma_start3A_11 = tpu.memref_slice %arg4[%add3A_8] : memref<320000xi32, #tpu.memory_space<hbm>> -> memref<80xi32, #tpu.memory_space<hbm>>
    tpu.enqueue_dma source(%dma_start3A_11 : memref<80xi32, #tpu.memory_space<hbm>>) target(%arg12 : memref<80xi32, #tpu.memory_space<vmem>>) target_semaphore(%arg24 : memref<!tpu.dma_semaphore, #tpu.memory_space<semaphore_mem>>)
    %add3A_12 = arith.constant 80 : i32
    %add3A_13 = arith.addi %mul3A_2, %add3A_12 : i32
    %dma_start3A_14 = tpu.memref_slice %arg3[%add3A_13] : memref<320000xi32, #tpu.memory_space<hbm>> -> memref<80xi32, #tpu.memory_space<hbm>>
    %dma_start3A_15 = tpu.memref_slice %arg3[%add3A_13] : memref<320000xi32, #tpu.memory_space<hbm>> -> memref<80xi32, #tpu.memory_space<hbm>>
    tpu.enqueue_dma source(%dma_start3A_15 : memref<80xi32, #tpu.memory_space<hbm>>) target(%arg9 : memref<80xi32, #tpu.memory_space<vmem>>) target_semaphore(%arg21 : memref<!tpu.dma_semaphore, #tpu.memory_space<semaphore_mem>>)
    %dma_start3A_16 = tpu.memref_slice %arg4[%add3A_13] : memref<320000xi32, #tpu.memory_space<hbm>> -> memref<80xi32, #tpu.memory_space<hbm>>
    %dma_start3A_17 = tpu.memref_slice %arg4[%add3A_13] : memref<320000xi32, #tpu.memory_space<hbm>> -> memref<80xi32, #tpu.memory_space<hbm>>
    tpu.enqueue_dma source(%dma_start3A_17 : memref<80xi32, #tpu.memory_space<hbm>>) target(%arg13 : memref<80xi32, #tpu.memory_space<vmem>>) target_semaphore(%arg25 : memref<!tpu.dma_semaphore, #tpu.memory_space<semaphore_mem>>)
    %add3A_18 = arith.constant 160 : i32
    %add3A_19 = arith.addi %mul3A_2, %add3A_18 : i32
    %dma_start3A_20 = tpu.memref_slice %arg3[%add3A_19] : memref<320000xi32, #tpu.memory_space<hbm>> -> memref<80xi32, #tpu.memory_space<hbm>>
    %dma_start3A_21 = tpu.memref_slice %arg3[%add3A_19] : memref<320000xi32, #tpu.memory_space<hbm>> -> memref<80xi32, #tpu.memory_space<hbm>>
    tpu.enqueue_dma source(%dma_start3A_21 : memref<80xi32, #tpu.memory_space<hbm>>) target(%arg10 : memref<80xi32, #tpu.memory_space<vmem>>) target_semaphore(%arg22 : memref<!tpu.dma_semaphore, #tpu.memory_space<semaphore_mem>>)
    %dma_start3A_22 = tpu.memref_slice %arg4[%add3A_19] : memref<320000xi32, #tpu.memory_space<hbm>> -> memref<80xi32, #tpu.memory_space<hbm>>
    %dma_start3A_23 = tpu.memref_slice %arg4[%add3A_19] : memref<320000xi32, #tpu.memory_space<hbm>> -> memref<80xi32, #tpu.memory_space<hbm>>
    tpu.enqueue_dma source(%dma_start3A_23 : memref<80xi32, #tpu.memory_space<hbm>>) target(%arg14 : memref<80xi32, #tpu.memory_space<vmem>>) target_semaphore(%arg26 : memref<!tpu.dma_semaphore, #tpu.memory_space<semaphore_mem>>)
    %add3A_24 = arith.constant 240 : i32
    %add3A_25 = arith.addi %mul3A_2, %add3A_24 : i32
    %dma_start3A_26 = tpu.memref_slice %arg3[%add3A_25] : memref<320000xi32, #tpu.memory_space<hbm>> -> memref<80xi32, #tpu.memory_space<hbm>>
    %dma_start3A_27 = tpu.memref_slice %arg3[%add3A_25] : memref<320000xi32, #tpu.memory_space<hbm>> -> memref<80xi32, #tpu.memory_space<hbm>>
    tpu.enqueue_dma source(%dma_start3A_27 : memref<80xi32, #tpu.memory_space<hbm>>) target(%arg11 : memref<80xi32, #tpu.memory_space<vmem>>) target_semaphore(%arg23 : memref<!tpu.dma_semaphore, #tpu.memory_space<semaphore_mem>>)
    %dma_start3A_28 = tpu.memref_slice %arg4[%add3A_25] : memref<320000xi32, #tpu.memory_space<hbm>> -> memref<80xi32, #tpu.memory_space<hbm>>
    %dma_start3A_29 = tpu.memref_slice %arg4[%add3A_25] : memref<320000xi32, #tpu.memory_space<hbm>> -> memref<80xi32, #tpu.memory_space<hbm>>
    tpu.enqueue_dma source(%dma_start3A_29 : memref<80xi32, #tpu.memory_space<hbm>>) target(%arg15 : memref<80xi32, #tpu.memory_space<vmem>>) target_semaphore(%arg27 : memref<!tpu.dma_semaphore, #tpu.memory_space<semaphore_mem>>)
    %scan3A = arith.constant 0 : i32
    %scan3A_30 = arith.constant 30 : i32
    %scan3A_31 = arith.addi %scan3A, %scan3A_30 : i32
    %scan3A_32 = arith.constant 1 : i32
    scf.for %scan3A_118 = %scan3A to %scan3A_31 step %scan3A_32  : i32 {
      %dma_wait3A_119 = tpu.memref_slice %arg3[%mul3A_2] : memref<320000xi32, #tpu.memory_space<hbm>> -> memref<80xi32, #tpu.memory_space<hbm>>
      %dma_wait3A_120 = tpu.memref_slice %arg3[%mul3A_2] : memref<320000xi32, #tpu.memory_space<hbm>> -> memref<80xi32, #tpu.memory_space<hbm>>
      tpu.wait_dma2 semaphore(%arg20 : memref<!tpu.dma_semaphore, #tpu.memory_space<semaphore_mem>>) src(%dma_wait3A_120 : memref<80xi32, #tpu.memory_space<hbm>>) dst(%arg8 : memref<80xi32, #tpu.memory_space<vmem>>)
      %dma_wait3A_121 = tpu.memref_slice %arg4[%mul3A_2] : memref<320000xi32, #tpu.memory_space<hbm>> -> memref<80xi32, #tpu.memory_space<hbm>>
      %dma_wait3A_122 = tpu.memref_slice %arg4[%mul3A_2] : memref<320000xi32, #tpu.memory_space<hbm>> -> memref<80xi32, #tpu.memory_space<hbm>>
      tpu.wait_dma2 semaphore(%arg24 : memref<!tpu.dma_semaphore, #tpu.memory_space<semaphore_mem>>) src(%dma_wait3A_122 : memref<80xi32, #tpu.memory_space<hbm>>) dst(%arg12 : memref<80xi32, #tpu.memory_space<vmem>>)
      %dma_start3A_123 = arith.constant 0 : i32
      %dma_start3A_124 = arith.constant 0 : i32
      %dma_start3A_125 = tpu.memref_slice %arg2[%dma_start3A_123, %dma_start3A_124] : memref<10000x128xf32, #tpu.memory_space<hbm>> -> memref<10000x128xf32, #tpu.memory_space<hbm>>
      tpu.enqueue_indirect_dma source(%dma_start3A_125 : memref<10000x128xf32, #tpu.memory_space<hbm>>) target(%arg16 : memref<80x128xf32, #tpu.memory_space<vmem>>) offsets(%arg8 : memref<80xi32, #tpu.memory_space<vmem>>) semaphore(%arg28 : memref<!tpu.dma_semaphore, #tpu.memory_space<semaphore_mem>>)
      %dma_wait3A_126 = tpu.memref_slice %arg3[%mul3A_2] : memref<320000xi32, #tpu.memory_space<hbm>> -> memref<80xi32, #tpu.memory_space<hbm>>
      %dma_wait3A_127 = tpu.memref_slice %arg3[%mul3A_2] : memref<320000xi32, #tpu.memory_space<hbm>> -> memref<80xi32, #tpu.memory_space<hbm>>
      tpu.wait_dma2 semaphore(%arg21 : memref<!tpu.dma_semaphore, #tpu.memory_space<semaphore_mem>>) src(%dma_wait3A_127 : memref<80xi32, #tpu.memory_space<hbm>>) dst(%arg9 : memref<80xi32, #tpu.memory_space<vmem>>)
      %dma_wait3A_128 = tpu.memref_slice %arg4[%mul3A_2] : memref<320000xi32, #tpu.memory_space<hbm>> -> memref<80xi32, #tpu.memory_space<hbm>>
      %dma_wait3A_129 = tpu.memref_slice %arg4[%mul3A_2] : memref<320000xi32, #tpu.memory_space<hbm>> -> memref<80xi32, #tpu.memory_space<hbm>>
      tpu.wait_dma2 semaphore(%arg25 : memref<!tpu.dma_semaphore, #tpu.memory_space<semaphore_mem>>) src(%dma_wait3A_129 : memref<80xi32, #tpu.memory_space<hbm>>) dst(%arg13 : memref<80xi32, #tpu.memory_space<vmem>>)
      %dma_start3A_130 = arith.constant 0 : i32
      %dma_start3A_131 = arith.constant 0 : i32
      %dma_start3A_132 = tpu.memref_slice %arg2[%dma_start3A_130, %dma_start3A_131] : memref<10000x128xf32, #tpu.memory_space<hbm>> -> memref<10000x128xf32, #tpu.memory_space<hbm>>
      tpu.enqueue_indirect_dma source(%dma_start3A_132 : memref<10000x128xf32, #tpu.memory_space<hbm>>) target(%arg17 : memref<80x128xf32, #tpu.memory_space<vmem>>) offsets(%arg9 : memref<80xi32, #tpu.memory_space<vmem>>) semaphore(%arg29 : memref<!tpu.dma_semaphore, #tpu.memory_space<semaphore_mem>>)
      %dma_wait3A_133 = tpu.memref_slice %arg3[%mul3A_2] : memref<320000xi32, #tpu.memory_space<hbm>> -> memref<80xi32, #tpu.memory_space<hbm>>
      %dma_wait3A_134 = tpu.memref_slice %arg3[%mul3A_2] : memref<320000xi32, #tpu.memory_space<hbm>> -> memref<80xi32, #tpu.memory_space<hbm>>
      tpu.wait_dma2 semaphore(%arg22 : memref<!tpu.dma_semaphore, #tpu.memory_space<semaphore_mem>>) src(%dma_wait3A_134 : memref<80xi32, #tpu.memory_space<hbm>>) dst(%arg10 : memref<80xi32, #tpu.memory_space<vmem>>)
      %dma_wait3A_135 = tpu.memref_slice %arg4[%mul3A_2] : memref<320000xi32, #tpu.memory_space<hbm>> -> memref<80xi32, #tpu.memory_space<hbm>>
      %dma_wait3A_136 = tpu.memref_slice %arg4[%mul3A_2] : memref<320000xi32, #tpu.memory_space<hbm>> -> memref<80xi32, #tpu.memory_space<hbm>>
      tpu.wait_dma2 semaphore(%arg26 : memref<!tpu.dma_semaphore, #tpu.memory_space<semaphore_mem>>) src(%dma_wait3A_136 : memref<80xi32, #tpu.memory_space<hbm>>) dst(%arg14 : memref<80xi32, #tpu.memory_space<vmem>>)
      %dma_start3A_137 = arith.constant 0 : i32
      %dma_start3A_138 = arith.constant 0 : i32
      %dma_start3A_139 = tpu.memref_slice %arg2[%dma_start3A_137, %dma_start3A_138] : memref<10000x128xf32, #tpu.memory_space<hbm>> -> memref<10000x128xf32, #tpu.memory_space<hbm>>
      tpu.enqueue_indirect_dma source(%dma_start3A_139 : memref<10000x128xf32, #tpu.memory_space<hbm>>) target(%arg18 : memref<80x128xf32, #tpu.memory_space<vmem>>) offsets(%arg10 : memref<80xi32, #tpu.memory_space<vmem>>) semaphore(%arg30 : memref<!tpu.dma_semaphore, #tpu.memory_space<semaphore_mem>>)
      %dma_wait3A_140 = tpu.memref_slice %arg3[%mul3A_2] : memref<320000xi32, #tpu.memory_space<hbm>> -> memref<80xi32, #tpu.memory_space<hbm>>
      %dma_wait3A_141 = tpu.memref_slice %arg3[%mul3A_2] : memref<320000xi32, #tpu.memory_space<hbm>> -> memref<80xi32, #tpu.memory_space<hbm>>
      tpu.wait_dma2 semaphore(%arg23 : memref<!tpu.dma_semaphore, #tpu.memory_space<semaphore_mem>>) src(%dma_wait3A_141 : memref<80xi32, #tpu.memory_space<hbm>>) dst(%arg11 : memref<80xi32, #tpu.memory_space<vmem>>)
      %dma_wait3A_142 = tpu.memref_slice %arg4[%mul3A_2] : memref<320000xi32, #tpu.memory_space<hbm>> -> memref<80xi32, #tpu.memory_space<hbm>>
      %dma_wait3A_143 = tpu.memref_slice %arg4[%mul3A_2] : memref<320000xi32, #tpu.memory_space<hbm>> -> memref<80xi32, #tpu.memory_space<hbm>>
      tpu.wait_dma2 semaphore(%arg27 : memref<!tpu.dma_semaphore, #tpu.memory_space<semaphore_mem>>) src(%dma_wait3A_143 : memref<80xi32, #tpu.memory_space<hbm>>) dst(%arg15 : memref<80xi32, #tpu.memory_space<vmem>>)
      %dma_start3A_144 = arith.constant 0 : i32
      %dma_start3A_145 = arith.constant 0 : i32
      %dma_start3A_146 = tpu.memref_slice %arg2[%dma_start3A_144, %dma_start3A_145] : memref<10000x128xf32, #tpu.memory_space<hbm>> -> memref<10000x128xf32, #tpu.memory_space<hbm>>
      tpu.enqueue_indirect_dma source(%dma_start3A_146 : memref<10000x128xf32, #tpu.memory_space<hbm>>) target(%arg19 : memref<80x128xf32, #tpu.memory_space<vmem>>) offsets(%arg11 : memref<80xi32, #tpu.memory_space<vmem>>) semaphore(%arg31 : memref<!tpu.dma_semaphore, #tpu.memory_space<semaphore_mem>>)
      %dma_wait3A_147 = arith.constant 0 : i32
      %dma_wait3A_148 = arith.constant 0 : i32
      %dma_wait3A_149 = tpu.memref_slice %arg2[%dma_wait3A_147, %dma_wait3A_148] : memref<10000x128xf32, #tpu.memory_space<hbm>> -> memref<10000x128xf32, #tpu.memory_space<hbm>>
      tpu.wait_indirect_dma semaphore(%arg28 : memref<!tpu.dma_semaphore, #tpu.memory_space<semaphore_mem>>) src(%dma_wait3A_149 : memref<10000x128xf32, #tpu.memory_space<hbm>>) dst(%arg16 : memref<80x128xf32, #tpu.memory_space<vmem>>)
      %dma_start3A_150 = arith.constant 0 : i32
      %dma_start3A_151 = arith.constant 0 : i32
      %dma_start3A_152 = tpu.memref_slice %arg7[%dma_start3A_150, %dma_start3A_151] : memref<10240x128xf32, #tpu.memory_space<vmem_shared>> -> memref<10240x128xf32, #tpu.memory_space<vmem_shared>>
      tpu.enqueue_indirect_dma source(%arg16 : memref<80x128xf32, #tpu.memory_space<vmem>>) target(%dma_start3A_152 : memref<10240x128xf32, #tpu.memory_space<vmem_shared>>) offsets(%arg12 : memref<80xi32, #tpu.memory_space<vmem>>) semaphore(%arg32 : memref<!tpu.dma_semaphore, #tpu.memory_space<semaphore_mem>>) {add = true}
      %dma_wait3A_153 = arith.constant 0 : i32
      %dma_wait3A_154 = arith.constant 0 : i32
      %dma_wait3A_155 = tpu.memref_slice %arg2[%dma_wait3A_153, %dma_wait3A_154] : memref<10000x128xf32, #tpu.memory_space<hbm>> -> memref<10000x128xf32, #tpu.memory_space<hbm>>
      tpu.wait_indirect_dma semaphore(%arg29 : memref<!tpu.dma_semaphore, #tpu.memory_space<semaphore_mem>>) src(%dma_wait3A_155 : memref<10000x128xf32, #tpu.memory_space<hbm>>) dst(%arg17 : memref<80x128xf32, #tpu.memory_space<vmem>>)
      %dma_start3A_156 = arith.constant 0 : i32
      %dma_start3A_157 = arith.constant 0 : i32
      %dma_start3A_158 = tpu.memref_slice %arg7[%dma_start3A_156, %dma_start3A_157] : memref<10240x128xf32, #tpu.memory_space<vmem_shared>> -> memref<10240x128xf32, #tpu.memory_space<vmem_shared>>
      tpu.enqueue_indirect_dma source(%arg17 : memref<80x128xf32, #tpu.memory_space<vmem>>) target(%dma_start3A_158 : memref<10240x128xf32, #tpu.memory_space<vmem_shared>>) offsets(%arg13 : memref<80xi32, #tpu.memory_space<vmem>>) semaphore(%arg33 : memref<!tpu.dma_semaphore, #tpu.memory_space<semaphore_mem>>) {add = true}
      %dma_wait3A_159 = arith.constant 0 : i32
      %dma_wait3A_160 = arith.constant 0 : i32
      %dma_wait3A_161 = tpu.memref_slice %arg2[%dma_wait3A_159, %dma_wait3A_160] : memref<10000x128xf32, #tpu.memory_space<hbm>> -> memref<10000x128xf32, #tpu.memory_space<hbm>>
      tpu.wait_indirect_dma semaphore(%arg30 : memref<!tpu.dma_semaphore, #tpu.memory_space<semaphore_mem>>) src(%dma_wait3A_161 : memref<10000x128xf32, #tpu.memory_space<hbm>>) dst(%arg18 : memref<80x128xf32, #tpu.memory_space<vmem>>)
      %dma_start3A_162 = arith.constant 0 : i32
      %dma_start3A_163 = arith.constant 0 : i32
      %dma_start3A_164 = tpu.memref_slice %arg7[%dma_start3A_162, %dma_start3A_163] : memref<10240x128xf32, #tpu.memory_space<vmem_shared>> -> memref<10240x128xf32, #tpu.memory_space<vmem_shared>>
      tpu.enqueue_indirect_dma source(%arg18 : memref<80x128xf32, #tpu.memory_space<vmem>>) target(%dma_start3A_164 : memref<10240x128xf32, #tpu.memory_space<vmem_shared>>) offsets(%arg14 : memref<80xi32, #tpu.memory_space<vmem>>) semaphore(%arg34 : memref<!tpu.dma_semaphore, #tpu.memory_space<semaphore_mem>>) {add = true}
      %dma_wait3A_165 = arith.constant 0 : i32
      %dma_wait3A_166 = arith.constant 0 : i32
      %dma_wait3A_167 = tpu.memref_slice %arg2[%dma_wait3A_165, %dma_wait3A_166] : memref<10000x128xf32, #tpu.memory_space<hbm>> -> memref<10000x128xf32, #tpu.memory_space<hbm>>
      tpu.wait_indirect_dma semaphore(%arg31 : memref<!tpu.dma_semaphore, #tpu.memory_space<semaphore_mem>>) src(%dma_wait3A_167 : memref<10000x128xf32, #tpu.memory_space<hbm>>) dst(%arg19 : memref<80x128xf32, #tpu.memory_space<vmem>>)
      %dma_start3A_168 = arith.constant 0 : i32
      %dma_start3A_169 = arith.constant 0 : i32
      %dma_start3A_170 = tpu.memref_slice %arg7[%dma_start3A_168, %dma_start3A_169] : memref<10240x128xf32, #tpu.memory_space<vmem_shared>> -> memref<10240x128xf32, #tpu.memory_space<vmem_shared>>
      tpu.enqueue_indirect_dma source(%arg19 : memref<80x128xf32, #tpu.memory_space<vmem>>) target(%dma_start3A_170 : memref<10240x128xf32, #tpu.memory_space<vmem_shared>>) offsets(%arg15 : memref<80xi32, #tpu.memory_space<vmem>>) semaphore(%arg35 : memref<!tpu.dma_semaphore, #tpu.memory_space<semaphore_mem>>) {add = true}
      %dma_wait3A_171 = arith.constant 0 : i32
      %dma_wait3A_172 = arith.constant 0 : i32
      %dma_wait3A_173 = tpu.memref_slice %arg7[%dma_wait3A_171, %dma_wait3A_172] : memref<10240x128xf32, #tpu.memory_space<vmem_shared>> -> memref<10240x128xf32, #tpu.memory_space<vmem_shared>>
      tpu.wait_indirect_dma semaphore(%arg32 : memref<!tpu.dma_semaphore, #tpu.memory_space<semaphore_mem>>) src(%arg16 : memref<80x128xf32, #tpu.memory_space<vmem>>) dst(%dma_wait3A_173 : memref<10240x128xf32, #tpu.memory_space<vmem_shared>>)
      %add3A_174 = arith.constant 1 : i32
      %add3A_175 = arith.addi %scan3A_118, %add3A_174 : i32
      %mul3A_176 = arith.constant 4 : i32
      %mul3A_177 = arith.muli %add3A_175, %mul3A_176 : i32
      %add3A_178 = arith.constant 0 : i32
      %add3A_179 = arith.addi %mul3A_177, %add3A_178 : i32
      %mul3A_180 = arith.constant 80 : i32
      %mul3A_181 = arith.muli %add3A_179, %mul3A_180 : i32
      %add3A_182 = arith.addi %mul3A_2, %mul3A_181 : i32
      %dma_start3A_183 = tpu.memref_slice %arg3[%add3A_182] : memref<320000xi32, #tpu.memory_space<hbm>> -> memref<80xi32, #tpu.memory_space<hbm>>
      %dma_start3A_184 = tpu.memref_slice %arg3[%add3A_182] : memref<320000xi32, #tpu.memory_space<hbm>> -> memref<80xi32, #tpu.memory_space<hbm>>
      tpu.enqueue_dma source(%dma_start3A_184 : memref<80xi32, #tpu.memory_space<hbm>>) target(%arg8 : memref<80xi32, #tpu.memory_space<vmem>>) target_semaphore(%arg20 : memref<!tpu.dma_semaphore, #tpu.memory_space<semaphore_mem>>)
      %dma_start3A_185 = tpu.memref_slice %arg4[%add3A_182] : memref<320000xi32, #tpu.memory_space<hbm>> -> memref<80xi32, #tpu.memory_space<hbm>>
      %dma_start3A_186 = tpu.memref_slice %arg4[%add3A_182] : memref<320000xi32, #tpu.memory_space<hbm>> -> memref<80xi32, #tpu.memory_space<hbm>>
      tpu.enqueue_dma source(%dma_start3A_186 : memref<80xi32, #tpu.memory_space<hbm>>) target(%arg12 : memref<80xi32, #tpu.memory_space<vmem>>) target_semaphore(%arg24 : memref<!tpu.dma_semaphore, #tpu.memory_space<semaphore_mem>>)
      %dma_wait3A_187 = arith.constant 0 : i32
      %dma_wait3A_188 = arith.constant 0 : i32
      %dma_wait3A_189 = tpu.memref_slice %arg7[%dma_wait3A_187, %dma_wait3A_188] : memref<10240x128xf32, #tpu.memory_space<vmem_shared>> -> memref<10240x128xf32, #tpu.memory_space<vmem_shared>>
      tpu.wait_indirect_dma semaphore(%arg33 : memref<!tpu.dma_semaphore, #tpu.memory_space<semaphore_mem>>) src(%arg17 : memref<80x128xf32, #tpu.memory_space<vmem>>) dst(%dma_wait3A_189 : memref<10240x128xf32, #tpu.memory_space<vmem_shared>>)
      %add3A_190 = arith.constant 1 : i32
      %add3A_191 = arith.addi %scan3A_118, %add3A_190 : i32
      %mul3A_192 = arith.constant 4 : i32
      %mul3A_193 = arith.muli %add3A_191, %mul3A_192 : i32
      %add3A_194 = arith.constant 1 : i32
      %add3A_195 = arith.addi %mul3A_193, %add3A_194 : i32
      %mul3A_196 = arith.constant 80 : i32
      %mul3A_197 = arith.muli %add3A_195, %mul3A_196 : i32
      %add3A_198 = arith.addi %mul3A_2, %mul3A_197 : i32
      %dma_start3A_199 = tpu.memref_slice %arg3[%add3A_198] : memref<320000xi32, #tpu.memory_space<hbm>> -> memref<80xi32, #tpu.memory_space<hbm>>
      %dma_start3A_200 = tpu.memref_slice %arg3[%add3A_198] : memref<320000xi32, #tpu.memory_space<hbm>> -> memref<80xi32, #tpu.memory_space<hbm>>
      tpu.enqueue_dma source(%dma_start3A_200 : memref<80xi32, #tpu.memory_space<hbm>>) target(%arg9 : memref<80xi32, #tpu.memory_space<vmem>>) target_semaphore(%arg21 : memref<!tpu.dma_semaphore, #tpu.memory_space<semaphore_mem>>)
      %dma_start3A_201 = tpu.memref_slice %arg4[%add3A_198] : memref<320000xi32, #tpu.memory_space<hbm>> -> memref<80xi32, #tpu.memory_space<hbm>>
      %dma_start3A_202 = tpu.memref_slice %arg4[%add3A_198] : memref<320000xi32, #tpu.memory_space<hbm>> -> memref<80xi32, #tpu.memory_space<hbm>>
      tpu.enqueue_dma source(%dma_start3A_202 : memref<80xi32, #tpu.memory_space<hbm>>) target(%arg13 : memref<80xi32, #tpu.memory_space<vmem>>) target_semaphore(%arg25 : memref<!tpu.dma_semaphore, #tpu.memory_space<semaphore_mem>>)
      %dma_wait3A_203 = arith.constant 0 : i32
      %dma_wait3A_204 = arith.constant 0 : i32
      %dma_wait3A_205 = tpu.memref_slice %arg7[%dma_wait3A_203, %dma_wait3A_204] : memref<10240x128xf32, #tpu.memory_space<vmem_shared>> -> memref<10240x128xf32, #tpu.memory_space<vmem_shared>>
      tpu.wait_indirect_dma semaphore(%arg34 : memref<!tpu.dma_semaphore, #tpu.memory_space<semaphore_mem>>) src(%arg18 : memref<80x128xf32, #tpu.memory_space<vmem>>) dst(%dma_wait3A_205 : memref<10240x128xf32, #tpu.memory_space<vmem_shared>>)
      %add3A_206 = arith.constant 1 : i32
      %add3A_207 = arith.addi %scan3A_118, %add3A_206 : i32
      %mul3A_208 = arith.constant 4 : i32
      %mul3A_209 = arith.muli %add3A_207, %mul3A_208 : i32
      %add3A_210 = arith.constant 2 : i32
      %add3A_211 = arith.addi %mul3A_209, %add3A_210 : i32
      %mul3A_212 = arith.constant 80 : i32
      %mul3A_213 = arith.muli %add3A_211, %mul3A_212 : i32
      %add3A_214 = arith.addi %mul3A_2, %mul3A_213 : i32
      %dma_start3A_215 = tpu.memref_slice %arg3[%add3A_214] : memref<320000xi32, #tpu.memory_space<hbm>> -> memref<80xi32, #tpu.memory_space<hbm>>
      %dma_start3A_216 = tpu.memref_slice %arg3[%add3A_214] : memref<320000xi32, #tpu.memory_space<hbm>> -> memref<80xi32, #tpu.memory_space<hbm>>
      tpu.enqueue_dma source(%dma_start3A_216 : memref<80xi32, #tpu.memory_space<hbm>>) target(%arg10 : memref<80xi32, #tpu.memory_space<vmem>>) target_semaphore(%arg22 : memref<!tpu.dma_semaphore, #tpu.memory_space<semaphore_mem>>)
      %dma_start3A_217 = tpu.memref_slice %arg4[%add3A_214] : memref<320000xi32, #tpu.memory_space<hbm>> -> memref<80xi32, #tpu.memory_space<hbm>>
      %dma_start3A_218 = tpu.memref_slice %arg4[%add3A_214] : memref<320000xi32, #tpu.memory_space<hbm>> -> memref<80xi32, #tpu.memory_space<hbm>>
      tpu.enqueue_dma source(%dma_start3A_218 : memref<80xi32, #tpu.memory_space<hbm>>) target(%arg14 : memref<80xi32, #tpu.memory_space<vmem>>) target_semaphore(%arg26 : memref<!tpu.dma_semaphore, #tpu.memory_space<semaphore_mem>>)
      %dma_wait3A_219 = arith.constant 0 : i32
      %dma_wait3A_220 = arith.constant 0 : i32
      %dma_wait3A_221 = tpu.memref_slice %arg7[%dma_wait3A_219, %dma_wait3A_220] : memref<10240x128xf32, #tpu.memory_space<vmem_shared>> -> memref<10240x128xf32, #tpu.memory_space<vmem_shared>>
      tpu.wait_indirect_dma semaphore(%arg35 : memref<!tpu.dma_semaphore, #tpu.memory_space<semaphore_mem>>) src(%arg19 : memref<80x128xf32, #tpu.memory_space<vmem>>) dst(%dma_wait3A_221 : memref<10240x128xf32, #tpu.memory_space<vmem_shared>>)
      %add3A_222 = arith.constant 1 : i32
      %add3A_223 = arith.addi %scan3A_118, %add3A_222 : i32
      %mul3A_224 = arith.constant 4 : i32
      %mul3A_225 = arith.muli %add3A_223, %mul3A_224 : i32
      %add3A_226 = arith.constant 3 : i32
      %add3A_227 = arith.addi %mul3A_225, %add3A_226 : i32
      %mul3A_228 = arith.constant 80 : i32
      %mul3A_229 = arith.muli %add3A_227, %mul3A_228 : i32
      %add3A_230 = arith.addi %mul3A_2, %mul3A_229 : i32
      %dma_start3A_231 = tpu.memref_slice %arg3[%add3A_230] : memref<320000xi32, #tpu.memory_space<hbm>> -> memref<80xi32, #tpu.memory_space<hbm>>
      %dma_start3A_232 = tpu.memref_slice %arg3[%add3A_230] : memref<320000xi32, #tpu.memory_space<hbm>> -> memref<80xi32, #tpu.memory_space<hbm>>
      tpu.enqueue_dma source(%dma_start3A_232 : memref<80xi32, #tpu.memory_space<hbm>>) target(%arg11 : memref<80xi32, #tpu.memory_space<vmem>>) target_semaphore(%arg23 : memref<!tpu.dma_semaphore, #tpu.memory_space<semaphore_mem>>)
      %dma_start3A_233 = tpu.memref_slice %arg4[%add3A_230] : memref<320000xi32, #tpu.memory_space<hbm>> -> memref<80xi32, #tpu.memory_space<hbm>>
      %dma_start3A_234 = tpu.memref_slice %arg4[%add3A_230] : memref<320000xi32, #tpu.memory_space<hbm>> -> memref<80xi32, #tpu.memory_space<hbm>>
      tpu.enqueue_dma source(%dma_start3A_234 : memref<80xi32, #tpu.memory_space<hbm>>) target(%arg15 : memref<80xi32, #tpu.memory_space<vmem>>) target_semaphore(%arg27 : memref<!tpu.dma_semaphore, #tpu.memory_space<semaphore_mem>>)
    }
    %scan3A_33 = arith.constant 30 : i32
    %dma_wait3A = tpu.memref_slice %arg3[%mul3A_2] : memref<320000xi32, #tpu.memory_space<hbm>> -> memref<80xi32, #tpu.memory_space<hbm>>
    %dma_wait3A_34 = tpu.memref_slice %arg3[%mul3A_2] : memref<320000xi32, #tpu.memory_space<hbm>> -> memref<80xi32, #tpu.memory_space<hbm>>
    tpu.wait_dma2 semaphore(%arg20 : memref<!tpu.dma_semaphore, #tpu.memory_space<semaphore_mem>>) src(%dma_wait3A_34 : memref<80xi32, #tpu.memory_space<hbm>>) dst(%arg8 : memref<80xi32, #tpu.memory_space<vmem>>)
    %dma_wait3A_35 = tpu.memref_slice %arg4[%mul3A_2] : memref<320000xi32, #tpu.memory_space<hbm>> -> memref<80xi32, #tpu.memory_space<hbm>>
    %dma_wait3A_36 = tpu.memref_slice %arg4[%mul3A_2] : memref<320000xi32, #tpu.memory_space<hbm>> -> memref<80xi32, #tpu.memory_space<hbm>>
    tpu.wait_dma2 semaphore(%arg24 : memref<!tpu.dma_semaphore, #tpu.memory_space<semaphore_mem>>) src(%dma_wait3A_36 : memref<80xi32, #tpu.memory_space<hbm>>) dst(%arg12 : memref<80xi32, #tpu.memory_space<vmem>>)
    %dma_start3A_37 = arith.constant 0 : i32
    %dma_start3A_38 = arith.constant 0 : i32
    %dma_start3A_39 = tpu.memref_slice %arg2[%dma_start3A_37, %dma_start3A_38] : memref<10000x128xf32, #tpu.memory_space<hbm>> -> memref<10000x128xf32, #tpu.memory_space<hbm>>
    tpu.enqueue_indirect_dma source(%dma_start3A_39 : memref<10000x128xf32, #tpu.memory_space<hbm>>) target(%arg16 : memref<80x128xf32, #tpu.memory_space<vmem>>) offsets(%arg8 : memref<80xi32, #tpu.memory_space<vmem>>) semaphore(%arg28 : memref<!tpu.dma_semaphore, #tpu.memory_space<semaphore_mem>>)
    %dma_wait3A_40 = tpu.memref_slice %arg3[%mul3A_2] : memref<320000xi32, #tpu.memory_space<hbm>> -> memref<80xi32, #tpu.memory_space<hbm>>
    %dma_wait3A_41 = tpu.memref_slice %arg3[%mul3A_2] : memref<320000xi32, #tpu.memory_space<hbm>> -> memref<80xi32, #tpu.memory_space<hbm>>
    tpu.wait_dma2 semaphore(%arg21 : memref<!tpu.dma_semaphore, #tpu.memory_space<semaphore_mem>>) src(%dma_wait3A_41 : memref<80xi32, #tpu.memory_space<hbm>>) dst(%arg9 : memref<80xi32, #tpu.memory_space<vmem>>)
    %dma_wait3A_42 = tpu.memref_slice %arg4[%mul3A_2] : memref<320000xi32, #tpu.memory_space<hbm>> -> memref<80xi32, #tpu.memory_space<hbm>>
    %dma_wait3A_43 = tpu.memref_slice %arg4[%mul3A_2] : memref<320000xi32, #tpu.memory_space<hbm>> -> memref<80xi32, #tpu.memory_space<hbm>>
    tpu.wait_dma2 semaphore(%arg25 : memref<!tpu.dma_semaphore, #tpu.memory_space<semaphore_mem>>) src(%dma_wait3A_43 : memref<80xi32, #tpu.memory_space<hbm>>) dst(%arg13 : memref<80xi32, #tpu.memory_space<vmem>>)
    %dma_start3A_44 = arith.constant 0 : i32
    %dma_start3A_45 = arith.constant 0 : i32
    %dma_start3A_46 = tpu.memref_slice %arg2[%dma_start3A_44, %dma_start3A_45] : memref<10000x128xf32, #tpu.memory_space<hbm>> -> memref<10000x128xf32, #tpu.memory_space<hbm>>
    tpu.enqueue_indirect_dma source(%dma_start3A_46 : memref<10000x128xf32, #tpu.memory_space<hbm>>) target(%arg17 : memref<80x128xf32, #tpu.memory_space<vmem>>) offsets(%arg9 : memref<80xi32, #tpu.memory_space<vmem>>) semaphore(%arg29 : memref<!tpu.dma_semaphore, #tpu.memory_space<semaphore_mem>>)
    %dma_wait3A_47 = tpu.memref_slice %arg3[%mul3A_2] : memref<320000xi32, #tpu.memory_space<hbm>> -> memref<80xi32, #tpu.memory_space<hbm>>
    %dma_wait3A_48 = tpu.memref_slice %arg3[%mul3A_2] : memref<320000xi32, #tpu.memory_space<hbm>> -> memref<80xi32, #tpu.memory_space<hbm>>
    tpu.wait_dma2 semaphore(%arg22 : memref<!tpu.dma_semaphore, #tpu.memory_space<semaphore_mem>>) src(%dma_wait3A_48 : memref<80xi32, #tpu.memory_space<hbm>>) dst(%arg10 : memref<80xi32, #tpu.memory_space<vmem>>)
    %dma_wait3A_49 = tpu.memref_slice %arg4[%mul3A_2] : memref<320000xi32, #tpu.memory_space<hbm>> -> memref<80xi32, #tpu.memory_space<hbm>>
    %dma_wait3A_50 = tpu.memref_slice %arg4[%mul3A_2] : memref<320000xi32, #tpu.memory_space<hbm>> -> memref<80xi32, #tpu.memory_space<hbm>>
    tpu.wait_dma2 semaphore(%arg26 : memref<!tpu.dma_semaphore, #tpu.memory_space<semaphore_mem>>) src(%dma_wait3A_50 : memref<80xi32, #tpu.memory_space<hbm>>) dst(%arg14 : memref<80xi32, #tpu.memory_space<vmem>>)
    %dma_start3A_51 = arith.constant 0 : i32
    %dma_start3A_52 = arith.constant 0 : i32
    %dma_start3A_53 = tpu.memref_slice %arg2[%dma_start3A_51, %dma_start3A_52] : memref<10000x128xf32, #tpu.memory_space<hbm>> -> memref<10000x128xf32, #tpu.memory_space<hbm>>
    tpu.enqueue_indirect_dma source(%dma_start3A_53 : memref<10000x128xf32, #tpu.memory_space<hbm>>) target(%arg18 : memref<80x128xf32, #tpu.memory_space<vmem>>) offsets(%arg10 : memref<80xi32, #tpu.memory_space<vmem>>) semaphore(%arg30 : memref<!tpu.dma_semaphore, #tpu.memory_space<semaphore_mem>>)
    %dma_wait3A_54 = tpu.memref_slice %arg3[%mul3A_2] : memref<320000xi32, #tpu.memory_space<hbm>> -> memref<80xi32, #tpu.memory_space<hbm>>
    %dma_wait3A_55 = tpu.memref_slice %arg3[%mul3A_2] : memref<320000xi32, #tpu.memory_space<hbm>> -> memref<80xi32, #tpu.memory_space<hbm>>
    tpu.wait_dma2 semaphore(%arg23 : memref<!tpu.dma_semaphore, #tpu.memory_space<semaphore_mem>>) src(%dma_wait3A_55 : memref<80xi32, #tpu.memory_space<hbm>>) dst(%arg11 : memref<80xi32, #tpu.memory_space<vmem>>)
    %dma_wait3A_56 = tpu.memref_slice %arg4[%mul3A_2] : memref<320000xi32, #tpu.memory_space<hbm>> -> memref<80xi32, #tpu.memory_space<hbm>>
    %dma_wait3A_57 = tpu.memref_slice %arg4[%mul3A_2] : memref<320000xi32, #tpu.memory_space<hbm>> -> memref<80xi32, #tpu.memory_space<hbm>>
    tpu.wait_dma2 semaphore(%arg27 : memref<!tpu.dma_semaphore, #tpu.memory_space<semaphore_mem>>) src(%dma_wait3A_57 : memref<80xi32, #tpu.memory_space<hbm>>) dst(%arg15 : memref<80xi32, #tpu.memory_space<vmem>>)
    %dma_start3A_58 = arith.constant 0 : i32
    %dma_start3A_59 = arith.constant 0 : i32
    %dma_start3A_60 = tpu.memref_slice %arg2[%dma_start3A_58, %dma_start3A_59] : memref<10000x128xf32, #tpu.memory_space<hbm>> -> memref<10000x128xf32, #tpu.memory_space<hbm>>
    tpu.enqueue_indirect_dma source(%dma_start3A_60 : memref<10000x128xf32, #tpu.memory_space<hbm>>) target(%arg19 : memref<80x128xf32, #tpu.memory_space<vmem>>) offsets(%arg11 : memref<80xi32, #tpu.memory_space<vmem>>) semaphore(%arg31 : memref<!tpu.dma_semaphore, #tpu.memory_space<semaphore_mem>>)
    %dma_wait3A_61 = arith.constant 0 : i32
    %dma_wait3A_62 = arith.constant 0 : i32
    %dma_wait3A_63 = tpu.memref_slice %arg2[%dma_wait3A_61, %dma_wait3A_62] : memref<10000x128xf32, #tpu.memory_space<hbm>> -> memref<10000x128xf32, #tpu.memory_space<hbm>>
    tpu.wait_indirect_dma semaphore(%arg28 : memref<!tpu.dma_semaphore, #tpu.memory_space<semaphore_mem>>) src(%dma_wait3A_63 : memref<10000x128xf32, #tpu.memory_space<hbm>>) dst(%arg16 : memref<80x128xf32, #tpu.memory_space<vmem>>)
    %dma_start3A_64 = arith.constant 0 : i32
    %dma_start3A_65 = arith.constant 0 : i32
    %dma_start3A_66 = tpu.memref_slice %arg7[%dma_start3A_64, %dma_start3A_65] : memref<10240x128xf32, #tpu.memory_space<vmem_shared>> -> memref<10240x128xf32, #tpu.memory_space<vmem_shared>>
    tpu.enqueue_indirect_dma source(%arg16 : memref<80x128xf32, #tpu.memory_space<vmem>>) target(%dma_start3A_66 : memref<10240x128xf32, #tpu.memory_space<vmem_shared>>) offsets(%arg12 : memref<80xi32, #tpu.memory_space<vmem>>) semaphore(%arg32 : memref<!tpu.dma_semaphore, #tpu.memory_space<semaphore_mem>>) {add = true}
    %dma_wait3A_67 = arith.constant 0 : i32
    %dma_wait3A_68 = arith.constant 0 : i32
    %dma_wait3A_69 = tpu.memref_slice %arg2[%dma_wait3A_67, %dma_wait3A_68] : memref<10000x128xf32, #tpu.memory_space<hbm>> -> memref<10000x128xf32, #tpu.memory_space<hbm>>
    tpu.wait_indirect_dma semaphore(%arg29 : memref<!tpu.dma_semaphore, #tpu.memory_space<semaphore_mem>>) src(%dma_wait3A_69 : memref<10000x128xf32, #tpu.memory_space<hbm>>) dst(%arg17 : memref<80x128xf32, #tpu.memory_space<vmem>>)
    %dma_start3A_70 = arith.constant 0 : i32
    %dma_start3A_71 = arith.constant 0 : i32
    %dma_start3A_72 = tpu.memref_slice %arg7[%dma_start3A_70, %dma_start3A_71] : memref<10240x128xf32, #tpu.memory_space<vmem_shared>> -> memref<10240x128xf32, #tpu.memory_space<vmem_shared>>
    tpu.enqueue_indirect_dma source(%arg17 : memref<80x128xf32, #tpu.memory_space<vmem>>) target(%dma_start3A_72 : memref<10240x128xf32, #tpu.memory_space<vmem_shared>>) offsets(%arg13 : memref<80xi32, #tpu.memory_space<vmem>>) semaphore(%arg33 : memref<!tpu.dma_semaphore, #tpu.memory_space<semaphore_mem>>) {add = true}
    %dma_wait3A_73 = arith.constant 0 : i32
    %dma_wait3A_74 = arith.constant 0 : i32
    %dma_wait3A_75 = tpu.memref_slice %arg2[%dma_wait3A_73, %dma_wait3A_74] : memref<10000x128xf32, #tpu.memory_space<hbm>> -> memref<10000x128xf32, #tpu.memory_space<hbm>>
    tpu.wait_indirect_dma semaphore(%arg30 : memref<!tpu.dma_semaphore, #tpu.memory_space<semaphore_mem>>) src(%dma_wait3A_75 : memref<10000x128xf32, #tpu.memory_space<hbm>>) dst(%arg18 : memref<80x128xf32, #tpu.memory_space<vmem>>)
    %dma_start3A_76 = arith.constant 0 : i32
    %dma_start3A_77 = arith.constant 0 : i32
    %dma_start3A_78 = tpu.memref_slice %arg7[%dma_start3A_76, %dma_start3A_77] : memref<10240x128xf32, #tpu.memory_space<vmem_shared>> -> memref<10240x128xf32, #tpu.memory_space<vmem_shared>>
    tpu.enqueue_indirect_dma source(%arg18 : memref<80x128xf32, #tpu.memory_space<vmem>>) target(%dma_start3A_78 : memref<10240x128xf32, #tpu.memory_space<vmem_shared>>) offsets(%arg14 : memref<80xi32, #tpu.memory_space<vmem>>) semaphore(%arg34 : memref<!tpu.dma_semaphore, #tpu.memory_space<semaphore_mem>>) {add = true}
    %dma_wait3A_79 = arith.constant 0 : i32
    %dma_wait3A_80 = arith.constant 0 : i32
    %dma_wait3A_81 = tpu.memref_slice %arg2[%dma_wait3A_79, %dma_wait3A_80] : memref<10000x128xf32, #tpu.memory_space<hbm>> -> memref<10000x128xf32, #tpu.memory_space<hbm>>
    tpu.wait_indirect_dma semaphore(%arg31 : memref<!tpu.dma_semaphore, #tpu.memory_space<semaphore_mem>>) src(%dma_wait3A_81 : memref<10000x128xf32, #tpu.memory_space<hbm>>) dst(%arg19 : memref<80x128xf32, #tpu.memory_space<vmem>>)
    %dma_start3A_82 = arith.constant 0 : i32
    %dma_start3A_83 = arith.constant 0 : i32
    %dma_start3A_84 = tpu.memref_slice %arg7[%dma_start3A_82, %dma_start3A_83] : memref<10240x128xf32, #tpu.memory_space<vmem_shared>> -> memref<10240x128xf32, #tpu.memory_space<vmem_shared>>
    tpu.enqueue_indirect_dma source(%arg19 : memref<80x128xf32, #tpu.memory_space<vmem>>) target(%dma_start3A_84 : memref<10240x128xf32, #tpu.memory_space<vmem_shared>>) offsets(%arg15 : memref<80xi32, #tpu.memory_space<vmem>>) semaphore(%arg35 : memref<!tpu.dma_semaphore, #tpu.memory_space<semaphore_mem>>) {add = true}
    %dma_wait3A_85 = arith.constant 0 : i32
    %dma_wait3A_86 = arith.constant 0 : i32
    %dma_wait3A_87 = tpu.memref_slice %arg7[%dma_wait3A_85, %dma_wait3A_86] : memref<10240x128xf32, #tpu.memory_space<vmem_shared>> -> memref<10240x128xf32, #tpu.memory_space<vmem_shared>>
    tpu.wait_indirect_dma semaphore(%arg32 : memref<!tpu.dma_semaphore, #tpu.memory_space<semaphore_mem>>) src(%arg16 : memref<80x128xf32, #tpu.memory_space<vmem>>) dst(%dma_wait3A_87 : memref<10240x128xf32, #tpu.memory_space<vmem_shared>>)
    %dma_wait3A_88 = arith.constant 0 : i32
    %dma_wait3A_89 = arith.constant 0 : i32
    %dma_wait3A_90 = tpu.memref_slice %arg7[%dma_wait3A_88, %dma_wait3A_89] : memref<10240x128xf32, #tpu.memory_space<vmem_shared>> -> memref<10240x128xf32, #tpu.memory_space<vmem_shared>>
    tpu.wait_indirect_dma semaphore(%arg33 : memref<!tpu.dma_semaphore, #tpu.memory_space<semaphore_mem>>) src(%arg17 : memref<80x128xf32, #tpu.memory_space<vmem>>) dst(%dma_wait3A_90 : memref<10240x128xf32, #tpu.memory_space<vmem_shared>>)
    %dma_wait3A_91 = arith.constant 0 : i32
    %dma_wait3A_92 = arith.constant 0 : i32
    %dma_wait3A_93 = tpu.memref_slice %arg7[%dma_wait3A_91, %dma_wait3A_92] : memref<10240x128xf32, #tpu.memory_space<vmem_shared>> -> memref<10240x128xf32, #tpu.memory_space<vmem_shared>>
    tpu.wait_indirect_dma semaphore(%arg34 : memref<!tpu.dma_semaphore, #tpu.memory_space<semaphore_mem>>) src(%arg18 : memref<80x128xf32, #tpu.memory_space<vmem>>) dst(%dma_wait3A_93 : memref<10240x128xf32, #tpu.memory_space<vmem_shared>>)
    %dma_wait3A_94 = arith.constant 0 : i32
    %dma_wait3A_95 = arith.constant 0 : i32
    %dma_wait3A_96 = tpu.memref_slice %arg7[%dma_wait3A_94, %dma_wait3A_95] : memref<10240x128xf32, #tpu.memory_space<vmem_shared>> -> memref<10240x128xf32, #tpu.memory_space<vmem_shared>>
    tpu.wait_indirect_dma semaphore(%arg35 : memref<!tpu.dma_semaphore, #tpu.memory_space<semaphore_mem>>) src(%arg19 : memref<80x128xf32, #tpu.memory_space<vmem>>) dst(%dma_wait3A_96 : memref<10240x128xf32, #tpu.memory_space<vmem_shared>>)
    %add3A_97 = arith.constant 9920 : i32
    %add3A_98 = arith.addi %mul3A_2, %add3A_97 : i32
    %dma_start3A_99 = tpu.memref_slice %arg3[%add3A_98] : memref<320000xi32, #tpu.memory_space<hbm>> -> memref<80xi32, #tpu.memory_space<hbm>>
    %dma_start3A_100 = tpu.memref_slice %arg3[%add3A_98] : memref<320000xi32, #tpu.memory_space<hbm>> -> memref<80xi32, #tpu.memory_space<hbm>>
    tpu.enqueue_dma source(%dma_start3A_100 : memref<80xi32, #tpu.memory_space<hbm>>) target(%arg8 : memref<80xi32, #tpu.memory_space<vmem>>) target_semaphore(%arg20 : memref<!tpu.dma_semaphore, #tpu.memory_space<semaphore_mem>>)
    %dma_start3A_101 = tpu.memref_slice %arg4[%add3A_98] : memref<320000xi32, #tpu.memory_space<hbm>> -> memref<80xi32, #tpu.memory_space<hbm>>
    %dma_start3A_102 = tpu.memref_slice %arg4[%add3A_98] : memref<320000xi32, #tpu.memory_space<hbm>> -> memref<80xi32, #tpu.memory_space<hbm>>
    tpu.enqueue_dma source(%dma_start3A_102 : memref<80xi32, #tpu.memory_space<hbm>>) target(%arg12 : memref<80xi32, #tpu.memory_space<vmem>>) target_semaphore(%arg24 : memref<!tpu.dma_semaphore, #tpu.memory_space<semaphore_mem>>)
    %dma_wait3A_103 = tpu.memref_slice %arg3[%mul3A_2] : memref<320000xi32, #tpu.memory_space<hbm>> -> memref<80xi32, #tpu.memory_space<hbm>>
    %dma_wait3A_104 = tpu.memref_slice %arg3[%mul3A_2] : memref<320000xi32, #tpu.memory_space<hbm>> -> memref<80xi32, #tpu.memory_space<hbm>>
    tpu.wait_dma2 semaphore(%arg20 : memref<!tpu.dma_semaphore, #tpu.memory_space<semaphore_mem>>) src(%dma_wait3A_104 : memref<80xi32, #tpu.memory_space<hbm>>) dst(%arg8 : memref<80xi32, #tpu.memory_space<vmem>>)
    %dma_wait3A_105 = tpu.memref_slice %arg4[%mul3A_2] : memref<320000xi32, #tpu.memory_space<hbm>> -> memref<80xi32, #tpu.memory_space<hbm>>
    %dma_wait3A_106 = tpu.memref_slice %arg4[%mul3A_2] : memref<320000xi32, #tpu.memory_space<hbm>> -> memref<80xi32, #tpu.memory_space<hbm>>
    tpu.wait_dma2 semaphore(%arg24 : memref<!tpu.dma_semaphore, #tpu.memory_space<semaphore_mem>>) src(%dma_wait3A_106 : memref<80xi32, #tpu.memory_space<hbm>>) dst(%arg12 : memref<80xi32, #tpu.memory_space<vmem>>)
    %dma_start3A_107 = arith.constant 0 : i32
    %dma_start3A_108 = arith.constant 0 : i32
    %dma_start3A_109 = tpu.memref_slice %arg2[%dma_start3A_107, %dma_start3A_108] : memref<10000x128xf32, #tpu.memory_space<hbm>> -> memref<10000x128xf32, #tpu.memory_space<hbm>>
    tpu.enqueue_indirect_dma source(%dma_start3A_109 : memref<10000x128xf32, #tpu.memory_space<hbm>>) target(%arg16 : memref<80x128xf32, #tpu.memory_space<vmem>>) offsets(%arg8 : memref<80xi32, #tpu.memory_space<vmem>>) semaphore(%arg28 : memref<!tpu.dma_semaphore, #tpu.memory_space<semaphore_mem>>)
    %dma_wait3A_110 = arith.constant 0 : i32
    %dma_wait3A_111 = arith.constant 0 : i32
    %dma_wait3A_112 = tpu.memref_slice %arg2[%dma_wait3A_110, %dma_wait3A_111] : memref<10000x128xf32, #tpu.memory_space<hbm>> -> memref<10000x128xf32, #tpu.memory_space<hbm>>
    tpu.wait_indirect_dma semaphore(%arg28 : memref<!tpu.dma_semaphore, #tpu.memory_space<semaphore_mem>>) src(%dma_wait3A_112 : memref<10000x128xf32, #tpu.memory_space<hbm>>) dst(%arg16 : memref<80x128xf32, #tpu.memory_space<vmem>>)
    "tpu.region"() ({
      %run_scoped3A = tpu.sem_alloc : memref<!tpu.dma_semaphore, #tpu.memory_space<semaphore_mem>>
      %dma_start3A_118 = arith.constant 0 : i32
      %dma_start3A_119 = arith.constant 0 : i32
      %dma_start3A_120 = tpu.memref_slice %arg7[%dma_start3A_118, %dma_start3A_119] : memref<10240x128xf32, #tpu.memory_space<vmem_shared>> -> memref<10240x128xf32, #tpu.memory_space<vmem_shared>>
      tpu.enqueue_indirect_dma source(%arg16 : memref<80x128xf32, #tpu.memory_space<vmem>>) target(%dma_start3A_120 : memref<10240x128xf32, #tpu.memory_space<vmem_shared>>) offsets(%arg12 : memref<80xi32, #tpu.memory_space<vmem>>) semaphore(%run_scoped3A : memref<!tpu.dma_semaphore, #tpu.memory_space<semaphore_mem>>) {add = true}
      %dma_wait3A_121 = arith.constant 0 : i32
      %dma_wait3A_122 = arith.constant 0 : i32
      %dma_wait3A_123 = tpu.memref_slice %arg7[%dma_wait3A_121, %dma_wait3A_122] : memref<10240x128xf32, #tpu.memory_space<vmem_shared>> -> memref<10240x128xf32, #tpu.memory_space<vmem_shared>>
      tpu.wait_indirect_dma semaphore(%run_scoped3A : memref<!tpu.dma_semaphore, #tpu.memory_space<semaphore_mem>>) src(%arg16 : memref<80x128xf32, #tpu.memory_space<vmem>>) dst(%dma_wait3A_123 : memref<10240x128xf32, #tpu.memory_space<vmem_shared>>)
      tpu.yield
    }) : () -> ()
    %barrier3A_113 = arith.constant 0 : index
    tpu.barrier barrier_id(%barrier3A_113)
    %mul3A_114 = arith.constant 640 : i32
    %mul3A_115 = arith.muli %arg1, %mul3A_114 : i32
    %mul3A_116 = arith.constant 640 : i32
    %mul3A_117 = arith.muli %arg1, %mul3A_116 : i32
    "tpu.region"() ({
      %run_scoped3A = tpu.sem_alloc : memref<!tpu.dma_semaphore, #tpu.memory_space<semaphore_mem>>
      %dma_start3A_118 = arith.constant 0 : i32
      %dma_start3A_119 = tpu.memref_slice %arg6[%arg0, %mul3A_117, %dma_start3A_118] : memref<2x10240x128xf32, #tpu.memory_space<hbm>> -> memref<1x640x128xf32, #tpu.memory_space<hbm>>
      %dma_start3A_120 = tpu.memref_squeeze %dma_start3A_119 : memref<1x640x128xf32, #tpu.memory_space<hbm>> -> memref<640x128xf32, #tpu.memory_space<hbm>>
      %dma_start3A_121 = arith.constant 0 : i32
      %dma_start3A_122 = tpu.memref_slice %arg7[%mul3A_115, %dma_start3A_121] : memref<10240x128xf32, #tpu.memory_space<vmem_shared>> -> memref<640x128xf32, #tpu.memory_space<vmem_shared>>
      tpu.enqueue_dma source(%dma_start3A_122 : memref<640x128xf32, #tpu.memory_space<vmem_shared>>) target(%dma_start3A_120 : memref<640x128xf32, #tpu.memory_space<hbm>>) target_semaphore(%run_scoped3A : memref<!tpu.dma_semaphore, #tpu.memory_space<semaphore_mem>>)
      %dma_wait3A_123 = arith.constant 0 : i32
      %dma_wait3A_124 = tpu.memref_slice %arg6[%arg0, %mul3A_117, %dma_wait3A_123] : memref<2x10240x128xf32, #tpu.memory_space<hbm>> -> memref<1x640x128xf32, #tpu.memory_space<hbm>>
      %dma_wait3A_125 = tpu.memref_squeeze %dma_wait3A_124 : memref<1x640x128xf32, #tpu.memory_space<hbm>> -> memref<640x128xf32, #tpu.memory_space<hbm>>
      %dma_wait3A_126 = arith.constant 0 : i32
      %dma_wait3A_127 = tpu.memref_slice %arg7[%mul3A_115, %dma_wait3A_126] : memref<10240x128xf32, #tpu.memory_space<vmem_shared>> -> memref<640x128xf32, #tpu.memory_space<vmem_shared>>
      tpu.wait_dma2 semaphore(%run_scoped3A : memref<!tpu.dma_semaphore, #tpu.memory_space<semaphore_mem>>) src(%dma_wait3A_127 : memref<640x128xf32, #tpu.memory_space<vmem_shared>>) dst(%dma_wait3A_125 : memref<640x128xf32, #tpu.memory_space<hbm>>)
      tpu.yield
    }) : () -> ()
    return
  }
}

#map = affine_map<(d0, d1) -> (0, 0)>
#map1 = affine_map<(d0, d1) -> (0)>
#map2 = affine_map<(d0, d1) -> (0, 0, 0)>
module attributes {stable_mosaic.version = 14 : i64} {
  func.func @_seg_body(%arg0: i32, %arg1: i32, %arg2: memref<10000x128xf32, #tpu.memory_space<hbm>>, %arg3: memref<320000xi32, #tpu.memory_space<hbm>>, %arg4: memref<320000xi32, #tpu.memory_space<hbm>>, %arg5: memref<10240x128xf32, #tpu.memory_space<hbm>>, %arg6: memref<2x10240x128xf32, #tpu.memory_space<hbm>>, %arg7: memref<10240x128xf32, #tpu.memory_space<vmem_shared>>, %arg8: memref<80xi32, #tpu.memory_space<vmem>>, %arg9: memref<80xi32, #tpu.memory_space<vmem>>, %arg10: memref<80xi32, #tpu.memory_space<vmem>>, %arg11: memref<80xi32, #tpu.memory_space<vmem>>, %arg12: memref<80xi32, #tpu.memory_space<vmem>>, %arg13: memref<80xi32, #tpu.memory_space<vmem>>, %arg14: memref<80xi32, #tpu.memory_space<vmem>>, %arg15: memref<80xi32, #tpu.memory_space<vmem>>, %arg16: memref<80x128xf32, #tpu.memory_space<vmem>>, %arg17: memref<80x128xf32, #tpu.memory_space<vmem>>, %arg18: memref<80x128xf32, #tpu.memory_space<vmem>>, %arg19: memref<80x128xf32, #tpu.memory_space<vmem>>, %arg20: memref<!tpu.dma_semaphore, #tpu.memory_space<semaphore_mem>>, %arg21: memref<!tpu.dma_semaphore, #tpu.memory_space<semaphore_mem>>, %arg22: memref<!tpu.dma_semaphore, #tpu.memory_space<semaphore_mem>>, %arg23: memref<!tpu.dma_semaphore, #tpu.memory_space<semaphore_mem>>, %arg24: memref<!tpu.dma_semaphore, #tpu.memory_space<semaphore_mem>>, %arg25: memref<!tpu.dma_semaphore, #tpu.memory_space<semaphore_mem>>, %arg26: memref<!tpu.dma_semaphore, #tpu.memory_space<semaphore_mem>>, %arg27: memref<!tpu.dma_semaphore, #tpu.memory_space<semaphore_mem>>, %arg28: memref<!tpu.dma_semaphore, #tpu.memory_space<semaphore_mem>>, %arg29: memref<!tpu.dma_semaphore, #tpu.memory_space<semaphore_mem>>, %arg30: memref<!tpu.dma_semaphore, #tpu.memory_space<semaphore_mem>>, %arg31: memref<!tpu.dma_semaphore, #tpu.memory_space<semaphore_mem>>, %arg32: memref<!tpu.dma_semaphore, #tpu.memory_space<semaphore_mem>>, %arg33: memref<!tpu.dma_semaphore, #tpu.memory_space<semaphore_mem>>, %arg34: memref<!tpu.dma_semaphore, #tpu.memory_space<semaphore_mem>>, %arg35: memref<!tpu.dma_semaphore, #tpu.memory_space<semaphore_mem>>) attributes {dimension_semantics = [#tpu.dimension_semantics<core_parallel>, #tpu.dimension_semantics<subcore_parallel>], iteration_bounds = array<i64: 2, 16>, scalar_prefetch = 0 : i64, scratch_operands = 29 : i64, tpu.core_type = #tpu.core_type<sc_vector_subcore>, window_params = [{transform_indices = #map}, {transform_indices = #map1}, {transform_indices = #map1}, {transform_indices = #map}, {transform_indices = #map2}]} {
    %mul3A = arith.constant 16 : i32
    %mul3A_0 = arith.muli %arg0, %mul3A : i32
    %add3A = arith.addi %mul3A_0, %arg1 : i32
    %mul3A_1 = arith.constant 10000 : i32
    %mul3A_2 = arith.muli %add3A, %mul3A_1 : i32
    %mul3A_3 = arith.constant 640 : i32
    %mul3A_4 = arith.muli %arg1, %mul3A_3 : i32
    %mul3A_5 = arith.constant 640 : i32
    %mul3A_6 = arith.muli %arg1, %mul3A_5 : i32
    "tpu.region"() ({
      %run_scoped3A = tpu.sem_alloc : memref<!tpu.dma_semaphore, #tpu.memory_space<semaphore_mem>>
      %dma_start3A_118 = arith.constant 0 : i32
      %dma_start3A_119 = tpu.memref_slice %arg7[%mul3A_6, %dma_start3A_118] : memref<10240x128xf32, #tpu.memory_space<vmem_shared>> -> memref<640x128xf32, #tpu.memory_space<vmem_shared>>
      %dma_start3A_120 = arith.constant 0 : i32
      %dma_start3A_121 = tpu.memref_slice %arg5[%mul3A_4, %dma_start3A_120] : memref<10240x128xf32, #tpu.memory_space<hbm>> -> memref<640x128xf32, #tpu.memory_space<hbm>>
      tpu.enqueue_dma source(%dma_start3A_121 : memref<640x128xf32, #tpu.memory_space<hbm>>) target(%dma_start3A_119 : memref<640x128xf32, #tpu.memory_space<vmem_shared>>) target_semaphore(%run_scoped3A : memref<!tpu.dma_semaphore, #tpu.memory_space<semaphore_mem>>)
      %dma_wait3A_122 = arith.constant 0 : i32
      %dma_wait3A_123 = tpu.memref_slice %arg7[%mul3A_6, %dma_wait3A_122] : memref<10240x128xf32, #tpu.memory_space<vmem_shared>> -> memref<640x128xf32, #tpu.memory_space<vmem_shared>>
      %dma_wait3A_124 = arith.constant 0 : i32
      %dma_wait3A_125 = tpu.memref_slice %arg5[%mul3A_4, %dma_wait3A_124] : memref<10240x128xf32, #tpu.memory_space<hbm>> -> memref<640x128xf32, #tpu.memory_space<hbm>>
      tpu.wait_dma2 semaphore(%run_scoped3A : memref<!tpu.dma_semaphore, #tpu.memory_space<semaphore_mem>>) src(%dma_wait3A_125 : memref<640x128xf32, #tpu.memory_space<hbm>>) dst(%dma_wait3A_123 : memref<640x128xf32, #tpu.memory_space<vmem_shared>>)
      tpu.yield
    }) : () -> ()
    %barrier3A = arith.constant 0 : index
    tpu.barrier barrier_id(%barrier3A)
    %add3A_7 = arith.constant 0 : i32
    %add3A_8 = arith.addi %mul3A_2, %add3A_7 : i32
    %dma_start3A = tpu.memref_slice %arg3[%add3A_8] : memref<320000xi32, #tpu.memory_space<hbm>> -> memref<80xi32, #tpu.memory_space<hbm>>
    %dma_start3A_9 = tpu.memref_slice %arg3[%add3A_8] : memref<320000xi32, #tpu.memory_space<hbm>> -> memref<80xi32, #tpu.memory_space<hbm>>
    tpu.enqueue_dma source(%dma_start3A_9 : memref<80xi32, #tpu.memory_space<hbm>>) target(%arg8 : memref<80xi32, #tpu.memory_space<vmem>>) target_semaphore(%arg20 : memref<!tpu.dma_semaphore, #tpu.memory_space<semaphore_mem>>)
    %dma_start3A_10 = tpu.memref_slice %arg4[%add3A_8] : memref<320000xi32, #tpu.memory_space<hbm>> -> memref<80xi32, #tpu.memory_space<hbm>>
    %dma_start3A_11 = tpu.memref_slice %arg4[%add3A_8] : memref<320000xi32, #tpu.memory_space<hbm>> -> memref<80xi32, #tpu.memory_space<hbm>>
    tpu.enqueue_dma source(%dma_start3A_11 : memref<80xi32, #tpu.memory_space<hbm>>) target(%arg12 : memref<80xi32, #tpu.memory_space<vmem>>) target_semaphore(%arg24 : memref<!tpu.dma_semaphore, #tpu.memory_space<semaphore_mem>>)
    %add3A_12 = arith.constant 80 : i32
    %add3A_13 = arith.addi %mul3A_2, %add3A_12 : i32
    %dma_start3A_14 = tpu.memref_slice %arg3[%add3A_13] : memref<320000xi32, #tpu.memory_space<hbm>> -> memref<80xi32, #tpu.memory_space<hbm>>
    %dma_start3A_15 = tpu.memref_slice %arg3[%add3A_13] : memref<320000xi32, #tpu.memory_space<hbm>> -> memref<80xi32, #tpu.memory_space<hbm>>
    tpu.enqueue_dma source(%dma_start3A_15 : memref<80xi32, #tpu.memory_space<hbm>>) target(%arg9 : memref<80xi32, #tpu.memory_space<vmem>>) target_semaphore(%arg21 : memref<!tpu.dma_semaphore, #tpu.memory_space<semaphore_mem>>)
    %dma_start3A_16 = tpu.memref_slice %arg4[%add3A_13] : memref<320000xi32, #tpu.memory_space<hbm>> -> memref<80xi32, #tpu.memory_space<hbm>>
    %dma_start3A_17 = tpu.memref_slice %arg4[%add3A_13] : memref<320000xi32, #tpu.memory_space<hbm>> -> memref<80xi32, #tpu.memory_space<hbm>>
    tpu.enqueue_dma source(%dma_start3A_17 : memref<80xi32, #tpu.memory_space<hbm>>) target(%arg13 : memref<80xi32, #tpu.memory_space<vmem>>) target_semaphore(%arg25 : memref<!tpu.dma_semaphore, #tpu.memory_space<semaphore_mem>>)
    %add3A_18 = arith.constant 160 : i32
    %add3A_19 = arith.addi %mul3A_2, %add3A_18 : i32
    %dma_start3A_20 = tpu.memref_slice %arg3[%add3A_19] : memref<320000xi32, #tpu.memory_space<hbm>> -> memref<80xi32, #tpu.memory_space<hbm>>
    %dma_start3A_21 = tpu.memref_slice %arg3[%add3A_19] : memref<320000xi32, #tpu.memory_space<hbm>> -> memref<80xi32, #tpu.memory_space<hbm>>
    tpu.enqueue_dma source(%dma_start3A_21 : memref<80xi32, #tpu.memory_space<hbm>>) target(%arg10 : memref<80xi32, #tpu.memory_space<vmem>>) target_semaphore(%arg22 : memref<!tpu.dma_semaphore, #tpu.memory_space<semaphore_mem>>)
    %dma_start3A_22 = tpu.memref_slice %arg4[%add3A_19] : memref<320000xi32, #tpu.memory_space<hbm>> -> memref<80xi32, #tpu.memory_space<hbm>>
    %dma_start3A_23 = tpu.memref_slice %arg4[%add3A_19] : memref<320000xi32, #tpu.memory_space<hbm>> -> memref<80xi32, #tpu.memory_space<hbm>>
    tpu.enqueue_dma source(%dma_start3A_23 : memref<80xi32, #tpu.memory_space<hbm>>) target(%arg14 : memref<80xi32, #tpu.memory_space<vmem>>) target_semaphore(%arg26 : memref<!tpu.dma_semaphore, #tpu.memory_space<semaphore_mem>>)
    %add3A_24 = arith.constant 240 : i32
    %add3A_25 = arith.addi %mul3A_2, %add3A_24 : i32
    %dma_start3A_26 = tpu.memref_slice %arg3[%add3A_25] : memref<320000xi32, #tpu.memory_space<hbm>> -> memref<80xi32, #tpu.memory_space<hbm>>
    %dma_start3A_27 = tpu.memref_slice %arg3[%add3A_25] : memref<320000xi32, #tpu.memory_space<hbm>> -> memref<80xi32, #tpu.memory_space<hbm>>
    tpu.enqueue_dma source(%dma_start3A_27 : memref<80xi32, #tpu.memory_space<hbm>>) target(%arg11 : memref<80xi32, #tpu.memory_space<vmem>>) target_semaphore(%arg23 : memref<!tpu.dma_semaphore, #tpu.memory_space<semaphore_mem>>)
    %dma_start3A_28 = tpu.memref_slice %arg4[%add3A_25] : memref<320000xi32, #tpu.memory_space<hbm>> -> memref<80xi32, #tpu.memory_space<hbm>>
    %dma_start3A_29 = tpu.memref_slice %arg4[%add3A_25] : memref<320000xi32, #tpu.memory_space<hbm>> -> memref<80xi32, #tpu.memory_space<hbm>>
    tpu.enqueue_dma source(%dma_start3A_29 : memref<80xi32, #tpu.memory_space<hbm>>) target(%arg15 : memref<80xi32, #tpu.memory_space<vmem>>) target_semaphore(%arg27 : memref<!tpu.dma_semaphore, #tpu.memory_space<semaphore_mem>>)
    %scan3A = arith.constant 0 : i32
    %scan3A_30 = arith.constant 30 : i32
    %scan3A_31 = arith.addi %scan3A, %scan3A_30 : i32
    %scan3A_32 = arith.constant 1 : i32
    scf.for %scan3A_118 = %scan3A to %scan3A_31 step %scan3A_32  : i32 {
      %dma_wait3A_119 = tpu.memref_slice %arg3[%mul3A_2] : memref<320000xi32, #tpu.memory_space<hbm>> -> memref<80xi32, #tpu.memory_space<hbm>>
      %dma_wait3A_120 = tpu.memref_slice %arg3[%mul3A_2] : memref<320000xi32, #tpu.memory_space<hbm>> -> memref<80xi32, #tpu.memory_space<hbm>>
      tpu.wait_dma2 semaphore(%arg20 : memref<!tpu.dma_semaphore, #tpu.memory_space<semaphore_mem>>) src(%dma_wait3A_120 : memref<80xi32, #tpu.memory_space<hbm>>) dst(%arg8 : memref<80xi32, #tpu.memory_space<vmem>>)
      %dma_wait3A_121 = tpu.memref_slice %arg4[%mul3A_2] : memref<320000xi32, #tpu.memory_space<hbm>> -> memref<80xi32, #tpu.memory_space<hbm>>
      %dma_wait3A_122 = tpu.memref_slice %arg4[%mul3A_2] : memref<320000xi32, #tpu.memory_space<hbm>> -> memref<80xi32, #tpu.memory_space<hbm>>
      tpu.wait_dma2 semaphore(%arg24 : memref<!tpu.dma_semaphore, #tpu.memory_space<semaphore_mem>>) src(%dma_wait3A_122 : memref<80xi32, #tpu.memory_space<hbm>>) dst(%arg12 : memref<80xi32, #tpu.memory_space<vmem>>)
      %dma_start3A_123 = arith.constant 0 : i32
      %dma_start3A_124 = arith.constant 0 : i32
      %dma_start3A_125 = tpu.memref_slice %arg2[%dma_start3A_123, %dma_start3A_124] : memref<10000x128xf32, #tpu.memory_space<hbm>> -> memref<10000x128xf32, #tpu.memory_space<hbm>>
      tpu.enqueue_indirect_dma source(%dma_start3A_125 : memref<10000x128xf32, #tpu.memory_space<hbm>>) target(%arg16 : memref<80x128xf32, #tpu.memory_space<vmem>>) offsets(%arg8 : memref<80xi32, #tpu.memory_space<vmem>>) semaphore(%arg28 : memref<!tpu.dma_semaphore, #tpu.memory_space<semaphore_mem>>)
      %dma_wait3A_126 = tpu.memref_slice %arg3[%mul3A_2] : memref<320000xi32, #tpu.memory_space<hbm>> -> memref<80xi32, #tpu.memory_space<hbm>>
      %dma_wait3A_127 = tpu.memref_slice %arg3[%mul3A_2] : memref<320000xi32, #tpu.memory_space<hbm>> -> memref<80xi32, #tpu.memory_space<hbm>>
      tpu.wait_dma2 semaphore(%arg21 : memref<!tpu.dma_semaphore, #tpu.memory_space<semaphore_mem>>) src(%dma_wait3A_127 : memref<80xi32, #tpu.memory_space<hbm>>) dst(%arg9 : memref<80xi32, #tpu.memory_space<vmem>>)
      %dma_wait3A_128 = tpu.memref_slice %arg4[%mul3A_2] : memref<320000xi32, #tpu.memory_space<hbm>> -> memref<80xi32, #tpu.memory_space<hbm>>
      %dma_wait3A_129 = tpu.memref_slice %arg4[%mul3A_2] : memref<320000xi32, #tpu.memory_space<hbm>> -> memref<80xi32, #tpu.memory_space<hbm>>
      tpu.wait_dma2 semaphore(%arg25 : memref<!tpu.dma_semaphore, #tpu.memory_space<semaphore_mem>>) src(%dma_wait3A_129 : memref<80xi32, #tpu.memory_space<hbm>>) dst(%arg13 : memref<80xi32, #tpu.memory_space<vmem>>)
      %dma_start3A_130 = arith.constant 0 : i32
      %dma_start3A_131 = arith.constant 0 : i32
      %dma_start3A_132 = tpu.memref_slice %arg2[%dma_start3A_130, %dma_start3A_131] : memref<10000x128xf32, #tpu.memory_space<hbm>> -> memref<10000x128xf32, #tpu.memory_space<hbm>>
      tpu.enqueue_indirect_dma source(%dma_start3A_132 : memref<10000x128xf32, #tpu.memory_space<hbm>>) target(%arg17 : memref<80x128xf32, #tpu.memory_space<vmem>>) offsets(%arg9 : memref<80xi32, #tpu.memory_space<vmem>>) semaphore(%arg29 : memref<!tpu.dma_semaphore, #tpu.memory_space<semaphore_mem>>)
      %dma_wait3A_133 = tpu.memref_slice %arg3[%mul3A_2] : memref<320000xi32, #tpu.memory_space<hbm>> -> memref<80xi32, #tpu.memory_space<hbm>>
      %dma_wait3A_134 = tpu.memref_slice %arg3[%mul3A_2] : memref<320000xi32, #tpu.memory_space<hbm>> -> memref<80xi32, #tpu.memory_space<hbm>>
      tpu.wait_dma2 semaphore(%arg22 : memref<!tpu.dma_semaphore, #tpu.memory_space<semaphore_mem>>) src(%dma_wait3A_134 : memref<80xi32, #tpu.memory_space<hbm>>) dst(%arg10 : memref<80xi32, #tpu.memory_space<vmem>>)
      %dma_wait3A_135 = tpu.memref_slice %arg4[%mul3A_2] : memref<320000xi32, #tpu.memory_space<hbm>> -> memref<80xi32, #tpu.memory_space<hbm>>
      %dma_wait3A_136 = tpu.memref_slice %arg4[%mul3A_2] : memref<320000xi32, #tpu.memory_space<hbm>> -> memref<80xi32, #tpu.memory_space<hbm>>
      tpu.wait_dma2 semaphore(%arg26 : memref<!tpu.dma_semaphore, #tpu.memory_space<semaphore_mem>>) src(%dma_wait3A_136 : memref<80xi32, #tpu.memory_space<hbm>>) dst(%arg14 : memref<80xi32, #tpu.memory_space<vmem>>)
      %dma_start3A_137 = arith.constant 0 : i32
      %dma_start3A_138 = arith.constant 0 : i32
      %dma_start3A_139 = tpu.memref_slice %arg2[%dma_start3A_137, %dma_start3A_138] : memref<10000x128xf32, #tpu.memory_space<hbm>> -> memref<10000x128xf32, #tpu.memory_space<hbm>>
      tpu.enqueue_indirect_dma source(%dma_start3A_139 : memref<10000x128xf32, #tpu.memory_space<hbm>>) target(%arg18 : memref<80x128xf32, #tpu.memory_space<vmem>>) offsets(%arg10 : memref<80xi32, #tpu.memory_space<vmem>>) semaphore(%arg30 : memref<!tpu.dma_semaphore, #tpu.memory_space<semaphore_mem>>)
      %dma_wait3A_140 = tpu.memref_slice %arg3[%mul3A_2] : memref<320000xi32, #tpu.memory_space<hbm>> -> memref<80xi32, #tpu.memory_space<hbm>>
      %dma_wait3A_141 = tpu.memref_slice %arg3[%mul3A_2] : memref<320000xi32, #tpu.memory_space<hbm>> -> memref<80xi32, #tpu.memory_space<hbm>>
      tpu.wait_dma2 semaphore(%arg23 : memref<!tpu.dma_semaphore, #tpu.memory_space<semaphore_mem>>) src(%dma_wait3A_141 : memref<80xi32, #tpu.memory_space<hbm>>) dst(%arg11 : memref<80xi32, #tpu.memory_space<vmem>>)
      %dma_wait3A_142 = tpu.memref_slice %arg4[%mul3A_2] : memref<320000xi32, #tpu.memory_space<hbm>> -> memref<80xi32, #tpu.memory_space<hbm>>
      %dma_wait3A_143 = tpu.memref_slice %arg4[%mul3A_2] : memref<320000xi32, #tpu.memory_space<hbm>> -> memref<80xi32, #tpu.memory_space<hbm>>
      tpu.wait_dma2 semaphore(%arg27 : memref<!tpu.dma_semaphore, #tpu.memory_space<semaphore_mem>>) src(%dma_wait3A_143 : memref<80xi32, #tpu.memory_space<hbm>>) dst(%arg15 : memref<80xi32, #tpu.memory_space<vmem>>)
      %dma_start3A_144 = arith.constant 0 : i32
      %dma_start3A_145 = arith.constant 0 : i32
      %dma_start3A_146 = tpu.memref_slice %arg2[%dma_start3A_144, %dma_start3A_145] : memref<10000x128xf32, #tpu.memory_space<hbm>> -> memref<10000x128xf32, #tpu.memory_space<hbm>>
      tpu.enqueue_indirect_dma source(%dma_start3A_146 : memref<10000x128xf32, #tpu.memory_space<hbm>>) target(%arg19 : memref<80x128xf32, #tpu.memory_space<vmem>>) offsets(%arg11 : memref<80xi32, #tpu.memory_space<vmem>>) semaphore(%arg31 : memref<!tpu.dma_semaphore, #tpu.memory_space<semaphore_mem>>)
      %dma_wait3A_147 = arith.constant 0 : i32
      %dma_wait3A_148 = arith.constant 0 : i32
      %dma_wait3A_149 = tpu.memref_slice %arg2[%dma_wait3A_147, %dma_wait3A_148] : memref<10000x128xf32, #tpu.memory_space<hbm>> -> memref<10000x128xf32, #tpu.memory_space<hbm>>
      tpu.wait_indirect_dma semaphore(%arg28 : memref<!tpu.dma_semaphore, #tpu.memory_space<semaphore_mem>>) src(%dma_wait3A_149 : memref<10000x128xf32, #tpu.memory_space<hbm>>) dst(%arg16 : memref<80x128xf32, #tpu.memory_space<vmem>>)
      %dma_start3A_150 = arith.constant 0 : i32
      %dma_start3A_151 = arith.constant 0 : i32
      %dma_start3A_152 = tpu.memref_slice %arg7[%dma_start3A_150, %dma_start3A_151] : memref<10240x128xf32, #tpu.memory_space<vmem_shared>> -> memref<10240x128xf32, #tpu.memory_space<vmem_shared>>
      tpu.enqueue_indirect_dma source(%arg16 : memref<80x128xf32, #tpu.memory_space<vmem>>) target(%dma_start3A_152 : memref<10240x128xf32, #tpu.memory_space<vmem_shared>>) offsets(%arg12 : memref<80xi32, #tpu.memory_space<vmem>>) semaphore(%arg32 : memref<!tpu.dma_semaphore, #tpu.memory_space<semaphore_mem>>) {add = true}
      %dma_wait3A_153 = arith.constant 0 : i32
      %dma_wait3A_154 = arith.constant 0 : i32
      %dma_wait3A_155 = tpu.memref_slice %arg2[%dma_wait3A_153, %dma_wait3A_154] : memref<10000x128xf32, #tpu.memory_space<hbm>> -> memref<10000x128xf32, #tpu.memory_space<hbm>>
      tpu.wait_indirect_dma semaphore(%arg29 : memref<!tpu.dma_semaphore, #tpu.memory_space<semaphore_mem>>) src(%dma_wait3A_155 : memref<10000x128xf32, #tpu.memory_space<hbm>>) dst(%arg17 : memref<80x128xf32, #tpu.memory_space<vmem>>)
      %dma_start3A_156 = arith.constant 0 : i32
      %dma_start3A_157 = arith.constant 0 : i32
      %dma_start3A_158 = tpu.memref_slice %arg7[%dma_start3A_156, %dma_start3A_157] : memref<10240x128xf32, #tpu.memory_space<vmem_shared>> -> memref<10240x128xf32, #tpu.memory_space<vmem_shared>>
      tpu.enqueue_indirect_dma source(%arg17 : memref<80x128xf32, #tpu.memory_space<vmem>>) target(%dma_start3A_158 : memref<10240x128xf32, #tpu.memory_space<vmem_shared>>) offsets(%arg13 : memref<80xi32, #tpu.memory_space<vmem>>) semaphore(%arg33 : memref<!tpu.dma_semaphore, #tpu.memory_space<semaphore_mem>>) {add = true}
      %dma_wait3A_159 = arith.constant 0 : i32
      %dma_wait3A_160 = arith.constant 0 : i32
      %dma_wait3A_161 = tpu.memref_slice %arg2[%dma_wait3A_159, %dma_wait3A_160] : memref<10000x128xf32, #tpu.memory_space<hbm>> -> memref<10000x128xf32, #tpu.memory_space<hbm>>
      tpu.wait_indirect_dma semaphore(%arg30 : memref<!tpu.dma_semaphore, #tpu.memory_space<semaphore_mem>>) src(%dma_wait3A_161 : memref<10000x128xf32, #tpu.memory_space<hbm>>) dst(%arg18 : memref<80x128xf32, #tpu.memory_space<vmem>>)
      %dma_start3A_162 = arith.constant 0 : i32
      %dma_start3A_163 = arith.constant 0 : i32
      %dma_start3A_164 = tpu.memref_slice %arg7[%dma_start3A_162, %dma_start3A_163] : memref<10240x128xf32, #tpu.memory_space<vmem_shared>> -> memref<10240x128xf32, #tpu.memory_space<vmem_shared>>
      tpu.enqueue_indirect_dma source(%arg18 : memref<80x128xf32, #tpu.memory_space<vmem>>) target(%dma_start3A_164 : memref<10240x128xf32, #tpu.memory_space<vmem_shared>>) offsets(%arg14 : memref<80xi32, #tpu.memory_space<vmem>>) semaphore(%arg34 : memref<!tpu.dma_semaphore, #tpu.memory_space<semaphore_mem>>) {add = true}
      %dma_wait3A_165 = arith.constant 0 : i32
      %dma_wait3A_166 = arith.constant 0 : i32
      %dma_wait3A_167 = tpu.memref_slice %arg2[%dma_wait3A_165, %dma_wait3A_166] : memref<10000x128xf32, #tpu.memory_space<hbm>> -> memref<10000x128xf32, #tpu.memory_space<hbm>>
      tpu.wait_indirect_dma semaphore(%arg31 : memref<!tpu.dma_semaphore, #tpu.memory_space<semaphore_mem>>) src(%dma_wait3A_167 : memref<10000x128xf32, #tpu.memory_space<hbm>>) dst(%arg19 : memref<80x128xf32, #tpu.memory_space<vmem>>)
      %dma_start3A_168 = arith.constant 0 : i32
      %dma_start3A_169 = arith.constant 0 : i32
      %dma_start3A_170 = tpu.memref_slice %arg7[%dma_start3A_168, %dma_start3A_169] : memref<10240x128xf32, #tpu.memory_space<vmem_shared>> -> memref<10240x128xf32, #tpu.memory_space<vmem_shared>>
      tpu.enqueue_indirect_dma source(%arg19 : memref<80x128xf32, #tpu.memory_space<vmem>>) target(%dma_start3A_170 : memref<10240x128xf32, #tpu.memory_space<vmem_shared>>) offsets(%arg15 : memref<80xi32, #tpu.memory_space<vmem>>) semaphore(%arg35 : memref<!tpu.dma_semaphore, #tpu.memory_space<semaphore_mem>>) {add = true}
      %dma_wait3A_171 = arith.constant 0 : i32
      %dma_wait3A_172 = arith.constant 0 : i32
      %dma_wait3A_173 = tpu.memref_slice %arg7[%dma_wait3A_171, %dma_wait3A_172] : memref<10240x128xf32, #tpu.memory_space<vmem_shared>> -> memref<10240x128xf32, #tpu.memory_space<vmem_shared>>
      tpu.wait_indirect_dma semaphore(%arg32 : memref<!tpu.dma_semaphore, #tpu.memory_space<semaphore_mem>>) src(%arg16 : memref<80x128xf32, #tpu.memory_space<vmem>>) dst(%dma_wait3A_173 : memref<10240x128xf32, #tpu.memory_space<vmem_shared>>)
      %add3A_174 = arith.constant 1 : i32
      %add3A_175 = arith.addi %scan3A_118, %add3A_174 : i32
      %mul3A_176 = arith.constant 4 : i32
      %mul3A_177 = arith.muli %add3A_175, %mul3A_176 : i32
      %add3A_178 = arith.constant 0 : i32
      %add3A_179 = arith.addi %mul3A_177, %add3A_178 : i32
      %mul3A_180 = arith.constant 80 : i32
      %mul3A_181 = arith.muli %add3A_179, %mul3A_180 : i32
      %add3A_182 = arith.addi %mul3A_2, %mul3A_181 : i32
      %dma_start3A_183 = tpu.memref_slice %arg3[%add3A_182] : memref<320000xi32, #tpu.memory_space<hbm>> -> memref<80xi32, #tpu.memory_space<hbm>>
      %dma_start3A_184 = tpu.memref_slice %arg3[%add3A_182] : memref<320000xi32, #tpu.memory_space<hbm>> -> memref<80xi32, #tpu.memory_space<hbm>>
      tpu.enqueue_dma source(%dma_start3A_184 : memref<80xi32, #tpu.memory_space<hbm>>) target(%arg8 : memref<80xi32, #tpu.memory_space<vmem>>) target_semaphore(%arg20 : memref<!tpu.dma_semaphore, #tpu.memory_space<semaphore_mem>>)
      %dma_start3A_185 = tpu.memref_slice %arg4[%add3A_182] : memref<320000xi32, #tpu.memory_space<hbm>> -> memref<80xi32, #tpu.memory_space<hbm>>
      %dma_start3A_186 = tpu.memref_slice %arg4[%add3A_182] : memref<320000xi32, #tpu.memory_space<hbm>> -> memref<80xi32, #tpu.memory_space<hbm>>
      tpu.enqueue_dma source(%dma_start3A_186 : memref<80xi32, #tpu.memory_space<hbm>>) target(%arg12 : memref<80xi32, #tpu.memory_space<vmem>>) target_semaphore(%arg24 : memref<!tpu.dma_semaphore, #tpu.memory_space<semaphore_mem>>)
      %dma_wait3A_187 = arith.constant 0 : i32
      %dma_wait3A_188 = arith.constant 0 : i32
      %dma_wait3A_189 = tpu.memref_slice %arg7[%dma_wait3A_187, %dma_wait3A_188] : memref<10240x128xf32, #tpu.memory_space<vmem_shared>> -> memref<10240x128xf32, #tpu.memory_space<vmem_shared>>
      tpu.wait_indirect_dma semaphore(%arg33 : memref<!tpu.dma_semaphore, #tpu.memory_space<semaphore_mem>>) src(%arg17 : memref<80x128xf32, #tpu.memory_space<vmem>>) dst(%dma_wait3A_189 : memref<10240x128xf32, #tpu.memory_space<vmem_shared>>)
      %add3A_190 = arith.constant 1 : i32
      %add3A_191 = arith.addi %scan3A_118, %add3A_190 : i32
      %mul3A_192 = arith.constant 4 : i32
      %mul3A_193 = arith.muli %add3A_191, %mul3A_192 : i32
      %add3A_194 = arith.constant 1 : i32
      %add3A_195 = arith.addi %mul3A_193, %add3A_194 : i32
      %mul3A_196 = arith.constant 80 : i32
      %mul3A_197 = arith.muli %add3A_195, %mul3A_196 : i32
      %add3A_198 = arith.addi %mul3A_2, %mul3A_197 : i32
      %dma_start3A_199 = tpu.memref_slice %arg3[%add3A_198] : memref<320000xi32, #tpu.memory_space<hbm>> -> memref<80xi32, #tpu.memory_space<hbm>>
      %dma_start3A_200 = tpu.memref_slice %arg3[%add3A_198] : memref<320000xi32, #tpu.memory_space<hbm>> -> memref<80xi32, #tpu.memory_space<hbm>>
      tpu.enqueue_dma source(%dma_start3A_200 : memref<80xi32, #tpu.memory_space<hbm>>) target(%arg9 : memref<80xi32, #tpu.memory_space<vmem>>) target_semaphore(%arg21 : memref<!tpu.dma_semaphore, #tpu.memory_space<semaphore_mem>>)
      %dma_start3A_201 = tpu.memref_slice %arg4[%add3A_198] : memref<320000xi32, #tpu.memory_space<hbm>> -> memref<80xi32, #tpu.memory_space<hbm>>
      %dma_start3A_202 = tpu.memref_slice %arg4[%add3A_198] : memref<320000xi32, #tpu.memory_space<hbm>> -> memref<80xi32, #tpu.memory_space<hbm>>
      tpu.enqueue_dma source(%dma_start3A_202 : memref<80xi32, #tpu.memory_space<hbm>>) target(%arg13 : memref<80xi32, #tpu.memory_space<vmem>>) target_semaphore(%arg25 : memref<!tpu.dma_semaphore, #tpu.memory_space<semaphore_mem>>)
      %dma_wait3A_203 = arith.constant 0 : i32
      %dma_wait3A_204 = arith.constant 0 : i32
      %dma_wait3A_205 = tpu.memref_slice %arg7[%dma_wait3A_203, %dma_wait3A_204] : memref<10240x128xf32, #tpu.memory_space<vmem_shared>> -> memref<10240x128xf32, #tpu.memory_space<vmem_shared>>
      tpu.wait_indirect_dma semaphore(%arg34 : memref<!tpu.dma_semaphore, #tpu.memory_space<semaphore_mem>>) src(%arg18 : memref<80x128xf32, #tpu.memory_space<vmem>>) dst(%dma_wait3A_205 : memref<10240x128xf32, #tpu.memory_space<vmem_shared>>)
      %add3A_206 = arith.constant 1 : i32
      %add3A_207 = arith.addi %scan3A_118, %add3A_206 : i32
      %mul3A_208 = arith.constant 4 : i32
      %mul3A_209 = arith.muli %add3A_207, %mul3A_208 : i32
      %add3A_210 = arith.constant 2 : i32
      %add3A_211 = arith.addi %mul3A_209, %add3A_210 : i32
      %mul3A_212 = arith.constant 80 : i32
      %mul3A_213 = arith.muli %add3A_211, %mul3A_212 : i32
      %add3A_214 = arith.addi %mul3A_2, %mul3A_213 : i32
      %dma_start3A_215 = tpu.memref_slice %arg3[%add3A_214] : memref<320000xi32, #tpu.memory_space<hbm>> -> memref<80xi32, #tpu.memory_space<hbm>>
      %dma_start3A_216 = tpu.memref_slice %arg3[%add3A_214] : memref<320000xi32, #tpu.memory_space<hbm>> -> memref<80xi32, #tpu.memory_space<hbm>>
      tpu.enqueue_dma source(%dma_start3A_216 : memref<80xi32, #tpu.memory_space<hbm>>) target(%arg10 : memref<80xi32, #tpu.memory_space<vmem>>) target_semaphore(%arg22 : memref<!tpu.dma_semaphore, #tpu.memory_space<semaphore_mem>>)
      %dma_start3A_217 = tpu.memref_slice %arg4[%add3A_214] : memref<320000xi32, #tpu.memory_space<hbm>> -> memref<80xi32, #tpu.memory_space<hbm>>
      %dma_start3A_218 = tpu.memref_slice %arg4[%add3A_214] : memref<320000xi32, #tpu.memory_space<hbm>> -> memref<80xi32, #tpu.memory_space<hbm>>
      tpu.enqueue_dma source(%dma_start3A_218 : memref<80xi32, #tpu.memory_space<hbm>>) target(%arg14 : memref<80xi32, #tpu.memory_space<vmem>>) target_semaphore(%arg26 : memref<!tpu.dma_semaphore, #tpu.memory_space<semaphore_mem>>)
      %dma_wait3A_219 = arith.constant 0 : i32
      %dma_wait3A_220 = arith.constant 0 : i32
      %dma_wait3A_221 = tpu.memref_slice %arg7[%dma_wait3A_219, %dma_wait3A_220] : memref<10240x128xf32, #tpu.memory_space<vmem_shared>> -> memref<10240x128xf32, #tpu.memory_space<vmem_shared>>
      tpu.wait_indirect_dma semaphore(%arg35 : memref<!tpu.dma_semaphore, #tpu.memory_space<semaphore_mem>>) src(%arg19 : memref<80x128xf32, #tpu.memory_space<vmem>>) dst(%dma_wait3A_221 : memref<10240x128xf32, #tpu.memory_space<vmem_shared>>)
      %add3A_222 = arith.constant 1 : i32
      %add3A_223 = arith.addi %scan3A_118, %add3A_222 : i32
      %mul3A_224 = arith.constant 4 : i32
      %mul3A_225 = arith.muli %add3A_223, %mul3A_224 : i32
      %add3A_226 = arith.constant 3 : i32
      %add3A_227 = arith.addi %mul3A_225, %add3A_226 : i32
      %mul3A_228 = arith.constant 80 : i32
      %mul3A_229 = arith.muli %add3A_227, %mul3A_228 : i32
      %add3A_230 = arith.addi %mul3A_2, %mul3A_229 : i32
      %dma_start3A_231 = tpu.memref_slice %arg3[%add3A_230] : memref<320000xi32, #tpu.memory_space<hbm>> -> memref<80xi32, #tpu.memory_space<hbm>>
      %dma_start3A_232 = tpu.memref_slice %arg3[%add3A_230] : memref<320000xi32, #tpu.memory_space<hbm>> -> memref<80xi32, #tpu.memory_space<hbm>>
      tpu.enqueue_dma source(%dma_start3A_232 : memref<80xi32, #tpu.memory_space<hbm>>) target(%arg11 : memref<80xi32, #tpu.memory_space<vmem>>) target_semaphore(%arg23 : memref<!tpu.dma_semaphore, #tpu.memory_space<semaphore_mem>>)
      %dma_start3A_233 = tpu.memref_slice %arg4[%add3A_230] : memref<320000xi32, #tpu.memory_space<hbm>> -> memref<80xi32, #tpu.memory_space<hbm>>
      %dma_start3A_234 = tpu.memref_slice %arg4[%add3A_230] : memref<320000xi32, #tpu.memory_space<hbm>> -> memref<80xi32, #tpu.memory_space<hbm>>
      tpu.enqueue_dma source(%dma_start3A_234 : memref<80xi32, #tpu.memory_space<hbm>>) target(%arg15 : memref<80xi32, #tpu.memory_space<vmem>>) target_semaphore(%arg27 : memref<!tpu.dma_semaphore, #tpu.memory_space<semaphore_mem>>)
    }
    %scan3A_33 = arith.constant 30 : i32
    %dma_wait3A = tpu.memref_slice %arg3[%mul3A_2] : memref<320000xi32, #tpu.memory_space<hbm>> -> memref<80xi32, #tpu.memory_space<hbm>>
    %dma_wait3A_34 = tpu.memref_slice %arg3[%mul3A_2] : memref<320000xi32, #tpu.memory_space<hbm>> -> memref<80xi32, #tpu.memory_space<hbm>>
    tpu.wait_dma2 semaphore(%arg20 : memref<!tpu.dma_semaphore, #tpu.memory_space<semaphore_mem>>) src(%dma_wait3A_34 : memref<80xi32, #tpu.memory_space<hbm>>) dst(%arg8 : memref<80xi32, #tpu.memory_space<vmem>>)
    %dma_wait3A_35 = tpu.memref_slice %arg4[%mul3A_2] : memref<320000xi32, #tpu.memory_space<hbm>> -> memref<80xi32, #tpu.memory_space<hbm>>
    %dma_wait3A_36 = tpu.memref_slice %arg4[%mul3A_2] : memref<320000xi32, #tpu.memory_space<hbm>> -> memref<80xi32, #tpu.memory_space<hbm>>
    tpu.wait_dma2 semaphore(%arg24 : memref<!tpu.dma_semaphore, #tpu.memory_space<semaphore_mem>>) src(%dma_wait3A_36 : memref<80xi32, #tpu.memory_space<hbm>>) dst(%arg12 : memref<80xi32, #tpu.memory_space<vmem>>)
    %dma_start3A_37 = arith.constant 0 : i32
    %dma_start3A_38 = arith.constant 0 : i32
    %dma_start3A_39 = tpu.memref_slice %arg2[%dma_start3A_37, %dma_start3A_38] : memref<10000x128xf32, #tpu.memory_space<hbm>> -> memref<10000x128xf32, #tpu.memory_space<hbm>>
    tpu.enqueue_indirect_dma source(%dma_start3A_39 : memref<10000x128xf32, #tpu.memory_space<hbm>>) target(%arg16 : memref<80x128xf32, #tpu.memory_space<vmem>>) offsets(%arg8 : memref<80xi32, #tpu.memory_space<vmem>>) semaphore(%arg28 : memref<!tpu.dma_semaphore, #tpu.memory_space<semaphore_mem>>)
    %dma_wait3A_40 = tpu.memref_slice %arg3[%mul3A_2] : memref<320000xi32, #tpu.memory_space<hbm>> -> memref<80xi32, #tpu.memory_space<hbm>>
    %dma_wait3A_41 = tpu.memref_slice %arg3[%mul3A_2] : memref<320000xi32, #tpu.memory_space<hbm>> -> memref<80xi32, #tpu.memory_space<hbm>>
    tpu.wait_dma2 semaphore(%arg21 : memref<!tpu.dma_semaphore, #tpu.memory_space<semaphore_mem>>) src(%dma_wait3A_41 : memref<80xi32, #tpu.memory_space<hbm>>) dst(%arg9 : memref<80xi32, #tpu.memory_space<vmem>>)
    %dma_wait3A_42 = tpu.memref_slice %arg4[%mul3A_2] : memref<320000xi32, #tpu.memory_space<hbm>> -> memref<80xi32, #tpu.memory_space<hbm>>
    %dma_wait3A_43 = tpu.memref_slice %arg4[%mul3A_2] : memref<320000xi32, #tpu.memory_space<hbm>> -> memref<80xi32, #tpu.memory_space<hbm>>
    tpu.wait_dma2 semaphore(%arg25 : memref<!tpu.dma_semaphore, #tpu.memory_space<semaphore_mem>>) src(%dma_wait3A_43 : memref<80xi32, #tpu.memory_space<hbm>>) dst(%arg13 : memref<80xi32, #tpu.memory_space<vmem>>)
    %dma_start3A_44 = arith.constant 0 : i32
    %dma_start3A_45 = arith.constant 0 : i32
    %dma_start3A_46 = tpu.memref_slice %arg2[%dma_start3A_44, %dma_start3A_45] : memref<10000x128xf32, #tpu.memory_space<hbm>> -> memref<10000x128xf32, #tpu.memory_space<hbm>>
    tpu.enqueue_indirect_dma source(%dma_start3A_46 : memref<10000x128xf32, #tpu.memory_space<hbm>>) target(%arg17 : memref<80x128xf32, #tpu.memory_space<vmem>>) offsets(%arg9 : memref<80xi32, #tpu.memory_space<vmem>>) semaphore(%arg29 : memref<!tpu.dma_semaphore, #tpu.memory_space<semaphore_mem>>)
    %dma_wait3A_47 = tpu.memref_slice %arg3[%mul3A_2] : memref<320000xi32, #tpu.memory_space<hbm>> -> memref<80xi32, #tpu.memory_space<hbm>>
    %dma_wait3A_48 = tpu.memref_slice %arg3[%mul3A_2] : memref<320000xi32, #tpu.memory_space<hbm>> -> memref<80xi32, #tpu.memory_space<hbm>>
    tpu.wait_dma2 semaphore(%arg22 : memref<!tpu.dma_semaphore, #tpu.memory_space<semaphore_mem>>) src(%dma_wait3A_48 : memref<80xi32, #tpu.memory_space<hbm>>) dst(%arg10 : memref<80xi32, #tpu.memory_space<vmem>>)
    %dma_wait3A_49 = tpu.memref_slice %arg4[%mul3A_2] : memref<320000xi32, #tpu.memory_space<hbm>> -> memref<80xi32, #tpu.memory_space<hbm>>
    %dma_wait3A_50 = tpu.memref_slice %arg4[%mul3A_2] : memref<320000xi32, #tpu.memory_space<hbm>> -> memref<80xi32, #tpu.memory_space<hbm>>
    tpu.wait_dma2 semaphore(%arg26 : memref<!tpu.dma_semaphore, #tpu.memory_space<semaphore_mem>>) src(%dma_wait3A_50 : memref<80xi32, #tpu.memory_space<hbm>>) dst(%arg14 : memref<80xi32, #tpu.memory_space<vmem>>)
    %dma_start3A_51 = arith.constant 0 : i32
    %dma_start3A_52 = arith.constant 0 : i32
    %dma_start3A_53 = tpu.memref_slice %arg2[%dma_start3A_51, %dma_start3A_52] : memref<10000x128xf32, #tpu.memory_space<hbm>> -> memref<10000x128xf32, #tpu.memory_space<hbm>>
    tpu.enqueue_indirect_dma source(%dma_start3A_53 : memref<10000x128xf32, #tpu.memory_space<hbm>>) target(%arg18 : memref<80x128xf32, #tpu.memory_space<vmem>>) offsets(%arg10 : memref<80xi32, #tpu.memory_space<vmem>>) semaphore(%arg30 : memref<!tpu.dma_semaphore, #tpu.memory_space<semaphore_mem>>)
    %dma_wait3A_54 = tpu.memref_slice %arg3[%mul3A_2] : memref<320000xi32, #tpu.memory_space<hbm>> -> memref<80xi32, #tpu.memory_space<hbm>>
    %dma_wait3A_55 = tpu.memref_slice %arg3[%mul3A_2] : memref<320000xi32, #tpu.memory_space<hbm>> -> memref<80xi32, #tpu.memory_space<hbm>>
    tpu.wait_dma2 semaphore(%arg23 : memref<!tpu.dma_semaphore, #tpu.memory_space<semaphore_mem>>) src(%dma_wait3A_55 : memref<80xi32, #tpu.memory_space<hbm>>) dst(%arg11 : memref<80xi32, #tpu.memory_space<vmem>>)
    %dma_wait3A_56 = tpu.memref_slice %arg4[%mul3A_2] : memref<320000xi32, #tpu.memory_space<hbm>> -> memref<80xi32, #tpu.memory_space<hbm>>
    %dma_wait3A_57 = tpu.memref_slice %arg4[%mul3A_2] : memref<320000xi32, #tpu.memory_space<hbm>> -> memref<80xi32, #tpu.memory_space<hbm>>
    tpu.wait_dma2 semaphore(%arg27 : memref<!tpu.dma_semaphore, #tpu.memory_space<semaphore_mem>>) src(%dma_wait3A_57 : memref<80xi32, #tpu.memory_space<hbm>>) dst(%arg15 : memref<80xi32, #tpu.memory_space<vmem>>)
    %dma_start3A_58 = arith.constant 0 : i32
    %dma_start3A_59 = arith.constant 0 : i32
    %dma_start3A_60 = tpu.memref_slice %arg2[%dma_start3A_58, %dma_start3A_59] : memref<10000x128xf32, #tpu.memory_space<hbm>> -> memref<10000x128xf32, #tpu.memory_space<hbm>>
    tpu.enqueue_indirect_dma source(%dma_start3A_60 : memref<10000x128xf32, #tpu.memory_space<hbm>>) target(%arg19 : memref<80x128xf32, #tpu.memory_space<vmem>>) offsets(%arg11 : memref<80xi32, #tpu.memory_space<vmem>>) semaphore(%arg31 : memref<!tpu.dma_semaphore, #tpu.memory_space<semaphore_mem>>)
    %dma_wait3A_61 = arith.constant 0 : i32
    %dma_wait3A_62 = arith.constant 0 : i32
    %dma_wait3A_63 = tpu.memref_slice %arg2[%dma_wait3A_61, %dma_wait3A_62] : memref<10000x128xf32, #tpu.memory_space<hbm>> -> memref<10000x128xf32, #tpu.memory_space<hbm>>
    tpu.wait_indirect_dma semaphore(%arg28 : memref<!tpu.dma_semaphore, #tpu.memory_space<semaphore_mem>>) src(%dma_wait3A_63 : memref<10000x128xf32, #tpu.memory_space<hbm>>) dst(%arg16 : memref<80x128xf32, #tpu.memory_space<vmem>>)
    %dma_start3A_64 = arith.constant 0 : i32
    %dma_start3A_65 = arith.constant 0 : i32
    %dma_start3A_66 = tpu.memref_slice %arg7[%dma_start3A_64, %dma_start3A_65] : memref<10240x128xf32, #tpu.memory_space<vmem_shared>> -> memref<10240x128xf32, #tpu.memory_space<vmem_shared>>
    tpu.enqueue_indirect_dma source(%arg16 : memref<80x128xf32, #tpu.memory_space<vmem>>) target(%dma_start3A_66 : memref<10240x128xf32, #tpu.memory_space<vmem_shared>>) offsets(%arg12 : memref<80xi32, #tpu.memory_space<vmem>>) semaphore(%arg32 : memref<!tpu.dma_semaphore, #tpu.memory_space<semaphore_mem>>) {add = true}
    %dma_wait3A_67 = arith.constant 0 : i32
    %dma_wait3A_68 = arith.constant 0 : i32
    %dma_wait3A_69 = tpu.memref_slice %arg2[%dma_wait3A_67, %dma_wait3A_68] : memref<10000x128xf32, #tpu.memory_space<hbm>> -> memref<10000x128xf32, #tpu.memory_space<hbm>>
    tpu.wait_indirect_dma semaphore(%arg29 : memref<!tpu.dma_semaphore, #tpu.memory_space<semaphore_mem>>) src(%dma_wait3A_69 : memref<10000x128xf32, #tpu.memory_space<hbm>>) dst(%arg17 : memref<80x128xf32, #tpu.memory_space<vmem>>)
    %dma_start3A_70 = arith.constant 0 : i32
    %dma_start3A_71 = arith.constant 0 : i32
    %dma_start3A_72 = tpu.memref_slice %arg7[%dma_start3A_70, %dma_start3A_71] : memref<10240x128xf32, #tpu.memory_space<vmem_shared>> -> memref<10240x128xf32, #tpu.memory_space<vmem_shared>>
    tpu.enqueue_indirect_dma source(%arg17 : memref<80x128xf32, #tpu.memory_space<vmem>>) target(%dma_start3A_72 : memref<10240x128xf32, #tpu.memory_space<vmem_shared>>) offsets(%arg13 : memref<80xi32, #tpu.memory_space<vmem>>) semaphore(%arg33 : memref<!tpu.dma_semaphore, #tpu.memory_space<semaphore_mem>>) {add = true}
    %dma_wait3A_73 = arith.constant 0 : i32
    %dma_wait3A_74 = arith.constant 0 : i32
    %dma_wait3A_75 = tpu.memref_slice %arg2[%dma_wait3A_73, %dma_wait3A_74] : memref<10000x128xf32, #tpu.memory_space<hbm>> -> memref<10000x128xf32, #tpu.memory_space<hbm>>
    tpu.wait_indirect_dma semaphore(%arg30 : memref<!tpu.dma_semaphore, #tpu.memory_space<semaphore_mem>>) src(%dma_wait3A_75 : memref<10000x128xf32, #tpu.memory_space<hbm>>) dst(%arg18 : memref<80x128xf32, #tpu.memory_space<vmem>>)
    %dma_start3A_76 = arith.constant 0 : i32
    %dma_start3A_77 = arith.constant 0 : i32
    %dma_start3A_78 = tpu.memref_slice %arg7[%dma_start3A_76, %dma_start3A_77] : memref<10240x128xf32, #tpu.memory_space<vmem_shared>> -> memref<10240x128xf32, #tpu.memory_space<vmem_shared>>
    tpu.enqueue_indirect_dma source(%arg18 : memref<80x128xf32, #tpu.memory_space<vmem>>) target(%dma_start3A_78 : memref<10240x128xf32, #tpu.memory_space<vmem_shared>>) offsets(%arg14 : memref<80xi32, #tpu.memory_space<vmem>>) semaphore(%arg34 : memref<!tpu.dma_semaphore, #tpu.memory_space<semaphore_mem>>) {add = true}
    %dma_wait3A_79 = arith.constant 0 : i32
    %dma_wait3A_80 = arith.constant 0 : i32
    %dma_wait3A_81 = tpu.memref_slice %arg2[%dma_wait3A_79, %dma_wait3A_80] : memref<10000x128xf32, #tpu.memory_space<hbm>> -> memref<10000x128xf32, #tpu.memory_space<hbm>>
    tpu.wait_indirect_dma semaphore(%arg31 : memref<!tpu.dma_semaphore, #tpu.memory_space<semaphore_mem>>) src(%dma_wait3A_81 : memref<10000x128xf32, #tpu.memory_space<hbm>>) dst(%arg19 : memref<80x128xf32, #tpu.memory_space<vmem>>)
    %dma_start3A_82 = arith.constant 0 : i32
    %dma_start3A_83 = arith.constant 0 : i32
    %dma_start3A_84 = tpu.memref_slice %arg7[%dma_start3A_82, %dma_start3A_83] : memref<10240x128xf32, #tpu.memory_space<vmem_shared>> -> memref<10240x128xf32, #tpu.memory_space<vmem_shared>>
    tpu.enqueue_indirect_dma source(%arg19 : memref<80x128xf32, #tpu.memory_space<vmem>>) target(%dma_start3A_84 : memref<10240x128xf32, #tpu.memory_space<vmem_shared>>) offsets(%arg15 : memref<80xi32, #tpu.memory_space<vmem>>) semaphore(%arg35 : memref<!tpu.dma_semaphore, #tpu.memory_space<semaphore_mem>>) {add = true}
    %dma_wait3A_85 = arith.constant 0 : i32
    %dma_wait3A_86 = arith.constant 0 : i32
    %dma_wait3A_87 = tpu.memref_slice %arg7[%dma_wait3A_85, %dma_wait3A_86] : memref<10240x128xf32, #tpu.memory_space<vmem_shared>> -> memref<10240x128xf32, #tpu.memory_space<vmem_shared>>
    tpu.wait_indirect_dma semaphore(%arg32 : memref<!tpu.dma_semaphore, #tpu.memory_space<semaphore_mem>>) src(%arg16 : memref<80x128xf32, #tpu.memory_space<vmem>>) dst(%dma_wait3A_87 : memref<10240x128xf32, #tpu.memory_space<vmem_shared>>)
    %dma_wait3A_88 = arith.constant 0 : i32
    %dma_wait3A_89 = arith.constant 0 : i32
    %dma_wait3A_90 = tpu.memref_slice %arg7[%dma_wait3A_88, %dma_wait3A_89] : memref<10240x128xf32, #tpu.memory_space<vmem_shared>> -> memref<10240x128xf32, #tpu.memory_space<vmem_shared>>
    tpu.wait_indirect_dma semaphore(%arg33 : memref<!tpu.dma_semaphore, #tpu.memory_space<semaphore_mem>>) src(%arg17 : memref<80x128xf32, #tpu.memory_space<vmem>>) dst(%dma_wait3A_90 : memref<10240x128xf32, #tpu.memory_space<vmem_shared>>)
    %dma_wait3A_91 = arith.constant 0 : i32
    %dma_wait3A_92 = arith.constant 0 : i32
    %dma_wait3A_93 = tpu.memref_slice %arg7[%dma_wait3A_91, %dma_wait3A_92] : memref<10240x128xf32, #tpu.memory_space<vmem_shared>> -> memref<10240x128xf32, #tpu.memory_space<vmem_shared>>
    tpu.wait_indirect_dma semaphore(%arg34 : memref<!tpu.dma_semaphore, #tpu.memory_space<semaphore_mem>>) src(%arg18 : memref<80x128xf32, #tpu.memory_space<vmem>>) dst(%dma_wait3A_93 : memref<10240x128xf32, #tpu.memory_space<vmem_shared>>)
    %dma_wait3A_94 = arith.constant 0 : i32
    %dma_wait3A_95 = arith.constant 0 : i32
    %dma_wait3A_96 = tpu.memref_slice %arg7[%dma_wait3A_94, %dma_wait3A_95] : memref<10240x128xf32, #tpu.memory_space<vmem_shared>> -> memref<10240x128xf32, #tpu.memory_space<vmem_shared>>
    tpu.wait_indirect_dma semaphore(%arg35 : memref<!tpu.dma_semaphore, #tpu.memory_space<semaphore_mem>>) src(%arg19 : memref<80x128xf32, #tpu.memory_space<vmem>>) dst(%dma_wait3A_96 : memref<10240x128xf32, #tpu.memory_space<vmem_shared>>)
    %add3A_97 = arith.constant 9920 : i32
    %add3A_98 = arith.addi %mul3A_2, %add3A_97 : i32
    %dma_start3A_99 = tpu.memref_slice %arg3[%add3A_98] : memref<320000xi32, #tpu.memory_space<hbm>> -> memref<80xi32, #tpu.memory_space<hbm>>
    %dma_start3A_100 = tpu.memref_slice %arg3[%add3A_98] : memref<320000xi32, #tpu.memory_space<hbm>> -> memref<80xi32, #tpu.memory_space<hbm>>
    tpu.enqueue_dma source(%dma_start3A_100 : memref<80xi32, #tpu.memory_space<hbm>>) target(%arg8 : memref<80xi32, #tpu.memory_space<vmem>>) target_semaphore(%arg20 : memref<!tpu.dma_semaphore, #tpu.memory_space<semaphore_mem>>)
    %dma_start3A_101 = tpu.memref_slice %arg4[%add3A_98] : memref<320000xi32, #tpu.memory_space<hbm>> -> memref<80xi32, #tpu.memory_space<hbm>>
    %dma_start3A_102 = tpu.memref_slice %arg4[%add3A_98] : memref<320000xi32, #tpu.memory_space<hbm>> -> memref<80xi32, #tpu.memory_space<hbm>>
    tpu.enqueue_dma source(%dma_start3A_102 : memref<80xi32, #tpu.memory_space<hbm>>) target(%arg12 : memref<80xi32, #tpu.memory_space<vmem>>) target_semaphore(%arg24 : memref<!tpu.dma_semaphore, #tpu.memory_space<semaphore_mem>>)
    %dma_wait3A_103 = tpu.memref_slice %arg3[%mul3A_2] : memref<320000xi32, #tpu.memory_space<hbm>> -> memref<80xi32, #tpu.memory_space<hbm>>
    %dma_wait3A_104 = tpu.memref_slice %arg3[%mul3A_2] : memref<320000xi32, #tpu.memory_space<hbm>> -> memref<80xi32, #tpu.memory_space<hbm>>
    tpu.wait_dma2 semaphore(%arg20 : memref<!tpu.dma_semaphore, #tpu.memory_space<semaphore_mem>>) src(%dma_wait3A_104 : memref<80xi32, #tpu.memory_space<hbm>>) dst(%arg8 : memref<80xi32, #tpu.memory_space<vmem>>)
    %dma_wait3A_105 = tpu.memref_slice %arg4[%mul3A_2] : memref<320000xi32, #tpu.memory_space<hbm>> -> memref<80xi32, #tpu.memory_space<hbm>>
    %dma_wait3A_106 = tpu.memref_slice %arg4[%mul3A_2] : memref<320000xi32, #tpu.memory_space<hbm>> -> memref<80xi32, #tpu.memory_space<hbm>>
    tpu.wait_dma2 semaphore(%arg24 : memref<!tpu.dma_semaphore, #tpu.memory_space<semaphore_mem>>) src(%dma_wait3A_106 : memref<80xi32, #tpu.memory_space<hbm>>) dst(%arg12 : memref<80xi32, #tpu.memory_space<vmem>>)
    %dma_start3A_107 = arith.constant 0 : i32
    %dma_start3A_108 = arith.constant 0 : i32
    %dma_start3A_109 = tpu.memref_slice %arg2[%dma_start3A_107, %dma_start3A_108] : memref<10000x128xf32, #tpu.memory_space<hbm>> -> memref<10000x128xf32, #tpu.memory_space<hbm>>
    tpu.enqueue_indirect_dma source(%dma_start3A_109 : memref<10000x128xf32, #tpu.memory_space<hbm>>) target(%arg16 : memref<80x128xf32, #tpu.memory_space<vmem>>) offsets(%arg8 : memref<80xi32, #tpu.memory_space<vmem>>) semaphore(%arg28 : memref<!tpu.dma_semaphore, #tpu.memory_space<semaphore_mem>>)
    %dma_wait3A_110 = arith.constant 0 : i32
    %dma_wait3A_111 = arith.constant 0 : i32
    %dma_wait3A_112 = tpu.memref_slice %arg2[%dma_wait3A_110, %dma_wait3A_111] : memref<10000x128xf32, #tpu.memory_space<hbm>> -> memref<10000x128xf32, #tpu.memory_space<hbm>>
    tpu.wait_indirect_dma semaphore(%arg28 : memref<!tpu.dma_semaphore, #tpu.memory_space<semaphore_mem>>) src(%dma_wait3A_112 : memref<10000x128xf32, #tpu.memory_space<hbm>>) dst(%arg16 : memref<80x128xf32, #tpu.memory_space<vmem>>)
    "tpu.region"() ({
      %run_scoped3A = tpu.sem_alloc : memref<!tpu.dma_semaphore, #tpu.memory_space<semaphore_mem>>
      %dma_start3A_118 = arith.constant 0 : i32
      %dma_start3A_119 = arith.constant 0 : i32
      %dma_start3A_120 = tpu.memref_slice %arg7[%dma_start3A_118, %dma_start3A_119] : memref<10240x128xf32, #tpu.memory_space<vmem_shared>> -> memref<10240x128xf32, #tpu.memory_space<vmem_shared>>
      tpu.enqueue_indirect_dma source(%arg16 : memref<80x128xf32, #tpu.memory_space<vmem>>) target(%dma_start3A_120 : memref<10240x128xf32, #tpu.memory_space<vmem_shared>>) offsets(%arg12 : memref<80xi32, #tpu.memory_space<vmem>>) semaphore(%run_scoped3A : memref<!tpu.dma_semaphore, #tpu.memory_space<semaphore_mem>>) {add = true}
      %dma_wait3A_121 = arith.constant 0 : i32
      %dma_wait3A_122 = arith.constant 0 : i32
      %dma_wait3A_123 = tpu.memref_slice %arg7[%dma_wait3A_121, %dma_wait3A_122] : memref<10240x128xf32, #tpu.memory_space<vmem_shared>> -> memref<10240x128xf32, #tpu.memory_space<vmem_shared>>
      tpu.wait_indirect_dma semaphore(%run_scoped3A : memref<!tpu.dma_semaphore, #tpu.memory_space<semaphore_mem>>) src(%arg16 : memref<80x128xf32, #tpu.memory_space<vmem>>) dst(%dma_wait3A_123 : memref<10240x128xf32, #tpu.memory_space<vmem_shared>>)
      tpu.yield
    }) : () -> ()
    %barrier3A_113 = arith.constant 0 : index
    tpu.barrier barrier_id(%barrier3A_113)
    %mul3A_114 = arith.constant 640 : i32
    %mul3A_115 = arith.muli %arg1, %mul3A_114 : i32
    %mul3A_116 = arith.constant 640 : i32
    %mul3A_117 = arith.muli %arg1, %mul3A_116 : i32
    "tpu.region"() ({
      %run_scoped3A = tpu.sem_alloc : memref<!tpu.dma_semaphore, #tpu.memory_space<semaphore_mem>>
      %dma_start3A_118 = arith.constant 0 : i32
      %dma_start3A_119 = tpu.memref_slice %arg6[%arg0, %mul3A_117, %dma_start3A_118] : memref<2x10240x128xf32, #tpu.memory_space<hbm>> -> memref<1x640x128xf32, #tpu.memory_space<hbm>>
      %dma_start3A_120 = tpu.memref_squeeze %dma_start3A_119 : memref<1x640x128xf32, #tpu.memory_space<hbm>> -> memref<640x128xf32, #tpu.memory_space<hbm>>
      %dma_start3A_121 = arith.constant 0 : i32
      %dma_start3A_122 = tpu.memref_slice %arg7[%mul3A_115, %dma_start3A_121] : memref<10240x128xf32, #tpu.memory_space<vmem_shared>> -> memref<640x128xf32, #tpu.memory_space<vmem_shared>>
      tpu.enqueue_dma source(%dma_start3A_122 : memref<640x128xf32, #tpu.memory_space<vmem_shared>>) target(%dma_start3A_120 : memref<640x128xf32, #tpu.memory_space<hbm>>) target_semaphore(%run_scoped3A : memref<!tpu.dma_semaphore, #tpu.memory_space<semaphore_mem>>)
      %dma_wait3A_123 = arith.constant 0 : i32
      %dma_wait3A_124 = tpu.memref_slice %arg6[%arg0, %mul3A_117, %dma_wait3A_123] : memref<2x10240x128xf32, #tpu.memory_space<hbm>> -> memref<1x640x128xf32, #tpu.memory_space<hbm>>
      %dma_wait3A_125 = tpu.memref_squeeze %dma_wait3A_124 : memref<1x640x128xf32, #tpu.memory_space<hbm>> -> memref<640x128xf32, #tpu.memory_space<hbm>>
      %dma_wait3A_126 = arith.constant 0 : i32
      %dma_wait3A_127 = tpu.memref_slice %arg7[%mul3A_115, %dma_wait3A_126] : memref<10240x128xf32, #tpu.memory_space<vmem_shared>> -> memref<640x128xf32, #tpu.memory_space<vmem_shared>>
      tpu.wait_dma2 semaphore(%run_scoped3A : memref<!tpu.dma_semaphore, #tpu.memory_space<semaphore_mem>>) src(%dma_wait3A_127 : memref<640x128xf32, #tpu.memory_space<vmem_shared>>) dst(%dma_wait3A_125 : memref<640x128xf32, #tpu.memory_space<hbm>>)
      tpu.yield
    }) : () -> ()
    return
  }
}

#map = affine_map<(d0, d1) -> (0)>
#map1 = affine_map<(d0, d1) -> (0, 0)>
#map2 = affine_map<(d0, d1) -> (0, 0, 0)>
module attributes {stable_mosaic.version = 14 : i64} {
  func.func @_deg_body(%arg0: i32, %arg1: i32, %arg2: memref<320000xi32, #tpu.memory_space<hbm>>, %arg3: memref<10240x128xf32, #tpu.memory_space<hbm>>, %arg4: memref<80x128xf32, #tpu.memory_space<hbm>>, %arg5: memref<2x10240x128xf32, #tpu.memory_space<hbm>>, %arg6: memref<10000xi32, #tpu.memory_space<vmem>>, %arg7: memref<80x128xf32, #tpu.memory_space<vmem>>, %arg8: memref<10240x128xf32, #tpu.memory_space<vmem_shared>>, %arg9: memref<!tpu.dma_semaphore, #tpu.memory_space<semaphore_mem>>, %arg10: memref<80xi32, #tpu.memory_space<vmem>>, %arg11: memref<80xi32, #tpu.memory_space<vmem>>, %arg12: memref<80xi32, #tpu.memory_space<vmem>>, %arg13: memref<80xi32, #tpu.memory_space<vmem>>, %arg14: memref<!tpu.dma_semaphore, #tpu.memory_space<semaphore_mem>>, %arg15: memref<!tpu.dma_semaphore, #tpu.memory_space<semaphore_mem>>, %arg16: memref<!tpu.dma_semaphore, #tpu.memory_space<semaphore_mem>>, %arg17: memref<!tpu.dma_semaphore, #tpu.memory_space<semaphore_mem>>) attributes {dimension_semantics = [#tpu.dimension_semantics<core_parallel>, #tpu.dimension_semantics<subcore_parallel>], iteration_bounds = array<i64: 2, 16>, scalar_prefetch = 0 : i64, scratch_operands = 12 : i64, tpu.core_type = #tpu.core_type<sc_vector_subcore>, window_params = [{transform_indices = #map}, {transform_indices = #map1}, {transform_indices = #map1}, {transform_indices = #map2}]} {
    %mul3A = arith.constant 16 : i32
    %mul3A_0 = arith.muli %arg0, %mul3A : i32
    %add3A = arith.addi %mul3A_0, %arg1 : i32
    %mul3A_1 = arith.constant 10000 : i32
    %mul3A_2 = arith.muli %add3A, %mul3A_1 : i32
    %dma_start3A = tpu.memref_slice %arg2[%mul3A_2] : memref<320000xi32, #tpu.memory_space<hbm>> -> memref<10000xi32, #tpu.memory_space<hbm>>
    %dma_start3A_3 = tpu.memref_slice %arg2[%mul3A_2] : memref<320000xi32, #tpu.memory_space<hbm>> -> memref<10000xi32, #tpu.memory_space<hbm>>
    tpu.enqueue_dma source(%dma_start3A_3 : memref<10000xi32, #tpu.memory_space<hbm>>) target(%arg6 : memref<10000xi32, #tpu.memory_space<vmem>>) target_semaphore(%arg9 : memref<!tpu.dma_semaphore, #tpu.memory_space<semaphore_mem>>)
    "tpu.region"() ({
      %run_scoped3A = tpu.sem_alloc : memref<!tpu.dma_semaphore, #tpu.memory_space<semaphore_mem>>
      tpu.enqueue_dma source(%arg4 : memref<80x128xf32, #tpu.memory_space<hbm>>) target(%arg7 : memref<80x128xf32, #tpu.memory_space<vmem>>) target_semaphore(%run_scoped3A : memref<!tpu.dma_semaphore, #tpu.memory_space<semaphore_mem>>)
      tpu.wait_dma2 semaphore(%run_scoped3A : memref<!tpu.dma_semaphore, #tpu.memory_space<semaphore_mem>>) src(%arg4 : memref<80x128xf32, #tpu.memory_space<hbm>>) dst(%arg7 : memref<80x128xf32, #tpu.memory_space<vmem>>)
      tpu.yield
    }) : () -> ()
    %mul3A_4 = arith.constant 640 : i32
    %mul3A_5 = arith.muli %arg1, %mul3A_4 : i32
    %mul3A_6 = arith.constant 640 : i32
    %mul3A_7 = arith.muli %arg1, %mul3A_6 : i32
    "tpu.region"() ({
      %run_scoped3A = tpu.sem_alloc : memref<!tpu.dma_semaphore, #tpu.memory_space<semaphore_mem>>
      %dma_start3A_215 = arith.constant 0 : i32
      %dma_start3A_216 = tpu.memref_slice %arg8[%mul3A_7, %dma_start3A_215] : memref<10240x128xf32, #tpu.memory_space<vmem_shared>> -> memref<640x128xf32, #tpu.memory_space<vmem_shared>>
      %dma_start3A_217 = arith.constant 0 : i32
      %dma_start3A_218 = tpu.memref_slice %arg3[%mul3A_5, %dma_start3A_217] : memref<10240x128xf32, #tpu.memory_space<hbm>> -> memref<640x128xf32, #tpu.memory_space<hbm>>
      tpu.enqueue_dma source(%dma_start3A_218 : memref<640x128xf32, #tpu.memory_space<hbm>>) target(%dma_start3A_216 : memref<640x128xf32, #tpu.memory_space<vmem_shared>>) target_semaphore(%run_scoped3A : memref<!tpu.dma_semaphore, #tpu.memory_space<semaphore_mem>>)
      %dma_wait3A_219 = arith.constant 0 : i32
      %dma_wait3A_220 = tpu.memref_slice %arg8[%mul3A_7, %dma_wait3A_219] : memref<10240x128xf32, #tpu.memory_space<vmem_shared>> -> memref<640x128xf32, #tpu.memory_space<vmem_shared>>
      %dma_wait3A_221 = arith.constant 0 : i32
      %dma_wait3A_222 = tpu.memref_slice %arg3[%mul3A_5, %dma_wait3A_221] : memref<10240x128xf32, #tpu.memory_space<hbm>> -> memref<640x128xf32, #tpu.memory_space<hbm>>
      tpu.wait_dma2 semaphore(%run_scoped3A : memref<!tpu.dma_semaphore, #tpu.memory_space<semaphore_mem>>) src(%dma_wait3A_222 : memref<640x128xf32, #tpu.memory_space<hbm>>) dst(%dma_wait3A_220 : memref<640x128xf32, #tpu.memory_space<vmem_shared>>)
      tpu.yield
    }) : () -> ()
    %dma_wait3A = tpu.memref_slice %arg2[%mul3A_2] : memref<320000xi32, #tpu.memory_space<hbm>> -> memref<10000xi32, #tpu.memory_space<hbm>>
    %dma_wait3A_8 = tpu.memref_slice %arg2[%mul3A_2] : memref<320000xi32, #tpu.memory_space<hbm>> -> memref<10000xi32, #tpu.memory_space<hbm>>
    tpu.wait_dma2 semaphore(%arg9 : memref<!tpu.dma_semaphore, #tpu.memory_space<semaphore_mem>>) src(%dma_wait3A_8 : memref<10000xi32, #tpu.memory_space<hbm>>) dst(%arg6 : memref<10000xi32, #tpu.memory_space<vmem>>)
    %barrier3A = arith.constant 0 : index
    tpu.barrier barrier_id(%barrier3A)
    %get3A = arith.constant 0 : index
    %get3A_9 = tpu.vector_load %arg6[%get3A] {strides = array<i32>} : memref<10000xi32, #tpu.memory_space<vmem>>, vector<16xi32>,
    %get3A_10 = vector.shape_cast %get3A_9 : vector<16xi32> to vector<16xi32>
    %swap3A = arith.constant 0 : index
    %swap3A_11 = tpu.vector_load %arg10[%swap3A] {strides = array<i32>} : memref<80xi32, #tpu.memory_space<vmem>>, vector<16xi32>,
    %swap3A_12 = vector.shape_cast %swap3A_11 : vector<16xi32> to vector<16xi32>
    %swap3A_13 = vector.shape_cast %get3A_10 : vector<16xi32> to vector<16xi32>
    tpu.vector_store %arg10[%swap3A], %swap3A_13 {strides = array<i32>} : memref<80xi32, #tpu.memory_space<vmem>>, vector<16xi32>,
    %get3A_14 = arith.constant 16 : index
    %get3A_15 = tpu.vector_load %arg6[%get3A_14] {strides = array<i32>} : memref<10000xi32, #tpu.memory_space<vmem>>, vector<16xi32>,
    %get3A_16 = vector.shape_cast %get3A_15 : vector<16xi32> to vector<16xi32>
    %swap3A_17 = arith.constant 16 : index
    %swap3A_18 = tpu.vector_load %arg10[%swap3A_17] {strides = array<i32>} : memref<80xi32, #tpu.memory_space<vmem>>, vector<16xi32>,
    %swap3A_19 = vector.shape_cast %swap3A_18 : vector<16xi32> to vector<16xi32>
    %swap3A_20 = vector.shape_cast %get3A_16 : vector<16xi32> to vector<16xi32>
    tpu.vector_store %arg10[%swap3A_17], %swap3A_20 {strides = array<i32>} : memref<80xi32, #tpu.memory_space<vmem>>, vector<16xi32>,
    %get3A_21 = arith.constant 32 : index
    %get3A_22 = tpu.vector_load %arg6[%get3A_21] {strides = array<i32>} : memref<10000xi32, #tpu.memory_space<vmem>>, vector<16xi32>,
    %get3A_23 = vector.shape_cast %get3A_22 : vector<16xi32> to vector<16xi32>
    %swap3A_24 = arith.constant 32 : index
    %swap3A_25 = tpu.vector_load %arg10[%swap3A_24] {strides = array<i32>} : memref<80xi32, #tpu.memory_space<vmem>>, vector<16xi32>,
    %swap3A_26 = vector.shape_cast %swap3A_25 : vector<16xi32> to vector<16xi32>
    %swap3A_27 = vector.shape_cast %get3A_23 : vector<16xi32> to vector<16xi32>
    tpu.vector_store %arg10[%swap3A_24], %swap3A_27 {strides = array<i32>} : memref<80xi32, #tpu.memory_space<vmem>>, vector<16xi32>,
    %get3A_28 = arith.constant 48 : index
    %get3A_29 = tpu.vector_load %arg6[%get3A_28] {strides = array<i32>} : memref<10000xi32, #tpu.memory_space<vmem>>, vector<16xi32>,
    %get3A_30 = vector.shape_cast %get3A_29 : vector<16xi32> to vector<16xi32>
    %swap3A_31 = arith.constant 48 : index
    %swap3A_32 = tpu.vector_load %arg10[%swap3A_31] {strides = array<i32>} : memref<80xi32, #tpu.memory_space<vmem>>, vector<16xi32>,
    %swap3A_33 = vector.shape_cast %swap3A_32 : vector<16xi32> to vector<16xi32>
    %swap3A_34 = vector.shape_cast %get3A_30 : vector<16xi32> to vector<16xi32>
    tpu.vector_store %arg10[%swap3A_31], %swap3A_34 {strides = array<i32>} : memref<80xi32, #tpu.memory_space<vmem>>, vector<16xi32>,
    %get3A_35 = arith.constant 64 : index
    %get3A_36 = tpu.vector_load %arg6[%get3A_35] {strides = array<i32>} : memref<10000xi32, #tpu.memory_space<vmem>>, vector<16xi32>,
    %get3A_37 = vector.shape_cast %get3A_36 : vector<16xi32> to vector<16xi32>
    %swap3A_38 = arith.constant 64 : index
    %swap3A_39 = tpu.vector_load %arg10[%swap3A_38] {strides = array<i32>} : memref<80xi32, #tpu.memory_space<vmem>>, vector<16xi32>,
    %swap3A_40 = vector.shape_cast %swap3A_39 : vector<16xi32> to vector<16xi32>
    %swap3A_41 = vector.shape_cast %get3A_37 : vector<16xi32> to vector<16xi32>
    tpu.vector_store %arg10[%swap3A_38], %swap3A_41 {strides = array<i32>} : memref<80xi32, #tpu.memory_space<vmem>>, vector<16xi32>,
    %dma_start3A_42 = arith.constant 0 : i32
    %dma_start3A_43 = arith.constant 0 : i32
    %dma_start3A_44 = tpu.memref_slice %arg8[%dma_start3A_42, %dma_start3A_43] : memref<10240x128xf32, #tpu.memory_space<vmem_shared>> -> memref<10240x128xf32, #tpu.memory_space<vmem_shared>>
    tpu.enqueue_indirect_dma source(%arg7 : memref<80x128xf32, #tpu.memory_space<vmem>>) target(%dma_start3A_44 : memref<10240x128xf32, #tpu.memory_space<vmem_shared>>) offsets(%arg10 : memref<80xi32, #tpu.memory_space<vmem>>) semaphore(%arg14 : memref<!tpu.dma_semaphore, #tpu.memory_space<semaphore_mem>>) {add = true}
    %get3A_45 = arith.constant 80 : index
    %get3A_46 = tpu.vector_load %arg6[%get3A_45] {strides = array<i32>} : memref<10000xi32, #tpu.memory_space<vmem>>, vector<16xi32>,
    %get3A_47 = vector.shape_cast %get3A_46 : vector<16xi32> to vector<16xi32>
    %swap3A_48 = arith.constant 0 : index
    %swap3A_49 = tpu.vector_load %arg11[%swap3A_48] {strides = array<i32>} : memref<80xi32, #tpu.memory_space<vmem>>, vector<16xi32>,
    %swap3A_50 = vector.shape_cast %swap3A_49 : vector<16xi32> to vector<16xi32>
    %swap3A_51 = vector.shape_cast %get3A_47 : vector<16xi32> to vector<16xi32>
    tpu.vector_store %arg11[%swap3A_48], %swap3A_51 {strides = array<i32>} : memref<80xi32, #tpu.memory_space<vmem>>, vector<16xi32>,
    %get3A_52 = arith.constant 96 : index
    %get3A_53 = tpu.vector_load %arg6[%get3A_52] {strides = array<i32>} : memref<10000xi32, #tpu.memory_space<vmem>>, vector<16xi32>,
    %get3A_54 = vector.shape_cast %get3A_53 : vector<16xi32> to vector<16xi32>
    %swap3A_55 = arith.constant 16 : index
    %swap3A_56 = tpu.vector_load %arg11[%swap3A_55] {strides = array<i32>} : memref<80xi32, #tpu.memory_space<vmem>>, vector<16xi32>,
    %swap3A_57 = vector.shape_cast %swap3A_56 : vector<16xi32> to vector<16xi32>
    %swap3A_58 = vector.shape_cast %get3A_54 : vector<16xi32> to vector<16xi32>
    tpu.vector_store %arg11[%swap3A_55], %swap3A_58 {strides = array<i32>} : memref<80xi32, #tpu.memory_space<vmem>>, vector<16xi32>,
    %get3A_59 = arith.constant 112 : index
    %get3A_60 = tpu.vector_load %arg6[%get3A_59] {strides = array<i32>} : memref<10000xi32, #tpu.memory_space<vmem>>, vector<16xi32>,
    %get3A_61 = vector.shape_cast %get3A_60 : vector<16xi32> to vector<16xi32>
    %swap3A_62 = arith.constant 32 : index
    %swap3A_63 = tpu.vector_load %arg11[%swap3A_62] {strides = array<i32>} : memref<80xi32, #tpu.memory_space<vmem>>, vector<16xi32>,
    %swap3A_64 = vector.shape_cast %swap3A_63 : vector<16xi32> to vector<16xi32>
    %swap3A_65 = vector.shape_cast %get3A_61 : vector<16xi32> to vector<16xi32>
    tpu.vector_store %arg11[%swap3A_62], %swap3A_65 {strides = array<i32>} : memref<80xi32, #tpu.memory_space<vmem>>, vector<16xi32>,
    %get3A_66 = arith.constant 128 : index
    %get3A_67 = tpu.vector_load %arg6[%get3A_66] {strides = array<i32>} : memref<10000xi32, #tpu.memory_space<vmem>>, vector<16xi32>,
    %get3A_68 = vector.shape_cast %get3A_67 : vector<16xi32> to vector<16xi32>
    %swap3A_69 = arith.constant 48 : index
    %swap3A_70 = tpu.vector_load %arg11[%swap3A_69] {strides = array<i32>} : memref<80xi32, #tpu.memory_space<vmem>>, vector<16xi32>,
    %swap3A_71 = vector.shape_cast %swap3A_70 : vector<16xi32> to vector<16xi32>
    %swap3A_72 = vector.shape_cast %get3A_68 : vector<16xi32> to vector<16xi32>
    tpu.vector_store %arg11[%swap3A_69], %swap3A_72 {strides = array<i32>} : memref<80xi32, #tpu.memory_space<vmem>>, vector<16xi32>,
    %get3A_73 = arith.constant 144 : index
    %get3A_74 = tpu.vector_load %arg6[%get3A_73] {strides = array<i32>} : memref<10000xi32, #tpu.memory_space<vmem>>, vector<16xi32>,
    %get3A_75 = vector.shape_cast %get3A_74 : vector<16xi32> to vector<16xi32>
    %swap3A_76 = arith.constant 64 : index
    %swap3A_77 = tpu.vector_load %arg11[%swap3A_76] {strides = array<i32>} : memref<80xi32, #tpu.memory_space<vmem>>, vector<16xi32>,
    %swap3A_78 = vector.shape_cast %swap3A_77 : vector<16xi32> to vector<16xi32>
    %swap3A_79 = vector.shape_cast %get3A_75 : vector<16xi32> to vector<16xi32>
    tpu.vector_store %arg11[%swap3A_76], %swap3A_79 {strides = array<i32>} : memref<80xi32, #tpu.memory_space<vmem>>, vector<16xi32>,
    %dma_start3A_80 = arith.constant 0 : i32
    %dma_start3A_81 = arith.constant 0 : i32
    %dma_start3A_82 = tpu.memref_slice %arg8[%dma_start3A_80, %dma_start3A_81] : memref<10240x128xf32, #tpu.memory_space<vmem_shared>> -> memref<10240x128xf32, #tpu.memory_space<vmem_shared>>
    tpu.enqueue_indirect_dma source(%arg7 : memref<80x128xf32, #tpu.memory_space<vmem>>) target(%dma_start3A_82 : memref<10240x128xf32, #tpu.memory_space<vmem_shared>>) offsets(%arg11 : memref<80xi32, #tpu.memory_space<vmem>>) semaphore(%arg15 : memref<!tpu.dma_semaphore, #tpu.memory_space<semaphore_mem>>) {add = true}
    %get3A_83 = arith.constant 160 : index
    %get3A_84 = tpu.vector_load %arg6[%get3A_83] {strides = array<i32>} : memref<10000xi32, #tpu.memory_space<vmem>>, vector<16xi32>,
    %get3A_85 = vector.shape_cast %get3A_84 : vector<16xi32> to vector<16xi32>
    %swap3A_86 = arith.constant 0 : index
    %swap3A_87 = tpu.vector_load %arg12[%swap3A_86] {strides = array<i32>} : memref<80xi32, #tpu.memory_space<vmem>>, vector<16xi32>,
    %swap3A_88 = vector.shape_cast %swap3A_87 : vector<16xi32> to vector<16xi32>
    %swap3A_89 = vector.shape_cast %get3A_85 : vector<16xi32> to vector<16xi32>
    tpu.vector_store %arg12[%swap3A_86], %swap3A_89 {strides = array<i32>} : memref<80xi32, #tpu.memory_space<vmem>>, vector<16xi32>,
    %get3A_90 = arith.constant 176 : index
    %get3A_91 = tpu.vector_load %arg6[%get3A_90] {strides = array<i32>} : memref<10000xi32, #tpu.memory_space<vmem>>, vector<16xi32>,
    %get3A_92 = vector.shape_cast %get3A_91 : vector<16xi32> to vector<16xi32>
    %swap3A_93 = arith.constant 16 : index
    %swap3A_94 = tpu.vector_load %arg12[%swap3A_93] {strides = array<i32>} : memref<80xi32, #tpu.memory_space<vmem>>, vector<16xi32>,
    %swap3A_95 = vector.shape_cast %swap3A_94 : vector<16xi32> to vector<16xi32>
    %swap3A_96 = vector.shape_cast %get3A_92 : vector<16xi32> to vector<16xi32>
    tpu.vector_store %arg12[%swap3A_93], %swap3A_96 {strides = array<i32>} : memref<80xi32, #tpu.memory_space<vmem>>, vector<16xi32>,
    %get3A_97 = arith.constant 192 : index
    %get3A_98 = tpu.vector_load %arg6[%get3A_97] {strides = array<i32>} : memref<10000xi32, #tpu.memory_space<vmem>>, vector<16xi32>,
    %get3A_99 = vector.shape_cast %get3A_98 : vector<16xi32> to vector<16xi32>
    %swap3A_100 = arith.constant 32 : index
    %swap3A_101 = tpu.vector_load %arg12[%swap3A_100] {strides = array<i32>} : memref<80xi32, #tpu.memory_space<vmem>>, vector<16xi32>,
    %swap3A_102 = vector.shape_cast %swap3A_101 : vector<16xi32> to vector<16xi32>
    %swap3A_103 = vector.shape_cast %get3A_99 : vector<16xi32> to vector<16xi32>
    tpu.vector_store %arg12[%swap3A_100], %swap3A_103 {strides = array<i32>} : memref<80xi32, #tpu.memory_space<vmem>>, vector<16xi32>,
    %get3A_104 = arith.constant 208 : index
    %get3A_105 = tpu.vector_load %arg6[%get3A_104] {strides = array<i32>} : memref<10000xi32, #tpu.memory_space<vmem>>, vector<16xi32>,
    %get3A_106 = vector.shape_cast %get3A_105 : vector<16xi32> to vector<16xi32>
    %swap3A_107 = arith.constant 48 : index
    %swap3A_108 = tpu.vector_load %arg12[%swap3A_107] {strides = array<i32>} : memref<80xi32, #tpu.memory_space<vmem>>, vector<16xi32>,
    %swap3A_109 = vector.shape_cast %swap3A_108 : vector<16xi32> to vector<16xi32>
    %swap3A_110 = vector.shape_cast %get3A_106 : vector<16xi32> to vector<16xi32>
    tpu.vector_store %arg12[%swap3A_107], %swap3A_110 {strides = array<i32>} : memref<80xi32, #tpu.memory_space<vmem>>, vector<16xi32>,
    %get3A_111 = arith.constant 224 : index
    %get3A_112 = tpu.vector_load %arg6[%get3A_111] {strides = array<i32>} : memref<10000xi32, #tpu.memory_space<vmem>>, vector<16xi32>,
    %get3A_113 = vector.shape_cast %get3A_112 : vector<16xi32> to vector<16xi32>
    %swap3A_114 = arith.constant 64 : index
    %swap3A_115 = tpu.vector_load %arg12[%swap3A_114] {strides = array<i32>} : memref<80xi32, #tpu.memory_space<vmem>>, vector<16xi32>,
    %swap3A_116 = vector.shape_cast %swap3A_115 : vector<16xi32> to vector<16xi32>
    %swap3A_117 = vector.shape_cast %get3A_113 : vector<16xi32> to vector<16xi32>
    tpu.vector_store %arg12[%swap3A_114], %swap3A_117 {strides = array<i32>} : memref<80xi32, #tpu.memory_space<vmem>>, vector<16xi32>,
    %dma_start3A_118 = arith.constant 0 : i32
    %dma_start3A_119 = arith.constant 0 : i32
    %dma_start3A_120 = tpu.memref_slice %arg8[%dma_start3A_118, %dma_start3A_119] : memref<10240x128xf32, #tpu.memory_space<vmem_shared>> -> memref<10240x128xf32, #tpu.memory_space<vmem_shared>>
    tpu.enqueue_indirect_dma source(%arg7 : memref<80x128xf32, #tpu.memory_space<vmem>>) target(%dma_start3A_120 : memref<10240x128xf32, #tpu.memory_space<vmem_shared>>) offsets(%arg12 : memref<80xi32, #tpu.memory_space<vmem>>) semaphore(%arg16 : memref<!tpu.dma_semaphore, #tpu.memory_space<semaphore_mem>>) {add = true}
    %get3A_121 = arith.constant 240 : index
    %get3A_122 = tpu.vector_load %arg6[%get3A_121] {strides = array<i32>} : memref<10000xi32, #tpu.memory_space<vmem>>, vector<16xi32>,
    %get3A_123 = vector.shape_cast %get3A_122 : vector<16xi32> to vector<16xi32>
    %swap3A_124 = arith.constant 0 : index
    %swap3A_125 = tpu.vector_load %arg13[%swap3A_124] {strides = array<i32>} : memref<80xi32, #tpu.memory_space<vmem>>, vector<16xi32>,
    %swap3A_126 = vector.shape_cast %swap3A_125 : vector<16xi32> to vector<16xi32>
    %swap3A_127 = vector.shape_cast %get3A_123 : vector<16xi32> to vector<16xi32>
    tpu.vector_store %arg13[%swap3A_124], %swap3A_127 {strides = array<i32>} : memref<80xi32, #tpu.memory_space<vmem>>, vector<16xi32>,
    %get3A_128 = arith.constant 256 : index
    %get3A_129 = tpu.vector_load %arg6[%get3A_128] {strides = array<i32>} : memref<10000xi32, #tpu.memory_space<vmem>>, vector<16xi32>,
    %get3A_130 = vector.shape_cast %get3A_129 : vector<16xi32> to vector<16xi32>
    %swap3A_131 = arith.constant 16 : index
    %swap3A_132 = tpu.vector_load %arg13[%swap3A_131] {strides = array<i32>} : memref<80xi32, #tpu.memory_space<vmem>>, vector<16xi32>,
    %swap3A_133 = vector.shape_cast %swap3A_132 : vector<16xi32> to vector<16xi32>
    %swap3A_134 = vector.shape_cast %get3A_130 : vector<16xi32> to vector<16xi32>
    tpu.vector_store %arg13[%swap3A_131], %swap3A_134 {strides = array<i32>} : memref<80xi32, #tpu.memory_space<vmem>>, vector<16xi32>,
    %get3A_135 = arith.constant 272 : index
    %get3A_136 = tpu.vector_load %arg6[%get3A_135] {strides = array<i32>} : memref<10000xi32, #tpu.memory_space<vmem>>, vector<16xi32>,
    %get3A_137 = vector.shape_cast %get3A_136 : vector<16xi32> to vector<16xi32>
    %swap3A_138 = arith.constant 32 : index
    %swap3A_139 = tpu.vector_load %arg13[%swap3A_138] {strides = array<i32>} : memref<80xi32, #tpu.memory_space<vmem>>, vector<16xi32>,
    %swap3A_140 = vector.shape_cast %swap3A_139 : vector<16xi32> to vector<16xi32>
    %swap3A_141 = vector.shape_cast %get3A_137 : vector<16xi32> to vector<16xi32>
    tpu.vector_store %arg13[%swap3A_138], %swap3A_141 {strides = array<i32>} : memref<80xi32, #tpu.memory_space<vmem>>, vector<16xi32>,
    %get3A_142 = arith.constant 288 : index
    %get3A_143 = tpu.vector_load %arg6[%get3A_142] {strides = array<i32>} : memref<10000xi32, #tpu.memory_space<vmem>>, vector<16xi32>,
    %get3A_144 = vector.shape_cast %get3A_143 : vector<16xi32> to vector<16xi32>
    %swap3A_145 = arith.constant 48 : index
    %swap3A_146 = tpu.vector_load %arg13[%swap3A_145] {strides = array<i32>} : memref<80xi32, #tpu.memory_space<vmem>>, vector<16xi32>,
    %swap3A_147 = vector.shape_cast %swap3A_146 : vector<16xi32> to vector<16xi32>
    %swap3A_148 = vector.shape_cast %get3A_144 : vector<16xi32> to vector<16xi32>
    tpu.vector_store %arg13[%swap3A_145], %swap3A_148 {strides = array<i32>} : memref<80xi32, #tpu.memory_space<vmem>>, vector<16xi32>,
    %get3A_149 = arith.constant 304 : index
    %get3A_150 = tpu.vector_load %arg6[%get3A_149] {strides = array<i32>} : memref<10000xi32, #tpu.memory_space<vmem>>, vector<16xi32>,
    %get3A_151 = vector.shape_cast %get3A_150 : vector<16xi32> to vector<16xi32>
    %swap3A_152 = arith.constant 64 : index
    %swap3A_153 = tpu.vector_load %arg13[%swap3A_152] {strides = array<i32>} : memref<80xi32, #tpu.memory_space<vmem>>, vector<16xi32>,
    %swap3A_154 = vector.shape_cast %swap3A_153 : vector<16xi32> to vector<16xi32>
    %swap3A_155 = vector.shape_cast %get3A_151 : vector<16xi32> to vector<16xi32>
    tpu.vector_store %arg13[%swap3A_152], %swap3A_155 {strides = array<i32>} : memref<80xi32, #tpu.memory_space<vmem>>, vector<16xi32>,
    %dma_start3A_156 = arith.constant 0 : i32
    %dma_start3A_157 = arith.constant 0 : i32
    %dma_start3A_158 = tpu.memref_slice %arg8[%dma_start3A_156, %dma_start3A_157] : memref<10240x128xf32, #tpu.memory_space<vmem_shared>> -> memref<10240x128xf32, #tpu.memory_space<vmem_shared>>
    tpu.enqueue_indirect_dma source(%arg7 : memref<80x128xf32, #tpu.memory_space<vmem>>) target(%dma_start3A_158 : memref<10240x128xf32, #tpu.memory_space<vmem_shared>>) offsets(%arg13 : memref<80xi32, #tpu.memory_space<vmem>>) semaphore(%arg17 : memref<!tpu.dma_semaphore, #tpu.memory_space<semaphore_mem>>) {add = true}
    %scan3A = arith.constant 0 : i32
    %scan3A_159 = arith.constant 30 : i32
    %scan3A_160 = arith.addi %scan3A, %scan3A_159 : i32
    %scan3A_161 = arith.constant 1 : i32
    scf.for %scan3A_215 = %scan3A to %scan3A_160 step %scan3A_161  : i32 {
      %dma_wait3A_216 = arith.constant 0 : i32
      %dma_wait3A_217 = arith.constant 0 : i32
      %dma_wait3A_218 = tpu.memref_slice %arg8[%dma_wait3A_216, %dma_wait3A_217] : memref<10240x128xf32, #tpu.memory_space<vmem_shared>> -> memref<10240x128xf32, #tpu.memory_space<vmem_shared>>
      tpu.wait_indirect_dma semaphore(%arg14 : memref<!tpu.dma_semaphore, #tpu.memory_space<semaphore_mem>>) src(%arg7 : memref<80x128xf32, #tpu.memory_space<vmem>>) dst(%dma_wait3A_218 : memref<10240x128xf32, #tpu.memory_space<vmem_shared>>)
      %add3A_219 = arith.constant 1 : i32
      %add3A_220 = arith.addi %scan3A_215, %add3A_219 : i32
      %mul3A_221 = arith.constant 4 : i32
      %mul3A_222 = arith.muli %add3A_220, %mul3A_221 : i32
      %add3A_223 = arith.constant 0 : i32
      %add3A_224 = arith.addi %mul3A_222, %add3A_223 : i32
      %mul3A_225 = arith.constant 80 : i32
      %mul3A_226 = arith.muli %add3A_224, %mul3A_225 : i32
      %add3A_227 = arith.constant 0 : i32
      %add3A_228 = arith.addi %mul3A_226, %add3A_227 : i32
      %get3A_229 = arith.index_cast %add3A_228 : i32 to index
      %get3A_230 = tpu.vector_load %arg6[%get3A_229] {strides = array<i32>} : memref<10000xi32, #tpu.memory_space<vmem>>, vector<16xi32>,
      %get3A_231 = vector.shape_cast %get3A_230 : vector<16xi32> to vector<16xi32>
      %swap3A_232 = arith.constant 0 : index
      %swap3A_233 = tpu.vector_load %arg10[%swap3A_232] {strides = array<i32>} : memref<80xi32, #tpu.memory_space<vmem>>, vector<16xi32>,
      %swap3A_234 = vector.shape_cast %swap3A_233 : vector<16xi32> to vector<16xi32>
      %swap3A_235 = vector.shape_cast %get3A_231 : vector<16xi32> to vector<16xi32>
      tpu.vector_store %arg10[%swap3A_232], %swap3A_235 {strides = array<i32>} : memref<80xi32, #tpu.memory_space<vmem>>, vector<16xi32>,
      %add3A_236 = arith.constant 16 : i32
      %add3A_237 = arith.addi %mul3A_226, %add3A_236 : i32
      %get3A_238 = arith.index_cast %add3A_237 : i32 to index
      %get3A_239 = tpu.vector_load %arg6[%get3A_238] {strides = array<i32>} : memref<10000xi32, #tpu.memory_space<vmem>>, vector<16xi32>,
      %get3A_240 = vector.shape_cast %get3A_239 : vector<16xi32> to vector<16xi32>
      %swap3A_241 = arith.constant 16 : index
      %swap3A_242 = tpu.vector_load %arg10[%swap3A_241] {strides = array<i32>} : memref<80xi32, #tpu.memory_space<vmem>>, vector<16xi32>,
      %swap3A_243 = vector.shape_cast %swap3A_242 : vector<16xi32> to vector<16xi32>
      %swap3A_244 = vector.shape_cast %get3A_240 : vector<16xi32> to vector<16xi32>
      tpu.vector_store %arg10[%swap3A_241], %swap3A_244 {strides = array<i32>} : memref<80xi32, #tpu.memory_space<vmem>>, vector<16xi32>,
      %add3A_245 = arith.constant 32 : i32
      %add3A_246 = arith.addi %mul3A_226, %add3A_245 : i32
      %get3A_247 = arith.index_cast %add3A_246 : i32 to index
      %get3A_248 = tpu.vector_load %arg6[%get3A_247] {strides = array<i32>} : memref<10000xi32, #tpu.memory_space<vmem>>, vector<16xi32>,
      %get3A_249 = vector.shape_cast %get3A_248 : vector<16xi32> to vector<16xi32>
      %swap3A_250 = arith.constant 32 : index
      %swap3A_251 = tpu.vector_load %arg10[%swap3A_250] {strides = array<i32>} : memref<80xi32, #tpu.memory_space<vmem>>, vector<16xi32>,
      %swap3A_252 = vector.shape_cast %swap3A_251 : vector<16xi32> to vector<16xi32>
      %swap3A_253 = vector.shape_cast %get3A_249 : vector<16xi32> to vector<16xi32>
      tpu.vector_store %arg10[%swap3A_250], %swap3A_253 {strides = array<i32>} : memref<80xi32, #tpu.memory_space<vmem>>, vector<16xi32>,
      %add3A_254 = arith.constant 48 : i32
      %add3A_255 = arith.addi %mul3A_226, %add3A_254 : i32
      %get3A_256 = arith.index_cast %add3A_255 : i32 to index
      %get3A_257 = tpu.vector_load %arg6[%get3A_256] {strides = array<i32>} : memref<10000xi32, #tpu.memory_space<vmem>>, vector<16xi32>,
      %get3A_258 = vector.shape_cast %get3A_257 : vector<16xi32> to vector<16xi32>
      %swap3A_259 = arith.constant 48 : index
      %swap3A_260 = tpu.vector_load %arg10[%swap3A_259] {strides = array<i32>} : memref<80xi32, #tpu.memory_space<vmem>>, vector<16xi32>,
      %swap3A_261 = vector.shape_cast %swap3A_260 : vector<16xi32> to vector<16xi32>
      %swap3A_262 = vector.shape_cast %get3A_258 : vector<16xi32> to vector<16xi32>
      tpu.vector_store %arg10[%swap3A_259], %swap3A_262 {strides = array<i32>} : memref<80xi32, #tpu.memory_space<vmem>>, vector<16xi32>,
      %add3A_263 = arith.constant 64 : i32
      %add3A_264 = arith.addi %mul3A_226, %add3A_263 : i32
      %get3A_265 = arith.index_cast %add3A_264 : i32 to index
      %get3A_266 = tpu.vector_load %arg6[%get3A_265] {strides = array<i32>} : memref<10000xi32, #tpu.memory_space<vmem>>, vector<16xi32>,
      %get3A_267 = vector.shape_cast %get3A_266 : vector<16xi32> to vector<16xi32>
      %swap3A_268 = arith.constant 64 : index
      %swap3A_269 = tpu.vector_load %arg10[%swap3A_268] {strides = array<i32>} : memref<80xi32, #tpu.memory_space<vmem>>, vector<16xi32>,
      %swap3A_270 = vector.shape_cast %swap3A_269 : vector<16xi32> to vector<16xi32>
      %swap3A_271 = vector.shape_cast %get3A_267 : vector<16xi32> to vector<16xi32>
      tpu.vector_store %arg10[%swap3A_268], %swap3A_271 {strides = array<i32>} : memref<80xi32, #tpu.memory_space<vmem>>, vector<16xi32>,
      %dma_start3A_272 = arith.constant 0 : i32
      %dma_start3A_273 = arith.constant 0 : i32
      %dma_start3A_274 = tpu.memref_slice %arg8[%dma_start3A_272, %dma_start3A_273] : memref<10240x128xf32, #tpu.memory_space<vmem_shared>> -> memref<10240x128xf32, #tpu.memory_space<vmem_shared>>
      tpu.enqueue_indirect_dma source(%arg7 : memref<80x128xf32, #tpu.memory_space<vmem>>) target(%dma_start3A_274 : memref<10240x128xf32, #tpu.memory_space<vmem_shared>>) offsets(%arg10 : memref<80xi32, #tpu.memory_space<vmem>>) semaphore(%arg14 : memref<!tpu.dma_semaphore, #tpu.memory_space<semaphore_mem>>) {add = true}
      %dma_wait3A_275 = arith.constant 0 : i32
      %dma_wait3A_276 = arith.constant 0 : i32
      %dma_wait3A_277 = tpu.memref_slice %arg8[%dma_wait3A_275, %dma_wait3A_276] : memref<10240x128xf32, #tpu.memory_space<vmem_shared>> -> memref<10240x128xf32, #tpu.memory_space<vmem_shared>>
      tpu.wait_indirect_dma semaphore(%arg15 : memref<!tpu.dma_semaphore, #tpu.memory_space<semaphore_mem>>) src(%arg7 : memref<80x128xf32, #tpu.memory_space<vmem>>) dst(%dma_wait3A_277 : memref<10240x128xf32, #tpu.memory_space<vmem_shared>>)
      %add3A_278 = arith.constant 1 : i32
      %add3A_279 = arith.addi %scan3A_215, %add3A_278 : i32
      %mul3A_280 = arith.constant 4 : i32
      %mul3A_281 = arith.muli %add3A_279, %mul3A_280 : i32
      %add3A_282 = arith.constant 1 : i32
      %add3A_283 = arith.addi %mul3A_281, %add3A_282 : i32
      %mul3A_284 = arith.constant 80 : i32
      %mul3A_285 = arith.muli %add3A_283, %mul3A_284 : i32
      %add3A_286 = arith.constant 0 : i32
      %add3A_287 = arith.addi %mul3A_285, %add3A_286 : i32
      %get3A_288 = arith.index_cast %add3A_287 : i32 to index
      %get3A_289 = tpu.vector_load %arg6[%get3A_288] {strides = array<i32>} : memref<10000xi32, #tpu.memory_space<vmem>>, vector<16xi32>,
      %get3A_290 = vector.shape_cast %get3A_289 : vector<16xi32> to vector<16xi32>
      %swap3A_291 = arith.constant 0 : index
      %swap3A_292 = tpu.vector_load %arg11[%swap3A_291] {strides = array<i32>} : memref<80xi32, #tpu.memory_space<vmem>>, vector<16xi32>,
      %swap3A_293 = vector.shape_cast %swap3A_292 : vector<16xi32> to vector<16xi32>
      %swap3A_294 = vector.shape_cast %get3A_290 : vector<16xi32> to vector<16xi32>
      tpu.vector_store %arg11[%swap3A_291], %swap3A_294 {strides = array<i32>} : memref<80xi32, #tpu.memory_space<vmem>>, vector<16xi32>,
      %add3A_295 = arith.constant 16 : i32
      %add3A_296 = arith.addi %mul3A_285, %add3A_295 : i32
      %get3A_297 = arith.index_cast %add3A_296 : i32 to index
      %get3A_298 = tpu.vector_load %arg6[%get3A_297] {strides = array<i32>} : memref<10000xi32, #tpu.memory_space<vmem>>, vector<16xi32>,
      %get3A_299 = vector.shape_cast %get3A_298 : vector<16xi32> to vector<16xi32>
      %swap3A_300 = arith.constant 16 : index
      %swap3A_301 = tpu.vector_load %arg11[%swap3A_300] {strides = array<i32>} : memref<80xi32, #tpu.memory_space<vmem>>, vector<16xi32>,
      %swap3A_302 = vector.shape_cast %swap3A_301 : vector<16xi32> to vector<16xi32>
      %swap3A_303 = vector.shape_cast %get3A_299 : vector<16xi32> to vector<16xi32>
      tpu.vector_store %arg11[%swap3A_300], %swap3A_303 {strides = array<i32>} : memref<80xi32, #tpu.memory_space<vmem>>, vector<16xi32>,
      %add3A_304 = arith.constant 32 : i32
      %add3A_305 = arith.addi %mul3A_285, %add3A_304 : i32
      %get3A_306 = arith.index_cast %add3A_305 : i32 to index
      %get3A_307 = tpu.vector_load %arg6[%get3A_306] {strides = array<i32>} : memref<10000xi32, #tpu.memory_space<vmem>>, vector<16xi32>,
      %get3A_308 = vector.shape_cast %get3A_307 : vector<16xi32> to vector<16xi32>
      %swap3A_309 = arith.constant 32 : index
      %swap3A_310 = tpu.vector_load %arg11[%swap3A_309] {strides = array<i32>} : memref<80xi32, #tpu.memory_space<vmem>>, vector<16xi32>,
      %swap3A_311 = vector.shape_cast %swap3A_310 : vector<16xi32> to vector<16xi32>
      %swap3A_312 = vector.shape_cast %get3A_308 : vector<16xi32> to vector<16xi32>
      tpu.vector_store %arg11[%swap3A_309], %swap3A_312 {strides = array<i32>} : memref<80xi32, #tpu.memory_space<vmem>>, vector<16xi32>,
      %add3A_313 = arith.constant 48 : i32
      %add3A_314 = arith.addi %mul3A_285, %add3A_313 : i32
      %get3A_315 = arith.index_cast %add3A_314 : i32 to index
      %get3A_316 = tpu.vector_load %arg6[%get3A_315] {strides = array<i32>} : memref<10000xi32, #tpu.memory_space<vmem>>, vector<16xi32>,
      %get3A_317 = vector.shape_cast %get3A_316 : vector<16xi32> to vector<16xi32>
      %swap3A_318 = arith.constant 48 : index
      %swap3A_319 = tpu.vector_load %arg11[%swap3A_318] {strides = array<i32>} : memref<80xi32, #tpu.memory_space<vmem>>, vector<16xi32>,
      %swap3A_320 = vector.shape_cast %swap3A_319 : vector<16xi32> to vector<16xi32>
      %swap3A_321 = vector.shape_cast %get3A_317 : vector<16xi32> to vector<16xi32>
      tpu.vector_store %arg11[%swap3A_318], %swap3A_321 {strides = array<i32>} : memref<80xi32, #tpu.memory_space<vmem>>, vector<16xi32>,
      %add3A_322 = arith.constant 64 : i32
      %add3A_323 = arith.addi %mul3A_285, %add3A_322 : i32
      %get3A_324 = arith.index_cast %add3A_323 : i32 to index
      %get3A_325 = tpu.vector_load %arg6[%get3A_324] {strides = array<i32>} : memref<10000xi32, #tpu.memory_space<vmem>>, vector<16xi32>,
      %get3A_326 = vector.shape_cast %get3A_325 : vector<16xi32> to vector<16xi32>
      %swap3A_327 = arith.constant 64 : index
      %swap3A_328 = tpu.vector_load %arg11[%swap3A_327] {strides = array<i32>} : memref<80xi32, #tpu.memory_space<vmem>>, vector<16xi32>,
      %swap3A_329 = vector.shape_cast %swap3A_328 : vector<16xi32> to vector<16xi32>
      %swap3A_330 = vector.shape_cast %get3A_326 : vector<16xi32> to vector<16xi32>
      tpu.vector_store %arg11[%swap3A_327], %swap3A_330 {strides = array<i32>} : memref<80xi32, #tpu.memory_space<vmem>>, vector<16xi32>,
      %dma_start3A_331 = arith.constant 0 : i32
      %dma_start3A_332 = arith.constant 0 : i32
      %dma_start3A_333 = tpu.memref_slice %arg8[%dma_start3A_331, %dma_start3A_332] : memref<10240x128xf32, #tpu.memory_space<vmem_shared>> -> memref<10240x128xf32, #tpu.memory_space<vmem_shared>>
      tpu.enqueue_indirect_dma source(%arg7 : memref<80x128xf32, #tpu.memory_space<vmem>>) target(%dma_start3A_333 : memref<10240x128xf32, #tpu.memory_space<vmem_shared>>) offsets(%arg11 : memref<80xi32, #tpu.memory_space<vmem>>) semaphore(%arg15 : memref<!tpu.dma_semaphore, #tpu.memory_space<semaphore_mem>>) {add = true}
      %dma_wait3A_334 = arith.constant 0 : i32
      %dma_wait3A_335 = arith.constant 0 : i32
      %dma_wait3A_336 = tpu.memref_slice %arg8[%dma_wait3A_334, %dma_wait3A_335] : memref<10240x128xf32, #tpu.memory_space<vmem_shared>> -> memref<10240x128xf32, #tpu.memory_space<vmem_shared>>
      tpu.wait_indirect_dma semaphore(%arg16 : memref<!tpu.dma_semaphore, #tpu.memory_space<semaphore_mem>>) src(%arg7 : memref<80x128xf32, #tpu.memory_space<vmem>>) dst(%dma_wait3A_336 : memref<10240x128xf32, #tpu.memory_space<vmem_shared>>)
      %add3A_337 = arith.constant 1 : i32
      %add3A_338 = arith.addi %scan3A_215, %add3A_337 : i32
      %mul3A_339 = arith.constant 4 : i32
      %mul3A_340 = arith.muli %add3A_338, %mul3A_339 : i32
      %add3A_341 = arith.constant 2 : i32
      %add3A_342 = arith.addi %mul3A_340, %add3A_341 : i32
      %mul3A_343 = arith.constant 80 : i32
      %mul3A_344 = arith.muli %add3A_342, %mul3A_343 : i32
      %add3A_345 = arith.constant 0 : i32
      %add3A_346 = arith.addi %mul3A_344, %add3A_345 : i32
      %get3A_347 = arith.index_cast %add3A_346 : i32 to index
      %get3A_348 = tpu.vector_load %arg6[%get3A_347] {strides = array<i32>} : memref<10000xi32, #tpu.memory_space<vmem>>, vector<16xi32>,
      %get3A_349 = vector.shape_cast %get3A_348 : vector<16xi32> to vector<16xi32>
      %swap3A_350 = arith.constant 0 : index
      %swap3A_351 = tpu.vector_load %arg12[%swap3A_350] {strides = array<i32>} : memref<80xi32, #tpu.memory_space<vmem>>, vector<16xi32>,
      %swap3A_352 = vector.shape_cast %swap3A_351 : vector<16xi32> to vector<16xi32>
      %swap3A_353 = vector.shape_cast %get3A_349 : vector<16xi32> to vector<16xi32>
      tpu.vector_store %arg12[%swap3A_350], %swap3A_353 {strides = array<i32>} : memref<80xi32, #tpu.memory_space<vmem>>, vector<16xi32>,
      %add3A_354 = arith.constant 16 : i32
      %add3A_355 = arith.addi %mul3A_344, %add3A_354 : i32
      %get3A_356 = arith.index_cast %add3A_355 : i32 to index
      %get3A_357 = tpu.vector_load %arg6[%get3A_356] {strides = array<i32>} : memref<10000xi32, #tpu.memory_space<vmem>>, vector<16xi32>,
      %get3A_358 = vector.shape_cast %get3A_357 : vector<16xi32> to vector<16xi32>
      %swap3A_359 = arith.constant 16 : index
      %swap3A_360 = tpu.vector_load %arg12[%swap3A_359] {strides = array<i32>} : memref<80xi32, #tpu.memory_space<vmem>>, vector<16xi32>,
      %swap3A_361 = vector.shape_cast %swap3A_360 : vector<16xi32> to vector<16xi32>
      %swap3A_362 = vector.shape_cast %get3A_358 : vector<16xi32> to vector<16xi32>
      tpu.vector_store %arg12[%swap3A_359], %swap3A_362 {strides = array<i32>} : memref<80xi32, #tpu.memory_space<vmem>>, vector<16xi32>,
      %add3A_363 = arith.constant 32 : i32
      %add3A_364 = arith.addi %mul3A_344, %add3A_363 : i32
      %get3A_365 = arith.index_cast %add3A_364 : i32 to index
      %get3A_366 = tpu.vector_load %arg6[%get3A_365] {strides = array<i32>} : memref<10000xi32, #tpu.memory_space<vmem>>, vector<16xi32>,
      %get3A_367 = vector.shape_cast %get3A_366 : vector<16xi32> to vector<16xi32>
      %swap3A_368 = arith.constant 32 : index
      %swap3A_369 = tpu.vector_load %arg12[%swap3A_368] {strides = array<i32>} : memref<80xi32, #tpu.memory_space<vmem>>, vector<16xi32>,
      %swap3A_370 = vector.shape_cast %swap3A_369 : vector<16xi32> to vector<16xi32>
      %swap3A_371 = vector.shape_cast %get3A_367 : vector<16xi32> to vector<16xi32>
      tpu.vector_store %arg12[%swap3A_368], %swap3A_371 {strides = array<i32>} : memref<80xi32, #tpu.memory_space<vmem>>, vector<16xi32>,
      %add3A_372 = arith.constant 48 : i32
      %add3A_373 = arith.addi %mul3A_344, %add3A_372 : i32
      %get3A_374 = arith.index_cast %add3A_373 : i32 to index
      %get3A_375 = tpu.vector_load %arg6[%get3A_374] {strides = array<i32>} : memref<10000xi32, #tpu.memory_space<vmem>>, vector<16xi32>,
      %get3A_376 = vector.shape_cast %get3A_375 : vector<16xi32> to vector<16xi32>
      %swap3A_377 = arith.constant 48 : index
      %swap3A_378 = tpu.vector_load %arg12[%swap3A_377] {strides = array<i32>} : memref<80xi32, #tpu.memory_space<vmem>>, vector<16xi32>,
      %swap3A_379 = vector.shape_cast %swap3A_378 : vector<16xi32> to vector<16xi32>
      %swap3A_380 = vector.shape_cast %get3A_376 : vector<16xi32> to vector<16xi32>
      tpu.vector_store %arg12[%swap3A_377], %swap3A_380 {strides = array<i32>} : memref<80xi32, #tpu.memory_space<vmem>>, vector<16xi32>,
      %add3A_381 = arith.constant 64 : i32
      %add3A_382 = arith.addi %mul3A_344, %add3A_381 : i32
      %get3A_383 = arith.index_cast %add3A_382 : i32 to index
      %get3A_384 = tpu.vector_load %arg6[%get3A_383] {strides = array<i32>} : memref<10000xi32, #tpu.memory_space<vmem>>, vector<16xi32>,
      %get3A_385 = vector.shape_cast %get3A_384 : vector<16xi32> to vector<16xi32>
      %swap3A_386 = arith.constant 64 : index
      %swap3A_387 = tpu.vector_load %arg12[%swap3A_386] {strides = array<i32>} : memref<80xi32, #tpu.memory_space<vmem>>, vector<16xi32>,
      %swap3A_388 = vector.shape_cast %swap3A_387 : vector<16xi32> to vector<16xi32>
      %swap3A_389 = vector.shape_cast %get3A_385 : vector<16xi32> to vector<16xi32>
      tpu.vector_store %arg12[%swap3A_386], %swap3A_389 {strides = array<i32>} : memref<80xi32, #tpu.memory_space<vmem>>, vector<16xi32>,
      %dma_start3A_390 = arith.constant 0 : i32
      %dma_start3A_391 = arith.constant 0 : i32
      %dma_start3A_392 = tpu.memref_slice %arg8[%dma_start3A_390, %dma_start3A_391] : memref<10240x128xf32, #tpu.memory_space<vmem_shared>> -> memref<10240x128xf32, #tpu.memory_space<vmem_shared>>
      tpu.enqueue_indirect_dma source(%arg7 : memref<80x128xf32, #tpu.memory_space<vmem>>) target(%dma_start3A_392 : memref<10240x128xf32, #tpu.memory_space<vmem_shared>>) offsets(%arg12 : memref<80xi32, #tpu.memory_space<vmem>>) semaphore(%arg16 : memref<!tpu.dma_semaphore, #tpu.memory_space<semaphore_mem>>) {add = true}
      %dma_wait3A_393 = arith.constant 0 : i32
      %dma_wait3A_394 = arith.constant 0 : i32
      %dma_wait3A_395 = tpu.memref_slice %arg8[%dma_wait3A_393, %dma_wait3A_394] : memref<10240x128xf32, #tpu.memory_space<vmem_shared>> -> memref<10240x128xf32, #tpu.memory_space<vmem_shared>>
      tpu.wait_indirect_dma semaphore(%arg17 : memref<!tpu.dma_semaphore, #tpu.memory_space<semaphore_mem>>) src(%arg7 : memref<80x128xf32, #tpu.memory_space<vmem>>) dst(%dma_wait3A_395 : memref<10240x128xf32, #tpu.memory_space<vmem_shared>>)
      %add3A_396 = arith.constant 1 : i32
      %add3A_397 = arith.addi %scan3A_215, %add3A_396 : i32
      %mul3A_398 = arith.constant 4 : i32
      %mul3A_399 = arith.muli %add3A_397, %mul3A_398 : i32
      %add3A_400 = arith.constant 3 : i32
      %add3A_401 = arith.addi %mul3A_399, %add3A_400 : i32
      %mul3A_402 = arith.constant 80 : i32
      %mul3A_403 = arith.muli %add3A_401, %mul3A_402 : i32
      %add3A_404 = arith.constant 0 : i32
      %add3A_405 = arith.addi %mul3A_403, %add3A_404 : i32
      %get3A_406 = arith.index_cast %add3A_405 : i32 to index
      %get3A_407 = tpu.vector_load %arg6[%get3A_406] {strides = array<i32>} : memref<10000xi32, #tpu.memory_space<vmem>>, vector<16xi32>,
      %get3A_408 = vector.shape_cast %get3A_407 : vector<16xi32> to vector<16xi32>
      %swap3A_409 = arith.constant 0 : index
      %swap3A_410 = tpu.vector_load %arg13[%swap3A_409] {strides = array<i32>} : memref<80xi32, #tpu.memory_space<vmem>>, vector<16xi32>,
      %swap3A_411 = vector.shape_cast %swap3A_410 : vector<16xi32> to vector<16xi32>
      %swap3A_412 = vector.shape_cast %get3A_408 : vector<16xi32> to vector<16xi32>
      tpu.vector_store %arg13[%swap3A_409], %swap3A_412 {strides = array<i32>} : memref<80xi32, #tpu.memory_space<vmem>>, vector<16xi32>,
      %add3A_413 = arith.constant 16 : i32
      %add3A_414 = arith.addi %mul3A_403, %add3A_413 : i32
      %get3A_415 = arith.index_cast %add3A_414 : i32 to index
      %get3A_416 = tpu.vector_load %arg6[%get3A_415] {strides = array<i32>} : memref<10000xi32, #tpu.memory_space<vmem>>, vector<16xi32>,
      %get3A_417 = vector.shape_cast %get3A_416 : vector<16xi32> to vector<16xi32>
      %swap3A_418 = arith.constant 16 : index
      %swap3A_419 = tpu.vector_load %arg13[%swap3A_418] {strides = array<i32>} : memref<80xi32, #tpu.memory_space<vmem>>, vector<16xi32>,
      %swap3A_420 = vector.shape_cast %swap3A_419 : vector<16xi32> to vector<16xi32>
      %swap3A_421 = vector.shape_cast %get3A_417 : vector<16xi32> to vector<16xi32>
      tpu.vector_store %arg13[%swap3A_418], %swap3A_421 {strides = array<i32>} : memref<80xi32, #tpu.memory_space<vmem>>, vector<16xi32>,
      %add3A_422 = arith.constant 32 : i32
      %add3A_423 = arith.addi %mul3A_403, %add3A_422 : i32
      %get3A_424 = arith.index_cast %add3A_423 : i32 to index
      %get3A_425 = tpu.vector_load %arg6[%get3A_424] {strides = array<i32>} : memref<10000xi32, #tpu.memory_space<vmem>>, vector<16xi32>,
      %get3A_426 = vector.shape_cast %get3A_425 : vector<16xi32> to vector<16xi32>
      %swap3A_427 = arith.constant 32 : index
      %swap3A_428 = tpu.vector_load %arg13[%swap3A_427] {strides = array<i32>} : memref<80xi32, #tpu.memory_space<vmem>>, vector<16xi32>,
      %swap3A_429 = vector.shape_cast %swap3A_428 : vector<16xi32> to vector<16xi32>
      %swap3A_430 = vector.shape_cast %get3A_426 : vector<16xi32> to vector<16xi32>
      tpu.vector_store %arg13[%swap3A_427], %swap3A_430 {strides = array<i32>} : memref<80xi32, #tpu.memory_space<vmem>>, vector<16xi32>,
      %add3A_431 = arith.constant 48 : i32
      %add3A_432 = arith.addi %mul3A_403, %add3A_431 : i32
      %get3A_433 = arith.index_cast %add3A_432 : i32 to index
      %get3A_434 = tpu.vector_load %arg6[%get3A_433] {strides = array<i32>} : memref<10000xi32, #tpu.memory_space<vmem>>, vector<16xi32>,
      %get3A_435 = vector.shape_cast %get3A_434 : vector<16xi32> to vector<16xi32>
      %swap3A_436 = arith.constant 48 : index
      %swap3A_437 = tpu.vector_load %arg13[%swap3A_436] {strides = array<i32>} : memref<80xi32, #tpu.memory_space<vmem>>, vector<16xi32>,
      %swap3A_438 = vector.shape_cast %swap3A_437 : vector<16xi32> to vector<16xi32>
      %swap3A_439 = vector.shape_cast %get3A_435 : vector<16xi32> to vector<16xi32>
      tpu.vector_store %arg13[%swap3A_436], %swap3A_439 {strides = array<i32>} : memref<80xi32, #tpu.memory_space<vmem>>, vector<16xi32>,
      %add3A_440 = arith.constant 64 : i32
      %add3A_441 = arith.addi %mul3A_403, %add3A_440 : i32
      %get3A_442 = arith.index_cast %add3A_441 : i32 to index
      %get3A_443 = tpu.vector_load %arg6[%get3A_442] {strides = array<i32>} : memref<10000xi32, #tpu.memory_space<vmem>>, vector<16xi32>,
      %get3A_444 = vector.shape_cast %get3A_443 : vector<16xi32> to vector<16xi32>
      %swap3A_445 = arith.constant 64 : index
      %swap3A_446 = tpu.vector_load %arg13[%swap3A_445] {strides = array<i32>} : memref<80xi32, #tpu.memory_space<vmem>>, vector<16xi32>,
      %swap3A_447 = vector.shape_cast %swap3A_446 : vector<16xi32> to vector<16xi32>
      %swap3A_448 = vector.shape_cast %get3A_444 : vector<16xi32> to vector<16xi32>
      tpu.vector_store %arg13[%swap3A_445], %swap3A_448 {strides = array<i32>} : memref<80xi32, #tpu.memory_space<vmem>>, vector<16xi32>,
      %dma_start3A_449 = arith.constant 0 : i32
      %dma_start3A_450 = arith.constant 0 : i32
      %dma_start3A_451 = tpu.memref_slice %arg8[%dma_start3A_449, %dma_start3A_450] : memref<10240x128xf32, #tpu.memory_space<vmem_shared>> -> memref<10240x128xf32, #tpu.memory_space<vmem_shared>>
      tpu.enqueue_indirect_dma source(%arg7 : memref<80x128xf32, #tpu.memory_space<vmem>>) target(%dma_start3A_451 : memref<10240x128xf32, #tpu.memory_space<vmem_shared>>) offsets(%arg13 : memref<80xi32, #tpu.memory_space<vmem>>) semaphore(%arg17 : memref<!tpu.dma_semaphore, #tpu.memory_space<semaphore_mem>>) {add = true}
    }
    %scan3A_162 = arith.constant 30 : i32
    %dma_wait3A_163 = arith.constant 0 : i32
    %dma_wait3A_164 = arith.constant 0 : i32
    %dma_wait3A_165 = tpu.memref_slice %arg8[%dma_wait3A_163, %dma_wait3A_164] : memref<10240x128xf32, #tpu.memory_space<vmem_shared>> -> memref<10240x128xf32, #tpu.memory_space<vmem_shared>>
    tpu.wait_indirect_dma semaphore(%arg14 : memref<!tpu.dma_semaphore, #tpu.memory_space<semaphore_mem>>) src(%arg7 : memref<80x128xf32, #tpu.memory_space<vmem>>) dst(%dma_wait3A_165 : memref<10240x128xf32, #tpu.memory_space<vmem_shared>>)
    %dma_wait3A_166 = arith.constant 0 : i32
    %dma_wait3A_167 = arith.constant 0 : i32
    %dma_wait3A_168 = tpu.memref_slice %arg8[%dma_wait3A_166, %dma_wait3A_167] : memref<10240x128xf32, #tpu.memory_space<vmem_shared>> -> memref<10240x128xf32, #tpu.memory_space<vmem_shared>>
    tpu.wait_indirect_dma semaphore(%arg15 : memref<!tpu.dma_semaphore, #tpu.memory_space<semaphore_mem>>) src(%arg7 : memref<80x128xf32, #tpu.memory_space<vmem>>) dst(%dma_wait3A_168 : memref<10240x128xf32, #tpu.memory_space<vmem_shared>>)
    %dma_wait3A_169 = arith.constant 0 : i32
    %dma_wait3A_170 = arith.constant 0 : i32
    %dma_wait3A_171 = tpu.memref_slice %arg8[%dma_wait3A_169, %dma_wait3A_170] : memref<10240x128xf32, #tpu.memory_space<vmem_shared>> -> memref<10240x128xf32, #tpu.memory_space<vmem_shared>>
    tpu.wait_indirect_dma semaphore(%arg16 : memref<!tpu.dma_semaphore, #tpu.memory_space<semaphore_mem>>) src(%arg7 : memref<80x128xf32, #tpu.memory_space<vmem>>) dst(%dma_wait3A_171 : memref<10240x128xf32, #tpu.memory_space<vmem_shared>>)
    %dma_wait3A_172 = arith.constant 0 : i32
    %dma_wait3A_173 = arith.constant 0 : i32
    %dma_wait3A_174 = tpu.memref_slice %arg8[%dma_wait3A_172, %dma_wait3A_173] : memref<10240x128xf32, #tpu.memory_space<vmem_shared>> -> memref<10240x128xf32, #tpu.memory_space<vmem_shared>>
    tpu.wait_indirect_dma semaphore(%arg17 : memref<!tpu.dma_semaphore, #tpu.memory_space<semaphore_mem>>) src(%arg7 : memref<80x128xf32, #tpu.memory_space<vmem>>) dst(%dma_wait3A_174 : memref<10240x128xf32, #tpu.memory_space<vmem_shared>>)
    %get3A_175 = arith.constant 9920 : index
    %get3A_176 = tpu.vector_load %arg6[%get3A_175] {strides = array<i32>} : memref<10000xi32, #tpu.memory_space<vmem>>, vector<16xi32>,
    %get3A_177 = vector.shape_cast %get3A_176 : vector<16xi32> to vector<16xi32>
    %swap3A_178 = arith.constant 0 : index
    %swap3A_179 = tpu.vector_load %arg10[%swap3A_178] {strides = array<i32>} : memref<80xi32, #tpu.memory_space<vmem>>, vector<16xi32>,
    %swap3A_180 = vector.shape_cast %swap3A_179 : vector<16xi32> to vector<16xi32>
    %swap3A_181 = vector.shape_cast %get3A_177 : vector<16xi32> to vector<16xi32>
    tpu.vector_store %arg10[%swap3A_178], %swap3A_181 {strides = array<i32>} : memref<80xi32, #tpu.memory_space<vmem>>, vector<16xi32>,
    %get3A_182 = arith.constant 9936 : index
    %get3A_183 = tpu.vector_load %arg6[%get3A_182] {strides = array<i32>} : memref<10000xi32, #tpu.memory_space<vmem>>, vector<16xi32>,
    %get3A_184 = vector.shape_cast %get3A_183 : vector<16xi32> to vector<16xi32>
    %swap3A_185 = arith.constant 16 : index
    %swap3A_186 = tpu.vector_load %arg10[%swap3A_185] {strides = array<i32>} : memref<80xi32, #tpu.memory_space<vmem>>, vector<16xi32>,
    %swap3A_187 = vector.shape_cast %swap3A_186 : vector<16xi32> to vector<16xi32>
    %swap3A_188 = vector.shape_cast %get3A_184 : vector<16xi32> to vector<16xi32>
    tpu.vector_store %arg10[%swap3A_185], %swap3A_188 {strides = array<i32>} : memref<80xi32, #tpu.memory_space<vmem>>, vector<16xi32>,
    %get3A_189 = arith.constant 9952 : index
    %get3A_190 = tpu.vector_load %arg6[%get3A_189] {strides = array<i32>} : memref<10000xi32, #tpu.memory_space<vmem>>, vector<16xi32>,
    %get3A_191 = vector.shape_cast %get3A_190 : vector<16xi32> to vector<16xi32>
    %swap3A_192 = arith.constant 32 : index
    %swap3A_193 = tpu.vector_load %arg10[%swap3A_192] {strides = array<i32>} : memref<80xi32, #tpu.memory_space<vmem>>, vector<16xi32>,
    %swap3A_194 = vector.shape_cast %swap3A_193 : vector<16xi32> to vector<16xi32>
    %swap3A_195 = vector.shape_cast %get3A_191 : vector<16xi32> to vector<16xi32>
    tpu.vector_store %arg10[%swap3A_192], %swap3A_195 {strides = array<i32>} : memref<80xi32, #tpu.memory_space<vmem>>, vector<16xi32>,
    %get3A_196 = arith.constant 9968 : index
    %get3A_197 = tpu.vector_load %arg6[%get3A_196] {strides = array<i32>} : memref<10000xi32, #tpu.memory_space<vmem>>, vector<16xi32>,
    %get3A_198 = vector.shape_cast %get3A_197 : vector<16xi32> to vector<16xi32>
    %swap3A_199 = arith.constant 48 : index
    %swap3A_200 = tpu.vector_load %arg10[%swap3A_199] {strides = array<i32>} : memref<80xi32, #tpu.memory_space<vmem>>, vector<16xi32>,
    %swap3A_201 = vector.shape_cast %swap3A_200 : vector<16xi32> to vector<16xi32>
    %swap3A_202 = vector.shape_cast %get3A_198 : vector<16xi32> to vector<16xi32>
    tpu.vector_store %arg10[%swap3A_199], %swap3A_202 {strides = array<i32>} : memref<80xi32, #tpu.memory_space<vmem>>, vector<16xi32>,
    %get3A_203 = arith.constant 9984 : index
    %get3A_204 = tpu.vector_load %arg6[%get3A_203] {strides = array<i32>} : memref<10000xi32, #tpu.memory_space<vmem>>, vector<16xi32>,
    %get3A_205 = vector.shape_cast %get3A_204 : vector<16xi32> to vector<16xi32>
    %swap3A_206 = arith.constant 64 : index
    %swap3A_207 = tpu.vector_load %arg10[%swap3A_206] {strides = array<i32>} : memref<80xi32, #tpu.memory_space<vmem>>, vector<16xi32>,
    %swap3A_208 = vector.shape_cast %swap3A_207 : vector<16xi32> to vector<16xi32>
    %swap3A_209 = vector.shape_cast %get3A_205 : vector<16xi32> to vector<16xi32>
    tpu.vector_store %arg10[%swap3A_206], %swap3A_209 {strides = array<i32>} : memref<80xi32, #tpu.memory_space<vmem>>, vector<16xi32>,
    "tpu.region"() ({
      %run_scoped3A = tpu.sem_alloc : memref<!tpu.dma_semaphore, #tpu.memory_space<semaphore_mem>>
      %dma_start3A_215 = arith.constant 0 : i32
      %dma_start3A_216 = arith.constant 0 : i32
      %dma_start3A_217 = tpu.memref_slice %arg8[%dma_start3A_215, %dma_start3A_216] : memref<10240x128xf32, #tpu.memory_space<vmem_shared>> -> memref<10240x128xf32, #tpu.memory_space<vmem_shared>>
      tpu.enqueue_indirect_dma source(%arg7 : memref<80x128xf32, #tpu.memory_space<vmem>>) target(%dma_start3A_217 : memref<10240x128xf32, #tpu.memory_space<vmem_shared>>) offsets(%arg10 : memref<80xi32, #tpu.memory_space<vmem>>) semaphore(%run_scoped3A : memref<!tpu.dma_semaphore, #tpu.memory_space<semaphore_mem>>) {add = true}
      %dma_wait3A_218 = arith.constant 0 : i32
      %dma_wait3A_219 = arith.constant 0 : i32
      %dma_wait3A_220 = tpu.memref_slice %arg8[%dma_wait3A_218, %dma_wait3A_219] : memref<10240x128xf32, #tpu.memory_space<vmem_shared>> -> memref<10240x128xf32, #tpu.memory_space<vmem_shared>>
      tpu.wait_indirect_dma semaphore(%run_scoped3A : memref<!tpu.dma_semaphore, #tpu.memory_space<semaphore_mem>>) src(%arg7 : memref<80x128xf32, #tpu.memory_space<vmem>>) dst(%dma_wait3A_220 : memref<10240x128xf32, #tpu.memory_space<vmem_shared>>)
      tpu.yield
    }) : () -> ()
    %barrier3A_210 = arith.constant 0 : index
    tpu.barrier barrier_id(%barrier3A_210)
    %mul3A_211 = arith.constant 640 : i32
    %mul3A_212 = arith.muli %arg1, %mul3A_211 : i32
    %mul3A_213 = arith.constant 640 : i32
    %mul3A_214 = arith.muli %arg1, %mul3A_213 : i32
    "tpu.region"() ({
      %run_scoped3A = tpu.sem_alloc : memref<!tpu.dma_semaphore, #tpu.memory_space<semaphore_mem>>
      %dma_start3A_215 = arith.constant 0 : i32
      %dma_start3A_216 = tpu.memref_slice %arg5[%arg0, %mul3A_214, %dma_start3A_215] : memref<2x10240x128xf32, #tpu.memory_space<hbm>> -> memref<1x640x128xf32, #tpu.memory_space<hbm>>
      %dma_start3A_217 = tpu.memref_squeeze %dma_start3A_216 : memref<1x640x128xf32, #tpu.memory_space<hbm>> -> memref<640x128xf32, #tpu.memory_space<hbm>>
      %dma_start3A_218 = arith.constant 0 : i32
      %dma_start3A_219 = tpu.memref_slice %arg8[%mul3A_212, %dma_start3A_218] : memref<10240x128xf32, #tpu.memory_space<vmem_shared>> -> memref<640x128xf32, #tpu.memory_space<vmem_shared>>
      tpu.enqueue_dma source(%dma_start3A_219 : memref<640x128xf32, #tpu.memory_space<vmem_shared>>) target(%dma_start3A_217 : memref<640x128xf32, #tpu.memory_space<hbm>>) target_semaphore(%run_scoped3A : memref<!tpu.dma_semaphore, #tpu.memory_space<semaphore_mem>>)
      %dma_wait3A_220 = arith.constant 0 : i32
      %dma_wait3A_221 = tpu.memref_slice %arg5[%arg0, %mul3A_214, %dma_wait3A_220] : memref<2x10240x128xf32, #tpu.memory_space<hbm>> -> memref<1x640x128xf32, #tpu.memory_space<hbm>>
      %dma_wait3A_222 = tpu.memref_squeeze %dma_wait3A_221 : memref<1x640x128xf32, #tpu.memory_space<hbm>> -> memref<640x128xf32, #tpu.memory_space<hbm>>
      %dma_wait3A_223 = arith.constant 0 : i32
      %dma_wait3A_224 = tpu.memref_slice %arg8[%mul3A_212, %dma_wait3A_223] : memref<10240x128xf32, #tpu.memory_space<vmem_shared>> -> memref<640x128xf32, #tpu.memory_space<vmem_shared>>
      tpu.wait_dma2 semaphore(%run_scoped3A : memref<!tpu.dma_semaphore, #tpu.memory_space<semaphore_mem>>) src(%dma_wait3A_224 : memref<640x128xf32, #tpu.memory_space<vmem_shared>>) dst(%dma_wait3A_222 : memref<640x128xf32, #tpu.memory_space<hbm>>)
      tpu.yield
    }) : () -> ()
    return
  }
}

#map = affine_map<(d0, d1) -> (0, 0)>
#map1 = affine_map<(d0, d1) -> (0)>
module attributes {stable_mosaic.version = 14 : i64} {
  func.func @_qmul_body(%arg0: i32, %arg1: i32, %arg2: memref<10000x128xf32, #tpu.memory_space<hbm>>, %arg3: memref<65536xi32, #tpu.memory_space<hbm>>, %arg4: memref<65536xi32, #tpu.memory_space<hbm>>, %arg5: memref<65536x128xf32, #tpu.memory_space<hbm>>, %arg6: memref<2048xi32, #tpu.memory_space<vmem>>, %arg7: memref<2048xi32, #tpu.memory_space<vmem>>, %arg8: memref<128x128xf32, #tpu.memory_space<vmem>>, %arg9: memref<128x128xf32, #tpu.memory_space<vmem>>, %arg10: memref<128x128xf32, #tpu.memory_space<vmem>>, %arg11: memref<128x128xf32, #tpu.memory_space<vmem>>, %arg12: memref<!tpu.dma_semaphore, #tpu.memory_space<semaphore_mem>>, %arg13: memref<!tpu.dma_semaphore, #tpu.memory_space<semaphore_mem>>, %arg14: memref<!tpu.dma_semaphore, #tpu.memory_space<semaphore_mem>>, %arg15: memref<!tpu.dma_semaphore, #tpu.memory_space<semaphore_mem>>, %arg16: memref<!tpu.dma_semaphore, #tpu.memory_space<semaphore_mem>>, %arg17: memref<!tpu.dma_semaphore, #tpu.memory_space<semaphore_mem>>, %arg18: memref<!tpu.dma_semaphore, #tpu.memory_space<semaphore_mem>>, %arg19: memref<!tpu.dma_semaphore, #tpu.memory_space<semaphore_mem>>) attributes {dimension_semantics = [#tpu.dimension_semantics<core_parallel>, #tpu.dimension_semantics<subcore_parallel>], iteration_bounds = array<i64: 2, 16>, scalar_prefetch = 0 : i64, scratch_operands = 14 : i64, tpu.core_type = #tpu.core_type<sc_vector_subcore>, window_params = [{transform_indices = #map}, {transform_indices = #map1}, {transform_indices = #map1}, {transform_indices = #map}]} {
    %mul3A = arith.constant 16 : i32
    %mul3A_0 = arith.muli %arg0, %mul3A : i32
    %add3A = arith.addi %mul3A_0, %arg1 : i32
    %mul3A_1 = arith.constant 2048 : i32
    %mul3A_2 = arith.muli %add3A, %mul3A_1 : i32
    %dma_start3A = tpu.memref_slice %arg3[%mul3A_2] : memref<65536xi32, #tpu.memory_space<hbm>> -> memref<2048xi32, #tpu.memory_space<hbm>>
    %dma_start3A_3 = tpu.memref_slice %arg3[%mul3A_2] : memref<65536xi32, #tpu.memory_space<hbm>> -> memref<2048xi32, #tpu.memory_space<hbm>>
    tpu.enqueue_dma source(%dma_start3A_3 : memref<2048xi32, #tpu.memory_space<hbm>>) target(%arg6 : memref<2048xi32, #tpu.memory_space<vmem>>) target_semaphore(%arg12 : memref<!tpu.dma_semaphore, #tpu.memory_space<semaphore_mem>>)
    %dma_start3A_4 = tpu.memref_slice %arg4[%mul3A_2] : memref<65536xi32, #tpu.memory_space<hbm>> -> memref<2048xi32, #tpu.memory_space<hbm>>
    %dma_start3A_5 = tpu.memref_slice %arg4[%mul3A_2] : memref<65536xi32, #tpu.memory_space<hbm>> -> memref<2048xi32, #tpu.memory_space<hbm>>
    tpu.enqueue_dma source(%dma_start3A_5 : memref<2048xi32, #tpu.memory_space<hbm>>) target(%arg7 : memref<2048xi32, #tpu.memory_space<vmem>>) target_semaphore(%arg13 : memref<!tpu.dma_semaphore, #tpu.memory_space<semaphore_mem>>)
    %dma_wait3A = tpu.memref_slice %arg3[%mul3A_2] : memref<65536xi32, #tpu.memory_space<hbm>> -> memref<2048xi32, #tpu.memory_space<hbm>>
    %dma_wait3A_6 = tpu.memref_slice %arg3[%mul3A_2] : memref<65536xi32, #tpu.memory_space<hbm>> -> memref<2048xi32, #tpu.memory_space<hbm>>
    tpu.wait_dma2 semaphore(%arg12 : memref<!tpu.dma_semaphore, #tpu.memory_space<semaphore_mem>>) src(%dma_wait3A_6 : memref<2048xi32, #tpu.memory_space<hbm>>) dst(%arg6 : memref<2048xi32, #tpu.memory_space<vmem>>)
    %dma_wait3A_7 = tpu.memref_slice %arg4[%mul3A_2] : memref<65536xi32, #tpu.memory_space<hbm>> -> memref<2048xi32, #tpu.memory_space<hbm>>
    %dma_wait3A_8 = tpu.memref_slice %arg4[%mul3A_2] : memref<65536xi32, #tpu.memory_space<hbm>> -> memref<2048xi32, #tpu.memory_space<hbm>>
    tpu.wait_dma2 semaphore(%arg13 : memref<!tpu.dma_semaphore, #tpu.memory_space<semaphore_mem>>) src(%dma_wait3A_8 : memref<2048xi32, #tpu.memory_space<hbm>>) dst(%arg7 : memref<2048xi32, #tpu.memory_space<vmem>>)
    %dma_start3A_9 = arith.constant 0 : i32
    %dma_start3A_10 = tpu.memref_slice %arg6[%dma_start3A_9] : memref<2048xi32, #tpu.memory_space<vmem>> -> memref<128xi32, #tpu.memory_space<vmem>>
    %dma_start3A_11 = arith.constant 0 : i32
    %dma_start3A_12 = arith.constant 0 : i32
    %dma_start3A_13 = tpu.memref_slice %arg2[%dma_start3A_11, %dma_start3A_12] : memref<10000x128xf32, #tpu.memory_space<hbm>> -> memref<10000x128xf32, #tpu.memory_space<hbm>>
    tpu.enqueue_indirect_dma source(%dma_start3A_13 : memref<10000x128xf32, #tpu.memory_space<hbm>>) target(%arg8 : memref<128x128xf32, #tpu.memory_space<vmem>>) offsets(%dma_start3A_10 : memref<128xi32, #tpu.memory_space<vmem>>) semaphore(%arg14 : memref<!tpu.dma_semaphore, #tpu.memory_space<semaphore_mem>>)
    %dma_start3A_14 = arith.constant 0 : i32
    %dma_start3A_15 = tpu.memref_slice %arg7[%dma_start3A_14] : memref<2048xi32, #tpu.memory_space<vmem>> -> memref<128xi32, #tpu.memory_space<vmem>>
    %dma_start3A_16 = arith.constant 0 : i32
    %dma_start3A_17 = arith.constant 0 : i32
    %dma_start3A_18 = tpu.memref_slice %arg2[%dma_start3A_16, %dma_start3A_17] : memref<10000x128xf32, #tpu.memory_space<hbm>> -> memref<10000x128xf32, #tpu.memory_space<hbm>>
    tpu.enqueue_indirect_dma source(%dma_start3A_18 : memref<10000x128xf32, #tpu.memory_space<hbm>>) target(%arg9 : memref<128x128xf32, #tpu.memory_space<vmem>>) offsets(%dma_start3A_15 : memref<128xi32, #tpu.memory_space<vmem>>) semaphore(%arg15 : memref<!tpu.dma_semaphore, #tpu.memory_space<semaphore_mem>>)
    %dma_start3A_19 = arith.constant 128 : i32
    %dma_start3A_20 = tpu.memref_slice %arg6[%dma_start3A_19] : memref<2048xi32, #tpu.memory_space<vmem>> -> memref<128xi32, #tpu.memory_space<vmem>>
    %dma_start3A_21 = arith.constant 0 : i32
    %dma_start3A_22 = arith.constant 0 : i32
    %dma_start3A_23 = tpu.memref_slice %arg2[%dma_start3A_21, %dma_start3A_22] : memref<10000x128xf32, #tpu.memory_space<hbm>> -> memref<10000x128xf32, #tpu.memory_space<hbm>>
    tpu.enqueue_indirect_dma source(%dma_start3A_23 : memref<10000x128xf32, #tpu.memory_space<hbm>>) target(%arg10 : memref<128x128xf32, #tpu.memory_space<vmem>>) offsets(%dma_start3A_20 : memref<128xi32, #tpu.memory_space<vmem>>) semaphore(%arg16 : memref<!tpu.dma_semaphore, #tpu.memory_space<semaphore_mem>>)
    %dma_start3A_24 = arith.constant 128 : i32
    %dma_start3A_25 = tpu.memref_slice %arg7[%dma_start3A_24] : memref<2048xi32, #tpu.memory_space<vmem>> -> memref<128xi32, #tpu.memory_space<vmem>>
    %dma_start3A_26 = arith.constant 0 : i32
    %dma_start3A_27 = arith.constant 0 : i32
    %dma_start3A_28 = tpu.memref_slice %arg2[%dma_start3A_26, %dma_start3A_27] : memref<10000x128xf32, #tpu.memory_space<hbm>> -> memref<10000x128xf32, #tpu.memory_space<hbm>>
    tpu.enqueue_indirect_dma source(%dma_start3A_28 : memref<10000x128xf32, #tpu.memory_space<hbm>>) target(%arg11 : memref<128x128xf32, #tpu.memory_space<vmem>>) offsets(%dma_start3A_25 : memref<128xi32, #tpu.memory_space<vmem>>) semaphore(%arg17 : memref<!tpu.dma_semaphore, #tpu.memory_space<semaphore_mem>>)
    %scan3A = arith.constant 0 : i32
    %scan3A_29 = arith.constant 7 : i32
    %scan3A_30 = arith.addi %scan3A, %scan3A_29 : i32
    %scan3A_31 = arith.constant 1 : i32
    scf.for %scan3A_83 = %scan3A to %scan3A_30 step %scan3A_31  : i32 {
      %mul3A_84 = arith.constant 2 : i32
      %mul3A_85 = arith.muli %mul3A_84, %scan3A_83 : i32
      %mul3A_86 = arith.constant 128 : i32
      %mul3A_87 = arith.muli %mul3A_85, %mul3A_86 : i32
      %dma_wait3A_88 = tpu.memref_slice %arg6[%mul3A_87] : memref<2048xi32, #tpu.memory_space<vmem>> -> memref<128xi32, #tpu.memory_space<vmem>>
      %dma_wait3A_89 = arith.constant 0 : i32
      %dma_wait3A_90 = arith.constant 0 : i32
      %dma_wait3A_91 = tpu.memref_slice %arg2[%dma_wait3A_89, %dma_wait3A_90] : memref<10000x128xf32, #tpu.memory_space<hbm>> -> memref<10000x128xf32, #tpu.memory_space<hbm>>
      tpu.wait_indirect_dma semaphore(%arg14 : memref<!tpu.dma_semaphore, #tpu.memory_space<semaphore_mem>>) src(%dma_wait3A_91 : memref<10000x128xf32, #tpu.memory_space<hbm>>) dst(%arg8 : memref<128x128xf32, #tpu.memory_space<vmem>>)
      %mul3A_92 = arith.constant 128 : i32
      %mul3A_93 = arith.muli %mul3A_85, %mul3A_92 : i32
      %dma_wait3A_94 = tpu.memref_slice %arg7[%mul3A_93] : memref<2048xi32, #tpu.memory_space<vmem>> -> memref<128xi32, #tpu.memory_space<vmem>>
      %dma_wait3A_95 = arith.constant 0 : i32
      %dma_wait3A_96 = arith.constant 0 : i32
      %dma_wait3A_97 = tpu.memref_slice %arg2[%dma_wait3A_95, %dma_wait3A_96] : memref<10000x128xf32, #tpu.memory_space<hbm>> -> memref<10000x128xf32, #tpu.memory_space<hbm>>
      tpu.wait_indirect_dma semaphore(%arg15 : memref<!tpu.dma_semaphore, #tpu.memory_space<semaphore_mem>>) src(%dma_wait3A_97 : memref<10000x128xf32, #tpu.memory_space<hbm>>) dst(%arg9 : memref<128x128xf32, #tpu.memory_space<vmem>>)
      %scan3A_98 = arith.constant 0 : i32
      %scan3A_99 = arith.constant 128 : i32
      %scan3A_100 = arith.addi %scan3A_98, %scan3A_99 : i32
      %scan3A_101 = arith.constant 1 : i32
      scf.for %scan3A_172 = %scan3A_98 to %scan3A_100 step %scan3A_101  : i32 {
        %get3A = arith.index_cast %scan3A_172 : i32 to index
        %get3A_173 = arith.constant 0 : index
        %get3A_174 = tpu.vector_load %arg8[%get3A, %get3A_173] {strides = array<i32>} : memref<128x128xf32, #tpu.memory_space<vmem>>, vector<1x16xf32>,
        %get3A_175 = vector.shape_cast %get3A_174 : vector<1x16xf32> to vector<16xf32>
        %get3A_176 = arith.index_cast %scan3A_172 : i32 to index
        %get3A_177 = arith.constant 0 : index
        %get3A_178 = tpu.vector_load %arg9[%get3A_176, %get3A_177] {strides = array<i32>} : memref<128x128xf32, #tpu.memory_space<vmem>>, vector<1x16xf32>,
        %get3A_179 = vector.shape_cast %get3A_178 : vector<1x16xf32> to vector<16xf32>
        %mul3A_180 = arith.mulf %get3A_175, %get3A_179 : vector<16xf32>
        %swap3A = arith.index_cast %scan3A_172 : i32 to index
        %swap3A_181 = arith.constant 0 : index
        %swap3A_182 = tpu.vector_load %arg8[%swap3A, %swap3A_181] {strides = array<i32>} : memref<128x128xf32, #tpu.memory_space<vmem>>, vector<1x16xf32>,
        %swap3A_183 = vector.shape_cast %swap3A_182 : vector<1x16xf32> to vector<16xf32>
        %swap3A_184 = vector.shape_cast %mul3A_180 : vector<16xf32> to vector<1x16xf32>
        tpu.vector_store %arg8[%swap3A, %swap3A_181], %swap3A_184 {strides = array<i32>} : memref<128x128xf32, #tpu.memory_space<vmem>>, vector<1x16xf32>,
        %get3A_185 = arith.index_cast %scan3A_172 : i32 to index
        %get3A_186 = arith.constant 16 : index
        %get3A_187 = tpu.vector_load %arg8[%get3A_185, %get3A_186] {strides = array<i32>} : memref<128x128xf32, #tpu.memory_space<vmem>>, vector<1x16xf32>,
        %get3A_188 = vector.shape_cast %get3A_187 : vector<1x16xf32> to vector<16xf32>
        %get3A_189 = arith.index_cast %scan3A_172 : i32 to index
        %get3A_190 = arith.constant 16 : index
        %get3A_191 = tpu.vector_load %arg9[%get3A_189, %get3A_190] {strides = array<i32>} : memref<128x128xf32, #tpu.memory_space<vmem>>, vector<1x16xf32>,
        %get3A_192 = vector.shape_cast %get3A_191 : vector<1x16xf32> to vector<16xf32>
        %mul3A_193 = arith.mulf %get3A_188, %get3A_192 : vector<16xf32>
        %swap3A_194 = arith.index_cast %scan3A_172 : i32 to index
        %swap3A_195 = arith.constant 16 : index
        %swap3A_196 = tpu.vector_load %arg8[%swap3A_194, %swap3A_195] {strides = array<i32>} : memref<128x128xf32, #tpu.memory_space<vmem>>, vector<1x16xf32>,
        %swap3A_197 = vector.shape_cast %swap3A_196 : vector<1x16xf32> to vector<16xf32>
        %swap3A_198 = vector.shape_cast %mul3A_193 : vector<16xf32> to vector<1x16xf32>
        tpu.vector_store %arg8[%swap3A_194, %swap3A_195], %swap3A_198 {strides = array<i32>} : memref<128x128xf32, #tpu.memory_space<vmem>>, vector<1x16xf32>,
        %get3A_199 = arith.index_cast %scan3A_172 : i32 to index
        %get3A_200 = arith.constant 32 : index
        %get3A_201 = tpu.vector_load %arg8[%get3A_199, %get3A_200] {strides = array<i32>} : memref<128x128xf32, #tpu.memory_space<vmem>>, vector<1x16xf32>,
        %get3A_202 = vector.shape_cast %get3A_201 : vector<1x16xf32> to vector<16xf32>
        %get3A_203 = arith.index_cast %scan3A_172 : i32 to index
        %get3A_204 = arith.constant 32 : index
        %get3A_205 = tpu.vector_load %arg9[%get3A_203, %get3A_204] {strides = array<i32>} : memref<128x128xf32, #tpu.memory_space<vmem>>, vector<1x16xf32>,
        %get3A_206 = vector.shape_cast %get3A_205 : vector<1x16xf32> to vector<16xf32>
        %mul3A_207 = arith.mulf %get3A_202, %get3A_206 : vector<16xf32>
        %swap3A_208 = arith.index_cast %scan3A_172 : i32 to index
        %swap3A_209 = arith.constant 32 : index
        %swap3A_210 = tpu.vector_load %arg8[%swap3A_208, %swap3A_209] {strides = array<i32>} : memref<128x128xf32, #tpu.memory_space<vmem>>, vector<1x16xf32>,
        %swap3A_211 = vector.shape_cast %swap3A_210 : vector<1x16xf32> to vector<16xf32>
        %swap3A_212 = vector.shape_cast %mul3A_207 : vector<16xf32> to vector<1x16xf32>
        tpu.vector_store %arg8[%swap3A_208, %swap3A_209], %swap3A_212 {strides = array<i32>} : memref<128x128xf32, #tpu.memory_space<vmem>>, vector<1x16xf32>,
        %get3A_213 = arith.index_cast %scan3A_172 : i32 to index
        %get3A_214 = arith.constant 48 : index
        %get3A_215 = tpu.vector_load %arg8[%get3A_213, %get3A_214] {strides = array<i32>} : memref<128x128xf32, #tpu.memory_space<vmem>>, vector<1x16xf32>,
        %get3A_216 = vector.shape_cast %get3A_215 : vector<1x16xf32> to vector<16xf32>
        %get3A_217 = arith.index_cast %scan3A_172 : i32 to index
        %get3A_218 = arith.constant 48 : index
        %get3A_219 = tpu.vector_load %arg9[%get3A_217, %get3A_218] {strides = array<i32>} : memref<128x128xf32, #tpu.memory_space<vmem>>, vector<1x16xf32>,
        %get3A_220 = vector.shape_cast %get3A_219 : vector<1x16xf32> to vector<16xf32>
        %mul3A_221 = arith.mulf %get3A_216, %get3A_220 : vector<16xf32>
        %swap3A_222 = arith.index_cast %scan3A_172 : i32 to index
        %swap3A_223 = arith.constant 48 : index
        %swap3A_224 = tpu.vector_load %arg8[%swap3A_222, %swap3A_223] {strides = array<i32>} : memref<128x128xf32, #tpu.memory_space<vmem>>, vector<1x16xf32>,
        %swap3A_225 = vector.shape_cast %swap3A_224 : vector<1x16xf32> to vector<16xf32>
        %swap3A_226 = vector.shape_cast %mul3A_221 : vector<16xf32> to vector<1x16xf32>
        tpu.vector_store %arg8[%swap3A_222, %swap3A_223], %swap3A_226 {strides = array<i32>} : memref<128x128xf32, #tpu.memory_space<vmem>>, vector<1x16xf32>,
        %get3A_227 = arith.index_cast %scan3A_172 : i32 to index
        %get3A_228 = arith.constant 64 : index
        %get3A_229 = tpu.vector_load %arg8[%get3A_227, %get3A_228] {strides = array<i32>} : memref<128x128xf32, #tpu.memory_space<vmem>>, vector<1x16xf32>,
        %get3A_230 = vector.shape_cast %get3A_229 : vector<1x16xf32> to vector<16xf32>
        %get3A_231 = arith.index_cast %scan3A_172 : i32 to index
        %get3A_232 = arith.constant 64 : index
        %get3A_233 = tpu.vector_load %arg9[%get3A_231, %get3A_232] {strides = array<i32>} : memref<128x128xf32, #tpu.memory_space<vmem>>, vector<1x16xf32>,
        %get3A_234 = vector.shape_cast %get3A_233 : vector<1x16xf32> to vector<16xf32>
        %mul3A_235 = arith.mulf %get3A_230, %get3A_234 : vector<16xf32>
        %swap3A_236 = arith.index_cast %scan3A_172 : i32 to index
        %swap3A_237 = arith.constant 64 : index
        %swap3A_238 = tpu.vector_load %arg8[%swap3A_236, %swap3A_237] {strides = array<i32>} : memref<128x128xf32, #tpu.memory_space<vmem>>, vector<1x16xf32>,
        %swap3A_239 = vector.shape_cast %swap3A_238 : vector<1x16xf32> to vector<16xf32>
        %swap3A_240 = vector.shape_cast %mul3A_235 : vector<16xf32> to vector<1x16xf32>
        tpu.vector_store %arg8[%swap3A_236, %swap3A_237], %swap3A_240 {strides = array<i32>} : memref<128x128xf32, #tpu.memory_space<vmem>>, vector<1x16xf32>,
        %get3A_241 = arith.index_cast %scan3A_172 : i32 to index
        %get3A_242 = arith.constant 80 : index
        %get3A_243 = tpu.vector_load %arg8[%get3A_241, %get3A_242] {strides = array<i32>} : memref<128x128xf32, #tpu.memory_space<vmem>>, vector<1x16xf32>,
        %get3A_244 = vector.shape_cast %get3A_243 : vector<1x16xf32> to vector<16xf32>
        %get3A_245 = arith.index_cast %scan3A_172 : i32 to index
        %get3A_246 = arith.constant 80 : index
        %get3A_247 = tpu.vector_load %arg9[%get3A_245, %get3A_246] {strides = array<i32>} : memref<128x128xf32, #tpu.memory_space<vmem>>, vector<1x16xf32>,
        %get3A_248 = vector.shape_cast %get3A_247 : vector<1x16xf32> to vector<16xf32>
        %mul3A_249 = arith.mulf %get3A_244, %get3A_248 : vector<16xf32>
        %swap3A_250 = arith.index_cast %scan3A_172 : i32 to index
        %swap3A_251 = arith.constant 80 : index
        %swap3A_252 = tpu.vector_load %arg8[%swap3A_250, %swap3A_251] {strides = array<i32>} : memref<128x128xf32, #tpu.memory_space<vmem>>, vector<1x16xf32>,
        %swap3A_253 = vector.shape_cast %swap3A_252 : vector<1x16xf32> to vector<16xf32>
        %swap3A_254 = vector.shape_cast %mul3A_249 : vector<16xf32> to vector<1x16xf32>
        tpu.vector_store %arg8[%swap3A_250, %swap3A_251], %swap3A_254 {strides = array<i32>} : memref<128x128xf32, #tpu.memory_space<vmem>>, vector<1x16xf32>,
        %get3A_255 = arith.index_cast %scan3A_172 : i32 to index
        %get3A_256 = arith.constant 96 : index
        %get3A_257 = tpu.vector_load %arg8[%get3A_255, %get3A_256] {strides = array<i32>} : memref<128x128xf32, #tpu.memory_space<vmem>>, vector<1x16xf32>,
        %get3A_258 = vector.shape_cast %get3A_257 : vector<1x16xf32> to vector<16xf32>
        %get3A_259 = arith.index_cast %scan3A_172 : i32 to index
        %get3A_260 = arith.constant 96 : index
        %get3A_261 = tpu.vector_load %arg9[%get3A_259, %get3A_260] {strides = array<i32>} : memref<128x128xf32, #tpu.memory_space<vmem>>, vector<1x16xf32>,
        %get3A_262 = vector.shape_cast %get3A_261 : vector<1x16xf32> to vector<16xf32>
        %mul3A_263 = arith.mulf %get3A_258, %get3A_262 : vector<16xf32>
        %swap3A_264 = arith.index_cast %scan3A_172 : i32 to index
        %swap3A_265 = arith.constant 96 : index
        %swap3A_266 = tpu.vector_load %arg8[%swap3A_264, %swap3A_265] {strides = array<i32>} : memref<128x128xf32, #tpu.memory_space<vmem>>, vector<1x16xf32>,
        %swap3A_267 = vector.shape_cast %swap3A_266 : vector<1x16xf32> to vector<16xf32>
        %swap3A_268 = vector.shape_cast %mul3A_263 : vector<16xf32> to vector<1x16xf32>
        tpu.vector_store %arg8[%swap3A_264, %swap3A_265], %swap3A_268 {strides = array<i32>} : memref<128x128xf32, #tpu.memory_space<vmem>>, vector<1x16xf32>,
        %get3A_269 = arith.index_cast %scan3A_172 : i32 to index
        %get3A_270 = arith.constant 112 : index
        %get3A_271 = tpu.vector_load %arg8[%get3A_269, %get3A_270] {strides = array<i32>} : memref<128x128xf32, #tpu.memory_space<vmem>>, vector<1x16xf32>,
        %get3A_272 = vector.shape_cast %get3A_271 : vector<1x16xf32> to vector<16xf32>
        %get3A_273 = arith.index_cast %scan3A_172 : i32 to index
        %get3A_274 = arith.constant 112 : index
        %get3A_275 = tpu.vector_load %arg9[%get3A_273, %get3A_274] {strides = array<i32>} : memref<128x128xf32, #tpu.memory_space<vmem>>, vector<1x16xf32>,
        %get3A_276 = vector.shape_cast %get3A_275 : vector<1x16xf32> to vector<16xf32>
        %mul3A_277 = arith.mulf %get3A_272, %get3A_276 : vector<16xf32>
        %swap3A_278 = arith.index_cast %scan3A_172 : i32 to index
        %swap3A_279 = arith.constant 112 : index
        %swap3A_280 = tpu.vector_load %arg8[%swap3A_278, %swap3A_279] {strides = array<i32>} : memref<128x128xf32, #tpu.memory_space<vmem>>, vector<1x16xf32>,
        %swap3A_281 = vector.shape_cast %swap3A_280 : vector<1x16xf32> to vector<16xf32>
        %swap3A_282 = vector.shape_cast %mul3A_277 : vector<16xf32> to vector<1x16xf32>
        tpu.vector_store %arg8[%swap3A_278, %swap3A_279], %swap3A_282 {strides = array<i32>} : memref<128x128xf32, #tpu.memory_space<vmem>>, vector<1x16xf32>,
      }
      %scan3A_102 = arith.constant 128 : i32
      %mul3A_103 = arith.constant 128 : i32
      %mul3A_104 = arith.muli %mul3A_85, %mul3A_103 : i32
      %add3A_105 = arith.addi %mul3A_2, %mul3A_104 : i32
      %dma_start3A_106 = arith.constant 0 : i32
      %dma_start3A_107 = tpu.memref_slice %arg5[%add3A_105, %dma_start3A_106] : memref<65536x128xf32, #tpu.memory_space<hbm>> -> memref<128x128xf32, #tpu.memory_space<hbm>>
      %dma_start3A_108 = arith.constant 0 : i32
      %dma_start3A_109 = tpu.memref_slice %arg5[%add3A_105, %dma_start3A_108] : memref<65536x128xf32, #tpu.memory_space<hbm>> -> memref<128x128xf32, #tpu.memory_space<hbm>>
      tpu.enqueue_dma source(%arg8 : memref<128x128xf32, #tpu.memory_space<vmem>>) target(%dma_start3A_109 : memref<128x128xf32, #tpu.memory_space<hbm>>) target_semaphore(%arg18 : memref<!tpu.dma_semaphore, #tpu.memory_space<semaphore_mem>>)
      %add3A_110 = arith.constant 1 : i32
      %add3A_111 = arith.addi %mul3A_85, %add3A_110 : i32
      %mul3A_112 = arith.constant 128 : i32
      %mul3A_113 = arith.muli %add3A_111, %mul3A_112 : i32
      %dma_wait3A_114 = tpu.memref_slice %arg6[%mul3A_113] : memref<2048xi32, #tpu.memory_space<vmem>> -> memref<128xi32, #tpu.memory_space<vmem>>
      %dma_wait3A_115 = arith.constant 0 : i32
      %dma_wait3A_116 = arith.constant 0 : i32
      %dma_wait3A_117 = tpu.memref_slice %arg2[%dma_wait3A_115, %dma_wait3A_116] : memref<10000x128xf32, #tpu.memory_space<hbm>> -> memref<10000x128xf32, #tpu.memory_space<hbm>>
      tpu.wait_indirect_dma semaphore(%arg16 : memref<!tpu.dma_semaphore, #tpu.memory_space<semaphore_mem>>) src(%dma_wait3A_117 : memref<10000x128xf32, #tpu.memory_space<hbm>>) dst(%arg10 : memref<128x128xf32, #tpu.memory_space<vmem>>)
      %mul3A_118 = arith.constant 128 : i32
      %mul3A_119 = arith.muli %add3A_111, %mul3A_118 : i32
      %dma_wait3A_120 = tpu.memref_slice %arg7[%mul3A_119] : memref<2048xi32, #tpu.memory_space<vmem>> -> memref<128xi32, #tpu.memory_space<vmem>>
      %dma_wait3A_121 = arith.constant 0 : i32
      %dma_wait3A_122 = arith.constant 0 : i32
      %dma_wait3A_123 = tpu.memref_slice %arg2[%dma_wait3A_121, %dma_wait3A_122] : memref<10000x128xf32, #tpu.memory_space<hbm>> -> memref<10000x128xf32, #tpu.memory_space<hbm>>
      tpu.wait_indirect_dma semaphore(%arg17 : memref<!tpu.dma_semaphore, #tpu.memory_space<semaphore_mem>>) src(%dma_wait3A_123 : memref<10000x128xf32, #tpu.memory_space<hbm>>) dst(%arg11 : memref<128x128xf32, #tpu.memory_space<vmem>>)
      %scan3A_124 = arith.constant 0 : i32
      %scan3A_125 = arith.constant 128 : i32
      %scan3A_126 = arith.addi %scan3A_124, %scan3A_125 : i32
      %scan3A_127 = arith.constant 1 : i32
      scf.for %scan3A_172 = %scan3A_124 to %scan3A_126 step %scan3A_127  : i32 {
        %get3A = arith.index_cast %scan3A_172 : i32 to index
        %get3A_173 = arith.constant 0 : index
        %get3A_174 = tpu.vector_load %arg10[%get3A, %get3A_173] {strides = array<i32>} : memref<128x128xf32, #tpu.memory_space<vmem>>, vector<1x16xf32>,
        %get3A_175 = vector.shape_cast %get3A_174 : vector<1x16xf32> to vector<16xf32>
        %get3A_176 = arith.index_cast %scan3A_172 : i32 to index
        %get3A_177 = arith.constant 0 : index
        %get3A_178 = tpu.vector_load %arg11[%get3A_176, %get3A_177] {strides = array<i32>} : memref<128x128xf32, #tpu.memory_space<vmem>>, vector<1x16xf32>,
        %get3A_179 = vector.shape_cast %get3A_178 : vector<1x16xf32> to vector<16xf32>
        %mul3A_180 = arith.mulf %get3A_175, %get3A_179 : vector<16xf32>
        %swap3A = arith.index_cast %scan3A_172 : i32 to index
        %swap3A_181 = arith.constant 0 : index
        %swap3A_182 = tpu.vector_load %arg10[%swap3A, %swap3A_181] {strides = array<i32>} : memref<128x128xf32, #tpu.memory_space<vmem>>, vector<1x16xf32>,
        %swap3A_183 = vector.shape_cast %swap3A_182 : vector<1x16xf32> to vector<16xf32>
        %swap3A_184 = vector.shape_cast %mul3A_180 : vector<16xf32> to vector<1x16xf32>
        tpu.vector_store %arg10[%swap3A, %swap3A_181], %swap3A_184 {strides = array<i32>} : memref<128x128xf32, #tpu.memory_space<vmem>>, vector<1x16xf32>,
        %get3A_185 = arith.index_cast %scan3A_172 : i32 to index
        %get3A_186 = arith.constant 16 : index
        %get3A_187 = tpu.vector_load %arg10[%get3A_185, %get3A_186] {strides = array<i32>} : memref<128x128xf32, #tpu.memory_space<vmem>>, vector<1x16xf32>,
        %get3A_188 = vector.shape_cast %get3A_187 : vector<1x16xf32> to vector<16xf32>
        %get3A_189 = arith.index_cast %scan3A_172 : i32 to index
        %get3A_190 = arith.constant 16 : index
        %get3A_191 = tpu.vector_load %arg11[%get3A_189, %get3A_190] {strides = array<i32>} : memref<128x128xf32, #tpu.memory_space<vmem>>, vector<1x16xf32>,
        %get3A_192 = vector.shape_cast %get3A_191 : vector<1x16xf32> to vector<16xf32>
        %mul3A_193 = arith.mulf %get3A_188, %get3A_192 : vector<16xf32>
        %swap3A_194 = arith.index_cast %scan3A_172 : i32 to index
        %swap3A_195 = arith.constant 16 : index
        %swap3A_196 = tpu.vector_load %arg10[%swap3A_194, %swap3A_195] {strides = array<i32>} : memref<128x128xf32, #tpu.memory_space<vmem>>, vector<1x16xf32>,
        %swap3A_197 = vector.shape_cast %swap3A_196 : vector<1x16xf32> to vector<16xf32>
        %swap3A_198 = vector.shape_cast %mul3A_193 : vector<16xf32> to vector<1x16xf32>
        tpu.vector_store %arg10[%swap3A_194, %swap3A_195], %swap3A_198 {strides = array<i32>} : memref<128x128xf32, #tpu.memory_space<vmem>>, vector<1x16xf32>,
        %get3A_199 = arith.index_cast %scan3A_172 : i32 to index
        %get3A_200 = arith.constant 32 : index
        %get3A_201 = tpu.vector_load %arg10[%get3A_199, %get3A_200] {strides = array<i32>} : memref<128x128xf32, #tpu.memory_space<vmem>>, vector<1x16xf32>,
        %get3A_202 = vector.shape_cast %get3A_201 : vector<1x16xf32> to vector<16xf32>
        %get3A_203 = arith.index_cast %scan3A_172 : i32 to index
        %get3A_204 = arith.constant 32 : index
        %get3A_205 = tpu.vector_load %arg11[%get3A_203, %get3A_204] {strides = array<i32>} : memref<128x128xf32, #tpu.memory_space<vmem>>, vector<1x16xf32>,
        %get3A_206 = vector.shape_cast %get3A_205 : vector<1x16xf32> to vector<16xf32>
        %mul3A_207 = arith.mulf %get3A_202, %get3A_206 : vector<16xf32>
        %swap3A_208 = arith.index_cast %scan3A_172 : i32 to index
        %swap3A_209 = arith.constant 32 : index
        %swap3A_210 = tpu.vector_load %arg10[%swap3A_208, %swap3A_209] {strides = array<i32>} : memref<128x128xf32, #tpu.memory_space<vmem>>, vector<1x16xf32>,
        %swap3A_211 = vector.shape_cast %swap3A_210 : vector<1x16xf32> to vector<16xf32>
        %swap3A_212 = vector.shape_cast %mul3A_207 : vector<16xf32> to vector<1x16xf32>
        tpu.vector_store %arg10[%swap3A_208, %swap3A_209], %swap3A_212 {strides = array<i32>} : memref<128x128xf32, #tpu.memory_space<vmem>>, vector<1x16xf32>,
        %get3A_213 = arith.index_cast %scan3A_172 : i32 to index
        %get3A_214 = arith.constant 48 : index
        %get3A_215 = tpu.vector_load %arg10[%get3A_213, %get3A_214] {strides = array<i32>} : memref<128x128xf32, #tpu.memory_space<vmem>>, vector<1x16xf32>,
        %get3A_216 = vector.shape_cast %get3A_215 : vector<1x16xf32> to vector<16xf32>
        %get3A_217 = arith.index_cast %scan3A_172 : i32 to index
        %get3A_218 = arith.constant 48 : index
        %get3A_219 = tpu.vector_load %arg11[%get3A_217, %get3A_218] {strides = array<i32>} : memref<128x128xf32, #tpu.memory_space<vmem>>, vector<1x16xf32>,
        %get3A_220 = vector.shape_cast %get3A_219 : vector<1x16xf32> to vector<16xf32>
        %mul3A_221 = arith.mulf %get3A_216, %get3A_220 : vector<16xf32>
        %swap3A_222 = arith.index_cast %scan3A_172 : i32 to index
        %swap3A_223 = arith.constant 48 : index
        %swap3A_224 = tpu.vector_load %arg10[%swap3A_222, %swap3A_223] {strides = array<i32>} : memref<128x128xf32, #tpu.memory_space<vmem>>, vector<1x16xf32>,
        %swap3A_225 = vector.shape_cast %swap3A_224 : vector<1x16xf32> to vector<16xf32>
        %swap3A_226 = vector.shape_cast %mul3A_221 : vector<16xf32> to vector<1x16xf32>
        tpu.vector_store %arg10[%swap3A_222, %swap3A_223], %swap3A_226 {strides = array<i32>} : memref<128x128xf32, #tpu.memory_space<vmem>>, vector<1x16xf32>,
        %get3A_227 = arith.index_cast %scan3A_172 : i32 to index
        %get3A_228 = arith.constant 64 : index
        %get3A_229 = tpu.vector_load %arg10[%get3A_227, %get3A_228] {strides = array<i32>} : memref<128x128xf32, #tpu.memory_space<vmem>>, vector<1x16xf32>,
        %get3A_230 = vector.shape_cast %get3A_229 : vector<1x16xf32> to vector<16xf32>
        %get3A_231 = arith.index_cast %scan3A_172 : i32 to index
        %get3A_232 = arith.constant 64 : index
        %get3A_233 = tpu.vector_load %arg11[%get3A_231, %get3A_232] {strides = array<i32>} : memref<128x128xf32, #tpu.memory_space<vmem>>, vector<1x16xf32>,
        %get3A_234 = vector.shape_cast %get3A_233 : vector<1x16xf32> to vector<16xf32>
        %mul3A_235 = arith.mulf %get3A_230, %get3A_234 : vector<16xf32>
        %swap3A_236 = arith.index_cast %scan3A_172 : i32 to index
        %swap3A_237 = arith.constant 64 : index
        %swap3A_238 = tpu.vector_load %arg10[%swap3A_236, %swap3A_237] {strides = array<i32>} : memref<128x128xf32, #tpu.memory_space<vmem>>, vector<1x16xf32>,
        %swap3A_239 = vector.shape_cast %swap3A_238 : vector<1x16xf32> to vector<16xf32>
        %swap3A_240 = vector.shape_cast %mul3A_235 : vector<16xf32> to vector<1x16xf32>
        tpu.vector_store %arg10[%swap3A_236, %swap3A_237], %swap3A_240 {strides = array<i32>} : memref<128x128xf32, #tpu.memory_space<vmem>>, vector<1x16xf32>,
        %get3A_241 = arith.index_cast %scan3A_172 : i32 to index
        %get3A_242 = arith.constant 80 : index
        %get3A_243 = tpu.vector_load %arg10[%get3A_241, %get3A_242] {strides = array<i32>} : memref<128x128xf32, #tpu.memory_space<vmem>>, vector<1x16xf32>,
        %get3A_244 = vector.shape_cast %get3A_243 : vector<1x16xf32> to vector<16xf32>
        %get3A_245 = arith.index_cast %scan3A_172 : i32 to index
        %get3A_246 = arith.constant 80 : index
        %get3A_247 = tpu.vector_load %arg11[%get3A_245, %get3A_246] {strides = array<i32>} : memref<128x128xf32, #tpu.memory_space<vmem>>, vector<1x16xf32>,
        %get3A_248 = vector.shape_cast %get3A_247 : vector<1x16xf32> to vector<16xf32>
        %mul3A_249 = arith.mulf %get3A_244, %get3A_248 : vector<16xf32>
        %swap3A_250 = arith.index_cast %scan3A_172 : i32 to index
        %swap3A_251 = arith.constant 80 : index
        %swap3A_252 = tpu.vector_load %arg10[%swap3A_250, %swap3A_251] {strides = array<i32>} : memref<128x128xf32, #tpu.memory_space<vmem>>, vector<1x16xf32>,
        %swap3A_253 = vector.shape_cast %swap3A_252 : vector<1x16xf32> to vector<16xf32>
        %swap3A_254 = vector.shape_cast %mul3A_249 : vector<16xf32> to vector<1x16xf32>
        tpu.vector_store %arg10[%swap3A_250, %swap3A_251], %swap3A_254 {strides = array<i32>} : memref<128x128xf32, #tpu.memory_space<vmem>>, vector<1x16xf32>,
        %get3A_255 = arith.index_cast %scan3A_172 : i32 to index
        %get3A_256 = arith.constant 96 : index
        %get3A_257 = tpu.vector_load %arg10[%get3A_255, %get3A_256] {strides = array<i32>} : memref<128x128xf32, #tpu.memory_space<vmem>>, vector<1x16xf32>,
        %get3A_258 = vector.shape_cast %get3A_257 : vector<1x16xf32> to vector<16xf32>
        %get3A_259 = arith.index_cast %scan3A_172 : i32 to index
        %get3A_260 = arith.constant 96 : index
        %get3A_261 = tpu.vector_load %arg11[%get3A_259, %get3A_260] {strides = array<i32>} : memref<128x128xf32, #tpu.memory_space<vmem>>, vector<1x16xf32>,
        %get3A_262 = vector.shape_cast %get3A_261 : vector<1x16xf32> to vector<16xf32>
        %mul3A_263 = arith.mulf %get3A_258, %get3A_262 : vector<16xf32>
        %swap3A_264 = arith.index_cast %scan3A_172 : i32 to index
        %swap3A_265 = arith.constant 96 : index
        %swap3A_266 = tpu.vector_load %arg10[%swap3A_264, %swap3A_265] {strides = array<i32>} : memref<128x128xf32, #tpu.memory_space<vmem>>, vector<1x16xf32>,
        %swap3A_267 = vector.shape_cast %swap3A_266 : vector<1x16xf32> to vector<16xf32>
        %swap3A_268 = vector.shape_cast %mul3A_263 : vector<16xf32> to vector<1x16xf32>
        tpu.vector_store %arg10[%swap3A_264, %swap3A_265], %swap3A_268 {strides = array<i32>} : memref<128x128xf32, #tpu.memory_space<vmem>>, vector<1x16xf32>,
        %get3A_269 = arith.index_cast %scan3A_172 : i32 to index
        %get3A_270 = arith.constant 112 : index
        %get3A_271 = tpu.vector_load %arg10[%get3A_269, %get3A_270] {strides = array<i32>} : memref<128x128xf32, #tpu.memory_space<vmem>>, vector<1x16xf32>,
        %get3A_272 = vector.shape_cast %get3A_271 : vector<1x16xf32> to vector<16xf32>
        %get3A_273 = arith.index_cast %scan3A_172 : i32 to index
        %get3A_274 = arith.constant 112 : index
        %get3A_275 = tpu.vector_load %arg11[%get3A_273, %get3A_274] {strides = array<i32>} : memref<128x128xf32, #tpu.memory_space<vmem>>, vector<1x16xf32>,
        %get3A_276 = vector.shape_cast %get3A_275 : vector<1x16xf32> to vector<16xf32>
        %mul3A_277 = arith.mulf %get3A_272, %get3A_276 : vector<16xf32>
        %swap3A_278 = arith.index_cast %scan3A_172 : i32 to index
        %swap3A_279 = arith.constant 112 : index
        %swap3A_280 = tpu.vector_load %arg10[%swap3A_278, %swap3A_279] {strides = array<i32>} : memref<128x128xf32, #tpu.memory_space<vmem>>, vector<1x16xf32>,
        %swap3A_281 = vector.shape_cast %swap3A_280 : vector<1x16xf32> to vector<16xf32>
        %swap3A_282 = vector.shape_cast %mul3A_277 : vector<16xf32> to vector<1x16xf32>
        tpu.vector_store %arg10[%swap3A_278, %swap3A_279], %swap3A_282 {strides = array<i32>} : memref<128x128xf32, #tpu.memory_space<vmem>>, vector<1x16xf32>,
      }
      %scan3A_128 = arith.constant 128 : i32
      %mul3A_129 = arith.constant 128 : i32
      %mul3A_130 = arith.muli %add3A_111, %mul3A_129 : i32
      %add3A_131 = arith.addi %mul3A_2, %mul3A_130 : i32
      %dma_start3A_132 = arith.constant 0 : i32
      %dma_start3A_133 = tpu.memref_slice %arg5[%add3A_131, %dma_start3A_132] : memref<65536x128xf32, #tpu.memory_space<hbm>> -> memref<128x128xf32, #tpu.memory_space<hbm>>
      %dma_start3A_134 = arith.constant 0 : i32
      %dma_start3A_135 = tpu.memref_slice %arg5[%add3A_131, %dma_start3A_134] : memref<65536x128xf32, #tpu.memory_space<hbm>> -> memref<128x128xf32, #tpu.memory_space<hbm>>
      tpu.enqueue_dma source(%arg10 : memref<128x128xf32, #tpu.memory_space<vmem>>) target(%dma_start3A_135 : memref<128x128xf32, #tpu.memory_space<hbm>>) target_semaphore(%arg19 : memref<!tpu.dma_semaphore, #tpu.memory_space<semaphore_mem>>)
      %dma_wait3A_136 = arith.constant 0 : i32
      %dma_wait3A_137 = tpu.memref_slice %arg5[%add3A_105, %dma_wait3A_136] : memref<65536x128xf32, #tpu.memory_space<hbm>> -> memref<128x128xf32, #tpu.memory_space<hbm>>
      %dma_wait3A_138 = arith.constant 0 : i32
      %dma_wait3A_139 = tpu.memref_slice %arg5[%add3A_105, %dma_wait3A_138] : memref<65536x128xf32, #tpu.memory_space<hbm>> -> memref<128x128xf32, #tpu.memory_space<hbm>>
      tpu.wait_dma2 semaphore(%arg18 : memref<!tpu.dma_semaphore, #tpu.memory_space<semaphore_mem>>) src(%arg8 : memref<128x128xf32, #tpu.memory_space<vmem>>) dst(%dma_wait3A_139 : memref<128x128xf32, #tpu.memory_space<hbm>>)
      %add3A_140 = arith.constant 2 : i32
      %add3A_141 = arith.addi %mul3A_85, %add3A_140 : i32
      %mul3A_142 = arith.constant 128 : i32
      %mul3A_143 = arith.muli %add3A_141, %mul3A_142 : i32
      %dma_start3A_144 = tpu.memref_slice %arg6[%mul3A_143] : memref<2048xi32, #tpu.memory_space<vmem>> -> memref<128xi32, #tpu.memory_space<vmem>>
      %dma_start3A_145 = arith.constant 0 : i32
      %dma_start3A_146 = arith.constant 0 : i32
      %dma_start3A_147 = tpu.memref_slice %arg2[%dma_start3A_145, %dma_start3A_146] : memref<10000x128xf32, #tpu.memory_space<hbm>> -> memref<10000x128xf32, #tpu.memory_space<hbm>>
      tpu.enqueue_indirect_dma source(%dma_start3A_147 : memref<10000x128xf32, #tpu.memory_space<hbm>>) target(%arg8 : memref<128x128xf32, #tpu.memory_space<vmem>>) offsets(%dma_start3A_144 : memref<128xi32, #tpu.memory_space<vmem>>) semaphore(%arg14 : memref<!tpu.dma_semaphore, #tpu.memory_space<semaphore_mem>>)
      %mul3A_148 = arith.constant 128 : i32
      %mul3A_149 = arith.muli %add3A_141, %mul3A_148 : i32
      %dma_start3A_150 = tpu.memref_slice %arg7[%mul3A_149] : memref<2048xi32, #tpu.memory_space<vmem>> -> memref<128xi32, #tpu.memory_space<vmem>>
      %dma_start3A_151 = arith.constant 0 : i32
      %dma_start3A_152 = arith.constant 0 : i32
      %dma_start3A_153 = tpu.memref_slice %arg2[%dma_start3A_151, %dma_start3A_152] : memref<10000x128xf32, #tpu.memory_space<hbm>> -> memref<10000x128xf32, #tpu.memory_space<hbm>>
      tpu.enqueue_indirect_dma source(%dma_start3A_153 : memref<10000x128xf32, #tpu.memory_space<hbm>>) target(%arg9 : memref<128x128xf32, #tpu.memory_space<vmem>>) offsets(%dma_start3A_150 : memref<128xi32, #tpu.memory_space<vmem>>) semaphore(%arg15 : memref<!tpu.dma_semaphore, #tpu.memory_space<semaphore_mem>>)
      %dma_wait3A_154 = arith.constant 0 : i32
      %dma_wait3A_155 = tpu.memref_slice %arg5[%add3A_131, %dma_wait3A_154] : memref<65536x128xf32, #tpu.memory_space<hbm>> -> memref<128x128xf32, #tpu.memory_space<hbm>>
      %dma_wait3A_156 = arith.constant 0 : i32
      %dma_wait3A_157 = tpu.memref_slice %arg5[%add3A_131, %dma_wait3A_156] : memref<65536x128xf32, #tpu.memory_space<hbm>> -> memref<128x128xf32, #tpu.memory_space<hbm>>
      tpu.wait_dma2 semaphore(%arg19 : memref<!tpu.dma_semaphore, #tpu.memory_space<semaphore_mem>>) src(%arg10 : memref<128x128xf32, #tpu.memory_space<vmem>>) dst(%dma_wait3A_157 : memref<128x128xf32, #tpu.memory_space<hbm>>)
      %add3A_158 = arith.constant 3 : i32
      %add3A_159 = arith.addi %mul3A_85, %add3A_158 : i32
      %mul3A_160 = arith.constant 128 : i32
      %mul3A_161 = arith.muli %add3A_159, %mul3A_160 : i32
      %dma_start3A_162 = tpu.memref_slice %arg6[%mul3A_161] : memref<2048xi32, #tpu.memory_space<vmem>> -> memref<128xi32, #tpu.memory_space<vmem>>
      %dma_start3A_163 = arith.constant 0 : i32
      %dma_start3A_164 = arith.constant 0 : i32
      %dma_start3A_165 = tpu.memref_slice %arg2[%dma_start3A_163, %dma_start3A_164] : memref<10000x128xf32, #tpu.memory_space<hbm>> -> memref<10000x128xf32, #tpu.memory_space<hbm>>
      tpu.enqueue_indirect_dma source(%dma_start3A_165 : memref<10000x128xf32, #tpu.memory_space<hbm>>) target(%arg10 : memref<128x128xf32, #tpu.memory_space<vmem>>) offsets(%dma_start3A_162 : memref<128xi32, #tpu.memory_space<vmem>>) semaphore(%arg16 : memref<!tpu.dma_semaphore, #tpu.memory_space<semaphore_mem>>)
      %mul3A_166 = arith.constant 128 : i32
      %mul3A_167 = arith.muli %add3A_159, %mul3A_166 : i32
      %dma_start3A_168 = tpu.memref_slice %arg7[%mul3A_167] : memref<2048xi32, #tpu.memory_space<vmem>> -> memref<128xi32, #tpu.memory_space<vmem>>
      %dma_start3A_169 = arith.constant 0 : i32
      %dma_start3A_170 = arith.constant 0 : i32
      %dma_start3A_171 = tpu.memref_slice %arg2[%dma_start3A_169, %dma_start3A_170] : memref<10000x128xf32, #tpu.memory_space<hbm>> -> memref<10000x128xf32, #tpu.memory_space<hbm>>
      tpu.enqueue_indirect_dma source(%dma_start3A_171 : memref<10000x128xf32, #tpu.memory_space<hbm>>) target(%arg11 : memref<128x128xf32, #tpu.memory_space<vmem>>) offsets(%dma_start3A_168 : memref<128xi32, #tpu.memory_space<vmem>>) semaphore(%arg17 : memref<!tpu.dma_semaphore, #tpu.memory_space<semaphore_mem>>)
    }
    %scan3A_32 = arith.constant 7 : i32
    %dma_wait3A_33 = arith.constant 1792 : i32
    %dma_wait3A_34 = tpu.memref_slice %arg6[%dma_wait3A_33] : memref<2048xi32, #tpu.memory_space<vmem>> -> memref<128xi32, #tpu.memory_space<vmem>>
    %dma_wait3A_35 = arith.constant 0 : i32
    %dma_wait3A_36 = arith.constant 0 : i32
    %dma_wait3A_37 = tpu.memref_slice %arg2[%dma_wait3A_35, %dma_wait3A_36] : memref<10000x128xf32, #tpu.memory_space<hbm>> -> memref<10000x128xf32, #tpu.memory_space<hbm>>
    tpu.wait_indirect_dma semaphore(%arg14 : memref<!tpu.dma_semaphore, #tpu.memory_space<semaphore_mem>>) src(%dma_wait3A_37 : memref<10000x128xf32, #tpu.memory_space<hbm>>) dst(%arg8 : memref<128x128xf32, #tpu.memory_space<vmem>>)
    %dma_wait3A_38 = arith.constant 1792 : i32
    %dma_wait3A_39 = tpu.memref_slice %arg7[%dma_wait3A_38] : memref<2048xi32, #tpu.memory_space<vmem>> -> memref<128xi32, #tpu.memory_space<vmem>>
    %dma_wait3A_40 = arith.constant 0 : i32
    %dma_wait3A_41 = arith.constant 0 : i32
    %dma_wait3A_42 = tpu.memref_slice %arg2[%dma_wait3A_40, %dma_wait3A_41] : memref<10000x128xf32, #tpu.memory_space<hbm>> -> memref<10000x128xf32, #tpu.memory_space<hbm>>
    tpu.wait_indirect_dma semaphore(%arg15 : memref<!tpu.dma_semaphore, #tpu.memory_space<semaphore_mem>>) src(%dma_wait3A_42 : memref<10000x128xf32, #tpu.memory_space<hbm>>) dst(%arg9 : memref<128x128xf32, #tpu.memory_space<vmem>>)
    %scan3A_43 = arith.constant 0 : i32
    %scan3A_44 = arith.constant 128 : i32
    %scan3A_45 = arith.addi %scan3A_43, %scan3A_44 : i32
    %scan3A_46 = arith.constant 1 : i32
    scf.for %scan3A_83 = %scan3A_43 to %scan3A_45 step %scan3A_46  : i32 {
      %get3A = arith.index_cast %scan3A_83 : i32 to index
      %get3A_84 = arith.constant 0 : index
      %get3A_85 = tpu.vector_load %arg8[%get3A, %get3A_84] {strides = array<i32>} : memref<128x128xf32, #tpu.memory_space<vmem>>, vector<1x16xf32>,
      %get3A_86 = vector.shape_cast %get3A_85 : vector<1x16xf32> to vector<16xf32>
      %get3A_87 = arith.index_cast %scan3A_83 : i32 to index
      %get3A_88 = arith.constant 0 : index
      %get3A_89 = tpu.vector_load %arg9[%get3A_87, %get3A_88] {strides = array<i32>} : memref<128x128xf32, #tpu.memory_space<vmem>>, vector<1x16xf32>,
      %get3A_90 = vector.shape_cast %get3A_89 : vector<1x16xf32> to vector<16xf32>
      %mul3A_91 = arith.mulf %get3A_86, %get3A_90 : vector<16xf32>
      %swap3A = arith.index_cast %scan3A_83 : i32 to index
      %swap3A_92 = arith.constant 0 : index
      %swap3A_93 = tpu.vector_load %arg8[%swap3A, %swap3A_92] {strides = array<i32>} : memref<128x128xf32, #tpu.memory_space<vmem>>, vector<1x16xf32>,
      %swap3A_94 = vector.shape_cast %swap3A_93 : vector<1x16xf32> to vector<16xf32>
      %swap3A_95 = vector.shape_cast %mul3A_91 : vector<16xf32> to vector<1x16xf32>
      tpu.vector_store %arg8[%swap3A, %swap3A_92], %swap3A_95 {strides = array<i32>} : memref<128x128xf32, #tpu.memory_space<vmem>>, vector<1x16xf32>,
      %get3A_96 = arith.index_cast %scan3A_83 : i32 to index
      %get3A_97 = arith.constant 16 : index
      %get3A_98 = tpu.vector_load %arg8[%get3A_96, %get3A_97] {strides = array<i32>} : memref<128x128xf32, #tpu.memory_space<vmem>>, vector<1x16xf32>,
      %get3A_99 = vector.shape_cast %get3A_98 : vector<1x16xf32> to vector<16xf32>
      %get3A_100 = arith.index_cast %scan3A_83 : i32 to index
      %get3A_101 = arith.constant 16 : index
      %get3A_102 = tpu.vector_load %arg9[%get3A_100, %get3A_101] {strides = array<i32>} : memref<128x128xf32, #tpu.memory_space<vmem>>, vector<1x16xf32>,
      %get3A_103 = vector.shape_cast %get3A_102 : vector<1x16xf32> to vector<16xf32>
      %mul3A_104 = arith.mulf %get3A_99, %get3A_103 : vector<16xf32>
      %swap3A_105 = arith.index_cast %scan3A_83 : i32 to index
      %swap3A_106 = arith.constant 16 : index
      %swap3A_107 = tpu.vector_load %arg8[%swap3A_105, %swap3A_106] {strides = array<i32>} : memref<128x128xf32, #tpu.memory_space<vmem>>, vector<1x16xf32>,
      %swap3A_108 = vector.shape_cast %swap3A_107 : vector<1x16xf32> to vector<16xf32>
      %swap3A_109 = vector.shape_cast %mul3A_104 : vector<16xf32> to vector<1x16xf32>
      tpu.vector_store %arg8[%swap3A_105, %swap3A_106], %swap3A_109 {strides = array<i32>} : memref<128x128xf32, #tpu.memory_space<vmem>>, vector<1x16xf32>,
      %get3A_110 = arith.index_cast %scan3A_83 : i32 to index
      %get3A_111 = arith.constant 32 : index
      %get3A_112 = tpu.vector_load %arg8[%get3A_110, %get3A_111] {strides = array<i32>} : memref<128x128xf32, #tpu.memory_space<vmem>>, vector<1x16xf32>,
      %get3A_113 = vector.shape_cast %get3A_112 : vector<1x16xf32> to vector<16xf32>
      %get3A_114 = arith.index_cast %scan3A_83 : i32 to index
      %get3A_115 = arith.constant 32 : index
      %get3A_116 = tpu.vector_load %arg9[%get3A_114, %get3A_115] {strides = array<i32>} : memref<128x128xf32, #tpu.memory_space<vmem>>, vector<1x16xf32>,
      %get3A_117 = vector.shape_cast %get3A_116 : vector<1x16xf32> to vector<16xf32>
      %mul3A_118 = arith.mulf %get3A_113, %get3A_117 : vector<16xf32>
      %swap3A_119 = arith.index_cast %scan3A_83 : i32 to index
      %swap3A_120 = arith.constant 32 : index
      %swap3A_121 = tpu.vector_load %arg8[%swap3A_119, %swap3A_120] {strides = array<i32>} : memref<128x128xf32, #tpu.memory_space<vmem>>, vector<1x16xf32>,
      %swap3A_122 = vector.shape_cast %swap3A_121 : vector<1x16xf32> to vector<16xf32>
      %swap3A_123 = vector.shape_cast %mul3A_118 : vector<16xf32> to vector<1x16xf32>
      tpu.vector_store %arg8[%swap3A_119, %swap3A_120], %swap3A_123 {strides = array<i32>} : memref<128x128xf32, #tpu.memory_space<vmem>>, vector<1x16xf32>,
      %get3A_124 = arith.index_cast %scan3A_83 : i32 to index
      %get3A_125 = arith.constant 48 : index
      %get3A_126 = tpu.vector_load %arg8[%get3A_124, %get3A_125] {strides = array<i32>} : memref<128x128xf32, #tpu.memory_space<vmem>>, vector<1x16xf32>,
      %get3A_127 = vector.shape_cast %get3A_126 : vector<1x16xf32> to vector<16xf32>
      %get3A_128 = arith.index_cast %scan3A_83 : i32 to index
      %get3A_129 = arith.constant 48 : index
      %get3A_130 = tpu.vector_load %arg9[%get3A_128, %get3A_129] {strides = array<i32>} : memref<128x128xf32, #tpu.memory_space<vmem>>, vector<1x16xf32>,
      %get3A_131 = vector.shape_cast %get3A_130 : vector<1x16xf32> to vector<16xf32>
      %mul3A_132 = arith.mulf %get3A_127, %get3A_131 : vector<16xf32>
      %swap3A_133 = arith.index_cast %scan3A_83 : i32 to index
      %swap3A_134 = arith.constant 48 : index
      %swap3A_135 = tpu.vector_load %arg8[%swap3A_133, %swap3A_134] {strides = array<i32>} : memref<128x128xf32, #tpu.memory_space<vmem>>, vector<1x16xf32>,
      %swap3A_136 = vector.shape_cast %swap3A_135 : vector<1x16xf32> to vector<16xf32>
      %swap3A_137 = vector.shape_cast %mul3A_132 : vector<16xf32> to vector<1x16xf32>
      tpu.vector_store %arg8[%swap3A_133, %swap3A_134], %swap3A_137 {strides = array<i32>} : memref<128x128xf32, #tpu.memory_space<vmem>>, vector<1x16xf32>,
      %get3A_138 = arith.index_cast %scan3A_83 : i32 to index
      %get3A_139 = arith.constant 64 : index
      %get3A_140 = tpu.vector_load %arg8[%get3A_138, %get3A_139] {strides = array<i32>} : memref<128x128xf32, #tpu.memory_space<vmem>>, vector<1x16xf32>,
      %get3A_141 = vector.shape_cast %get3A_140 : vector<1x16xf32> to vector<16xf32>
      %get3A_142 = arith.index_cast %scan3A_83 : i32 to index
      %get3A_143 = arith.constant 64 : index
      %get3A_144 = tpu.vector_load %arg9[%get3A_142, %get3A_143] {strides = array<i32>} : memref<128x128xf32, #tpu.memory_space<vmem>>, vector<1x16xf32>,
      %get3A_145 = vector.shape_cast %get3A_144 : vector<1x16xf32> to vector<16xf32>
      %mul3A_146 = arith.mulf %get3A_141, %get3A_145 : vector<16xf32>
      %swap3A_147 = arith.index_cast %scan3A_83 : i32 to index
      %swap3A_148 = arith.constant 64 : index
      %swap3A_149 = tpu.vector_load %arg8[%swap3A_147, %swap3A_148] {strides = array<i32>} : memref<128x128xf32, #tpu.memory_space<vmem>>, vector<1x16xf32>,
      %swap3A_150 = vector.shape_cast %swap3A_149 : vector<1x16xf32> to vector<16xf32>
      %swap3A_151 = vector.shape_cast %mul3A_146 : vector<16xf32> to vector<1x16xf32>
      tpu.vector_store %arg8[%swap3A_147, %swap3A_148], %swap3A_151 {strides = array<i32>} : memref<128x128xf32, #tpu.memory_space<vmem>>, vector<1x16xf32>,
      %get3A_152 = arith.index_cast %scan3A_83 : i32 to index
      %get3A_153 = arith.constant 80 : index
      %get3A_154 = tpu.vector_load %arg8[%get3A_152, %get3A_153] {strides = array<i32>} : memref<128x128xf32, #tpu.memory_space<vmem>>, vector<1x16xf32>,
      %get3A_155 = vector.shape_cast %get3A_154 : vector<1x16xf32> to vector<16xf32>
      %get3A_156 = arith.index_cast %scan3A_83 : i32 to index
      %get3A_157 = arith.constant 80 : index
      %get3A_158 = tpu.vector_load %arg9[%get3A_156, %get3A_157] {strides = array<i32>} : memref<128x128xf32, #tpu.memory_space<vmem>>, vector<1x16xf32>,
      %get3A_159 = vector.shape_cast %get3A_158 : vector<1x16xf32> to vector<16xf32>
      %mul3A_160 = arith.mulf %get3A_155, %get3A_159 : vector<16xf32>
      %swap3A_161 = arith.index_cast %scan3A_83 : i32 to index
      %swap3A_162 = arith.constant 80 : index
      %swap3A_163 = tpu.vector_load %arg8[%swap3A_161, %swap3A_162] {strides = array<i32>} : memref<128x128xf32, #tpu.memory_space<vmem>>, vector<1x16xf32>,
      %swap3A_164 = vector.shape_cast %swap3A_163 : vector<1x16xf32> to vector<16xf32>
      %swap3A_165 = vector.shape_cast %mul3A_160 : vector<16xf32> to vector<1x16xf32>
      tpu.vector_store %arg8[%swap3A_161, %swap3A_162], %swap3A_165 {strides = array<i32>} : memref<128x128xf32, #tpu.memory_space<vmem>>, vector<1x16xf32>,
      %get3A_166 = arith.index_cast %scan3A_83 : i32 to index
      %get3A_167 = arith.constant 96 : index
      %get3A_168 = tpu.vector_load %arg8[%get3A_166, %get3A_167] {strides = array<i32>} : memref<128x128xf32, #tpu.memory_space<vmem>>, vector<1x16xf32>,
      %get3A_169 = vector.shape_cast %get3A_168 : vector<1x16xf32> to vector<16xf32>
      %get3A_170 = arith.index_cast %scan3A_83 : i32 to index
      %get3A_171 = arith.constant 96 : index
      %get3A_172 = tpu.vector_load %arg9[%get3A_170, %get3A_171] {strides = array<i32>} : memref<128x128xf32, #tpu.memory_space<vmem>>, vector<1x16xf32>,
      %get3A_173 = vector.shape_cast %get3A_172 : vector<1x16xf32> to vector<16xf32>
      %mul3A_174 = arith.mulf %get3A_169, %get3A_173 : vector<16xf32>
      %swap3A_175 = arith.index_cast %scan3A_83 : i32 to index
      %swap3A_176 = arith.constant 96 : index
      %swap3A_177 = tpu.vector_load %arg8[%swap3A_175, %swap3A_176] {strides = array<i32>} : memref<128x128xf32, #tpu.memory_space<vmem>>, vector<1x16xf32>,
      %swap3A_178 = vector.shape_cast %swap3A_177 : vector<1x16xf32> to vector<16xf32>
      %swap3A_179 = vector.shape_cast %mul3A_174 : vector<16xf32> to vector<1x16xf32>
      tpu.vector_store %arg8[%swap3A_175, %swap3A_176], %swap3A_179 {strides = array<i32>} : memref<128x128xf32, #tpu.memory_space<vmem>>, vector<1x16xf32>,
      %get3A_180 = arith.index_cast %scan3A_83 : i32 to index
      %get3A_181 = arith.constant 112 : index
      %get3A_182 = tpu.vector_load %arg8[%get3A_180, %get3A_181] {strides = array<i32>} : memref<128x128xf32, #tpu.memory_space<vmem>>, vector<1x16xf32>,
      %get3A_183 = vector.shape_cast %get3A_182 : vector<1x16xf32> to vector<16xf32>
      %get3A_184 = arith.index_cast %scan3A_83 : i32 to index
      %get3A_185 = arith.constant 112 : index
      %get3A_186 = tpu.vector_load %arg9[%get3A_184, %get3A_185] {strides = array<i32>} : memref<128x128xf32, #tpu.memory_space<vmem>>, vector<1x16xf32>,
      %get3A_187 = vector.shape_cast %get3A_186 : vector<1x16xf32> to vector<16xf32>
      %mul3A_188 = arith.mulf %get3A_183, %get3A_187 : vector<16xf32>
      %swap3A_189 = arith.index_cast %scan3A_83 : i32 to index
      %swap3A_190 = arith.constant 112 : index
      %swap3A_191 = tpu.vector_load %arg8[%swap3A_189, %swap3A_190] {strides = array<i32>} : memref<128x128xf32, #tpu.memory_space<vmem>>, vector<1x16xf32>,
      %swap3A_192 = vector.shape_cast %swap3A_191 : vector<1x16xf32> to vector<16xf32>
      %swap3A_193 = vector.shape_cast %mul3A_188 : vector<16xf32> to vector<1x16xf32>
      tpu.vector_store %arg8[%swap3A_189, %swap3A_190], %swap3A_193 {strides = array<i32>} : memref<128x128xf32, #tpu.memory_space<vmem>>, vector<1x16xf32>,
    }
    %scan3A_47 = arith.constant 128 : i32
    %add3A_48 = arith.constant 1792 : i32
    %add3A_49 = arith.addi %mul3A_2, %add3A_48 : i32
    %dma_start3A_50 = arith.constant 0 : i32
    %dma_start3A_51 = tpu.memref_slice %arg5[%add3A_49, %dma_start3A_50] : memref<65536x128xf32, #tpu.memory_space<hbm>> -> memref<128x128xf32, #tpu.memory_space<hbm>>
    %dma_start3A_52 = arith.constant 0 : i32
    %dma_start3A_53 = tpu.memref_slice %arg5[%add3A_49, %dma_start3A_52] : memref<65536x128xf32, #tpu.memory_space<hbm>> -> memref<128x128xf32, #tpu.memory_space<hbm>>
    tpu.enqueue_dma source(%arg8 : memref<128x128xf32, #tpu.memory_space<vmem>>) target(%dma_start3A_53 : memref<128x128xf32, #tpu.memory_space<hbm>>) target_semaphore(%arg18 : memref<!tpu.dma_semaphore, #tpu.memory_space<semaphore_mem>>)
    %dma_wait3A_54 = arith.constant 1920 : i32
    %dma_wait3A_55 = tpu.memref_slice %arg6[%dma_wait3A_54] : memref<2048xi32, #tpu.memory_space<vmem>> -> memref<128xi32, #tpu.memory_space<vmem>>
    %dma_wait3A_56 = arith.constant 0 : i32
    %dma_wait3A_57 = arith.constant 0 : i32
    %dma_wait3A_58 = tpu.memref_slice %arg2[%dma_wait3A_56, %dma_wait3A_57] : memref<10000x128xf32, #tpu.memory_space<hbm>> -> memref<10000x128xf32, #tpu.memory_space<hbm>>
    tpu.wait_indirect_dma semaphore(%arg16 : memref<!tpu.dma_semaphore, #tpu.memory_space<semaphore_mem>>) src(%dma_wait3A_58 : memref<10000x128xf32, #tpu.memory_space<hbm>>) dst(%arg10 : memref<128x128xf32, #tpu.memory_space<vmem>>)
    %dma_wait3A_59 = arith.constant 1920 : i32
    %dma_wait3A_60 = tpu.memref_slice %arg7[%dma_wait3A_59] : memref<2048xi32, #tpu.memory_space<vmem>> -> memref<128xi32, #tpu.memory_space<vmem>>
    %dma_wait3A_61 = arith.constant 0 : i32
    %dma_wait3A_62 = arith.constant 0 : i32
    %dma_wait3A_63 = tpu.memref_slice %arg2[%dma_wait3A_61, %dma_wait3A_62] : memref<10000x128xf32, #tpu.memory_space<hbm>> -> memref<10000x128xf32, #tpu.memory_space<hbm>>
    tpu.wait_indirect_dma semaphore(%arg17 : memref<!tpu.dma_semaphore, #tpu.memory_space<semaphore_mem>>) src(%dma_wait3A_63 : memref<10000x128xf32, #tpu.memory_space<hbm>>) dst(%arg11 : memref<128x128xf32, #tpu.memory_space<vmem>>)
    %scan3A_64 = arith.constant 0 : i32
    %scan3A_65 = arith.constant 128 : i32
    %scan3A_66 = arith.addi %scan3A_64, %scan3A_65 : i32
    %scan3A_67 = arith.constant 1 : i32
    scf.for %scan3A_83 = %scan3A_64 to %scan3A_66 step %scan3A_67  : i32 {
      %get3A = arith.index_cast %scan3A_83 : i32 to index
      %get3A_84 = arith.constant 0 : index
      %get3A_85 = tpu.vector_load %arg10[%get3A, %get3A_84] {strides = array<i32>} : memref<128x128xf32, #tpu.memory_space<vmem>>, vector<1x16xf32>,
      %get3A_86 = vector.shape_cast %get3A_85 : vector<1x16xf32> to vector<16xf32>
      %get3A_87 = arith.index_cast %scan3A_83 : i32 to index
      %get3A_88 = arith.constant 0 : index
      %get3A_89 = tpu.vector_load %arg11[%get3A_87, %get3A_88] {strides = array<i32>} : memref<128x128xf32, #tpu.memory_space<vmem>>, vector<1x16xf32>,
      %get3A_90 = vector.shape_cast %get3A_89 : vector<1x16xf32> to vector<16xf32>
      %mul3A_91 = arith.mulf %get3A_86, %get3A_90 : vector<16xf32>
      %swap3A = arith.index_cast %scan3A_83 : i32 to index
      %swap3A_92 = arith.constant 0 : index
      %swap3A_93 = tpu.vector_load %arg10[%swap3A, %swap3A_92] {strides = array<i32>} : memref<128x128xf32, #tpu.memory_space<vmem>>, vector<1x16xf32>,
      %swap3A_94 = vector.shape_cast %swap3A_93 : vector<1x16xf32> to vector<16xf32>
      %swap3A_95 = vector.shape_cast %mul3A_91 : vector<16xf32> to vector<1x16xf32>
      tpu.vector_store %arg10[%swap3A, %swap3A_92], %swap3A_95 {strides = array<i32>} : memref<128x128xf32, #tpu.memory_space<vmem>>, vector<1x16xf32>,
      %get3A_96 = arith.index_cast %scan3A_83 : i32 to index
      %get3A_97 = arith.constant 16 : index
      %get3A_98 = tpu.vector_load %arg10[%get3A_96, %get3A_97] {strides = array<i32>} : memref<128x128xf32, #tpu.memory_space<vmem>>, vector<1x16xf32>,
      %get3A_99 = vector.shape_cast %get3A_98 : vector<1x16xf32> to vector<16xf32>
      %get3A_100 = arith.index_cast %scan3A_83 : i32 to index
      %get3A_101 = arith.constant 16 : index
      %get3A_102 = tpu.vector_load %arg11[%get3A_100, %get3A_101] {strides = array<i32>} : memref<128x128xf32, #tpu.memory_space<vmem>>, vector<1x16xf32>,
      %get3A_103 = vector.shape_cast %get3A_102 : vector<1x16xf32> to vector<16xf32>
      %mul3A_104 = arith.mulf %get3A_99, %get3A_103 : vector<16xf32>
      %swap3A_105 = arith.index_cast %scan3A_83 : i32 to index
      %swap3A_106 = arith.constant 16 : index
      %swap3A_107 = tpu.vector_load %arg10[%swap3A_105, %swap3A_106] {strides = array<i32>} : memref<128x128xf32, #tpu.memory_space<vmem>>, vector<1x16xf32>,
      %swap3A_108 = vector.shape_cast %swap3A_107 : vector<1x16xf32> to vector<16xf32>
      %swap3A_109 = vector.shape_cast %mul3A_104 : vector<16xf32> to vector<1x16xf32>
      tpu.vector_store %arg10[%swap3A_105, %swap3A_106], %swap3A_109 {strides = array<i32>} : memref<128x128xf32, #tpu.memory_space<vmem>>, vector<1x16xf32>,
      %get3A_110 = arith.index_cast %scan3A_83 : i32 to index
      %get3A_111 = arith.constant 32 : index
      %get3A_112 = tpu.vector_load %arg10[%get3A_110, %get3A_111] {strides = array<i32>} : memref<128x128xf32, #tpu.memory_space<vmem>>, vector<1x16xf32>,
      %get3A_113 = vector.shape_cast %get3A_112 : vector<1x16xf32> to vector<16xf32>
      %get3A_114 = arith.index_cast %scan3A_83 : i32 to index
      %get3A_115 = arith.constant 32 : index
      %get3A_116 = tpu.vector_load %arg11[%get3A_114, %get3A_115] {strides = array<i32>} : memref<128x128xf32, #tpu.memory_space<vmem>>, vector<1x16xf32>,
      %get3A_117 = vector.shape_cast %get3A_116 : vector<1x16xf32> to vector<16xf32>
      %mul3A_118 = arith.mulf %get3A_113, %get3A_117 : vector<16xf32>
      %swap3A_119 = arith.index_cast %scan3A_83 : i32 to index
      %swap3A_120 = arith.constant 32 : index
      %swap3A_121 = tpu.vector_load %arg10[%swap3A_119, %swap3A_120] {strides = array<i32>} : memref<128x128xf32, #tpu.memory_space<vmem>>, vector<1x16xf32>,
      %swap3A_122 = vector.shape_cast %swap3A_121 : vector<1x16xf32> to vector<16xf32>
      %swap3A_123 = vector.shape_cast %mul3A_118 : vector<16xf32> to vector<1x16xf32>
      tpu.vector_store %arg10[%swap3A_119, %swap3A_120], %swap3A_123 {strides = array<i32>} : memref<128x128xf32, #tpu.memory_space<vmem>>, vector<1x16xf32>,
      %get3A_124 = arith.index_cast %scan3A_83 : i32 to index
      %get3A_125 = arith.constant 48 : index
      %get3A_126 = tpu.vector_load %arg10[%get3A_124, %get3A_125] {strides = array<i32>} : memref<128x128xf32, #tpu.memory_space<vmem>>, vector<1x16xf32>,
      %get3A_127 = vector.shape_cast %get3A_126 : vector<1x16xf32> to vector<16xf32>
      %get3A_128 = arith.index_cast %scan3A_83 : i32 to index
      %get3A_129 = arith.constant 48 : index
      %get3A_130 = tpu.vector_load %arg11[%get3A_128, %get3A_129] {strides = array<i32>} : memref<128x128xf32, #tpu.memory_space<vmem>>, vector<1x16xf32>,
      %get3A_131 = vector.shape_cast %get3A_130 : vector<1x16xf32> to vector<16xf32>
      %mul3A_132 = arith.mulf %get3A_127, %get3A_131 : vector<16xf32>
      %swap3A_133 = arith.index_cast %scan3A_83 : i32 to index
      %swap3A_134 = arith.constant 48 : index
      %swap3A_135 = tpu.vector_load %arg10[%swap3A_133, %swap3A_134] {strides = array<i32>} : memref<128x128xf32, #tpu.memory_space<vmem>>, vector<1x16xf32>,
      %swap3A_136 = vector.shape_cast %swap3A_135 : vector<1x16xf32> to vector<16xf32>
      %swap3A_137 = vector.shape_cast %mul3A_132 : vector<16xf32> to vector<1x16xf32>
      tpu.vector_store %arg10[%swap3A_133, %swap3A_134], %swap3A_137 {strides = array<i32>} : memref<128x128xf32, #tpu.memory_space<vmem>>, vector<1x16xf32>,
      %get3A_138 = arith.index_cast %scan3A_83 : i32 to index
      %get3A_139 = arith.constant 64 : index
      %get3A_140 = tpu.vector_load %arg10[%get3A_138, %get3A_139] {strides = array<i32>} : memref<128x128xf32, #tpu.memory_space<vmem>>, vector<1x16xf32>,
      %get3A_141 = vector.shape_cast %get3A_140 : vector<1x16xf32> to vector<16xf32>
      %get3A_142 = arith.index_cast %scan3A_83 : i32 to index
      %get3A_143 = arith.constant 64 : index
      %get3A_144 = tpu.vector_load %arg11[%get3A_142, %get3A_143] {strides = array<i32>} : memref<128x128xf32, #tpu.memory_space<vmem>>, vector<1x16xf32>,
      %get3A_145 = vector.shape_cast %get3A_144 : vector<1x16xf32> to vector<16xf32>
      %mul3A_146 = arith.mulf %get3A_141, %get3A_145 : vector<16xf32>
      %swap3A_147 = arith.index_cast %scan3A_83 : i32 to index
      %swap3A_148 = arith.constant 64 : index
      %swap3A_149 = tpu.vector_load %arg10[%swap3A_147, %swap3A_148] {strides = array<i32>} : memref<128x128xf32, #tpu.memory_space<vmem>>, vector<1x16xf32>,
      %swap3A_150 = vector.shape_cast %swap3A_149 : vector<1x16xf32> to vector<16xf32>
      %swap3A_151 = vector.shape_cast %mul3A_146 : vector<16xf32> to vector<1x16xf32>
      tpu.vector_store %arg10[%swap3A_147, %swap3A_148], %swap3A_151 {strides = array<i32>} : memref<128x128xf32, #tpu.memory_space<vmem>>, vector<1x16xf32>,
      %get3A_152 = arith.index_cast %scan3A_83 : i32 to index
      %get3A_153 = arith.constant 80 : index
      %get3A_154 = tpu.vector_load %arg10[%get3A_152, %get3A_153] {strides = array<i32>} : memref<128x128xf32, #tpu.memory_space<vmem>>, vector<1x16xf32>,
      %get3A_155 = vector.shape_cast %get3A_154 : vector<1x16xf32> to vector<16xf32>
      %get3A_156 = arith.index_cast %scan3A_83 : i32 to index
      %get3A_157 = arith.constant 80 : index
      %get3A_158 = tpu.vector_load %arg11[%get3A_156, %get3A_157] {strides = array<i32>} : memref<128x128xf32, #tpu.memory_space<vmem>>, vector<1x16xf32>,
      %get3A_159 = vector.shape_cast %get3A_158 : vector<1x16xf32> to vector<16xf32>
      %mul3A_160 = arith.mulf %get3A_155, %get3A_159 : vector<16xf32>
      %swap3A_161 = arith.index_cast %scan3A_83 : i32 to index
      %swap3A_162 = arith.constant 80 : index
      %swap3A_163 = tpu.vector_load %arg10[%swap3A_161, %swap3A_162] {strides = array<i32>} : memref<128x128xf32, #tpu.memory_space<vmem>>, vector<1x16xf32>,
      %swap3A_164 = vector.shape_cast %swap3A_163 : vector<1x16xf32> to vector<16xf32>
      %swap3A_165 = vector.shape_cast %mul3A_160 : vector<16xf32> to vector<1x16xf32>
      tpu.vector_store %arg10[%swap3A_161, %swap3A_162], %swap3A_165 {strides = array<i32>} : memref<128x128xf32, #tpu.memory_space<vmem>>, vector<1x16xf32>,
      %get3A_166 = arith.index_cast %scan3A_83 : i32 to index
      %get3A_167 = arith.constant 96 : index
      %get3A_168 = tpu.vector_load %arg10[%get3A_166, %get3A_167] {strides = array<i32>} : memref<128x128xf32, #tpu.memory_space<vmem>>, vector<1x16xf32>,
      %get3A_169 = vector.shape_cast %get3A_168 : vector<1x16xf32> to vector<16xf32>
      %get3A_170 = arith.index_cast %scan3A_83 : i32 to index
      %get3A_171 = arith.constant 96 : index
      %get3A_172 = tpu.vector_load %arg11[%get3A_170, %get3A_171] {strides = array<i32>} : memref<128x128xf32, #tpu.memory_space<vmem>>, vector<1x16xf32>,
      %get3A_173 = vector.shape_cast %get3A_172 : vector<1x16xf32> to vector<16xf32>
      %mul3A_174 = arith.mulf %get3A_169, %get3A_173 : vector<16xf32>
      %swap3A_175 = arith.index_cast %scan3A_83 : i32 to index
      %swap3A_176 = arith.constant 96 : index
      %swap3A_177 = tpu.vector_load %arg10[%swap3A_175, %swap3A_176] {strides = array<i32>} : memref<128x128xf32, #tpu.memory_space<vmem>>, vector<1x16xf32>,
      %swap3A_178 = vector.shape_cast %swap3A_177 : vector<1x16xf32> to vector<16xf32>
      %swap3A_179 = vector.shape_cast %mul3A_174 : vector<16xf32> to vector<1x16xf32>
      tpu.vector_store %arg10[%swap3A_175, %swap3A_176], %swap3A_179 {strides = array<i32>} : memref<128x128xf32, #tpu.memory_space<vmem>>, vector<1x16xf32>,
      %get3A_180 = arith.index_cast %scan3A_83 : i32 to index
      %get3A_181 = arith.constant 112 : index
      %get3A_182 = tpu.vector_load %arg10[%get3A_180, %get3A_181] {strides = array<i32>} : memref<128x128xf32, #tpu.memory_space<vmem>>, vector<1x16xf32>,
      %get3A_183 = vector.shape_cast %get3A_182 : vector<1x16xf32> to vector<16xf32>
      %get3A_184 = arith.index_cast %scan3A_83 : i32 to index
      %get3A_185 = arith.constant 112 : index
      %get3A_186 = tpu.vector_load %arg11[%get3A_184, %get3A_185] {strides = array<i32>} : memref<128x128xf32, #tpu.memory_space<vmem>>, vector<1x16xf32>,
      %get3A_187 = vector.shape_cast %get3A_186 : vector<1x16xf32> to vector<16xf32>
      %mul3A_188 = arith.mulf %get3A_183, %get3A_187 : vector<16xf32>
      %swap3A_189 = arith.index_cast %scan3A_83 : i32 to index
      %swap3A_190 = arith.constant 112 : index
      %swap3A_191 = tpu.vector_load %arg10[%swap3A_189, %swap3A_190] {strides = array<i32>} : memref<128x128xf32, #tpu.memory_space<vmem>>, vector<1x16xf32>,
      %swap3A_192 = vector.shape_cast %swap3A_191 : vector<1x16xf32> to vector<16xf32>
      %swap3A_193 = vector.shape_cast %mul3A_188 : vector<16xf32> to vector<1x16xf32>
      tpu.vector_store %arg10[%swap3A_189, %swap3A_190], %swap3A_193 {strides = array<i32>} : memref<128x128xf32, #tpu.memory_space<vmem>>, vector<1x16xf32>,
    }
    %scan3A_68 = arith.constant 128 : i32
    %add3A_69 = arith.constant 1920 : i32
    %add3A_70 = arith.addi %mul3A_2, %add3A_69 : i32
    %dma_start3A_71 = arith.constant 0 : i32
    %dma_start3A_72 = tpu.memref_slice %arg5[%add3A_70, %dma_start3A_71] : memref<65536x128xf32, #tpu.memory_space<hbm>> -> memref<128x128xf32, #tpu.memory_space<hbm>>
    %dma_start3A_73 = arith.constant 0 : i32
    %dma_start3A_74 = tpu.memref_slice %arg5[%add3A_70, %dma_start3A_73] : memref<65536x128xf32, #tpu.memory_space<hbm>> -> memref<128x128xf32, #tpu.memory_space<hbm>>
    tpu.enqueue_dma source(%arg10 : memref<128x128xf32, #tpu.memory_space<vmem>>) target(%dma_start3A_74 : memref<128x128xf32, #tpu.memory_space<hbm>>) target_semaphore(%arg19 : memref<!tpu.dma_semaphore, #tpu.memory_space<semaphore_mem>>)
    %dma_wait3A_75 = arith.constant 0 : i32
    %dma_wait3A_76 = tpu.memref_slice %arg5[%add3A_49, %dma_wait3A_75] : memref<65536x128xf32, #tpu.memory_space<hbm>> -> memref<128x128xf32, #tpu.memory_space<hbm>>
    %dma_wait3A_77 = arith.constant 0 : i32
    %dma_wait3A_78 = tpu.memref_slice %arg5[%add3A_49, %dma_wait3A_77] : memref<65536x128xf32, #tpu.memory_space<hbm>> -> memref<128x128xf32, #tpu.memory_space<hbm>>
    tpu.wait_dma2 semaphore(%arg18 : memref<!tpu.dma_semaphore, #tpu.memory_space<semaphore_mem>>) src(%arg8 : memref<128x128xf32, #tpu.memory_space<vmem>>) dst(%dma_wait3A_78 : memref<128x128xf32, #tpu.memory_space<hbm>>)
    %dma_wait3A_79 = arith.constant 0 : i32
    %dma_wait3A_80 = tpu.memref_slice %arg5[%add3A_70, %dma_wait3A_79] : memref<65536x128xf32, #tpu.memory_space<hbm>> -> memref<128x128xf32, #tpu.memory_space<hbm>>
    %dma_wait3A_81 = arith.constant 0 : i32
    %dma_wait3A_82 = tpu.memref_slice %arg5[%add3A_70, %dma_wait3A_81] : memref<65536x128xf32, #tpu.memory_space<hbm>> -> memref<128x128xf32, #tpu.memory_space<hbm>>
    tpu.wait_dma2 semaphore(%arg19 : memref<!tpu.dma_semaphore, #tpu.memory_space<semaphore_mem>>) src(%arg10 : memref<128x128xf32, #tpu.memory_space<vmem>>) dst(%dma_wait3A_82 : memref<128x128xf32, #tpu.memory_space<hbm>>)
    return
  }
}

module attributes {stable_mosaic.version = 14 : i64} {
  func.func @_pre1_body(%arg0: i32, %arg1: memref<2000x128xf32, #tpu.memory_space<vmem>>, %arg2: memref<128x128xf32, #tpu.memory_space<vmem>>, %arg3: memref<128x200xf32, #tpu.memory_space<vmem>>, %arg4: memref<200xf32, #tpu.memory_space<vmem>>, %arg5: memref<2x2000x128xf32, #tpu.memory_space<vmem>>, %arg6: memref<2000x128xf32, #tpu.memory_space<vmem>>, %arg7: memref<2000x200xf32, #tpu.memory_space<vmem>>, %arg8: memref<50x50xf32, #tpu.memory_space<vmem>>, %arg9: memref<1x1xf32, #tpu.memory_space<vmem>>, %arg10: memref<2x50xf32, #tpu.memory_space<vmem>>, %arg11: memref<2000x1xf32, #tpu.memory_space<vmem>>) attributes {dimension_semantics = [#tpu.dimension_semantics<arbitrary>], iteration_bounds = array<i64: 5>, scalar_prefetch = 0 : i64, scratch_operands = 0 : i64, tpu.core_type = #tpu.core_type<tc>, window_params = [{transform_indices = @transform_0, window_bounds = array<i64: 2000, 128>}, {pipeline_mode = #tpu.pipeline_mode<synchronous>, transform_indices = @transform_1, window_bounds = array<i64: 128, 128>}, {pipeline_mode = #tpu.pipeline_mode<synchronous>, transform_indices = @transform_2, window_bounds = array<i64: 128, 200>}, {pipeline_mode = #tpu.pipeline_mode<synchronous>, transform_indices = @transform_3, window_bounds = array<i64: 200>}, {transform_indices = @transform_4, window_bounds = array<i64: 2, 2000, 128>}, {transform_indices = @transform_5, window_bounds = array<i64: 2000, 128>}, {transform_indices = @transform_6, window_bounds = array<i64: 2000, 200>}, {pipeline_mode = #tpu.pipeline_mode<synchronous>, transform_indices = @transform_7, window_bounds = array<i64: 50, 50>}, {pipeline_mode = #tpu.pipeline_mode<synchronous>, transform_indices = @transform_8, window_bounds = array<i64: 1, 1>}, {pipeline_mode = #tpu.pipeline_mode<synchronous>, transform_indices = @transform_9, window_bounds = array<i64: 2, 50>}, {transform_indices = @transform_10, window_bounds = array<i64: 2000, 1>}]} {
    %get3A = arith.constant 0 : index
    %get3A_0 = arith.constant 0 : index
    %get3A_1 = arith.constant 0 : index
    %get3A_2 = vector.load %arg5[%get3A, %get3A_0, %get3A_1] : memref<2x2000x128xf32, #tpu.memory_space<vmem>>, vector<2x2000x128xf32>
    %slice3A = vector.extract_strided_slice %get3A_2 {offsets = [0, 0, 0], sizes = [1, 2000, 1], strides = [1, 1, 1]} : vector<2x2000x128xf32> to vector<1x2000x1xf32>
    %squeeze3A = vector.shape_cast %slice3A : vector<1x2000x1xf32> to vector<2000xf32>
    %slice3A_3 = vector.extract_strided_slice %get3A_2 {offsets = [1, 0, 0], sizes = [1, 2000, 1], strides = [1, 1, 1]} : vector<2x2000x128xf32> to vector<1x2000x1xf32>
    %squeeze3A_4 = vector.shape_cast %slice3A_3 : vector<1x2000x1xf32> to vector<2000xf32>
    %add3A = arith.addf %squeeze3A, %squeeze3A_4 : vector<2000xf32>
    %add3A_5 = arith.constant 1.000000e+00 : f32
    %add3A_6 = vector.broadcast %add3A_5 : f32 to vector<2000xf32>
    %add3A_7 = arith.addf %add3A, %add3A_6 : vector<2000xf32>
    %rsqrt3A = math.rsqrt %add3A_7 : vector<2000xf32>
    %broadcast_in_dim3A = vector.shape_cast %rsqrt3A : vector<2000xf32> to vector<2000x1xf32>
    %swap3A = arith.constant 0 : index
    %swap3A_8 = arith.constant 0 : index
    %swap3A_9 = vector.load %arg11[%swap3A, %swap3A_8] : memref<2000x1xf32, #tpu.memory_space<vmem>>, vector<2000x1xf32>
    tpu.vector_store %arg11[%swap3A, %swap3A_8], %broadcast_in_dim3A {strides = array<i32>} : memref<2000x1xf32, #tpu.memory_space<vmem>>, vector<2000x1xf32>,
    %get3A_10 = arith.constant 0 : index
    %get3A_11 = arith.constant 0 : index
    %get3A_12 = vector.load %arg1[%get3A_10, %get3A_11] : memref<2000x128xf32, #tpu.memory_space<vmem>>, vector<2000x128xf32>
    %get3A_13 = arith.constant 0 : index
    %get3A_14 = arith.constant 0 : index
    %get3A_15 = vector.load %arg2[%get3A_13, %get3A_14] : memref<128x128xf32, #tpu.memory_space<vmem>>, vector<128x128xf32>
    %dot_general3A = arith.constant dense<0.000000e+00> : vector<2000x128xf32>
    %dot_general3A_16 = tpu.matmul %get3A_12, %get3A_15, %dot_general3A {dimension_numbers = #tpu.dot_dimension_numbers<[1], [0], [0], [1], [0, 0, 1, 1], [], []>, transpose_lhs_hint = false} : vector<2000x128xf32>, vector<128x128xf32>, vector<2000x128xf32> -> vector<2000x128xf32>
    %mul3A = vector.broadcast %broadcast_in_dim3A : vector<2000x1xf32> to vector<2000x128xf32>
    %mul3A_17 = arith.mulf %dot_general3A_16, %mul3A : vector<2000x128xf32>
    %swap3A_18 = arith.constant 0 : index
    %swap3A_19 = arith.constant 0 : index
    %swap3A_20 = vector.load %arg6[%swap3A_18, %swap3A_19] : memref<2000x128xf32, #tpu.memory_space<vmem>>, vector<2000x128xf32>
    tpu.vector_store %arg6[%swap3A_18, %swap3A_19], %mul3A_17 {strides = array<i32>} : memref<2000x128xf32, #tpu.memory_space<vmem>>, vector<2000x128xf32>,
    %get3A_21 = arith.constant 0 : index
    %get3A_22 = arith.constant 0 : index
    %get3A_23 = vector.load %arg3[%get3A_21, %get3A_22] : memref<128x200xf32, #tpu.memory_space<vmem>>, vector<128x200xf32>
    %dot_general3A_24 = arith.constant dense<0.000000e+00> : vector<2000x200xf32>
    %dot_general3A_25 = tpu.matmul %get3A_12, %get3A_23, %dot_general3A_24 {dimension_numbers = #tpu.dot_dimension_numbers<[1], [0], [0], [1], [0, 0, 1, 1], [], []>, transpose_lhs_hint = false} : vector<2000x128xf32>, vector<128x200xf32>, vector<2000x200xf32> -> vector<2000x200xf32>
    %get3A_26 = arith.constant 0 : index
    %get3A_27 = vector.load %arg4[%get3A_26] : memref<200xf32, #tpu.memory_space<vmem>>, vector<200xf32>
    %broadcast_in_dim3A_28 = vector.shape_cast %get3A_27 : vector<200xf32> to vector<1x200xf32>
    %add3A_29 = vector.broadcast %broadcast_in_dim3A_28 : vector<1x200xf32> to vector<2000x200xf32>
    %add3A_30 = arith.addf %dot_general3A_25, %add3A_29 : vector<2000x200xf32>
    %max3A = arith.constant 0.000000e+00 : f32
    %max3A_31 = vector.broadcast %max3A : f32 to vector<2000x200xf32>
    %max3A_32 = arith.maximumf %add3A_30, %max3A_31 : vector<2000x200xf32>
    %swap3A_33 = arith.constant 0 : index
    %swap3A_34 = arith.constant 0 : index
    %swap3A_35 = vector.load %arg7[%swap3A_33, %swap3A_34] : memref<2000x200xf32, #tpu.memory_space<vmem>>, vector<2000x200xf32>
    tpu.vector_store %arg7[%swap3A_33, %swap3A_34], %max3A_32 {strides = array<i32>} : memref<2000x200xf32, #tpu.memory_space<vmem>>, vector<2000x200xf32>,
    %slice3A_36 = vector.extract_strided_slice %max3A_32 {offsets = [0, 0], sizes = [2000, 50], strides = [1, 1]} : vector<2000x200xf32> to vector<2000x50xf32>
    %slice3A_37 = vector.extract_strided_slice %max3A_32 {offsets = [0, 50], sizes = [2000, 50], strides = [1, 1]} : vector<2000x200xf32> to vector<2000x50xf32>
    %slice3A_38 = vector.extract_strided_slice %max3A_32 {offsets = [0, 100], sizes = [2000, 50], strides = [1, 1]} : vector<2000x200xf32> to vector<2000x50xf32>
    %dot_general3A_39 = arith.constant dense<0.000000e+00> : vector<50x50xf32>
    %dot_general3A_40 = tpu.matmul %slice3A_37, %slice3A_38, %dot_general3A_39 {dimension_numbers = #tpu.dot_dimension_numbers<[0], [0], [1], [1], [0, 1, 1, 1], [], []>, transpose_lhs_hint = false} : vector<2000x50xf32>, vector<2000x50xf32>, vector<50x50xf32> -> vector<50x50xf32>
    %reduce_sum3A = arith.constant dense<0.000000e+00> : vector<50xf32>
    %reduce_sum3A_41 = vector.multi_reduction <add>, %slice3A_36, %reduce_sum3A [0] : vector<2000x50xf32> to vector<50xf32>
    %reduce_sum3A_42 = arith.constant dense<0.000000e+00> : vector<50xf32>
    %reduce_sum3A_43 = vector.multi_reduction <add>, %slice3A_37, %reduce_sum3A_42 [0] : vector<2000x50xf32> to vector<50xf32>
    %stack3A = vector.shape_cast %reduce_sum3A_41 : vector<50xf32> to vector<1x50xf32>
    %stack3A_44 = vector.shape_cast %reduce_sum3A_43 : vector<50xf32> to vector<1x50xf32>
    %stack3A_45 = tpu.concatenate %stack3A, %stack3A_44 in 0 : vector<1x50xf32>, vector<1x50xf32> -> vector<2x50xf32>
    %eq3A = arith.constant 0 : i32
    %eq3A_46 = arith.cmpi eq, %arg0, %eq3A : i32
    %convert_element_type3A = arith.extui %eq3A_46 : i1 to i32
    %cond3A = arith.constant 0 : i32
    %cond3A_47 = arith.cmpi ne, %convert_element_type3A, %cond3A : i32
    scf.if %cond3A_47 {
      %swap3A_57 = arith.constant 0 : index
      %swap3A_58 = arith.constant 0 : index
      %swap3A_59 = vector.load %arg8[%swap3A_57, %swap3A_58] : memref<50x50xf32, #tpu.memory_space<vmem>>, vector<50x50xf32>
      tpu.vector_store %arg8[%swap3A_57, %swap3A_58], %dot_general3A_40 {strides = array<i32>} : memref<50x50xf32, #tpu.memory_space<vmem>>, vector<50x50xf32>,
      %swap3A_60 = arith.constant 0 : index
      %swap3A_61 = arith.constant 0 : index
      %swap3A_62 = vector.load %arg10[%swap3A_60, %swap3A_61] : memref<2x50xf32, #tpu.memory_space<vmem>>, vector<2x50xf32>
      tpu.vector_store %arg10[%swap3A_60, %swap3A_61], %stack3A_45 {strides = array<i32>} : memref<2x50xf32, #tpu.memory_space<vmem>>, vector<2x50xf32>,
    } else {
    }
    %gt3A = arith.constant 0 : i32
    %gt3A_48 = arith.cmpi sgt, %arg0, %gt3A : i32
    %convert_element_type3A_49 = arith.extui %gt3A_48 : i1 to i32
    %cond3A_50 = arith.constant 0 : i32
    %cond3A_51 = arith.cmpi ne, %convert_element_type3A_49, %cond3A_50 : i32
    scf.if %cond3A_51 {
      %get3A_57 = arith.constant 0 : index
      %get3A_58 = arith.constant 0 : index
      %get3A_59 = vector.load %arg8[%get3A_57, %get3A_58] : memref<50x50xf32, #tpu.memory_space<vmem>>, vector<50x50xf32>
      %add3A_60 = arith.addf %get3A_59, %dot_general3A_40 : vector<50x50xf32>
      %swap3A_61 = arith.constant 0 : index
      %swap3A_62 = arith.constant 0 : index
      %swap3A_63 = vector.load %arg8[%swap3A_61, %swap3A_62] : memref<50x50xf32, #tpu.memory_space<vmem>>, vector<50x50xf32>
      tpu.vector_store %arg8[%swap3A_61, %swap3A_62], %add3A_60 {strides = array<i32>} : memref<50x50xf32, #tpu.memory_space<vmem>>, vector<50x50xf32>,
      %get3A_64 = arith.constant 0 : index
      %get3A_65 = arith.constant 0 : index
      %get3A_66 = vector.load %arg10[%get3A_64, %get3A_65] : memref<2x50xf32, #tpu.memory_space<vmem>>, vector<2x50xf32>
      %add3A_67 = arith.addf %get3A_66, %stack3A_45 : vector<2x50xf32>
      %swap3A_68 = arith.constant 0 : index
      %swap3A_69 = arith.constant 0 : index
      %swap3A_70 = vector.load %arg10[%swap3A_68, %swap3A_69] : memref<2x50xf32, #tpu.memory_space<vmem>>, vector<2x50xf32>
      tpu.vector_store %arg10[%swap3A_68, %swap3A_69], %add3A_67 {strides = array<i32>} : memref<2x50xf32, #tpu.memory_space<vmem>>, vector<2x50xf32>,
    } else {
    }
    %eq3A_52 = arith.constant 4 : i32
    %eq3A_53 = arith.cmpi eq, %arg0, %eq3A_52 : i32
    %convert_element_type3A_54 = arith.extui %eq3A_53 : i1 to i32
    %cond3A_55 = arith.constant 0 : i32
    %cond3A_56 = arith.cmpi ne, %convert_element_type3A_54, %cond3A_55 : i32
    scf.if %cond3A_56 {
      %get3A_57 = arith.constant 0 : index
      %get3A_58 = arith.constant 0 : index
      %get3A_59 = vector.load %arg10[%get3A_57, %get3A_58] : memref<2x50xf32, #tpu.memory_space<vmem>>, vector<2x50xf32>
      %slice3A_60 = vector.extract_strided_slice %get3A_59 {offsets = [0, 0], sizes = [1, 50], strides = [1, 1]} : vector<2x50xf32> to vector<1x50xf32>
      %squeeze3A_61 = vector.shape_cast %slice3A_60 : vector<1x50xf32> to vector<50xf32>
      %slice3A_62 = vector.extract_strided_slice %get3A_59 {offsets = [1, 0], sizes = [1, 50], strides = [1, 1]} : vector<2x50xf32> to vector<1x50xf32>
      %squeeze3A_63 = vector.shape_cast %slice3A_62 : vector<1x50xf32> to vector<50xf32>
      %mul3A_64 = arith.mulf %squeeze3A_61, %squeeze3A_63 : vector<50xf32>
      %reduce_sum3A_65 = vector.shape_cast %mul3A_64 : vector<50xf32> to vector<1x50xf32>
      %reduce_sum3A_66 = arith.constant dense<0.000000e+00> : vector<1xf32>
      %reduce_sum3A_67 = vector.multi_reduction <add>, %reduce_sum3A_65, %reduce_sum3A_66 [1] : vector<1x50xf32> to vector<1xf32>
      %reduce_sum3A_68 = vector.shape_cast %reduce_sum3A_67 : vector<1xf32> to vector<1x1xf32>
      %reduce_sum3A_69 = vector.extract %reduce_sum3A_68[0, 0] : f32 from vector<1x1xf32>
      %div3A = arith.constant 1.000000e+04 : f32
      %div3A_70 = arith.divf %reduce_sum3A_69, %div3A : f32
      %add3A_71 = arith.constant 9.99999997E-7 : f32
      %add3A_72 = arith.addf %div3A_70, %add3A_71 : f32
      %reshape3A = vector.broadcast %add3A_72 : f32 to vector<1x1xf32>
      %swap3A_73 = arith.constant 0 : index
      %swap3A_74 = arith.constant 0 : index
      %swap3A_75 = vector.load %arg9[%swap3A_73, %swap3A_74] : memref<1x1xf32, #tpu.memory_space<vmem>>, vector<1x1xf32>
      tpu.vector_store %arg9[%swap3A_73, %swap3A_74], %reshape3A {strides = array<i32>} : memref<1x1xf32, #tpu.memory_space<vmem>>, vector<1x1xf32>,
    } else {
    }
    return
  }
  func.func @transform_0(%arg0: i32) -> (i32, i32) {
    %c0_i32 = arith.constant 0 : i32
    %c0_i32_0 = arith.constant 0 : i32
    return %arg0, %c0_i32 : i32, i32
  }
  func.func @transform_1(%arg0: i32) -> (i32, i32) {
    %c0_i32 = arith.constant 0 : i32
    %c0_i32_0 = arith.constant 0 : i32
    %c0_i32_1 = arith.constant 0 : i32
    return %c0_i32, %c0_i32_0 : i32, i32
  }
  func.func @transform_2(%arg0: i32) -> (i32, i32) {
    %c0_i32 = arith.constant 0 : i32
    %c0_i32_0 = arith.constant 0 : i32
    %c0_i32_1 = arith.constant 0 : i32
    return %c0_i32, %c0_i32_0 : i32, i32
  }
  func.func @transform_3(%arg0: i32) -> i32 {
    %c0_i32 = arith.constant 0 : i32
    %c0_i32_0 = arith.constant 0 : i32
    return %c0_i32 : i32
  }
  func.func @transform_4(%arg0: i32) -> (i32, i32, i32) {
    %c0_i32 = arith.constant 0 : i32
    %c0_i32_0 = arith.constant 0 : i32
    %c0_i32_1 = arith.constant 0 : i32
    return %c0_i32, %arg0, %c0_i32_0 : i32, i32, i32
  }
  func.func @transform_5(%arg0: i32) -> (i32, i32) {
    %c0_i32 = arith.constant 0 : i32
    %c0_i32_0 = arith.constant 0 : i32
    return %arg0, %c0_i32 : i32, i32
  }
  func.func @transform_6(%arg0: i32) -> (i32, i32) {
    %c0_i32 = arith.constant 0 : i32
    %c0_i32_0 = arith.constant 0 : i32
    return %arg0, %c0_i32 : i32, i32
  }
  func.func @transform_7(%arg0: i32) -> (i32, i32) {
    %c0_i32 = arith.constant 0 : i32
    %c0_i32_0 = arith.constant 0 : i32
    %c0_i32_1 = arith.constant 0 : i32
    return %c0_i32, %c0_i32_0 : i32, i32
  }
  func.func @transform_8(%arg0: i32) -> (i32, i32) {
    %c0_i32 = arith.constant 0 : i32
    %c0_i32_0 = arith.constant 0 : i32
    %c0_i32_1 = arith.constant 0 : i32
    return %c0_i32, %c0_i32_0 : i32, i32
  }
  func.func @transform_9(%arg0: i32) -> (i32, i32) {
    %c0_i32 = arith.constant 0 : i32
    %c0_i32_0 = arith.constant 0 : i32
    %c0_i32_1 = arith.constant 0 : i32
    return %c0_i32, %c0_i32_0 : i32, i32
  }
  func.func @transform_10(%arg0: i32) -> (i32, i32) {
    %c0_i32 = arith.constant 0 : i32
    %c0_i32_0 = arith.constant 0 : i32
    return %arg0, %c0_i32 : i32, i32
  }
}

module attributes {stable_mosaic.version = 14 : i64} {
  func.func @_mixpre_body(%arg0: i32, %arg1: memref<2x2000x128xf32, #tpu.memory_space<vmem>>, %arg2: memref<2000x128xf32, #tpu.memory_space<vmem>>, %arg3: memref<2000x1xf32, #tpu.memory_space<vmem>>, %arg4: memref<128xf32, #tpu.memory_space<vmem>>, %arg5: memref<2000x200xf32, #tpu.memory_space<vmem>>, %arg6: memref<50x50xf32, #tpu.memory_space<vmem>>, %arg7: memref<1x1xf32, #tpu.memory_space<vmem>>, %arg8: memref<50x128xf32, #tpu.memory_space<vmem>>, %arg9: memref<50x128xf32, #tpu.memory_space<vmem>>, %arg10: memref<128x128xf32, #tpu.memory_space<vmem>>, %arg11: memref<128xf32, #tpu.memory_space<vmem>>, %arg12: memref<128xf32, #tpu.memory_space<vmem>>, %arg13: memref<128xf32, #tpu.memory_space<vmem>>, %arg14: memref<128x128xf32, #tpu.memory_space<vmem>>, %arg15: memref<128x200xf32, #tpu.memory_space<vmem>>, %arg16: memref<200xf32, #tpu.memory_space<vmem>>, %arg17: memref<2000x128xf32, #tpu.memory_space<vmem>>, %arg18: memref<2000x200xf32, #tpu.memory_space<vmem>>, %arg19: memref<50x50xf32, #tpu.memory_space<vmem>>, %arg20: memref<1x1xf32, #tpu.memory_space<vmem>>, %arg21: memref<2x50xf32, #tpu.memory_space<vmem>>) attributes {dimension_semantics = [#tpu.dimension_semantics<arbitrary>], iteration_bounds = array<i64: 5>, scalar_prefetch = 0 : i64, scratch_operands = 0 : i64, tpu.core_type = #tpu.core_type<tc>, window_params = [{transform_indices = @transform_0, window_bounds = array<i64: 2, 2000, 128>}, {transform_indices = @transform_1, window_bounds = array<i64: 2000, 128>}, {transform_indices = @transform_2, window_bounds = array<i64: 2000, 1>}, {pipeline_mode = #tpu.pipeline_mode<synchronous>, transform_indices = @transform_3, window_bounds = array<i64: 128>}, {transform_indices = @transform_4, window_bounds = array<i64: 2000, 200>}, {pipeline_mode = #tpu.pipeline_mode<synchronous>, transform_indices = @transform_5, window_bounds = array<i64: 50, 50>}, {pipeline_mode = #tpu.pipeline_mode<synchronous>, transform_indices = @transform_6, window_bounds = array<i64: 1, 1>}, {pipeline_mode = #tpu.pipeline_mode<synchronous>, transform_indices = @transform_7, window_bounds = array<i64: 50, 128>}, {pipeline_mode = #tpu.pipeline_mode<synchronous>, transform_indices = @transform_8, window_bounds = array<i64: 50, 128>}, {pipeline_mode = #tpu.pipeline_mode<synchronous>, transform_indices = @transform_9, window_bounds = array<i64: 128, 128>}, {pipeline_mode = #tpu.pipeline_mode<synchronous>, transform_indices = @transform_10, window_bounds = array<i64: 128>}, {pipeline_mode = #tpu.pipeline_mode<synchronous>, transform_indices = @transform_11, window_bounds = array<i64: 128>}, {pipeline_mode = #tpu.pipeline_mode<synchronous>, transform_indices = @transform_12, window_bounds = array<i64: 128>}, {pipeline_mode = #tpu.pipeline_mode<synchronous>, transform_indices = @transform_13, window_bounds = array<i64: 128, 128>}, {pipeline_mode = #tpu.pipeline_mode<synchronous>, transform_indices = @transform_14, window_bounds = array<i64: 128, 200>}, {pipeline_mode = #tpu.pipeline_mode<synchronous>, transform_indices = @transform_15, window_bounds = array<i64: 200>}, {transform_indices = @transform_16, window_bounds = array<i64: 2000, 128>}, {transform_indices = @transform_17, window_bounds = array<i64: 2000, 200>}, {pipeline_mode = #tpu.pipeline_mode<synchronous>, transform_indices = @transform_18, window_bounds = array<i64: 50, 50>}, {pipeline_mode = #tpu.pipeline_mode<synchronous>, transform_indices = @transform_19, window_bounds = array<i64: 1, 1>}, {pipeline_mode = #tpu.pipeline_mode<synchronous>, transform_indices = @transform_20, window_bounds = array<i64: 2, 50>}]} {
    %get3A = arith.constant 0 : index
    %get3A_0 = arith.constant 0 : index
    %get3A_1 = arith.constant 0 : index
    %get3A_2 = vector.load %arg1[%get3A, %get3A_0, %get3A_1] : memref<2x2000x128xf32, #tpu.memory_space<vmem>>, vector<1x2000x128xf32>
    %get3A_3 = vector.shape_cast %get3A_2 : vector<1x2000x128xf32> to vector<2000x128xf32>
    %get3A_4 = arith.constant 1 : index
    %get3A_5 = arith.constant 0 : index
    %get3A_6 = arith.constant 0 : index
    %get3A_7 = vector.load %arg1[%get3A_4, %get3A_5, %get3A_6] : memref<2x2000x128xf32, #tpu.memory_space<vmem>>, vector<1x2000x128xf32>
    %get3A_8 = vector.shape_cast %get3A_7 : vector<1x2000x128xf32> to vector<2000x128xf32>
    %add3A = arith.addf %get3A_3, %get3A_8 : vector<2000x128xf32>
    %get3A_9 = arith.constant 0 : index
    %get3A_10 = arith.constant 0 : index
    %get3A_11 = vector.load %arg3[%get3A_9, %get3A_10] : memref<2000x1xf32, #tpu.memory_space<vmem>>, vector<2000x1xf32>
    %get3A_12 = arith.constant 0 : index
    %get3A_13 = arith.constant 0 : index
    %get3A_14 = vector.load %arg2[%get3A_12, %get3A_13] : memref<2000x128xf32, #tpu.memory_space<vmem>>, vector<2000x128xf32>
    %add3A_15 = arith.addf %add3A, %get3A_14 : vector<2000x128xf32>
    %mul3A = vector.broadcast %get3A_11 : vector<2000x1xf32> to vector<2000x128xf32>
    %mul3A_16 = arith.mulf %mul3A, %add3A_15 : vector<2000x128xf32>
    %get3A_17 = arith.constant 0 : index
    %get3A_18 = vector.load %arg4[%get3A_17] : memref<128xf32, #tpu.memory_space<vmem>>, vector<128xf32>
    %broadcast_in_dim3A = vector.shape_cast %get3A_18 : vector<128xf32> to vector<1x128xf32>
    %add3A_19 = vector.broadcast %broadcast_in_dim3A : vector<1x128xf32> to vector<2000x128xf32>
    %add3A_20 = arith.addf %mul3A_16, %add3A_19 : vector<2000x128xf32>
    %max3A = arith.constant 0.000000e+00 : f32
    %max3A_21 = vector.broadcast %max3A : f32 to vector<2000x128xf32>
    %max3A_22 = arith.maximumf %add3A_20, %max3A_21 : vector<2000x128xf32>
    %get3A_23 = arith.constant 0 : index
    %get3A_24 = arith.constant 0 : index
    %get3A_25 = vector.load %arg5[%get3A_23, %get3A_24] : memref<2000x200xf32, #tpu.memory_space<vmem>>, vector<2000x200xf32>
    %slice3A = vector.extract_strided_slice %get3A_25 {offsets = [0, 0], sizes = [2000, 50], strides = [1, 1]} : vector<2000x200xf32> to vector<2000x50xf32>
    %slice3A_26 = vector.extract_strided_slice %get3A_25 {offsets = [0, 150], sizes = [2000, 50], strides = [1, 1]} : vector<2000x200xf32> to vector<2000x50xf32>
    %get3A_27 = arith.constant 0 : index
    %get3A_28 = arith.constant 0 : index
    %get3A_29 = vector.load %arg6[%get3A_27, %get3A_28] : memref<50x50xf32, #tpu.memory_space<vmem>>, vector<50x50xf32>
    %get3A_30 = arith.constant 0 : index
    %get3A_31 = arith.constant 0 : index
    %get3A_32 = vector.load %arg8[%get3A_30, %get3A_31] : memref<50x128xf32, #tpu.memory_space<vmem>>, vector<50x128xf32>
    %dot_general3A = arith.constant dense<0.000000e+00> : vector<50x128xf32>
    %dot_general3A_33 = tpu.matmul %get3A_29, %get3A_32, %dot_general3A {dimension_numbers = #tpu.dot_dimension_numbers<[1], [0], [0], [1], [0, 0, 1, 1], [], []>, transpose_lhs_hint = false} : vector<50x50xf32>, vector<50x128xf32>, vector<50x128xf32> -> vector<50x128xf32>
    %get3A_34 = arith.constant 0 : index
    %get3A_35 = arith.constant 0 : index
    %get3A_36 = vector.load %arg7[%get3A_34, %get3A_35] : memref<1x1xf32, #tpu.memory_space<vmem>>, vector<1x1xf32>
    %get3A_37 = vector.extract %get3A_36[0, 0] : f32 from vector<1x1xf32>
    %div3A = vector.broadcast %get3A_37 : f32 to vector<50x128xf32>
    %div3A_38 = arith.divf %dot_general3A_33, %div3A : vector<50x128xf32>
    %dot_general3A_39 = arith.constant dense<0.000000e+00> : vector<2000x128xf32>
    %dot_general3A_40 = tpu.matmul %slice3A, %div3A_38, %dot_general3A_39 {dimension_numbers = #tpu.dot_dimension_numbers<[1], [0], [0], [1], [0, 0, 1, 1], [], []>, transpose_lhs_hint = false} : vector<2000x50xf32>, vector<50x128xf32>, vector<2000x128xf32> -> vector<2000x128xf32>
    %get3A_41 = arith.constant 0 : index
    %get3A_42 = arith.constant 0 : index
    %get3A_43 = vector.load %arg9[%get3A_41, %get3A_42] : memref<50x128xf32, #tpu.memory_space<vmem>>, vector<50x128xf32>
    %dot_general3A_44 = arith.constant dense<0.000000e+00> : vector<2000x128xf32>
    %dot_general3A_45 = tpu.matmul %slice3A_26, %get3A_43, %dot_general3A_44 {dimension_numbers = #tpu.dot_dimension_numbers<[1], [0], [0], [1], [0, 0, 1, 1], [], []>, transpose_lhs_hint = false} : vector<2000x50xf32>, vector<50x128xf32>, vector<2000x128xf32> -> vector<2000x128xf32>
    %add3A_46 = arith.addf %dot_general3A_40, %dot_general3A_45 : vector<2000x128xf32>
    %get3A_47 = arith.constant 0 : index
    %get3A_48 = arith.constant 0 : index
    %get3A_49 = vector.load %arg10[%get3A_47, %get3A_48] : memref<128x128xf32, #tpu.memory_space<vmem>>, vector<128x128xf32>
    %dot_general3A_50 = arith.constant dense<0.000000e+00> : vector<2000x128xf32>
    %dot_general3A_51 = tpu.matmul %max3A_22, %get3A_49, %dot_general3A_50 {dimension_numbers = #tpu.dot_dimension_numbers<[1], [0], [0], [1], [0, 0, 1, 1], [], []>, transpose_lhs_hint = false} : vector<2000x128xf32>, vector<128x128xf32>, vector<2000x128xf32> -> vector<2000x128xf32>
    %add3A_52 = arith.addf %add3A_46, %dot_general3A_51 : vector<2000x128xf32>
    %get3A_53 = arith.constant 0 : index
    %get3A_54 = vector.load %arg11[%get3A_53] : memref<128xf32, #tpu.memory_space<vmem>>, vector<128xf32>
    %broadcast_in_dim3A_55 = vector.shape_cast %get3A_54 : vector<128xf32> to vector<1x128xf32>
    %add3A_56 = vector.broadcast %broadcast_in_dim3A_55 : vector<1x128xf32> to vector<2000x128xf32>
    %add3A_57 = arith.addf %add3A_52, %add3A_56 : vector<2000x128xf32>
    %max3A_58 = arith.constant 0.000000e+00 : f32
    %max3A_59 = vector.broadcast %max3A_58 : f32 to vector<2000x128xf32>
    %max3A_60 = arith.maximumf %add3A_57, %max3A_59 : vector<2000x128xf32>
    %get3A_61 = arith.constant 0 : index
    %get3A_62 = vector.load %arg12[%get3A_61] : memref<128xf32, #tpu.memory_space<vmem>>, vector<128xf32>
    %broadcast_in_dim3A_63 = vector.shape_cast %get3A_62 : vector<128xf32> to vector<1x128xf32>
    %mul3A_64 = arith.constant 0.999994993 : f32
    %mul3A_65 = vector.broadcast %mul3A_64 : f32 to vector<1x128xf32>
    %mul3A_66 = arith.mulf %broadcast_in_dim3A_63, %mul3A_65 : vector<1x128xf32>
    %mul3A_67 = vector.broadcast %mul3A_66 : vector<1x128xf32> to vector<2000x128xf32>
    %mul3A_68 = arith.mulf %max3A_60, %mul3A_67 : vector<2000x128xf32>
    %get3A_69 = arith.constant 0 : index
    %get3A_70 = vector.load %arg13[%get3A_69] : memref<128xf32, #tpu.memory_space<vmem>>, vector<128xf32>
    %broadcast_in_dim3A_71 = vector.shape_cast %get3A_70 : vector<128xf32> to vector<1x128xf32>
    %add3A_72 = vector.broadcast %broadcast_in_dim3A_71 : vector<1x128xf32> to vector<2000x128xf32>
    %add3A_73 = arith.addf %mul3A_68, %add3A_72 : vector<2000x128xf32>
    %get3A_74 = arith.constant 0 : index
    %get3A_75 = arith.constant 0 : index
    %get3A_76 = vector.load %arg14[%get3A_74, %get3A_75] : memref<128x128xf32, #tpu.memory_space<vmem>>, vector<128x128xf32>
    %dot_general3A_77 = arith.constant dense<0.000000e+00> : vector<2000x128xf32>
    %dot_general3A_78 = tpu.matmul %add3A_73, %get3A_76, %dot_general3A_77 {dimension_numbers = #tpu.dot_dimension_numbers<[1], [0], [0], [1], [0, 0, 1, 1], [], []>, transpose_lhs_hint = false} : vector<2000x128xf32>, vector<128x128xf32>, vector<2000x128xf32> -> vector<2000x128xf32>
    %mul3A_79 = vector.broadcast %get3A_11 : vector<2000x1xf32> to vector<2000x128xf32>
    %mul3A_80 = arith.mulf %dot_general3A_78, %mul3A_79 : vector<2000x128xf32>
    %swap3A = arith.constant 0 : index
    %swap3A_81 = arith.constant 0 : index
    %swap3A_82 = vector.load %arg17[%swap3A, %swap3A_81] : memref<2000x128xf32, #tpu.memory_space<vmem>>, vector<2000x128xf32>
    tpu.vector_store %arg17[%swap3A, %swap3A_81], %mul3A_80 {strides = array<i32>} : memref<2000x128xf32, #tpu.memory_space<vmem>>, vector<2000x128xf32>,
    %get3A_83 = arith.constant 0 : index
    %get3A_84 = arith.constant 0 : index
    %get3A_85 = vector.load %arg15[%get3A_83, %get3A_84] : memref<128x200xf32, #tpu.memory_space<vmem>>, vector<128x200xf32>
    %dot_general3A_86 = arith.constant dense<0.000000e+00> : vector<2000x200xf32>
    %dot_general3A_87 = tpu.matmul %add3A_73, %get3A_85, %dot_general3A_86 {dimension_numbers = #tpu.dot_dimension_numbers<[1], [0], [0], [1], [0, 0, 1, 1], [], []>, transpose_lhs_hint = false} : vector<2000x128xf32>, vector<128x200xf32>, vector<2000x200xf32> -> vector<2000x200xf32>
    %get3A_88 = arith.constant 0 : index
    %get3A_89 = vector.load %arg16[%get3A_88] : memref<200xf32, #tpu.memory_space<vmem>>, vector<200xf32>
    %broadcast_in_dim3A_90 = vector.shape_cast %get3A_89 : vector<200xf32> to vector<1x200xf32>
    %add3A_91 = vector.broadcast %broadcast_in_dim3A_90 : vector<1x200xf32> to vector<2000x200xf32>
    %add3A_92 = arith.addf %dot_general3A_87, %add3A_91 : vector<2000x200xf32>
    %max3A_93 = arith.constant 0.000000e+00 : f32
    %max3A_94 = vector.broadcast %max3A_93 : f32 to vector<2000x200xf32>
    %max3A_95 = arith.maximumf %add3A_92, %max3A_94 : vector<2000x200xf32>
    %swap3A_96 = arith.constant 0 : index
    %swap3A_97 = arith.constant 0 : index
    %swap3A_98 = vector.load %arg18[%swap3A_96, %swap3A_97] : memref<2000x200xf32, #tpu.memory_space<vmem>>, vector<2000x200xf32>
    tpu.vector_store %arg18[%swap3A_96, %swap3A_97], %max3A_95 {strides = array<i32>} : memref<2000x200xf32, #tpu.memory_space<vmem>>, vector<2000x200xf32>,
    %slice3A_99 = vector.extract_strided_slice %max3A_95 {offsets = [0, 0], sizes = [2000, 50], strides = [1, 1]} : vector<2000x200xf32> to vector<2000x50xf32>
    %slice3A_100 = vector.extract_strided_slice %max3A_95 {offsets = [0, 50], sizes = [2000, 50], strides = [1, 1]} : vector<2000x200xf32> to vector<2000x50xf32>
    %slice3A_101 = vector.extract_strided_slice %max3A_95 {offsets = [0, 100], sizes = [2000, 50], strides = [1, 1]} : vector<2000x200xf32> to vector<2000x50xf32>
    %dot_general3A_102 = arith.constant dense<0.000000e+00> : vector<50x50xf32>
    %dot_general3A_103 = tpu.matmul %slice3A_100, %slice3A_101, %dot_general3A_102 {dimension_numbers = #tpu.dot_dimension_numbers<[0], [0], [1], [1], [0, 1, 1, 1], [], []>, transpose_lhs_hint = false} : vector<2000x50xf32>, vector<2000x50xf32>, vector<50x50xf32> -> vector<50x50xf32>
    %reduce_sum3A = arith.constant dense<0.000000e+00> : vector<50xf32>
    %reduce_sum3A_104 = vector.multi_reduction <add>, %slice3A_99, %reduce_sum3A [0] : vector<2000x50xf32> to vector<50xf32>
    %reduce_sum3A_105 = arith.constant dense<0.000000e+00> : vector<50xf32>
    %reduce_sum3A_106 = vector.multi_reduction <add>, %slice3A_100, %reduce_sum3A_105 [0] : vector<2000x50xf32> to vector<50xf32>
    %stack3A = vector.shape_cast %reduce_sum3A_104 : vector<50xf32> to vector<1x50xf32>
    %stack3A_107 = vector.shape_cast %reduce_sum3A_106 : vector<50xf32> to vector<1x50xf32>
    %stack3A_108 = tpu.concatenate %stack3A, %stack3A_107 in 0 : vector<1x50xf32>, vector<1x50xf32> -> vector<2x50xf32>
    %eq3A = arith.constant 0 : i32
    %eq3A_109 = arith.cmpi eq, %arg0, %eq3A : i32
    %convert_element_type3A = arith.extui %eq3A_109 : i1 to i32
    %cond3A = arith.constant 0 : i32
    %cond3A_110 = arith.cmpi ne, %convert_element_type3A, %cond3A : i32
    scf.if %cond3A_110 {
      %swap3A_120 = arith.constant 0 : index
      %swap3A_121 = arith.constant 0 : index
      %swap3A_122 = vector.load %arg19[%swap3A_120, %swap3A_121] : memref<50x50xf32, #tpu.memory_space<vmem>>, vector<50x50xf32>
      tpu.vector_store %arg19[%swap3A_120, %swap3A_121], %dot_general3A_103 {strides = array<i32>} : memref<50x50xf32, #tpu.memory_space<vmem>>, vector<50x50xf32>,
      %swap3A_123 = arith.constant 0 : index
      %swap3A_124 = arith.constant 0 : index
      %swap3A_125 = vector.load %arg21[%swap3A_123, %swap3A_124] : memref<2x50xf32, #tpu.memory_space<vmem>>, vector<2x50xf32>
      tpu.vector_store %arg21[%swap3A_123, %swap3A_124], %stack3A_108 {strides = array<i32>} : memref<2x50xf32, #tpu.memory_space<vmem>>, vector<2x50xf32>,
    } else {
    }
    %gt3A = arith.constant 0 : i32
    %gt3A_111 = arith.cmpi sgt, %arg0, %gt3A : i32
    %convert_element_type3A_112 = arith.extui %gt3A_111 : i1 to i32
    %cond3A_113 = arith.constant 0 : i32
    %cond3A_114 = arith.cmpi ne, %convert_element_type3A_112, %cond3A_113 : i32
    scf.if %cond3A_114 {
      %get3A_120 = arith.constant 0 : index
      %get3A_121 = arith.constant 0 : index
      %get3A_122 = vector.load %arg19[%get3A_120, %get3A_121] : memref<50x50xf32, #tpu.memory_space<vmem>>, vector<50x50xf32>
      %add3A_123 = arith.addf %get3A_122, %dot_general3A_103 : vector<50x50xf32>
      %swap3A_124 = arith.constant 0 : index
      %swap3A_125 = arith.constant 0 : index
      %swap3A_126 = vector.load %arg19[%swap3A_124, %swap3A_125] : memref<50x50xf32, #tpu.memory_space<vmem>>, vector<50x50xf32>
      tpu.vector_store %arg19[%swap3A_124, %swap3A_125], %add3A_123 {strides = array<i32>} : memref<50x50xf32, #tpu.memory_space<vmem>>, vector<50x50xf32>,
      %get3A_127 = arith.constant 0 : index
      %get3A_128 = arith.constant 0 : index
      %get3A_129 = vector.load %arg21[%get3A_127, %get3A_128] : memref<2x50xf32, #tpu.memory_space<vmem>>, vector<2x50xf32>
      %add3A_130 = arith.addf %get3A_129, %stack3A_108 : vector<2x50xf32>
      %swap3A_131 = arith.constant 0 : index
      %swap3A_132 = arith.constant 0 : index
      %swap3A_133 = vector.load %arg21[%swap3A_131, %swap3A_132] : memref<2x50xf32, #tpu.memory_space<vmem>>, vector<2x50xf32>
      tpu.vector_store %arg21[%swap3A_131, %swap3A_132], %add3A_130 {strides = array<i32>} : memref<2x50xf32, #tpu.memory_space<vmem>>, vector<2x50xf32>,
    } else {
    }
    %eq3A_115 = arith.constant 4 : i32
    %eq3A_116 = arith.cmpi eq, %arg0, %eq3A_115 : i32
    %convert_element_type3A_117 = arith.extui %eq3A_116 : i1 to i32
    %cond3A_118 = arith.constant 0 : i32
    %cond3A_119 = arith.cmpi ne, %convert_element_type3A_117, %cond3A_118 : i32
    scf.if %cond3A_119 {
      %get3A_120 = arith.constant 0 : index
      %get3A_121 = arith.constant 0 : index
      %get3A_122 = vector.load %arg21[%get3A_120, %get3A_121] : memref<2x50xf32, #tpu.memory_space<vmem>>, vector<2x50xf32>
      %slice3A_123 = vector.extract_strided_slice %get3A_122 {offsets = [0, 0], sizes = [1, 50], strides = [1, 1]} : vector<2x50xf32> to vector<1x50xf32>
      %squeeze3A = vector.shape_cast %slice3A_123 : vector<1x50xf32> to vector<50xf32>
      %slice3A_124 = vector.extract_strided_slice %get3A_122 {offsets = [1, 0], sizes = [1, 50], strides = [1, 1]} : vector<2x50xf32> to vector<1x50xf32>
      %squeeze3A_125 = vector.shape_cast %slice3A_124 : vector<1x50xf32> to vector<50xf32>
      %mul3A_126 = arith.mulf %squeeze3A, %squeeze3A_125 : vector<50xf32>
      %reduce_sum3A_127 = vector.shape_cast %mul3A_126 : vector<50xf32> to vector<1x50xf32>
      %reduce_sum3A_128 = arith.constant dense<0.000000e+00> : vector<1xf32>
      %reduce_sum3A_129 = vector.multi_reduction <add>, %reduce_sum3A_127, %reduce_sum3A_128 [1] : vector<1x50xf32> to vector<1xf32>
      %reduce_sum3A_130 = vector.shape_cast %reduce_sum3A_129 : vector<1xf32> to vector<1x1xf32>
      %reduce_sum3A_131 = vector.extract %reduce_sum3A_130[0, 0] : f32 from vector<1x1xf32>
      %div3A_132 = arith.constant 1.000000e+04 : f32
      %div3A_133 = arith.divf %reduce_sum3A_131, %div3A_132 : f32
      %add3A_134 = arith.constant 9.99999997E-7 : f32
      %add3A_135 = arith.addf %div3A_133, %add3A_134 : f32
      %reshape3A = vector.broadcast %add3A_135 : f32 to vector<1x1xf32>
      %swap3A_136 = arith.constant 0 : index
      %swap3A_137 = arith.constant 0 : index
      %swap3A_138 = vector.load %arg20[%swap3A_136, %swap3A_137] : memref<1x1xf32, #tpu.memory_space<vmem>>, vector<1x1xf32>
      tpu.vector_store %arg20[%swap3A_136, %swap3A_137], %reshape3A {strides = array<i32>} : memref<1x1xf32, #tpu.memory_space<vmem>>, vector<1x1xf32>,
    } else {
    }
    return
  }
  func.func @transform_0(%arg0: i32) -> (i32, i32, i32) {
    %c0_i32 = arith.constant 0 : i32
    %c0_i32_0 = arith.constant 0 : i32
    %c0_i32_1 = arith.constant 0 : i32
    return %c0_i32, %arg0, %c0_i32_0 : i32, i32, i32
  }
  func.func @transform_1(%arg0: i32) -> (i32, i32) {
    %c0_i32 = arith.constant 0 : i32
    %c0_i32_0 = arith.constant 0 : i32
    return %arg0, %c0_i32 : i32, i32
  }
  func.func @transform_2(%arg0: i32) -> (i32, i32) {
    %c0_i32 = arith.constant 0 : i32
    %c0_i32_0 = arith.constant 0 : i32
    return %arg0, %c0_i32 : i32, i32
  }
  func.func @transform_3(%arg0: i32) -> i32 {
    %c0_i32 = arith.constant 0 : i32
    %c0_i32_0 = arith.constant 0 : i32
    return %c0_i32 : i32
  }
  func.func @transform_4(%arg0: i32) -> (i32, i32) {
    %c0_i32 = arith.constant 0 : i32
    %c0_i32_0 = arith.constant 0 : i32
    return %arg0, %c0_i32 : i32, i32
  }
  func.func @transform_5(%arg0: i32) -> (i32, i32) {
    %c0_i32 = arith.constant 0 : i32
    %c0_i32_0 = arith.constant 0 : i32
    %c0_i32_1 = arith.constant 0 : i32
    return %c0_i32, %c0_i32_0 : i32, i32
  }
  func.func @transform_6(%arg0: i32) -> (i32, i32) {
    %c0_i32 = arith.constant 0 : i32
    %c0_i32_0 = arith.constant 0 : i32
    %c0_i32_1 = arith.constant 0 : i32
    return %c0_i32, %c0_i32_0 : i32, i32
  }
  func.func @transform_7(%arg0: i32) -> (i32, i32) {
    %c0_i32 = arith.constant 0 : i32
    %c0_i32_0 = arith.constant 0 : i32
    %c0_i32_1 = arith.constant 0 : i32
    return %c0_i32, %c0_i32_0 : i32, i32
  }
  func.func @transform_8(%arg0: i32) -> (i32, i32) {
    %c0_i32 = arith.constant 0 : i32
    %c0_i32_0 = arith.constant 0 : i32
    %c0_i32_1 = arith.constant 0 : i32
    return %c0_i32, %c0_i32_0 : i32, i32
  }
  func.func @transform_9(%arg0: i32) -> (i32, i32) {
    %c0_i32 = arith.constant 0 : i32
    %c0_i32_0 = arith.constant 0 : i32
    %c0_i32_1 = arith.constant 0 : i32
    return %c0_i32, %c0_i32_0 : i32, i32
  }
  func.func @transform_10(%arg0: i32) -> i32 {
    %c0_i32 = arith.constant 0 : i32
    %c0_i32_0 = arith.constant 0 : i32
    return %c0_i32 : i32
  }
  func.func @transform_11(%arg0: i32) -> i32 {
    %c0_i32 = arith.constant 0 : i32
    %c0_i32_0 = arith.constant 0 : i32
    return %c0_i32 : i32
  }
  func.func @transform_12(%arg0: i32) -> i32 {
    %c0_i32 = arith.constant 0 : i32
    %c0_i32_0 = arith.constant 0 : i32
    return %c0_i32 : i32
  }
  func.func @transform_13(%arg0: i32) -> (i32, i32) {
    %c0_i32 = arith.constant 0 : i32
    %c0_i32_0 = arith.constant 0 : i32
    %c0_i32_1 = arith.constant 0 : i32
    return %c0_i32, %c0_i32_0 : i32, i32
  }
  func.func @transform_14(%arg0: i32) -> (i32, i32) {
    %c0_i32 = arith.constant 0 : i32
    %c0_i32_0 = arith.constant 0 : i32
    %c0_i32_1 = arith.constant 0 : i32
    return %c0_i32, %c0_i32_0 : i32, i32
  }
  func.func @transform_15(%arg0: i32) -> i32 {
    %c0_i32 = arith.constant 0 : i32
    %c0_i32_0 = arith.constant 0 : i32
    return %c0_i32 : i32
  }
  func.func @transform_16(%arg0: i32) -> (i32, i32) {
    %c0_i32 = arith.constant 0 : i32
    %c0_i32_0 = arith.constant 0 : i32
    return %arg0, %c0_i32 : i32, i32
  }
  func.func @transform_17(%arg0: i32) -> (i32, i32) {
    %c0_i32 = arith.constant 0 : i32
    %c0_i32_0 = arith.constant 0 : i32
    return %arg0, %c0_i32 : i32, i32
  }
  func.func @transform_18(%arg0: i32) -> (i32, i32) {
    %c0_i32 = arith.constant 0 : i32
    %c0_i32_0 = arith.constant 0 : i32
    %c0_i32_1 = arith.constant 0 : i32
    return %c0_i32, %c0_i32_0 : i32, i32
  }
  func.func @transform_19(%arg0: i32) -> (i32, i32) {
    %c0_i32 = arith.constant 0 : i32
    %c0_i32_0 = arith.constant 0 : i32
    %c0_i32_1 = arith.constant 0 : i32
    return %c0_i32, %c0_i32_0 : i32, i32
  }
  func.func @transform_20(%arg0: i32) -> (i32, i32) {
    %c0_i32 = arith.constant 0 : i32
    %c0_i32_0 = arith.constant 0 : i32
    %c0_i32_1 = arith.constant 0 : i32
    return %c0_i32, %c0_i32_0 : i32, i32
  }
}

module attributes {stable_mosaic.version = 14 : i64} {
  func.func @_mix_body(%arg0: i32, %arg1: memref<2x2000x128xf32, #tpu.memory_space<vmem>>, %arg2: memref<2000x128xf32, #tpu.memory_space<vmem>>, %arg3: memref<2000x1xf32, #tpu.memory_space<vmem>>, %arg4: memref<128xf32, #tpu.memory_space<vmem>>, %arg5: memref<2000x200xf32, #tpu.memory_space<vmem>>, %arg6: memref<50x50xf32, #tpu.memory_space<vmem>>, %arg7: memref<1x1xf32, #tpu.memory_space<vmem>>, %arg8: memref<50x128xf32, #tpu.memory_space<vmem>>, %arg9: memref<50x128xf32, #tpu.memory_space<vmem>>, %arg10: memref<128x128xf32, #tpu.memory_space<vmem>>, %arg11: memref<128xf32, #tpu.memory_space<vmem>>, %arg12: memref<128xf32, #tpu.memory_space<vmem>>, %arg13: memref<128xf32, #tpu.memory_space<vmem>>, %arg14: memref<2000x128xf32, #tpu.memory_space<vmem>>) attributes {dimension_semantics = [#tpu.dimension_semantics<arbitrary>], iteration_bounds = array<i64: 5>, scalar_prefetch = 0 : i64, scratch_operands = 0 : i64, tpu.core_type = #tpu.core_type<tc>, window_params = [{transform_indices = @transform_0, window_bounds = array<i64: 2, 2000, 128>}, {transform_indices = @transform_1, window_bounds = array<i64: 2000, 128>}, {transform_indices = @transform_2, window_bounds = array<i64: 2000, 1>}, {pipeline_mode = #tpu.pipeline_mode<synchronous>, transform_indices = @transform_3, window_bounds = array<i64: 128>}, {transform_indices = @transform_4, window_bounds = array<i64: 2000, 200>}, {pipeline_mode = #tpu.pipeline_mode<synchronous>, transform_indices = @transform_5, window_bounds = array<i64: 50, 50>}, {pipeline_mode = #tpu.pipeline_mode<synchronous>, transform_indices = @transform_6, window_bounds = array<i64: 1, 1>}, {pipeline_mode = #tpu.pipeline_mode<synchronous>, transform_indices = @transform_7, window_bounds = array<i64: 50, 128>}, {pipeline_mode = #tpu.pipeline_mode<synchronous>, transform_indices = @transform_8, window_bounds = array<i64: 50, 128>}, {pipeline_mode = #tpu.pipeline_mode<synchronous>, transform_indices = @transform_9, window_bounds = array<i64: 128, 128>}, {pipeline_mode = #tpu.pipeline_mode<synchronous>, transform_indices = @transform_10, window_bounds = array<i64: 128>}, {pipeline_mode = #tpu.pipeline_mode<synchronous>, transform_indices = @transform_11, window_bounds = array<i64: 128>}, {pipeline_mode = #tpu.pipeline_mode<synchronous>, transform_indices = @transform_12, window_bounds = array<i64: 128>}, {transform_indices = @transform_13, window_bounds = array<i64: 2000, 128>}]} {
    %get3A = arith.constant 0 : index
    %get3A_0 = arith.constant 0 : index
    %get3A_1 = arith.constant 0 : index
    %get3A_2 = vector.load %arg1[%get3A, %get3A_0, %get3A_1] : memref<2x2000x128xf32, #tpu.memory_space<vmem>>, vector<1x2000x128xf32>
    %get3A_3 = vector.shape_cast %get3A_2 : vector<1x2000x128xf32> to vector<2000x128xf32>
    %get3A_4 = arith.constant 1 : index
    %get3A_5 = arith.constant 0 : index
    %get3A_6 = arith.constant 0 : index
    %get3A_7 = vector.load %arg1[%get3A_4, %get3A_5, %get3A_6] : memref<2x2000x128xf32, #tpu.memory_space<vmem>>, vector<1x2000x128xf32>
    %get3A_8 = vector.shape_cast %get3A_7 : vector<1x2000x128xf32> to vector<2000x128xf32>
    %add3A = arith.addf %get3A_3, %get3A_8 : vector<2000x128xf32>
    %get3A_9 = arith.constant 0 : index
    %get3A_10 = arith.constant 0 : index
    %get3A_11 = vector.load %arg3[%get3A_9, %get3A_10] : memref<2000x1xf32, #tpu.memory_space<vmem>>, vector<2000x1xf32>
    %get3A_12 = arith.constant 0 : index
    %get3A_13 = arith.constant 0 : index
    %get3A_14 = vector.load %arg2[%get3A_12, %get3A_13] : memref<2000x128xf32, #tpu.memory_space<vmem>>, vector<2000x128xf32>
    %add3A_15 = arith.addf %add3A, %get3A_14 : vector<2000x128xf32>
    %mul3A = vector.broadcast %get3A_11 : vector<2000x1xf32> to vector<2000x128xf32>
    %mul3A_16 = arith.mulf %mul3A, %add3A_15 : vector<2000x128xf32>
    %get3A_17 = arith.constant 0 : index
    %get3A_18 = vector.load %arg4[%get3A_17] : memref<128xf32, #tpu.memory_space<vmem>>, vector<128xf32>
    %broadcast_in_dim3A = vector.shape_cast %get3A_18 : vector<128xf32> to vector<1x128xf32>
    %add3A_19 = vector.broadcast %broadcast_in_dim3A : vector<1x128xf32> to vector<2000x128xf32>
    %add3A_20 = arith.addf %mul3A_16, %add3A_19 : vector<2000x128xf32>
    %max3A = arith.constant 0.000000e+00 : f32
    %max3A_21 = vector.broadcast %max3A : f32 to vector<2000x128xf32>
    %max3A_22 = arith.maximumf %add3A_20, %max3A_21 : vector<2000x128xf32>
    %get3A_23 = arith.constant 0 : index
    %get3A_24 = arith.constant 0 : index
    %get3A_25 = vector.load %arg5[%get3A_23, %get3A_24] : memref<2000x200xf32, #tpu.memory_space<vmem>>, vector<2000x200xf32>
    %slice3A = vector.extract_strided_slice %get3A_25 {offsets = [0, 0], sizes = [2000, 50], strides = [1, 1]} : vector<2000x200xf32> to vector<2000x50xf32>
    %slice3A_26 = vector.extract_strided_slice %get3A_25 {offsets = [0, 150], sizes = [2000, 50], strides = [1, 1]} : vector<2000x200xf32> to vector<2000x50xf32>
    %get3A_27 = arith.constant 0 : index
    %get3A_28 = arith.constant 0 : index
    %get3A_29 = vector.load %arg6[%get3A_27, %get3A_28] : memref<50x50xf32, #tpu.memory_space<vmem>>, vector<50x50xf32>
    %get3A_30 = arith.constant 0 : index
    %get3A_31 = arith.constant 0 : index
    %get3A_32 = vector.load %arg8[%get3A_30, %get3A_31] : memref<50x128xf32, #tpu.memory_space<vmem>>, vector<50x128xf32>
    %dot_general3A = arith.constant dense<0.000000e+00> : vector<50x128xf32>
    %dot_general3A_33 = tpu.matmul %get3A_29, %get3A_32, %dot_general3A {dimension_numbers = #tpu.dot_dimension_numbers<[1], [0], [0], [1], [0, 0, 1, 1], [], []>, transpose_lhs_hint = false} : vector<50x50xf32>, vector<50x128xf32>, vector<50x128xf32> -> vector<50x128xf32>
    %get3A_34 = arith.constant 0 : index
    %get3A_35 = arith.constant 0 : index
    %get3A_36 = vector.load %arg7[%get3A_34, %get3A_35] : memref<1x1xf32, #tpu.memory_space<vmem>>, vector<1x1xf32>
    %get3A_37 = vector.extract %get3A_36[0, 0] : f32 from vector<1x1xf32>
    %div3A = vector.broadcast %get3A_37 : f32 to vector<50x128xf32>
    %div3A_38 = arith.divf %dot_general3A_33, %div3A : vector<50x128xf32>
    %dot_general3A_39 = arith.constant dense<0.000000e+00> : vector<2000x128xf32>
    %dot_general3A_40 = tpu.matmul %slice3A, %div3A_38, %dot_general3A_39 {dimension_numbers = #tpu.dot_dimension_numbers<[1], [0], [0], [1], [0, 0, 1, 1], [], []>, transpose_lhs_hint = false} : vector<2000x50xf32>, vector<50x128xf32>, vector<2000x128xf32> -> vector<2000x128xf32>
    %get3A_41 = arith.constant 0 : index
    %get3A_42 = arith.constant 0 : index
    %get3A_43 = vector.load %arg9[%get3A_41, %get3A_42] : memref<50x128xf32, #tpu.memory_space<vmem>>, vector<50x128xf32>
    %dot_general3A_44 = arith.constant dense<0.000000e+00> : vector<2000x128xf32>
    %dot_general3A_45 = tpu.matmul %slice3A_26, %get3A_43, %dot_general3A_44 {dimension_numbers = #tpu.dot_dimension_numbers<[1], [0], [0], [1], [0, 0, 1, 1], [], []>, transpose_lhs_hint = false} : vector<2000x50xf32>, vector<50x128xf32>, vector<2000x128xf32> -> vector<2000x128xf32>
    %add3A_46 = arith.addf %dot_general3A_40, %dot_general3A_45 : vector<2000x128xf32>
    %get3A_47 = arith.constant 0 : index
    %get3A_48 = arith.constant 0 : index
    %get3A_49 = vector.load %arg10[%get3A_47, %get3A_48] : memref<128x128xf32, #tpu.memory_space<vmem>>, vector<128x128xf32>
    %dot_general3A_50 = arith.constant dense<0.000000e+00> : vector<2000x128xf32>
    %dot_general3A_51 = tpu.matmul %max3A_22, %get3A_49, %dot_general3A_50 {dimension_numbers = #tpu.dot_dimension_numbers<[1], [0], [0], [1], [0, 0, 1, 1], [], []>, transpose_lhs_hint = false} : vector<2000x128xf32>, vector<128x128xf32>, vector<2000x128xf32> -> vector<2000x128xf32>
    %add3A_52 = arith.addf %add3A_46, %dot_general3A_51 : vector<2000x128xf32>
    %get3A_53 = arith.constant 0 : index
    %get3A_54 = vector.load %arg11[%get3A_53] : memref<128xf32, #tpu.memory_space<vmem>>, vector<128xf32>
    %broadcast_in_dim3A_55 = vector.shape_cast %get3A_54 : vector<128xf32> to vector<1x128xf32>
    %add3A_56 = vector.broadcast %broadcast_in_dim3A_55 : vector<1x128xf32> to vector<2000x128xf32>
    %add3A_57 = arith.addf %add3A_52, %add3A_56 : vector<2000x128xf32>
    %swap3A = arith.constant 0 : index
    %swap3A_58 = arith.constant 0 : index
    %swap3A_59 = vector.load %arg14[%swap3A, %swap3A_58] : memref<2000x128xf32, #tpu.memory_space<vmem>>, vector<2000x128xf32>
    tpu.vector_store %arg14[%swap3A, %swap3A_58], %add3A_57 {strides = array<i32>} : memref<2000x128xf32, #tpu.memory_space<vmem>>, vector<2000x128xf32>,
    return
  }
  func.func @transform_0(%arg0: i32) -> (i32, i32, i32) {
    %c0_i32 = arith.constant 0 : i32
    %c0_i32_0 = arith.constant 0 : i32
    %c0_i32_1 = arith.constant 0 : i32
    return %c0_i32, %arg0, %c0_i32_0 : i32, i32, i32
  }
  func.func @transform_1(%arg0: i32) -> (i32, i32) {
    %c0_i32 = arith.constant 0 : i32
    %c0_i32_0 = arith.constant 0 : i32
    return %arg0, %c0_i32 : i32, i32
  }
  func.func @transform_2(%arg0: i32) -> (i32, i32) {
    %c0_i32 = arith.constant 0 : i32
    %c0_i32_0 = arith.constant 0 : i32
    return %arg0, %c0_i32 : i32, i32
  }
  func.func @transform_3(%arg0: i32) -> i32 {
    %c0_i32 = arith.constant 0 : i32
    %c0_i32_0 = arith.constant 0 : i32
    return %c0_i32 : i32
  }
  func.func @transform_4(%arg0: i32) -> (i32, i32) {
    %c0_i32 = arith.constant 0 : i32
    %c0_i32_0 = arith.constant 0 : i32
    return %arg0, %c0_i32 : i32, i32
  }
  func.func @transform_5(%arg0: i32) -> (i32, i32) {
    %c0_i32 = arith.constant 0 : i32
    %c0_i32_0 = arith.constant 0 : i32
    %c0_i32_1 = arith.constant 0 : i32
    return %c0_i32, %c0_i32_0 : i32, i32
  }
  func.func @transform_6(%arg0: i32) -> (i32, i32) {
    %c0_i32 = arith.constant 0 : i32
    %c0_i32_0 = arith.constant 0 : i32
    %c0_i32_1 = arith.constant 0 : i32
    return %c0_i32, %c0_i32_0 : i32, i32
  }
  func.func @transform_7(%arg0: i32) -> (i32, i32) {
    %c0_i32 = arith.constant 0 : i32
    %c0_i32_0 = arith.constant 0 : i32
    %c0_i32_1 = arith.constant 0 : i32
    return %c0_i32, %c0_i32_0 : i32, i32
  }
  func.func @transform_8(%arg0: i32) -> (i32, i32) {
    %c0_i32 = arith.constant 0 : i32
    %c0_i32_0 = arith.constant 0 : i32
    %c0_i32_1 = arith.constant 0 : i32
    return %c0_i32, %c0_i32_0 : i32, i32
  }
  func.func @transform_9(%arg0: i32) -> (i32, i32) {
    %c0_i32 = arith.constant 0 : i32
    %c0_i32_0 = arith.constant 0 : i32
    %c0_i32_1 = arith.constant 0 : i32
    return %c0_i32, %c0_i32_0 : i32, i32
  }
  func.func @transform_10(%arg0: i32) -> i32 {
    %c0_i32 = arith.constant 0 : i32
    %c0_i32_0 = arith.constant 0 : i32
    return %c0_i32 : i32
  }
  func.func @transform_11(%arg0: i32) -> i32 {
    %c0_i32 = arith.constant 0 : i32
    %c0_i32_0 = arith.constant 0 : i32
    return %c0_i32 : i32
  }
  func.func @transform_12(%arg0: i32) -> i32 {
    %c0_i32 = arith.constant 0 : i32
    %c0_i32_0 = arith.constant 0 : i32
    return %c0_i32 : i32
  }
  func.func @transform_13(%arg0: i32) -> (i32, i32) {
    %c0_i32 = arith.constant 0 : i32
    %c0_i32_0 = arith.constant 0 : i32
    return %arg0, %c0_i32 : i32, i32
  }
}

module attributes {stable_mosaic.version = 14 : i64} {
  func.func @_pred_body(%arg0: i32, %arg1: memref<2048x128xf32, #tpu.memory_space<vmem>>, %arg2: memref<128x128xf32, #tpu.memory_space<vmem>>, %arg3: memref<128xf32, #tpu.memory_space<vmem>>, %arg4: memref<128x1xf32, #tpu.memory_space<vmem>>, %arg5: memref<1xf32, #tpu.memory_space<vmem>>, %arg6: memref<2048x1xf32, #tpu.memory_space<vmem>>) attributes {dimension_semantics = [#tpu.dimension_semantics<arbitrary>], iteration_bounds = array<i64: 32>, scalar_prefetch = 0 : i64, scratch_operands = 0 : i64, tpu.core_type = #tpu.core_type<tc>, window_params = [{transform_indices = @transform_0, window_bounds = array<i64: 2048, 128>}, {pipeline_mode = #tpu.pipeline_mode<synchronous>, transform_indices = @transform_1, window_bounds = array<i64: 128, 128>}, {pipeline_mode = #tpu.pipeline_mode<synchronous>, transform_indices = @transform_2, window_bounds = array<i64: 128>}, {pipeline_mode = #tpu.pipeline_mode<synchronous>, transform_indices = @transform_3, window_bounds = array<i64: 128, 1>}, {pipeline_mode = #tpu.pipeline_mode<synchronous>, transform_indices = @transform_4, window_bounds = array<i64: 1>}, {transform_indices = @transform_5, window_bounds = array<i64: 2048, 1>}]} {
    %get3A = arith.constant 0 : index
    %get3A_0 = arith.constant 0 : index
    %get3A_1 = vector.load %arg1[%get3A, %get3A_0] : memref<2048x128xf32, #tpu.memory_space<vmem>>, vector<2048x128xf32>
    %get3A_2 = arith.constant 0 : index
    %get3A_3 = arith.constant 0 : index
    %get3A_4 = vector.load %arg2[%get3A_2, %get3A_3] : memref<128x128xf32, #tpu.memory_space<vmem>>, vector<128x128xf32>
    %dot_general3A = arith.constant dense<0.000000e+00> : vector<2048x128xf32>
    %dot_general3A_5 = tpu.matmul %get3A_1, %get3A_4, %dot_general3A {dimension_numbers = #tpu.dot_dimension_numbers<[1], [0], [0], [1], [0, 0, 1, 1], [], []>, transpose_lhs_hint = false} : vector<2048x128xf32>, vector<128x128xf32>, vector<2048x128xf32> -> vector<2048x128xf32>
    %get3A_6 = arith.constant 0 : index
    %get3A_7 = vector.load %arg3[%get3A_6] : memref<128xf32, #tpu.memory_space<vmem>>, vector<128xf32>
    %broadcast_in_dim3A = vector.shape_cast %get3A_7 : vector<128xf32> to vector<1x128xf32>
    %add3A = vector.broadcast %broadcast_in_dim3A : vector<1x128xf32> to vector<2048x128xf32>
    %add3A_8 = arith.addf %dot_general3A_5, %add3A : vector<2048x128xf32>
    %max3A = arith.constant 0.000000e+00 : f32
    %max3A_9 = vector.broadcast %max3A : f32 to vector<2048x128xf32>
    %max3A_10 = arith.maximumf %add3A_8, %max3A_9 : vector<2048x128xf32>
    %get3A_11 = arith.constant 0 : index
    %get3A_12 = arith.constant 0 : index
    %get3A_13 = vector.load %arg4[%get3A_11, %get3A_12] : memref<128x1xf32, #tpu.memory_space<vmem>>, vector<128x1xf32>
    %dot_general3A_14 = arith.constant dense<0.000000e+00> : vector<2048x1xf32>
    %dot_general3A_15 = tpu.matmul %max3A_10, %get3A_13, %dot_general3A_14 {dimension_numbers = #tpu.dot_dimension_numbers<[1], [0], [0], [1], [0, 0, 1, 1], [], []>, transpose_lhs_hint = false} : vector<2048x128xf32>, vector<128x1xf32>, vector<2048x1xf32> -> vector<2048x1xf32>
    %get3A_16 = arith.constant 0 : index
    %get3A_17 = vector.load %arg5[%get3A_16] : memref<1xf32, #tpu.memory_space<vmem>>, vector<1xf32>
    %get3A_18 = vector.extract %get3A_17[0] : f32 from vector<1xf32>
    %add3A_19 = vector.broadcast %get3A_18 : f32 to vector<2048x1xf32>
    %add3A_20 = arith.addf %dot_general3A_15, %add3A_19 : vector<2048x1xf32>
    %logistic3A = arith.negf %add3A_20 : vector<2048x1xf32>
    %logistic3A_21 = math.exp %logistic3A : vector<2048x1xf32>
    %logistic3A_22 = arith.constant 1.000000e+00 : f32
    %logistic3A_23 = vector.broadcast %logistic3A_22 : f32 to vector<2048x1xf32>
    %logistic3A_24 = arith.addf %logistic3A_23, %logistic3A_21 : vector<2048x1xf32>
    %logistic3A_25 = arith.divf %logistic3A_23, %logistic3A_24 : vector<2048x1xf32>
    %swap3A = arith.constant 0 : index
    %swap3A_26 = arith.constant 0 : index
    %swap3A_27 = vector.load %arg6[%swap3A, %swap3A_26] : memref<2048x1xf32, #tpu.memory_space<vmem>>, vector<2048x1xf32>
    tpu.vector_store %arg6[%swap3A, %swap3A_26], %logistic3A_25 {strides = array<i32>} : memref<2048x1xf32, #tpu.memory_space<vmem>>, vector<2048x1xf32>,
    return
  }
  func.func @transform_0(%arg0: i32) -> (i32, i32) {
    %c0_i32 = arith.constant 0 : i32
    %c0_i32_0 = arith.constant 0 : i32
    return %arg0, %c0_i32 : i32, i32
  }
  func.func @transform_1(%arg0: i32) -> (i32, i32) {
    %c0_i32 = arith.constant 0 : i32
    %c0_i32_0 = arith.constant 0 : i32
    %c0_i32_1 = arith.constant 0 : i32
    return %c0_i32, %c0_i32_0 : i32, i32
  }
  func.func @transform_2(%arg0: i32) -> i32 {
    %c0_i32 = arith.constant 0 : i32
    %c0_i32_0 = arith.constant 0 : i32
    return %c0_i32 : i32
  }
  func.func @transform_3(%arg0: i32) -> (i32, i32) {
    %c0_i32 = arith.constant 0 : i32
    %c0_i32_0 = arith.constant 0 : i32
    %c0_i32_1 = arith.constant 0 : i32
    return %c0_i32, %c0_i32_0 : i32, i32
  }
  func.func @transform_4(%arg0: i32) -> i32 {
    %c0_i32 = arith.constant 0 : i32
    %c0_i32_0 = arith.constant 0 : i32
    return %c0_i32 : i32
  }
  func.func @transform_5(%arg0: i32) -> (i32, i32) {
    %c0_i32 = arith.constant 0 : i32
    %c0_i32_0 = arith.constant 0 : i32
    return %arg0, %c0_i32 : i32, i32
  }
}

</mosaic_0001>

<sc_bundles>
// kernel: kernel.10.cloned.1.call-start
scs
__scs_entry_jumppad:
0x0: {  	(pc) =	sbr.rel $0x88, $3  }
0x1: {  	(tag) =	ssettag $0x0;
	lr =	simm.s32 $0x1  }
0x2: {  	[smem:$0x3F8C] =	sst lr;
	_ =	strace $0xD0000000  }
0x3: {  	_ = 	snop  }
0x4: {  	_ = 	snop  }
0x5: {  	_ = 	snop  }
0x6: {  	_ = 	snop  }
0x7: {  	_ = 	snop  }
__scs_overlays_trampoline_lowered:
0x8: {  	[smem:$0x3F9B] =	sst s0  }
0x9: {  	[smem:$0x3F9C] =	sst s1  }
0xa: {  	[smem:$0x3F9D] =	sst s2  }
0xb: {  	[smem:$0x3F9E] =	sst s3  }
0xc: {  	[smem:$0x3F9F] =	sst s4  }
0xd: {  	[smem:$0x3FA0] =	sst s5  }
0xe: {  	[smem:$0x3FA1] =	sst s6  }
0xf: {  	[smem:$0x3FA2] =	sst s7  }
0x10: {  	[smem:$0x3FA3] =	sst s8  }
0x11: {  	[smem:$0x3FA4] =	sst s9;
	s0 =	simm.s32 @!p0 $0x0  }
0x12: {  	s1 =	sld [smem:$0x3F8A];
	s0 =	simm.s32 @p0 $0x1  }
0x13: {  	[smem:$0x3FA5] =	sst s0;
	s0 =	simm.s32 @!p1 $0x0  }
0x14: {  	s2 =	sld [smem:$0x3F89];
	s0 =	simm.s32 @p1 $0x1  }
0x15: {  	[smem:$0x3FA6] =	sst s0;
	s0 =	simm.s32 @!p2 $0x0  }
0x16: {  	s3 =	sld [smem:$0x3FDB];
	s0 =	simm.s32 @p2 $0x1  }
0x17: {  	s4 =	simm.s32 $0x1BF5;
	[smem:$0x3FA8] =	sst s0  }
0x18: {  	s0 =	sld [smem:$0x3F8B];
	_ =	swait.ge [sflag:s4], $0x0  }
0x19: {  	s7 =	sld [smem:$0x3F8C]  }
0x1a: {  	s8 =	sadd.s32 $0xFFFFE003, lr  }
0x1b: {  	s9 =	sadd.s32 $0xFFFFFEF7, lr;
	s5 =	simm.s32 $0xFFFFFFFF;
	p2 =	slt.u32 s8, $0xFFFFF086  }
0x1c: {  	p1 =	slt.u32 s9, $0xF7A;
	s5 =	simm.s32 @!p2 $0x0  }
0x1d: {  	s5 =	simm.s32 @p1 $0x1;
	p0 =	seq.s32 s7, s2  }
0x1e: {  	s7 =	smul.u32 @!p0 $0xF7A, s2;
	p2 =	seq.s32 @!p0 s5, $0x0  }
0x1f: {  	s9 =	smul.u32 $0xF7A, s1;
	s8 =	simm.s32 @!p0 $0x1BF5;
	p2 =	por !p2, p0  }
0x20: {  	[sflag:s8] =	ssyncset.s32 @!p0 $0xFFFFF086;
	s6 =	sadd.s32 @!p0 s3, s7;
	s7 =	simm.s32 @!p0 $0x108  }
0x21: {  	s3 =	sadd.s32 s3, s9;
	s6 =	sadd.s32 @!p0 $0x88, s6;
	s7 =	simm.s32 @p2 $0x1082  }
0x22: {  	[simem:s7], [sflag:s8] =	dma.local @!p0 [hbm:s6], $0xF7A  }
0x23: {  	s9 =	sor.u32 $0xD0000000, s2;
	s6 =	simm.s32 $0x108;
	_ =	swait.ge @!p0 [sflag:s8], $0x0  }
0x24: {  	s3 =	sadd.s32 $0x88, s3;
	s6 =	simm.s32 @!p1 $0x1082;
	[sflag:s4] =	ssyncset.s32 $0xFFFFF086  }
0x25: {  	[simem:s6], [sflag:s4] =	dma.local [hbm:s3], $0xF7A  }
0x26: {  	[smem:$0x3F8C] =	sst s1;
	(tag) =	ssettag s2;
	_ =	strace s9  }
0x27: {  	s1 =	sld [smem:$0x3F9C]  }
0x28: {  	s2 =	sld [smem:$0x3F9D]  }
0x29: {  	s4 =	sld [smem:$0x3F9F]  }
0x2a: {  	p0 =	seq.s32 s5, $0x0;
	s5 =	sld [smem:$0x3FA0]  }
0x2b: {  	s6 =	sld [smem:$0x3FA1]  }
0x2c: {  	s7 =	sld [smem:$0x3FA2]  }
0x2d: {  	s3 =	simm.s32 $0x108;
	s8 =	sld [smem:$0x3FA3]  }
0x2e: {  	s3 =	simm.s32 @!p0 $0x1082;
	s9 =	sld [smem:$0x3FA4]  }
0x2f: {  	lr =	sadd.s32 s0, s3;
	s0 =	sld [smem:$0x3F9B]  }
0x30: {  	s3 =	sld [smem:$0x3F9E]  }
0x31: {  	[smem:$0x3FA7] =	sst s10  }
0x32: {  	s10 =	sld [smem:$0x3FA5];
	_ =	sdelay $0x3  }
0x33: {  	p0 =	seq.s32 s10, $0x1;
	s10 =	sld [smem:$0x3FA7];
	_ =	sdelay $0x3  }
0x34: {  	[smem:$0x3FA7] =	sst s10  }
0x35: {  	s10 =	sld [smem:$0x3FA6];
	_ =	sdelay $0x3  }
0x36: {  	p1 =	seq.s32 s10, $0x1;
	s10 =	sld [smem:$0x3FA7];
	_ =	sdelay $0x3  }
0x37: {  	[smem:$0x3FA7] =	sst s10  }
0x38: {  	s10 =	sld [smem:$0x3FA8]  }
0x39: {  	_ = 	snop;
	(pc) =	sbr.ind lr, $3  }
0x3a: {  	_ = 	snop  }
0x3b: {  	_ = 	snop  }
0x3c: {  	p2 =	seq.s32 s10, $0x1;
	s10 =	sld [smem:$0x3FA7]  }
0x3d: {  	_ =	shalt  }
0x3e: {  	_ =	shalt  }
0x3f: {  	_ =	shalt  }
0x40: {  	_ =	shalt  }
0x41: {  	_ =	shalt  }
0x42: {  	_ =	shalt  }
0x43: {  	_ =	shalt  }
0x44: {  	_ =	shalt  }
0x45: {  	_ =	shalt  }
0x46: {  	_ =	shalt  }
0x47: {  	_ =	shalt  }
0x48: {  	_ =	shalt  }
0x49: {  	_ =	shalt  }
0x4a: {  	_ =	shalt  }
0x4b: {  	_ =	shalt  }
0x4c: {  	_ =	shalt  }
0x4d: {  	_ =	shalt  }
0x4e: {  	_ =	shalt  }
0x4f: {  	_ =	shalt  }
0x50: {  	_ =	shalt  }
0x51: {  	_ =	shalt  }
0x52: {  	_ =	shalt  }
0x53: {  	_ =	shalt  }
0x54: {  	_ =	shalt  }
0x55: {  	_ =	shalt  }
0x56: {  	_ =	shalt  }
0x57: {  	_ =	shalt  }
0x58: {  	_ =	shalt  }
0x59: {  	_ =	shalt  }
0x5a: {  	_ =	shalt  }
0x5b: {  	_ =	shalt  }
0x5c: {  	_ =	shalt  }
0x5d: {  	_ =	shalt  }
0x5e: {  	_ =	shalt  }
0x5f: {  	_ =	shalt  }
0x60: {  	_ =	shalt  }
0x61: {  	_ =	shalt  }
0x62: {  	_ =	shalt  }
0x63: {  	_ =	shalt  }
0x64: {  	_ =	shalt  }
0x65: {  	_ =	shalt  }
0x66: {  	_ =	shalt  }
0x67: {  	_ =	shalt  }
0x68: {  	_ =	shalt  }
0x69: {  	_ =	shalt  }
0x6a: {  	_ =	shalt  }
0x6b: {  	_ =	shalt  }
0x6c: {  	_ =	shalt  }
0x6d: {  	_ =	shalt  }
0x6e: {  	_ =	shalt  }
0x6f: {  	_ =	shalt  }
0x70: {  	_ =	shalt  }
0x71: {  	_ =	shalt  }
0x72: {  	_ =	shalt  }
0x73: {  	_ =	shalt  }
0x74: {  	_ =	shalt  }
0x75: {  	_ =	shalt  }
0x76: {  	_ =	shalt  }
0x77: {  	_ =	shalt  }
0x78: {  	_ =	shalt  }
0x79: {  	_ =	shalt  }
0x7a: {  	_ =	shalt  }
0x7b: {  	_ =	shalt  }
0x7c: {  	_ =	shalt  }
0x7d: {  	_ =	shalt  }
0x7e: {  	_ =	shalt  }
0x7f: {  	_ =	shalt  }
0x80: {  	_ =	shalt  }
0x81: {  	_ =	shalt  }
0x82: {  	_ =	shalt  }
0x83: {  	_ =	shalt  }
0x84: {  	_ =	shalt  }
0x85: {  	_ =	shalt  }
0x86: {  	_ =	shalt  }
0x87: {  	_ =	shalt  }
.Lfunc_end0:
.L_simem_size_0:
called_computation_lowered:
.L_overlay_start_0:
0x88: {  	s2 =	sld [smem:$0x3FD9]  }
0x89: {  	s3 =	sld [smem:$0x3FFE];
	_ =	sdelay $0x1  }
0x8a: {  	s1 =	srdreg.scid  }
0x8b: {  	s0 =	sand.u32 $0x1, s1  }
0x8c: {  	s17 =	sshll.u32 s0, $0xA;
	s2 =	sadd.s32 s3, s2  }
0x8d: {  	s2 =	sadd.s32 s2, s17  }
0x8e: {  	[smem:$0x3FB3] =	sst s2  }
0x8f: {  	_ = 	snop  }
0x90: {  	s2 =	sld [smem:$0x3FD0];
	(tm) =	ssettm $0x1  }
0x91: {  	s18 =	sld [smem:$0x3FFB];
	_ =	sdelay $0x3  }
0x92: {  	_ =	strace s18  }
0x93: {  	s3 =	sld [smem:$0x3FFC];
	_ =	sdelay $0x3  }
0x94: {  	_ =	strace s3  }
0x95: {  	s3 =	sld [smem:$0x3FFD];
	_ =	sdelay $0x3  }
0x96: {  	_ =	strace s3  }
0x97: {  	_ =	strace $0x8FFFFFFF  }
0x98: {  	s19 =	sld [smem:$0x3FDB];
	_ =	sdelay $0x1  }
0x99: {  	s4 =	simm.s32 $_scs_section_size  }
0x9a: {  	s5 =	simm.s32 $_size__tile_overlayer_lowered;
	s6 =	simm.s32 $_tile_overlayer_lowered  }
0x9b: {  	s22 =	simm.s32 $0x1BFF;
	s21 =	sshll.u32 s6, $0x1;
	s3 =	sadd.s32 s4, s19  }
0x9c: {  	s7 =	simm.s32 $0x0;
	s20 =	sshll.u32 s5, $0x1;
	s5 =	sadd.s32 s21, s3  }
0x9d: {  	[timem:s7], [sflag:s22] =	dma.local [hbm:s5], s20  }
0x9e: {  	_ =	swait.ge [sflag:s22], s20  }
0x9f: {  	s4 =	ssub.s32 $0x0, s20;
	[sflag:s22] =	ssyncset.done $0x0  }
0xa0: {  	[sflag:s22] =	ssyncadd.s32 s4;
	_ =	sdelay $0x1  }
0xa1: {  	s23 =	simm.s32 $0x1B8B  }
0xa2: {  	_ =	swait.ge [sflag:s23], $0x1  }
0xa3: {  	[sflag:s23] =	ssyncset.done $0x0  }
0xa4: {  	s25 =	simm.s32 $0x1B8E;
	s24 =	sld [smem:$0x3FFE];
	[sflag:s23] =	ssyncadd.s32 $0xFFFFFFFF  }
0xa5: {  	s26 =	simm.s32 $execute0_lowered;
	[smem:$0x3FD2] =	sst s25  }
0xa6: {  	s5 =	sshll.u32 s26, $0x1;
	_ =	strace $0x80000046;
	[dreg:$0x1] =	wrdreg $0xFFFFFFFF  }
0xa7: {  	s28 =	simm.s32 $_size_execute0_lowered;
	s3 =	sadd.s32 s3, s5;
	[dreg:$0x0] =	wrdreg $0x0  }
0xa8: {  	s5 =	sshll.u32 s28, $0x1;
	[dreg:$0x2] =	wrdreg s3  }
0xa9: {  	[dreg:$0x3] =	wrdreg s5  }
0xaa: {  	[dreg:$0x4] =	wrdreg $0xC0  }
0xab: {  	_ =	task [dreg:s7], $0x5FFFF  }
0xac: {  	[dreg:$0x1] =	wrdreg $0xFFFFFFFF  }
0xad: {  	[dreg:$0x0] =	wrdreg $0x60  }
0xae: {  	[dreg:$0x2] =	wrdreg s24  }
0xaf: {  	[dreg:$0x3] =	wrdreg s2  }
0xb0: {  	[dreg:$0x4] =	wrdreg $0x4F800  }
0xb1: {  	[dreg:$0x5] =	wrdreg $0x9  }
0xb2: {  	_ =	task.clear_ibuf [dreg:s7], $0x6FFFF;
	_ =	strace $0x90000046  }
0xb3: {  	s29 =	simm.s32 $0x9;
	_ =	strace $0x80000048  }
0xb4: {  	_ =	swait.ge [sflag:s29], $0x1  }
0xb5: {  	[sflag:s29] =	ssyncadd.s32 $0xFFFFFFFF  }
0xb6: {  	_ =	strace $0x90000048  }
0xb7: {  	_ =	sfence  }
0xb8: {  	s30 =	sld [smem:$0x0];
	_ =	sdelay $0x2  }
0xb9: {  	s31 =	sshll.u32 s1, $0xD;
	s1 =	sshrl.u32 s1, $0x2  }
0xba: {  	s3 =	sand.u32 $0x4000, s31;
	s1 =	sadd.s32 s1, s30  }
0xbb: {  	s0 =	sor.u32 s3, s0;
	s1 =	sshll.u32 s1, $0x11  }
0xbc: {  	s0 =	sor.u32 s1, s0  }
0xbd: {  	s0 =	sadd.s32 $0x8F2B, s0  }
0xbe: {  	[sflag:s0] =	ssyncadd.remote.s32 $0x1  }
0xbf: {  	_ =	sfence.sel $0xFFFF  }
0xc0: {  	[dreg:$0x0] =	wrdreg $0xFFFFFFFF;
	(pc) =	sbr.abs _section_cstart, $3  }
0xc1: {  	[dreg:$0x1] =	wrdreg $0xFFFFFFFF  }
0xc2: {  	_ =	task.clear_ibuf [dreg:s7], $0x2FFFF;
	_ =	strace $0x9FFFFFFF  }
0xc3: {  	(tm) =	ssettm $0x7FFFFFFF  }
tec
execute0_lowered:
.L_overlay_start_1:
0x0: {  	(tag) =	ssettag $0x1  }
0x1: {  	s6 =	rddreg [dreg:$0x0]  }
0x2: {  	s2 =	rddreg [dreg:$0x1]  }
0x3: {  	s0 =	srdreg.scid;
	s3 =	rddreg [dreg:$0x2];
	s4 =	simm.s32 $0x0  }
0x4: {  	s13 =	simm.s32 $0x1;
	s14 =	simm.s32 $0x50;
	s15 =	simm.s32 $0x18F80  }
0x5: {  	s16 =	simm.s32 $0x19000;
	s17 =	simm.s32 $0x19080;
	s18 =	simm.s32 $0x19100  }
0x6: {  	s19 =	simm.s32 $0x2;
	s20 =	simm.s32 $0x3;
	s21 =	simm.s32 $0x4  }
0x7: {  	s22 =	simm.s32 $0x5;
	s5 =	sand.u32 $0x1, s0;
	s0 =	stileid.u32  }
0x8: {  	s23 =	simm.s32 $0x0;
	[smem:$0x7FF] =	sst s4;
	s8 =	smul.u32 $0x14000, s0  }
0x9: {  	s1 =	sshll.u32 s5, $0x4;
	s9 =	smul.u32 $0x140000, s5;
	s5 =	ssub.s32 $0x2, s5  }
0xa: {  	s29 =	smul.u32 $0x50000, s0;
	s31 =	sshll.u32 s0, $0x6;
	s1 =	sor.u32 s0, s1  }
0xb: {  	s11 =	sshrl.u32 s5, $0x1;
	s7 =	smul.u32 $0x4E2, s1;
	s1 =	rddreg [dreg:$0x3]  }
0xc: {  	_ =	strace $0x80000047;
	s10 =	sshrl.u32 s8, $0x3;
	s8 =	sadd.s32 s8, s9  }
0xd: {  	s11 =	ssub.s32 s5, s11;
	s30 =	sshrl.u32 s29, $0x2;
	s9 =	simm.s32 $0x2780  }
0xe: {  	s10 =	sadd.s32 s10, s6;
	s8 =	sshrl.u32 s8, $0x3;
	s12 =	sadd.s32 s30, s3  }
0xf: {  	s7 =	sadd.s32 s7, s6;
	s8 =	sadd.s32 s8, s6;
	s6 =	sadd.s32 $0x18400, s10  }
0x10: {  	s10 =	simm.s32 $0x6;
	s12 =	sshrl.u32 s12, $0x3;
	s5 =	sadd.s32 $0xE600, s7  }
0x11: {  	s7 =	sadd.s32 $0x40400, s8;
	s8 =	smax.u32 s11, $0x1;
	s11 =	sor.u32 $0x1C06, s31  }
.LBB2_1:
0x12: {  	[tilespmem:s4], [sflag:$0x1] =	stream.linear.gather [hbm4b:s5+s4], $0x2710, $0x38;
	[tilespmem:$0x19180] =	vst v63  }
0x13: {  	_ = 	snop  }
0x14: {  	[tilespmem:s9], [sflag:$0x6] =	stream.linear.gather [hbm4b:s2+s4], $0x2800, $0x38;
	[tilespmem:$0x19180] =	vst v63  }
0x15: {  	_ =	swait.ge [sflag:s10], $0x2800  }
0x16: {  	[sflag:s10] =	ssyncset.done $0x0  }
0x17: {  	[sflag:s10] =	ssyncadd.s32 $0xFFFFD800  }
0x18: {  	[spmem:s12], [sflag:s11] =	dma.local [hbm:s6], $0x2800  }
0x19: {  	_ =	swait.ge [sflag:s10], $0x2800  }
0x1a: {  	[sflag:s10] =	ssyncset.done $0x0  }
0x1b: {  	[sflag:s10] =	ssyncadd.s32 $0xFFFFD800  }
0x1c: {  	_ =	swait.ge [sflag:s13], $0x2710  }
0x1d: {  	[sflag:s13] =	ssyncset.done $0x0  }
0x1e: {  	[sflag:s13] =	ssyncadd.s32 $0xFFFFD8F0  }
0x1f: {  	[bflag:$0x0] =	sbarrier.arrive $0xFFFF  }
0x20: {  	v0 =	vld [tilespmem:$0x0]  }
0x21: {  	v1 =	vld [tilespmem:$0x10]  }
0x22: {  	v2 =	vld [tilespmem:$0x20]  }
0x23: {  	v3 =	vld [tilespmem:$0x30]  }
0x24: {  	v4 =	vld [tilespmem:$0x40]  }
0x25: {  	[tilespmem:$0x18F80] =	vst v0  }
0x26: {  	[tilespmem:$0x18F90] =	vst v1  }
0x27: {  	[tilespmem:$0x18FA0] =	vst v2  }
0x28: {  	[tilespmem:$0x18FB0] =	vst v3  }
0x29: {  	[tilespmem:$0x18FC0] =	vst v4  }
0x2a: {  	[spmem:s3] =	stream.indirect.scatter.add.f32 [tilespmem:s9], [sflag:$0x2], $0x80, s15, s14, $0xb8;
	[tilespmem:$0x19180] =	vst v63  }
0x2b: {  	v45 =	vld [tilespmem:$0x50]  }
0x2c: {  	v46 =	vld [tilespmem:$0x60]  }
0x2d: {  	v47 =	vld [tilespmem:$0x70]  }
0x2e: {  	v48 =	vld [tilespmem:$0x80]  }
0x2f: {  	v49 =	vld [tilespmem:$0x90]  }
0x30: {  	[tilespmem:$0x19000] =	vst v45  }
0x31: {  	[tilespmem:$0x19010] =	vst v46  }
0x32: {  	[tilespmem:$0x19020] =	vst v47  }
0x33: {  	[tilespmem:$0x19030] =	vst v48  }
0x34: {  	[tilespmem:$0x19040] =	vst v49  }
0x35: {  	[spmem:s3] =	stream.indirect.scatter.add.f32 [tilespmem:s9], [sflag:$0x3], $0x80, s16, s14, $0xb8;
	[tilespmem:$0x19180] =	vst v63  }
0x36: {  	v50 =	vld [tilespmem:$0xA0]  }
0x37: {  	v51 =	vld [tilespmem:$0xB0]  }
0x38: {  	v52 =	vld [tilespmem:$0xC0]  }
0x39: {  	v53 =	vld [tilespmem:$0xD0]  }
0x3a: {  	v54 =	vld [tilespmem:$0xE0]  }
0x3b: {  	[tilespmem:$0x19080] =	vst v50  }
0x3c: {  	[tilespmem:$0x19090] =	vst v51  }
0x3d: {  	[tilespmem:$0x190A0] =	vst v52  }
0x3e: {  	[tilespmem:$0x190B0] =	vst v53  }
0x3f: {  	[tilespmem:$0x190C0] =	vst v54  }
0x40: {  	[spmem:s3] =	stream.indirect.scatter.add.f32 [tilespmem:s9], [sflag:$0x4], $0x80, s17, s14, $0xb8;
	[tilespmem:$0x19180] =	vst v63  }
0x41: {  	v55 =	vld [tilespmem:$0xF0]  }
0x42: {  	v56 =	vld [tilespmem:$0x100]  }
0x43: {  	v57 =	vld [tilespmem:$0x110]  }
0x44: {  	v58 =	vld [tilespmem:$0x120]  }
0x45: {  	v59 =	vld [tilespmem:$0x130]  }
0x46: {  	[tilespmem:$0x19100] =	vst v55  }
0x47: {  	[tilespmem:$0x19110] =	vst v56  }
0x48: {  	[tilespmem:$0x19120] =	vst v57  }
0x49: {  	[tilespmem:$0x19130] =	vst v58  }
0x4a: {  	[tilespmem:$0x19140] =	vst v59  }
0x4b: {  	[spmem:s3] =	stream.indirect.scatter.add.f32 [tilespmem:s9], [sflag:$0x5], $0x80, s18, s14, $0xb8;
	[tilespmem:$0x19180] =	vst v63  }
0x4c: {  	_ =	swait.ge [sflag:s19], $0x2800  }
0x4d: {  	[sflag:s19] =	ssyncset.done $0x0  }
0x4e: {  	s24 =	simm.s32 $0x270;
	[sflag:s19] =	ssyncadd.s32 $0xFFFFD800  }
0x4f: {  	v60 =	vld [tilespmem:s24+$0xFFFFFED0];
	_ =	sdelay $0x4  }
0x50: {  	[tilespmem:$0x18F80] =	vst v60  }
0x51: {  	v0 =	vld [tilespmem:s24+$0xFFFFFEE0];
	_ =	sdelay $0x4  }
0x52: {  	[tilespmem:$0x18F90] =	vst v0  }
0x53: {  	v0 =	vld [tilespmem:s24+$0xFFFFFEF0];
	_ =	sdelay $0x4  }
0x54: {  	[tilespmem:$0x18FA0] =	vst v0  }
0x55: {  	v0 =	vld [tilespmem:s24+$0xFFFFFF00];
	_ =	sdelay $0x4  }
0x56: {  	[tilespmem:$0x18FB0] =	vst v0  }
0x57: {  	v0 =	vld [tilespmem:s24+$0xFFFFFF10];
	_ =	sdelay $0x4  }
0x58: {  	[tilespmem:$0x18FC0] =	vst v0  }
0x59: {  	[spmem:s3] =	stream.indirect.scatter.add.f32 [tilespmem:s9], [sflag:$0x2], $0x80, s15, s14, $0xb8;
	[tilespmem:$0x19180] =	vst v63  }
0x5a: {  	_ =	swait.ge [sflag:s20], $0x2800  }
0x5b: {  	[sflag:s20] =	ssyncset.done $0x0  }
0x5c: {  	[sflag:s20] =	ssyncadd.s32 $0xFFFFD800  }
0x5d: {  	v61 =	vld [tilespmem:s24+$0xFFFFFF20];
	_ =	sdelay $0x4  }
0x5e: {  	[tilespmem:$0x19000] =	vst v61  }
0x5f: {  	v0 =	vld [tilespmem:s24+$0xFFFFFF30];
	_ =	sdelay $0x4  }
0x60: {  	[tilespmem:$0x19010] =	vst v0  }
0x61: {  	v0 =	vld [tilespmem:s24+$0xFFFFFF40];
	_ =	sdelay $0x3  }
0x62: {  	s25 =	simm.s32 $0x140  }
0x63: {  	s25 =	sand.u32 $0x7FC0, s25;
	[tilespmem:$0x19020] =	vst v0  }
0x64: {  	v0 =	vld [tilespmem:s25+$0x80];
	_ =	sdelay $0x4  }
0x65: {  	[tilespmem:$0x19030] =	vst v0  }
0x66: {  	v0 =	vld [tilespmem:s24+$0xFFFFFF60];
	_ =	sdelay $0x4  }
0x67: {  	[tilespmem:$0x19040] =	vst v0  }
0x68: {  	[spmem:s3] =	stream.indirect.scatter.add.f32 [tilespmem:s9], [sflag:$0x3], $0x80, s16, s14, $0xb8;
	[tilespmem:$0x19180] =	vst v63  }
0x69: {  	_ =	swait.ge [sflag:s21], $0x2800  }
0x6a: {  	[sflag:s21] =	ssyncset.done $0x0  }
0x6b: {  	[sflag:s21] =	ssyncadd.s32 $0xFFFFD800  }
0x6c: {  	v62 =	vld [tilespmem:s24+$0xFFFFFF70];
	_ =	sdelay $0x4  }
0x6d: {  	[tilespmem:$0x19080] =	vst v62  }
0x6e: {  	v0 =	vld [tilespmem:s24+$0xFFFFFF80];
	_ =	sdelay $0x4  }
0x6f: {  	[tilespmem:$0x19090] =	vst v0  }
0x70: {  	v0 =	vld [tilespmem:s24+$0xFFFFFF90];
	_ =	sdelay $0x4  }
0x71: {  	[tilespmem:$0x190A0] =	vst v0  }
0x72: {  	v0 =	vld [tilespmem:s24+$0xFFFFFFA0];
	_ =	sdelay $0x4  }
0x73: {  	[tilespmem:$0x190B0] =	vst v0  }
0x74: {  	v0 =	vld [tilespmem:s24+$0xFFFFFFB0];
	_ =	sdelay $0x4  }
0x75: {  	[tilespmem:$0x190C0] =	vst v0  }
0x76: {  	[spmem:s3] =	stream.indirect.scatter.add.f32 [tilespmem:s9], [sflag:$0x4], $0x80, s17, s14, $0xb8;
	[tilespmem:$0x19180] =	vst v63  }
0x77: {  	_ =	swait.ge [sflag:s22], $0x2800  }
0x78: {  	[sflag:s22] =	ssyncset.done $0x0  }
0x79: {  	[sflag:s22] =	ssyncadd.s32 $0xFFFFD800  }
0x7a: {  	v63 =	vld [tilespmem:s24+$0xFFFFFFC0];
	_ =	sdelay $0x4  }
0x7b: {  	[tilespmem:$0x19100] =	vst v63  }
0x7c: {  	v0 =	vld [tilespmem:s25+$0x100];
	_ =	sdelay $0x4  }
0x7d: {  	[tilespmem:$0x19110] =	vst v0  }
0x7e: {  	v0 =	vld [tilespmem:s24+$0xFFFFFFE0];
	_ =	sdelay $0x4  }
0x7f: {  	[tilespmem:$0x19120] =	vst v0  }
0x80: {  	v0 =	vld [tilespmem:s24+$0xFFFFFFF0];
	_ =	sdelay $0x4  }
0x81: {  	[tilespmem:$0x19130] =	vst v0  }
0x82: {  	v0 =	vld [tilespmem:s24+$0x0];
	_ =	sdelay $0x4  }
0x83: {  	s25 =	simm.s32 $0x3B0;
	s24 =	simm.s32 $0x280;
	[tilespmem:$0x19140] =	vst v0  }
.LBB2_2:
0x84: {  	[spmem:s3] =	stream.indirect.scatter.add.f32 [tilespmem:s9], [sflag:$0x5], $0x80, s18, s14, $0xb8;
	[tilespmem:$0x19180] =	vst v63  }
0x85: {  	s26 =	smov.u32 s24  }
0x86: {  	p0 =	sne.s32 s24, $0x2580;
	s24 =	sadd.s32 $0x140, s24;
	_ =	swait.ge [sflag:s19], $0x2800  }
0x87: {  	[sflag:s19] =	ssyncset.done $0x0  }
0x88: {  	[sflag:s19] =	ssyncadd.s32 $0xFFFFD800  }
0x89: {  	v0 =	vld [tilespmem:s25+$0xFFFFFED0];
	_ =	sdelay $0x4  }
0x8a: {  	[tilespmem:$0x18F80] =	vst v0  }
0x8b: {  	v0 =	vld [tilespmem:s25+$0xFFFFFEE0];
	_ =	sdelay $0x4  }
0x8c: {  	[tilespmem:$0x18F90] =	vst v0  }
0x8d: {  	v0 =	vld [tilespmem:s25+$0xFFFFFEF0];
	_ =	sdelay $0x4  }
0x8e: {  	[tilespmem:$0x18FA0] =	vst v0  }
0x8f: {  	v0 =	vld [tilespmem:s25+$0xFFFFFF00];
	_ =	sdelay $0x4  }
0x90: {  	[tilespmem:$0x18FB0] =	vst v0  }
0x91: {  	v0 =	vld [tilespmem:s25+$0xFFFFFF10];
	_ =	sdelay $0x4  }
0x92: {  	[tilespmem:$0x18FC0] =	vst v0  }
0x93: {  	[spmem:s3] =	stream.indirect.scatter.add.f32 [tilespmem:s9], [sflag:$0x2], $0x80, s15, s14, $0xb8;
	[tilespmem:$0x19180] =	vst v63  }
0x94: {  	_ =	swait.ge [sflag:s20], $0x2800  }
0x95: {  	[sflag:s20] =	ssyncset.done $0x0  }
0x96: {  	[sflag:s20] =	ssyncadd.s32 $0xFFFFD800  }
0x97: {  	v0 =	vld [tilespmem:s25+$0xFFFFFF20];
	_ =	sdelay $0x4  }
0x98: {  	[tilespmem:$0x19000] =	vst v0  }
0x99: {  	v0 =	vld [tilespmem:s25+$0xFFFFFF30];
	_ =	sdelay $0x4  }
0x9a: {  	[tilespmem:$0x19010] =	vst v0  }
0x9b: {  	v0 =	vld [tilespmem:s25+$0xFFFFFF40];
	_ =	sdelay $0x4  }
0x9c: {  	s26 =	sand.u32 $0x7FC0, s26;
	[tilespmem:$0x19020] =	vst v0  }
0x9d: {  	v0 =	vld [tilespmem:s26+$0x80];
	_ =	sdelay $0x4  }
0x9e: {  	[tilespmem:$0x19030] =	vst v0  }
0x9f: {  	v0 =	vld [tilespmem:s25+$0xFFFFFF60];
	_ =	sdelay $0x4  }
0xa0: {  	[tilespmem:$0x19040] =	vst v0  }
0xa1: {  	[spmem:s3] =	stream.indirect.scatter.add.f32 [tilespmem:s9], [sflag:$0x3], $0x80, s16, s14, $0xb8;
	[tilespmem:$0x19180] =	vst v63  }
0xa2: {  	_ =	swait.ge [sflag:s21], $0x2800  }
0xa3: {  	[sflag:s21] =	ssyncset.done $0x0  }
0xa4: {  	[sflag:s21] =	ssyncadd.s32 $0xFFFFD800  }
0xa5: {  	v0 =	vld [tilespmem:s25+$0xFFFFFF70];
	_ =	sdelay $0x4  }
0xa6: {  	[tilespmem:$0x19080] =	vst v0  }
0xa7: {  	v0 =	vld [tilespmem:s25+$0xFFFFFF80];
	_ =	sdelay $0x4  }
0xa8: {  	[tilespmem:$0x19090] =	vst v0  }
0xa9: {  	v0 =	vld [tilespmem:s25+$0xFFFFFF90];
	_ =	sdelay $0x4  }
0xaa: {  	[tilespmem:$0x190A0] =	vst v0  }
0xab: {  	v0 =	vld [tilespmem:s25+$0xFFFFFFA0];
	_ =	sdelay $0x4  }
0xac: {  	[tilespmem:$0x190B0] =	vst v0  }
0xad: {  	v0 =	vld [tilespmem:s25+$0xFFFFFFB0];
	_ =	sdelay $0x4  }
0xae: {  	[tilespmem:$0x190C0] =	vst v0  }
0xaf: {  	[spmem:s3] =	stream.indirect.scatter.add.f32 [tilespmem:s9], [sflag:$0x4], $0x80, s17, s14, $0xb8;
	[tilespmem:$0x19180] =	vst v63  }
0xb0: {  	_ =	swait.ge [sflag:s22], $0x2800  }
0xb1: {  	[sflag:s22] =	ssyncset.done $0x0  }
0xb2: {  	[sflag:s22] =	ssyncadd.s32 $0xFFFFD800  }
0xb3: {  	v0 =	vld [tilespmem:s25+$0xFFFFFFC0];
	_ =	sdelay $0x4  }
0xb4: {  	[tilespmem:$0x19100] =	vst v0  }
0xb5: {  	v0 =	vld [tilespmem:s26+$0x100];
	_ =	sdelay $0x4  }
0xb6: {  	[tilespmem:$0x19110] =	vst v0  }
0xb7: {  	v0 =	vld [tilespmem:s25+$0xFFFFFFE0];
	_ =	sdelay $0x4  }
0xb8: {  	[tilespmem:$0x19120] =	vst v0  }
0xb9: {  	v0 =	vld [tilespmem:s25+$0xFFFFFFF0];
	_ =	sdelay $0x4  }
0xba: {  	[tilespmem:$0x19130] =	vst v0  }
0xbb: {  	v0 =	vld [tilespmem:s25+$0x0]  }
.Ltmp0:
0xbc: {  	(pc) =	sbr.rel @p0 .LBB2_2-.Ltmp0, $2  }
0xbd: {  	_ =	sdelay $0x2  }
0xbe: {  	s25 =	sadd.s32 $0x140, s25;
	[tilespmem:$0x19140] =	vst v0  }
0xbf: {  	[spmem:s3] =	stream.indirect.scatter.add.f32 [tilespmem:s9], [sflag:$0x5], $0x80, s18, s14, $0xb8;
	[tilespmem:$0x19180] =	vst v63  }
0xc0: {  	_ =	swait.ge [sflag:s19], $0x2800  }
0xc1: {  	[sflag:s19] =	ssyncset.done $0x0  }
0xc2: {  	[sflag:s19] =	ssyncadd.s32 $0xFFFFD800  }
0xc3: {  	_ =	swait.ge [sflag:s20], $0x2800  }
0xc4: {  	[sflag:s20] =	ssyncset.done $0x0  }
0xc5: {  	[sflag:s20] =	ssyncadd.s32 $0xFFFFD800  }
0xc6: {  	_ =	swait.ge [sflag:s21], $0x2800  }
0xc7: {  	[sflag:s21] =	ssyncset.done $0x0  }
0xc8: {  	[sflag:s21] =	ssyncadd.s32 $0xFFFFD800  }
0xc9: {  	_ =	swait.ge [sflag:s22], $0x2800  }
0xca: {  	[sflag:s22] =	ssyncset.done $0x0  }
0xcb: {  	[sflag:s22] =	ssyncadd.s32 $0xFFFFD800  }
0xcc: {  	v0 =	vld [tilespmem:$0x26C0]  }
0xcd: {  	v1 =	vld [tilespmem:$0x26D0]  }
0xce: {  	v2 =	vld [tilespmem:$0x26E0]  }
0xcf: {  	v3 =	vld [tilespmem:$0x26F0]  }
0xd0: {  	v4 =	vld [tilespmem:$0x2700]  }
0xd1: {  	[tilespmem:$0x18F80] =	vst v0  }
0xd2: {  	[tilespmem:$0x18F90] =	vst v1  }
0xd3: {  	[tilespmem:$0x18FA0] =	vst v2  }
0xd4: {  	[tilespmem:$0x18FB0] =	vst v3  }
0xd5: {  	[tilespmem:$0x18FC0] =	vst v4  }
0xd6: {  	[spmem:s3] =	stream.indirect.scatter.add.f32 [tilespmem:s9], [sflag:$0x6], $0x80, s15, s14, $0xb8;
	[tilespmem:$0x19180] =	vst v63  }
0xd7: {  	_ =	swait.ge [sflag:s10], $0x2800  }
0xd8: {  	s23 =	sadd.s32 $0x1, s23;
	[sflag:s10] =	ssyncset.done $0x0  }
0xd9: {  	p0 =	sne.s32 s23, s8;
	[sflag:s10] =	ssyncadd.s32 $0xFFFFD800  }
.Ltmp1:
0xda: {  	[bflag:$0x0] =	sbarrier.arrive $0xFFFF;
	(pc) =	sbr.rel @p0 .LBB2_1-.Ltmp1, $4  }
0xdb: {  	[hbm:s7], [sflag:s11] =	dma.local [spmem:s12], $0x2800  }
0xdc: {  	_ =	swait.ge [sflag:s10], $0x2800  }
0xdd: {  	[sflag:s10] =	ssyncset.done $0x0  }
0xde: {  	[sflag:s10] =	ssyncadd.s32 $0xFFFFD800  }
0xdf: {  	_ =	sfence.sel $0x180000  }
0xe0: {  	[bflag:$0x0] =	sbarrier.arrive $0xFFFF  }
0xe1: {  	p0 =	sne.s32 s0, $0x0;
	_ =	strace $0x90000047  }
0xe2: {  	s0 =	sadd.s32 @!p0 $0x100000, s1;
	[bflag:$0x2] =	sbarrier.arrive $0xFFFF  }
0xe3: {  	[sflag:s0] =	ssyncadd.tile.s32 @!p0 $0x1;
	_ =	shalt  }
.Lfunc_end2:
_tile_overlayer_lowered:
.L_overlay_start_2:
0xe4: {  	(tag) =	ssettag $0x2  }
0xe5: {  	s0 =	rddreg [dreg:$0x0];
	s2 =	stileid.u32  }
0xe6: {  	s1 =	rddreg [dreg:$0x1];
	p0 =	sne.s32 s2, $0x0  }
0xe7: {  	s3 =	rddreg [dreg:$0x2];
	[bflag:$0x3] =	sbarrier.arrive $0xFFFF;
	s2 =	simm.s32 @!p0 $0x1C06  }
0xe8: {  	[timem:s3], [sflag:s2] =	dma.local @!p0 [hbm:s0], s1  }
0xe9: {  	s0 =	simm.s32 @!p0 $0x6  }
0xea: {  	_ =	swait.ge @!p0 [sflag:s0], s1  }
0xeb: {  	s1 =	ssub.s32 @!p0 $0x0, s1;
	[sflag:s0] =	ssyncset.done @!p0 $0x0  }
0xec: {  	[sflag:s0] =	ssyncadd.s32 @!p0 s1  }
0xed: {  	[bflag:$0x3] =	sbarrier.arrive $0xFFFF  }
0xee: {  	_ =	shalt  }

// kernel: kernel.13.cloned.1.call-start
scs
__scs_entry_jumppad:
0x0: {  	(pc) =	sbr.rel $0x88, $3  }
0x1: {  	(tag) =	ssettag $0x0;
	lr =	simm.s32 $0x1  }
0x2: {  	[smem:$0x3F8C] =	sst lr;
	_ =	strace $0xD0000000  }
0x3: {  	_ = 	snop  }
0x4: {  	_ = 	snop  }
0x5: {  	_ = 	snop  }
0x6: {  	_ = 	snop  }
0x7: {  	_ = 	snop  }
__scs_overlays_trampoline_lowered:
0x8: {  	[smem:$0x3F9B] =	sst s0  }
0x9: {  	[smem:$0x3F9C] =	sst s1  }
0xa: {  	[smem:$0x3F9D] =	sst s2  }
0xb: {  	[smem:$0x3F9E] =	sst s3  }
0xc: {  	[smem:$0x3F9F] =	sst s4  }
0xd: {  	[smem:$0x3FA0] =	sst s5  }
0xe: {  	[smem:$0x3FA1] =	sst s6  }
0xf: {  	[smem:$0x3FA2] =	sst s7  }
0x10: {  	[smem:$0x3FA3] =	sst s8  }
0x11: {  	[smem:$0x3FA4] =	sst s9;
	s0 =	simm.s32 @!p0 $0x0  }
0x12: {  	s1 =	sld [smem:$0x3F8A];
	s0 =	simm.s32 @p0 $0x1  }
0x13: {  	[smem:$0x3FA5] =	sst s0;
	s0 =	simm.s32 @!p1 $0x0  }
0x14: {  	s2 =	sld [smem:$0x3F89];
	s0 =	simm.s32 @p1 $0x1  }
0x15: {  	[smem:$0x3FA6] =	sst s0;
	s0 =	simm.s32 @!p2 $0x0  }
0x16: {  	s3 =	sld [smem:$0x3FDB];
	s0 =	simm.s32 @p2 $0x1  }
0x17: {  	s4 =	simm.s32 $0x1BF5;
	[smem:$0x3FA8] =	sst s0  }
0x18: {  	s0 =	sld [smem:$0x3F8B];
	_ =	swait.ge [sflag:s4], $0x0  }
0x19: {  	s7 =	sld [smem:$0x3F8C]  }
0x1a: {  	s8 =	sadd.s32 $0xFFFFE003, lr  }
0x1b: {  	s9 =	sadd.s32 $0xFFFFFEF7, lr;
	s5 =	simm.s32 $0xFFFFFFFF;
	p2 =	slt.u32 s8, $0xFFFFF086  }
0x1c: {  	p1 =	slt.u32 s9, $0xF7A;
	s5 =	simm.s32 @!p2 $0x0  }
0x1d: {  	s5 =	simm.s32 @p1 $0x1;
	p0 =	seq.s32 s7, s2  }
0x1e: {  	s7 =	smul.u32 @!p0 $0xF7A, s2;
	p2 =	seq.s32 @!p0 s5, $0x0  }
0x1f: {  	s9 =	smul.u32 $0xF7A, s1;
	s8 =	simm.s32 @!p0 $0x1BF5;
	p2 =	por !p2, p0  }
0x20: {  	[sflag:s8] =	ssyncset.s32 @!p0 $0xFFFFF086;
	s6 =	sadd.s32 @!p0 s3, s7;
	s7 =	simm.s32 @!p0 $0x108  }
0x21: {  	s3 =	sadd.s32 s3, s9;
	s6 =	sadd.s32 @!p0 $0x88, s6;
	s7 =	simm.s32 @p2 $0x1082  }
0x22: {  	[simem:s7], [sflag:s8] =	dma.local @!p0 [hbm:s6], $0xF7A  }
0x23: {  	s9 =	sor.u32 $0xD0000000, s2;
	s6 =	simm.s32 $0x108;
	_ =	swait.ge @!p0 [sflag:s8], $0x0  }
0x24: {  	s3 =	sadd.s32 $0x88, s3;
	s6 =	simm.s32 @!p1 $0x1082;
	[sflag:s4] =	ssyncset.s32 $0xFFFFF086  }
0x25: {  	[simem:s6], [sflag:s4] =	dma.local [hbm:s3], $0xF7A  }
0x26: {  	[smem:$0x3F8C] =	sst s1;
	(tag) =	ssettag s2;
	_ =	strace s9  }
0x27: {  	s1 =	sld [smem:$0x3F9C]  }
0x28: {  	s2 =	sld [smem:$0x3F9D]  }
0x29: {  	s4 =	sld [smem:$0x3F9F]  }
0x2a: {  	p0 =	seq.s32 s5, $0x0;
	s5 =	sld [smem:$0x3FA0]  }
0x2b: {  	s6 =	sld [smem:$0x3FA1]  }
0x2c: {  	s7 =	sld [smem:$0x3FA2]  }
0x2d: {  	s3 =	simm.s32 $0x108;
	s8 =	sld [smem:$0x3FA3]  }
0x2e: {  	s3 =	simm.s32 @!p0 $0x1082;
	s9 =	sld [smem:$0x3FA4]  }
0x2f: {  	lr =	sadd.s32 s0, s3;
	s0 =	sld [smem:$0x3F9B]  }
0x30: {  	s3 =	sld [smem:$0x3F9E]  }
0x31: {  	[smem:$0x3FA7] =	sst s10  }
0x32: {  	s10 =	sld [smem:$0x3FA5];
	_ =	sdelay $0x3  }
0x33: {  	p0 =	seq.s32 s10, $0x1;
	s10 =	sld [smem:$0x3FA7];
	_ =	sdelay $0x3  }
0x34: {  	[smem:$0x3FA7] =	sst s10  }
0x35: {  	s10 =	sld [smem:$0x3FA6];
	_ =	sdelay $0x3  }
0x36: {  	p1 =	seq.s32 s10, $0x1;
	s10 =	sld [smem:$0x3FA7];
	_ =	sdelay $0x3  }
0x37: {  	[smem:$0x3FA7] =	sst s10  }
0x38: {  	s10 =	sld [smem:$0x3FA8]  }
0x39: {  	_ = 	snop;
	(pc) =	sbr.ind lr, $3  }
0x3a: {  	_ = 	snop  }
0x3b: {  	_ = 	snop  }
0x3c: {  	p2 =	seq.s32 s10, $0x1;
	s10 =	sld [smem:$0x3FA7]  }
0x3d: {  	_ =	shalt  }
0x3e: {  	_ =	shalt  }
0x3f: {  	_ =	shalt  }
0x40: {  	_ =	shalt  }
0x41: {  	_ =	shalt  }
0x42: {  	_ =	shalt  }
0x43: {  	_ =	shalt  }
0x44: {  	_ =	shalt  }
0x45: {  	_ =	shalt  }
0x46: {  	_ =	shalt  }
0x47: {  	_ =	shalt  }
0x48: {  	_ =	shalt  }
0x49: {  	_ =	shalt  }
0x4a: {  	_ =	shalt  }
0x4b: {  	_ =	shalt  }
0x4c: {  	_ =	shalt  }
0x4d: {  	_ =	shalt  }
0x4e: {  	_ =	shalt  }
0x4f: {  	_ =	shalt  }
0x50: {  	_ =	shalt  }
0x51: {  	_ =	shalt  }
0x52: {  	_ =	shalt  }
0x53: {  	_ =	shalt  }
0x54: {  	_ =	shalt  }
0x55: {  	_ =	shalt  }
0x56: {  	_ =	shalt  }
0x57: {  	_ =	shalt  }
0x58: {  	_ =	shalt  }
0x59: {  	_ =	shalt  }
0x5a: {  	_ =	shalt  }
0x5b: {  	_ =	shalt  }
0x5c: {  	_ =	shalt  }
0x5d: {  	_ =	shalt  }
0x5e: {  	_ =	shalt  }
0x5f: {  	_ =	shalt  }
0x60: {  	_ =	shalt  }
0x61: {  	_ =	shalt  }
0x62: {  	_ =	shalt  }
0x63: {  	_ =	shalt  }
0x64: {  	_ =	shalt  }
0x65: {  	_ =	shalt  }
0x66: {  	_ =	shalt  }
0x67: {  	_ =	shalt  }
0x68: {  	_ =	shalt  }
0x69: {  	_ =	shalt  }
0x6a: {  	_ =	shalt  }
0x6b: {  	_ =	shalt  }
0x6c: {  	_ =	shalt  }
0x6d: {  	_ =	shalt  }
0x6e: {  	_ =	shalt  }
0x6f: {  	_ =	shalt  }
0x70: {  	_ =	shalt  }
0x71: {  	_ =	shalt  }
0x72: {  	_ =	shalt  }
0x73: {  	_ =	shalt  }
0x74: {  	_ =	shalt  }
0x75: {  	_ =	shalt  }
0x76: {  	_ =	shalt  }
0x77: {  	_ =	shalt  }
0x78: {  	_ =	shalt  }
0x79: {  	_ =	shalt  }
0x7a: {  	_ =	shalt  }
0x7b: {  	_ =	shalt  }
0x7c: {  	_ =	shalt  }
0x7d: {  	_ =	shalt  }
0x7e: {  	_ =	shalt  }
0x7f: {  	_ =	shalt  }
0x80: {  	_ =	shalt  }
0x81: {  	_ =	shalt  }
0x82: {  	_ =	shalt  }
0x83: {  	_ =	shalt  }
0x84: {  	_ =	shalt  }
0x85: {  	_ =	shalt  }
0x86: {  	_ =	shalt  }
0x87: {  	_ =	shalt  }
.Lfunc_end0:
.L_simem_size_0:
called_computation.1_lowered:
.L_overlay_start_0:
0x88: {  	s2 =	sld [smem:$0x3FD9]  }
0x89: {  	s3 =	sld [smem:$0x3FFE];
	_ =	sdelay $0x1  }
0x8a: {  	s1 =	srdreg.scid  }
0x8b: {  	s0 =	sand.u32 $0x1, s1  }
0x8c: {  	s16 =	sshll.u32 s0, $0xA;
	s2 =	sadd.s32 s3, s2  }
0x8d: {  	s2 =	sadd.s32 s2, s16  }
0x8e: {  	[smem:$0x3FB3] =	sst s2  }
0x8f: {  	_ = 	snop  }
0x90: {  	(tm) =	ssettm $0x1  }
0x91: {  	s17 =	sld [smem:$0x3FFB];
	_ =	sdelay $0x3  }
0x92: {  	_ =	strace s17  }
0x93: {  	s2 =	sld [smem:$0x3FFC];
	_ =	sdelay $0x3  }
0x94: {  	_ =	strace s2  }
0x95: {  	s2 =	sld [smem:$0x3FFD];
	_ =	sdelay $0x3  }
0x96: {  	_ =	strace s2  }
0x97: {  	_ =	strace $0x8FFFFFFF  }
0x98: {  	s18 =	sld [smem:$0x3FDB];
	_ =	sdelay $0x1  }
0x99: {  	s19 =	simm.s32 $_scs_section_size  }
0x9a: {  	s4 =	simm.s32 $_size__tile_overlayer_lowered;
	s5 =	simm.s32 $_tile_overlayer_lowered  }
0x9b: {  	s22 =	simm.s32 $0x1BFF;
	s21 =	sshll.u32 s5, $0x1;
	s2 =	sadd.s32 s19, s18  }
0x9c: {  	s6 =	simm.s32 $0x0;
	s20 =	sshll.u32 s4, $0x1;
	s4 =	sadd.s32 s21, s2  }
0x9d: {  	[timem:s6], [sflag:s22] =	dma.local [hbm:s4], s20  }
0x9e: {  	_ =	swait.ge [sflag:s22], s20  }
0x9f: {  	s3 =	ssub.s32 $0x0, s20;
	[sflag:s22] =	ssyncset.done $0x0  }
0xa0: {  	[sflag:s22] =	ssyncadd.s32 s3;
	_ =	sdelay $0x1  }
0xa1: {  	s23 =	simm.s32 $0x1B8B  }
0xa2: {  	_ =	swait.ge [sflag:s23], $0x1  }
0xa3: {  	[sflag:s23] =	ssyncset.done $0x0  }
0xa4: {  	s25 =	simm.s32 $0x1B8E;
	s24 =	sld [smem:$0x3FFE];
	[sflag:s23] =	ssyncadd.s32 $0xFFFFFFFF  }
0xa5: {  	s26 =	simm.s32 $execute0_lowered;
	[smem:$0x3FD2] =	sst s25  }
0xa6: {  	s4 =	sshll.u32 s26, $0x1;
	_ =	strace $0x80000049;
	[dreg:$0x1] =	wrdreg $0xFFFFFFFF  }
0xa7: {  	s28 =	simm.s32 $_size_execute0_lowered;
	s2 =	sadd.s32 s2, s4;
	[dreg:$0x0] =	wrdreg $0x0  }
0xa8: {  	s4 =	sshll.u32 s28, $0x1;
	[dreg:$0x2] =	wrdreg s2  }
0xa9: {  	[dreg:$0x3] =	wrdreg s4  }
0xaa: {  	[dreg:$0x4] =	wrdreg $0xC0  }
0xab: {  	_ =	task [dreg:s6], $0x5FFFF  }
0xac: {  	[dreg:$0x1] =	wrdreg $0xFFFFFFFF  }
0xad: {  	[dreg:$0x0] =	wrdreg $0x60  }
0xae: {  	[dreg:$0x2] =	wrdreg s24  }
0xaf: {  	[dreg:$0x3] =	wrdreg $0x0  }
0xb0: {  	[dreg:$0x4] =	wrdreg $0x9  }
0xb1: {  	_ =	task.clear_ibuf [dreg:s6], $0x5FFFF;
	_ =	strace $0x90000049  }
0xb2: {  	s29 =	simm.s32 $0x9;
	_ =	strace $0x8000004B  }
0xb3: {  	_ =	swait.ge [sflag:s29], $0x1  }
0xb4: {  	[sflag:s29] =	ssyncadd.s32 $0xFFFFFFFF  }
0xb5: {  	_ =	strace $0x9000004B  }
0xb6: {  	_ =	sfence  }
0xb7: {  	s30 =	sld [smem:$0x0];
	_ =	sdelay $0x2  }
0xb8: {  	s31 =	sshll.u32 s1, $0xD;
	s1 =	sshrl.u32 s1, $0x2  }
0xb9: {  	s3 =	sand.u32 $0x4000, s31;
	s1 =	sadd.s32 s1, s30  }
0xba: {  	s0 =	sor.u32 s3, s0;
	s1 =	sshll.u32 s1, $0x11  }
0xbb: {  	s0 =	sor.u32 s1, s0  }
0xbc: {  	s0 =	sadd.s32 $0x8F2B, s0  }
0xbd: {  	[sflag:s0] =	ssyncadd.remote.s32 $0x1  }
0xbe: {  	_ =	sfence.sel $0xFFFF  }
0xbf: {  	[dreg:$0x0] =	wrdreg $0xFFFFFFFF;
	(pc) =	sbr.abs _section_cstart, $3  }
0xc0: {  	[dreg:$0x1] =	wrdreg $0xFFFFFFFF  }
0xc1: {  	_ =	task.clear_ibuf [dreg:s6], $0x2FFFF;
	_ =	strace $0x9FFFFFFF  }
0xc2: {  	(tm) =	ssettm $0x7FFFFFFF  }
0xc3: {  	_ =	shalt  }
tec
execute0_lowered:
.L_overlay_start_1:
0x0: {  	(tag) =	ssettag $0x1  }
0x1: {  	s0 =	rddreg [dreg:$0x0]  }
0x2: {  	s2 =	rddreg [dreg:$0x1]  }
0x3: {  	s3 =	simm.s32 $0x0;
	s10 =	stileid.u32;
	s1 =	srdreg.scid  }
0x4: {  	s29 =	simm.s32 $0x11;
	[smem:$0x7FF] =	sst s3;
	s5 =	smul.u32 $0x14000, s10  }
0x5: {  	s1 =	sand.u32 $0x1, s1;
	s4 =	sadd.s32 $0x40400, s0;
	s8 =	smul.u32 $0x50000, s10  }
0x6: {  	s30 =	sadd.s32 $0x4800, s0;
	s12 =	sadd.s32 $0xE600, s0;
	s26 =	smul.u32 $0x2710, s10  }
0x7: {  	s20 =	sshll.u32 s10, $0x6;
	_ =	strace $0x8000004A;
	s6 =	smul.u32 $0x140000, s1  }
0x8: {  	s18 =	sshll.u32 s1, $0x4;
	s19 =	ssub.s32 $0x2, s1;
	s25 =	sor.u32 $0x1C11, s20  }
0x9: {  	s1 =	smul.u32 $0x27100, s1;
	[dreg:$0x9] =	wrdreg s12;
	s7 =	sshrl.u32 s5, $0x3  }
0xa: {  	s9 =	sshrl.u32 s19, $0x1;
	s8 =	sshrl.u32 s8, $0x2;
	[dreg:$0xc] =	wrdreg s25  }
0xb: {  	s7 =	sadd.s32 s7, s0;
	s5 =	sadd.s32 s5, s6;
	s6 =	sor.u32 s10, s18  }
0xc: {  	s8 =	sadd.s32 s8, s2;
	s1 =	sadd.s32 s26, s1;
	s5 =	sshrl.u32 s5, $0x3  }
0xd: {  	s6 =	smul.u32 $0x2710, s6;
	[dreg:$0xa] =	wrdreg s8;
	s7 =	sadd.s32 $0x18400, s7  }
0xe: {  	s14 =	sadd.s32 $0x230, s1;
	s18 =	sadd.s32 $0x1E0, s1;
	s8 =	simm.s32 $0x50  }
0xf: {  	s0 =	sadd.s32 s5, s0;
	s5 =	ssub.s32 s19, s9;
	s16 =	sshrl.u32 s14, $0x3  }
0x10: {  	[dreg:$0xb] =	wrdreg s7;
	s20 =	sshrl.u32 s18, $0x3;
	s17 =	sadd.s32 s16, s12  }
0x11: {  	s14 =	simm.s32 $0x3;
	s19 =	sadd.s32 s16, s30;
	[dreg:$0x3] =	wrdreg s17  }
0x12: {  	s18 =	simm.s32 $0x8;
	s0 =	sadd.s32 $0xDE800, s0;
	[dreg:$0x4] =	wrdreg s19  }
0x13: {  	s6 =	sshrl.u32 s6, $0x3;
	s5 =	smax.u32 s5, $0x1;
	[dreg:$0x17] =	wrdreg s0  }
0x14: {  	s9 =	simm.s32 $0xB;
	s21 =	sadd.s32 s30, s6;
	[dreg:$0x18] =	wrdreg s5  }
0x15: {  	s22 =	sadd.s32 s12, s6;
	s23 =	sadd.s32 $0xA, s6;
	[dreg:$0xd] =	wrdreg s21  }
0x16: {  	s24 =	sadd.s32 $0x14, s6;
	[dreg:$0xe] =	wrdreg s22;
	s28 =	sadd.s32 s30, s23  }
0x17: {  	s11 =	sadd.s32 $0x1E, s6;
	s7 =	sadd.s32 s12, s23;
	[dreg:$0xf] =	wrdreg s28  }
0x18: {  	s6 =	sadd.s32 $0x4D8, s6;
	s31 =	sadd.s32 s30, s24;
	[dreg:$0x10] =	wrdreg s7  }
0x19: {  	s17 =	simm.s32 $0x4;
	s10 =	sadd.s32 s12, s24;
	[dreg:$0x11] =	wrdreg s31  }
0x1a: {  	s5 =	simm.s32 $0xE;
	s13 =	sadd.s32 s30, s11;
	[dreg:$0x12] =	wrdreg s10  }
0x1b: {  	s0 =	simm.s32 $0x0;
	s15 =	sadd.s32 s30, s6;
	[dreg:$0x13] =	wrdreg s13  }
0x1c: {  	s6 =	sadd.s32 s12, s6;
	s21 =	sadd.s32 s20, s12;
	[dreg:$0x15] =	wrdreg s15  }
0x1d: {  	s22 =	sadd.s32 $0x190, s1;
	s23 =	sadd.s32 s20, s30;
	[dreg:$0x16] =	wrdreg s6  }
0x1e: {  	s20 =	simm.s32 $0x9;
	s7 =	sadd.s32 s12, s11;
	[dreg:$0x5] =	wrdreg s21  }
0x1f: {  	s24 =	sshrl.u32 s22, $0x3;
	[dreg:$0x6] =	wrdreg s23;
	s31 =	sadd.s32 $0x140, s1  }
0x20: {  	s15 =	simm.s32 $0x7;
	s21 =	simm.s32 $0xA;
	[dreg:$0x14] =	wrdreg s7  }
0x21: {  	s22 =	simm.s32 $0xC;
	s26 =	sadd.s32 s24, s12;
	[dreg:$0x19] =	wrdreg s31  }
0x22: {  	s23 =	simm.s32 $0xD;
	s28 =	sadd.s32 s24, s30;
	[dreg:$0x7] =	wrdreg s26  }
0x23: {  	s6 =	simm.s32 $0xF;
	s24 =	simm.s32 $0x10;
	[dreg:$0x8] =	wrdreg s28  }
.LBB2_1:
0x24: {  	[dreg:$0x1a] =	wrdreg s0  }
0x25: {  	s16 =	rddreg [dreg:$0xa]  }
0x26: {  	s19 =	rddreg [dreg:$0xb];
	s1 =	sshrl.u32 s16, $0x3  }
0x27: {  	[dreg:$0x1b] =	wrdreg s1  }
0x28: {  	[spmem:s1], [sflag:s25] =	dma.local [hbm:s19], $0x2800  }
0x29: {  	_ =	swait.ge [sflag:s29], $0x2800  }
0x2a: {  	[sflag:s29] =	ssyncset.done $0x0  }
0x2b: {  	[sflag:s29] =	ssyncadd.s32 $0xFFFFD800  }
0x2c: {  	[bflag:$0x0] =	sbarrier.arrive $0xFFFF  }
0x2d: {  	s10 =	simm.s32 $0x14000;
	s25 =	rddreg [dreg:$0xd]  }
0x2e: {  	[tilespmem:s10], [sflag:$0x1] =	stream.linear.gather [hbm4b:s25+s3], $0x50, $0x38;
	[tilespmem:$0x1E400] =	vst v63  }
0x2f: {  	s31 =	simm.s32 $0x14200;
	s26 =	rddreg [dreg:$0xe]  }
0x30: {  	[tilespmem:s31], [sflag:$0x5] =	stream.linear.gather [hbm4b:s26+s3], $0x50, $0x38;
	[tilespmem:$0x1E400] =	vst v63  }
0x31: {  	s13 =	simm.s32 $0x14080;
	s29 =	rddreg [dreg:$0xf]  }
0x32: {  	[tilespmem:s13], [sflag:$0x2] =	stream.linear.gather [hbm4b:s29+s3], $0x50, $0x38;
	[tilespmem:$0x1E400] =	vst v63  }
0x33: {  	s16 =	simm.s32 $0x14280;
	s1 =	rddreg [dreg:$0x10]  }
0x34: {  	[tilespmem:s16], [sflag:$0x6] =	stream.linear.gather [hbm4b:s1+s3], $0x50, $0x38;
	[tilespmem:$0x1E400] =	vst v63  }
0x35: {  	s19 =	simm.s32 $0x14100;
	s7 =	rddreg [dreg:$0x11]  }
0x36: {  	[tilespmem:s19], [sflag:$0x3] =	stream.linear.gather [hbm4b:s7+s3], $0x50, $0x38;
	[tilespmem:$0x1E400] =	vst v63  }
0x37: {  	s28 =	simm.s32 $0x14300;
	s11 =	rddreg [dreg:$0x12]  }
0x38: {  	[tilespmem:s28], [sflag:$0x7] =	stream.linear.gather [hbm4b:s11+s3], $0x50, $0x38;
	[tilespmem:$0x1E400] =	vst v63  }
0x39: {  	s25 =	rddreg [dreg:$0x13];
	s1 =	simm.s32 $0x14180  }
0x3a: {  	[tilespmem:s1], [sflag:$0x4] =	stream.linear.gather [hbm4b:s25+s3], $0x50, $0x38;
	[tilespmem:$0x1E400] =	vst v63  }
0x3b: {  	s26 =	rddreg [dreg:$0x14];
	s29 =	simm.s32 $0x1;
	s7 =	simm.s32 $0x14380  }
0x3c: {  	[tilespmem:s7], [sflag:$0x8] =	stream.linear.gather [hbm4b:s26+s3], $0x50, $0x38;
	[tilespmem:$0x1E400] =	vst v63  }
0x3d: {  	_ =	swait.ge [sflag:s29], $0x50  }
0x3e: {  	[sflag:s29] =	ssyncset.done $0x0  }
0x3f: {  	s11 =	simm.s32 $0x5;
	[sflag:s29] =	ssyncadd.s32 $0xFFFFFFB0  }
0x40: {  	_ =	swait.ge [sflag:s11], $0x50  }
0x41: {  	[sflag:s11] =	ssyncset.done $0x0  }
0x42: {  	s25 =	simm.s32 $0x14400;
	[sflag:s11] =	ssyncadd.s32 $0xFFFFFFB0;
	s11 =	simm.s32 $0x2  }
0x43: {  	[tilespmem:s25], [sflag:$0x9] =	stream.indirect.gather [hbm4b:s4+s8], $0x80, s10, s8, $0xb8;
	[tilespmem:$0x1E400] =	vst v63  }
0x44: {  	_ =	swait.ge [sflag:s11], $0x50  }
0x45: {  	[sflag:s11] =	ssyncset.done $0x0  }
0x46: {  	s29 =	simm.s32 $0x6;
	[sflag:s11] =	ssyncadd.s32 $0xFFFFFFB0  }
0x47: {  	_ =	swait.ge [sflag:s29], $0x50  }
0x48: {  	[sflag:s29] =	ssyncset.done $0x0  }
0x49: {  	s11 =	simm.s32 $0x16C00;
	[sflag:s29] =	ssyncadd.s32 $0xFFFFFFB0  }
0x4a: {  	[tilespmem:s11], [sflag:$0xA] =	stream.indirect.gather [hbm4b:s4+s8], $0x80, s13, s8, $0xb8;
	[tilespmem:$0x1E400] =	vst v63  }
0x4b: {  	_ =	swait.ge [sflag:s14], $0x50  }
0x4c: {  	[sflag:s14] =	ssyncset.done $0x0  }
0x4d: {  	[sflag:s14] =	ssyncadd.s32 $0xFFFFFFB0  }
0x4e: {  	_ =	swait.ge [sflag:s15], $0x50  }
0x4f: {  	[sflag:s15] =	ssyncset.done $0x0  }
0x50: {  	s26 =	simm.s32 $0x19400;
	[sflag:s15] =	ssyncadd.s32 $0xFFFFFFB0  }
0x51: {  	[tilespmem:s26], [sflag:$0xB] =	stream.indirect.gather [hbm4b:s4+s8], $0x80, s19, s8, $0xb8;
	[tilespmem:$0x1E400] =	vst v63  }
0x52: {  	_ =	swait.ge [sflag:s17], $0x50  }
0x53: {  	[sflag:s17] =	ssyncset.done $0x0  }
0x54: {  	[sflag:s17] =	ssyncadd.s32 $0xFFFFFFB0  }
0x55: {  	_ =	swait.ge [sflag:s18], $0x50  }
0x56: {  	[sflag:s18] =	ssyncset.done $0x0  }
0x57: {  	s29 =	simm.s32 $0x1BC00;
	[sflag:s18] =	ssyncadd.s32 $0xFFFFFFB0  }
0x58: {  	[tilespmem:s29], [sflag:$0xC] =	stream.indirect.gather [hbm4b:s4+s8], $0x80, s1, s8, $0xb8;
	[tilespmem:$0x1E400] =	vst v63  }
0x59: {  	_ =	swait.ge [sflag:s20], $0x2800  }
0x5a: {  	[sflag:s20] =	ssyncset.done $0x0  }
0x5b: {  	[sflag:s20] =	ssyncadd.s32 $0xFFFFD800  }
0x5c: {  	[spmem:s2] =	stream.indirect.scatter.add.f32 [tilespmem:s25], [sflag:$0xD], $0x80, s31, s8, $0xb8;
	[tilespmem:$0x1E400] =	vst v63  }
0x5d: {  	_ =	swait.ge [sflag:s21], $0x2800  }
0x5e: {  	[sflag:s21] =	ssyncset.done $0x0  }
0x5f: {  	[sflag:s21] =	ssyncadd.s32 $0xFFFFD800  }
0x60: {  	[spmem:s2] =	stream.indirect.scatter.add.f32 [tilespmem:s11], [sflag:$0xE], $0x80, s16, s8, $0xb8;
	[tilespmem:$0x1E400] =	vst v63  }
0x61: {  	_ =	swait.ge [sflag:s9], $0x2800  }
0x62: {  	[sflag:s9] =	ssyncset.done $0x0  }
0x63: {  	[sflag:s9] =	ssyncadd.s32 $0xFFFFD800  }
0x64: {  	[spmem:s2] =	stream.indirect.scatter.add.f32 [tilespmem:s26], [sflag:$0xF], $0x80, s28, s8, $0xb8;
	[tilespmem:$0x1E400] =	vst v63  }
0x65: {  	_ =	swait.ge [sflag:s22], $0x2800  }
0x66: {  	[sflag:s22] =	ssyncset.done $0x0  }
0x67: {  	[sflag:s22] =	ssyncadd.s32 $0xFFFFD800  }
0x68: {  	[spmem:s2] =	stream.indirect.scatter.add.f32 [tilespmem:s29], [sflag:$0x10], $0x80, s7, s8, $0xb8;
	[tilespmem:$0x1E400] =	vst v63  }
0x69: {  	_ =	swait.ge [sflag:s23], $0x2800  }
0x6a: {  	s29 =	rddreg [dreg:$0x19]  }
0x6b: {  	[sflag:s23] =	ssyncset.done $0x0;
	s0 =	sshrl.u32 s29, $0x3  }
0x6c: {  	[sflag:s23] =	ssyncadd.s32 $0xFFFFD800;
	s7 =	sadd.s32 s30, s0  }
0x6d: {  	[tilespmem:s10], [sflag:$0x1] =	stream.linear.gather [hbm4b:s7+s3], $0x50, $0x38;
	[tilespmem:$0x1E400] =	vst v63  }
0x6e: {  	s25 =	sadd.s32 s12, s0  }
0x6f: {  	[tilespmem:s31], [sflag:$0x5] =	stream.linear.gather [hbm4b:s25+s3], $0x50, $0x38;
	[tilespmem:$0x1E400] =	vst v63  }
0x70: {  	_ =	swait.ge [sflag:s5], $0x2800  }
0x71: {  	s10 =	rddreg [dreg:$0x8];
	[sflag:s5] =	ssyncset.done $0x0  }
0x72: {  	s11 =	rddreg [dreg:$0x7];
	[sflag:s5] =	ssyncadd.s32 $0xFFFFD800;
	s25 =	sadd.s32 $0x0, s10  }
0x73: {  	[tilespmem:s13], [sflag:$0x2] =	stream.linear.gather [hbm4b:s25+s3], $0x50, $0x38;
	[tilespmem:$0x1E400] =	vst v63  }
0x74: {  	s12 =	sadd.s32 $0x0, s11  }
0x75: {  	[tilespmem:s16], [sflag:$0x6] =	stream.linear.gather [hbm4b:s12+s3], $0x50, $0x38;
	[tilespmem:$0x1E400] =	vst v63  }
0x76: {  	_ =	swait.ge [sflag:s6], $0x2800  }
0x77: {  	s13 =	rddreg [dreg:$0x6];
	[sflag:s6] =	ssyncset.done $0x0  }
0x78: {  	s16 =	rddreg [dreg:$0x5];
	[sflag:s6] =	ssyncadd.s32 $0xFFFFD800;
	s25 =	sadd.s32 $0x0, s13  }
0x79: {  	[tilespmem:s19], [sflag:$0x3] =	stream.linear.gather [hbm4b:s25+s3], $0x50, $0x38;
	[tilespmem:$0x1E400] =	vst v63  }
0x7a: {  	s19 =	sadd.s32 $0x0, s16  }
0x7b: {  	[tilespmem:s28], [sflag:$0x7] =	stream.linear.gather [hbm4b:s19+s3], $0x50, $0x38;
	[tilespmem:$0x1E400] =	vst v63  }
0x7c: {  	_ =	swait.ge [sflag:s24], $0x2800  }
0x7d: {  	s26 =	rddreg [dreg:$0x4];
	[sflag:s24] =	ssyncset.done $0x0  }
0x7e: {  	s31 =	rddreg [dreg:$0x3];
	[sflag:s24] =	ssyncadd.s32 $0xFFFFD800;
	s25 =	sadd.s32 $0x0, s26  }
0x7f: {  	[tilespmem:s1], [sflag:$0x4] =	stream.linear.gather [hbm4b:s25+s3], $0x50, $0x38;
	[tilespmem:$0x1E400] =	vst v63  }
0x80: {  	s28 =	sadd.s32 $0x0, s31;
	s26 =	sadd.s32 $0x140, s29;
	s25 =	simm.s32 $0x28  }
.LBB2_2:
0x81: {  	s29 =	simm.s32 $0x14380;
	s0 =	simm.s32 $0x1  }
0x82: {  	[tilespmem:s29], [sflag:$0x8] =	stream.linear.gather [hbm4b:s28+s3], $0x50, $0x38;
	[tilespmem:$0x1E400] =	vst v63  }
0x83: {  	_ =	swait.ge [sflag:s0], $0x50  }
0x84: {  	[sflag:s0] =	ssyncset.done $0x0  }
0x85: {  	s19 =	simm.s32 $0x5;
	[sflag:s0] =	ssyncadd.s32 $0xFFFFFFB0  }
0x86: {  	_ =	swait.ge [sflag:s19], $0x50  }
0x87: {  	s10 =	simm.s32 $0x14000;
	[sflag:s19] =	ssyncset.done $0x0  }
0x88: {  	s1 =	simm.s32 $0x14400;
	s31 =	simm.s32 $0x2;
	[sflag:s19] =	ssyncadd.s32 $0xFFFFFFB0  }
0x89: {  	[tilespmem:s1], [sflag:$0x9] =	stream.indirect.gather [hbm4b:s4+s8], $0x80, s10, s8, $0xb8;
	[tilespmem:$0x1E400] =	vst v63  }
0x8a: {  	_ =	swait.ge [sflag:s31], $0x50  }
0x8b: {  	[sflag:s31] =	ssyncset.done $0x0  }
0x8c: {  	s7 =	simm.s32 $0x6;
	[sflag:s31] =	ssyncadd.s32 $0xFFFFFFB0  }
0x8d: {  	_ =	swait.ge [sflag:s7], $0x50  }
0x8e: {  	[sflag:s7] =	ssyncset.done $0x0  }
0x8f: {  	s16 =	simm.s32 $0x14080;
	s31 =	simm.s32 $0x16C00;
	[sflag:s7] =	ssyncadd.s32 $0xFFFFFFB0  }
0x90: {  	[tilespmem:s31], [sflag:$0xA] =	stream.indirect.gather [hbm4b:s4+s8], $0x80, s16, s8, $0xb8;
	[tilespmem:$0x1E400] =	vst v63  }
0x91: {  	_ =	swait.ge [sflag:s14], $0x50  }
0x92: {  	[sflag:s14] =	ssyncset.done $0x0  }
0x93: {  	[sflag:s14] =	ssyncadd.s32 $0xFFFFFFB0  }
0x94: {  	_ =	swait.ge [sflag:s15], $0x50  }
0x95: {  	[sflag:s15] =	ssyncset.done $0x0  }
0x96: {  	s11 =	simm.s32 $0x19400;
	s0 =	simm.s32 $0x14100;
	[sflag:s15] =	ssyncadd.s32 $0xFFFFFFB0  }
0x97: {  	[tilespmem:s11], [sflag:$0xB] =	stream.indirect.gather [hbm4b:s4+s8], $0x80, s0, s8, $0xb8;
	[tilespmem:$0x1E400] =	vst v63  }
0x98: {  	_ =	swait.ge [sflag:s17], $0x50  }
0x99: {  	[sflag:s17] =	ssyncset.done $0x0  }
0x9a: {  	[sflag:s17] =	ssyncadd.s32 $0xFFFFFFB0  }
0x9b: {  	_ =	swait.ge [sflag:s18], $0x50  }
0x9c: {  	[sflag:s18] =	ssyncset.done $0x0  }
0x9d: {  	s12 =	simm.s32 $0x1BC00;
	s7 =	simm.s32 $0x14180;
	[sflag:s18] =	ssyncadd.s32 $0xFFFFFFB0  }
0x9e: {  	[tilespmem:s12], [sflag:$0xC] =	stream.indirect.gather [hbm4b:s4+s8], $0x80, s7, s8, $0xb8;
	[tilespmem:$0x1E400] =	vst v63  }
0x9f: {  	_ =	swait.ge [sflag:s20], $0x2800  }
0xa0: {  	[sflag:s20] =	ssyncset.done $0x0  }
0xa1: {  	s13 =	simm.s32 $0x14200;
	[sflag:s20] =	ssyncadd.s32 $0xFFFFD800  }
0xa2: {  	[spmem:s2] =	stream.indirect.scatter.add.f32 [tilespmem:s1], [sflag:$0xD], $0x80, s13, s8, $0xb8;
	[tilespmem:$0x1E400] =	vst v63  }
0xa3: {  	_ =	swait.ge [sflag:s21], $0x2800  }
0xa4: {  	[sflag:s21] =	ssyncset.done $0x0  }
0xa5: {  	s19 =	simm.s32 $0x14280;
	[sflag:s21] =	ssyncadd.s32 $0xFFFFD800  }
0xa6: {  	[spmem:s2] =	stream.indirect.scatter.add.f32 [tilespmem:s31], [sflag:$0xE], $0x80, s19, s8, $0xb8;
	[tilespmem:$0x1E400] =	vst v63  }
0xa7: {  	_ =	swait.ge [sflag:s9], $0x2800  }
0xa8: {  	[sflag:s9] =	ssyncset.done $0x0  }
0xa9: {  	s1 =	simm.s32 $0x14300;
	[sflag:s9] =	ssyncadd.s32 $0xFFFFD800  }
0xaa: {  	[spmem:s2] =	stream.indirect.scatter.add.f32 [tilespmem:s11], [sflag:$0xF], $0x80, s1, s8, $0xb8;
	[tilespmem:$0x1E400] =	vst v63  }
0xab: {  	_ =	swait.ge [sflag:s22], $0x2800  }
0xac: {  	[sflag:s22] =	ssyncset.done $0x0  }
0xad: {  	[sflag:s22] =	ssyncadd.s32 $0xFFFFD800  }
0xae: {  	[spmem:s2] =	stream.indirect.scatter.add.f32 [tilespmem:s12], [sflag:$0x10], $0x80, s29, s8, $0xb8;
	[tilespmem:$0x1E400] =	vst v63  }
0xaf: {  	_ =	swait.ge [sflag:s23], $0x2800  }
0xb0: {  	s31 =	smov.u32 s30;
	s11 =	sshrl.u32 s26, $0x3;
	[sflag:s23] =	ssyncset.done $0x0  }
0xb1: {  	s30 =	sadd.s32 s30, s11;
	s12 =	rddreg [dreg:$0x9];
	[sflag:s23] =	ssyncadd.s32 $0xFFFFD800  }
0xb2: {  	[tilespmem:s10], [sflag:$0x1] =	stream.linear.gather [hbm4b:s30+s3], $0x50, $0x38;
	[tilespmem:$0x1E400] =	vst v63  }
0xb3: {  	s29 =	sadd.s32 s12, s11  }
0xb4: {  	[tilespmem:s13], [sflag:$0x5] =	stream.linear.gather [hbm4b:s29+s3], $0x50, $0x38;
	[tilespmem:$0x1E400] =	vst v63  }
0xb5: {  	_ =	swait.ge [sflag:s5], $0x2800  }
0xb6: {  	s28 =	smov.u32 s25;
	s11 =	rddreg [dreg:$0x8];
	[sflag:s5] =	ssyncset.done $0x0  }
0xb7: {  	s30 =	rddreg [dreg:$0x7];
	[sflag:s5] =	ssyncadd.s32 $0xFFFFD800;
	s29 =	sadd.s32 s28, s11  }
0xb8: {  	[tilespmem:s16], [sflag:$0x2] =	stream.linear.gather [hbm4b:s29+s3], $0x50, $0x38;
	[tilespmem:$0x1E400] =	vst v63  }
0xb9: {  	s12 =	sadd.s32 s28, s30  }
0xba: {  	[tilespmem:s19], [sflag:$0x6] =	stream.linear.gather [hbm4b:s12+s3], $0x50, $0x38;
	[tilespmem:$0x1E400] =	vst v63  }
0xbb: {  	p0 =	sne.s32 s25, $0x488;
	s25 =	sadd.s32 $0x28, s25;
	_ =	swait.ge [sflag:s6], $0x2800  }
0xbc: {  	s26 =	sadd.s32 $0x140, s26;
	s10 =	rddreg [dreg:$0x6];
	[sflag:s6] =	ssyncset.done $0x0  }
0xbd: {  	s30 =	rddreg [dreg:$0x5];
	[sflag:s6] =	ssyncadd.s32 $0xFFFFD800;
	s29 =	sadd.s32 s28, s10  }
0xbe: {  	[tilespmem:s0], [sflag:$0x3] =	stream.linear.gather [hbm4b:s29+s3], $0x50, $0x38;
	[tilespmem:$0x1E400] =	vst v63  }
0xbf: {  	s13 =	simm.s32 $0x14080;
	s16 =	simm.s32 $0x14280;
	s11 =	sadd.s32 s28, s30  }
0xc0: {  	[tilespmem:s1], [sflag:$0x7] =	stream.linear.gather [hbm4b:s11+s3], $0x50, $0x38;
	[tilespmem:$0x1E400] =	vst v63  }
.Ltmp0:
0xc1: {  	s19 =	simm.s32 $0x14100;
	_ =	swait.ge [sflag:s24], $0x2800;
	(pc) =	sbr.rel @p0 .LBB2_2-.Ltmp0, $4  }
0xc2: {  	s0 =	simm.s32 $0x14300;
	s12 =	rddreg [dreg:$0x4];
	[sflag:s24] =	ssyncset.done $0x0  }
0xc3: {  	s1 =	simm.s32 $0x14180;
	s30 =	rddreg [dreg:$0x3];
	[sflag:s24] =	ssyncadd.s32 $0xFFFFD800  }
0xc4: {  	s29 =	sadd.s32 s28, s12;
	s28 =	sadd.s32 s28, s30;
	s30 =	smov.u32 s31  }
0xc5: {  	[tilespmem:s7], [sflag:$0x4] =	stream.linear.gather [hbm4b:s29+s3], $0x50, $0x38;
	[tilespmem:$0x1E400] =	vst v63  }
0xc6: {  	s7 =	simm.s32 $0x14380;
	s26 =	simm.s32 $0x1  }
0xc7: {  	[tilespmem:s7], [sflag:$0x8] =	stream.linear.gather [hbm4b:s28+s3], $0x50, $0x38;
	[tilespmem:$0x1E400] =	vst v63  }
0xc8: {  	_ =	swait.ge [sflag:s26], $0x50  }
0xc9: {  	[sflag:s26] =	ssyncset.done $0x0  }
0xca: {  	s28 =	simm.s32 $0x5;
	[sflag:s26] =	ssyncadd.s32 $0xFFFFFFB0  }
0xcb: {  	_ =	swait.ge [sflag:s28], $0x50  }
0xcc: {  	s10 =	simm.s32 $0x14000;
	[sflag:s28] =	ssyncset.done $0x0  }
0xcd: {  	s29 =	simm.s32 $0x14400;
	s11 =	simm.s32 $0x2;
	[sflag:s28] =	ssyncadd.s32 $0xFFFFFFB0  }
0xce: {  	[tilespmem:s29], [sflag:$0x9] =	stream.indirect.gather [hbm4b:s4+s8], $0x80, s10, s8, $0xb8;
	[tilespmem:$0x1E400] =	vst v63  }
0xcf: {  	_ =	swait.ge [sflag:s11], $0x50  }
0xd0: {  	[sflag:s11] =	ssyncset.done $0x0  }
0xd1: {  	s25 =	simm.s32 $0x6;
	[sflag:s11] =	ssyncadd.s32 $0xFFFFFFB0  }
0xd2: {  	_ =	swait.ge [sflag:s25], $0x50  }
0xd3: {  	[sflag:s25] =	ssyncset.done $0x0  }
0xd4: {  	[sflag:s25] =	ssyncadd.s32 $0xFFFFFFB0;
	s25 =	simm.s32 $0x16C00  }
0xd5: {  	[tilespmem:s25], [sflag:$0xA] =	stream.indirect.gather [hbm4b:s4+s8], $0x80, s13, s8, $0xb8;
	[tilespmem:$0x1E400] =	vst v63  }
0xd6: {  	_ =	swait.ge [sflag:s14], $0x50  }
0xd7: {  	[sflag:s14] =	ssyncset.done $0x0  }
0xd8: {  	[sflag:s14] =	ssyncadd.s32 $0xFFFFFFB0  }
0xd9: {  	_ =	swait.ge [sflag:s15], $0x50  }
0xda: {  	[sflag:s15] =	ssyncset.done $0x0  }
0xdb: {  	s31 =	simm.s32 $0x19400;
	[sflag:s15] =	ssyncadd.s32 $0xFFFFFFB0  }
0xdc: {  	[tilespmem:s31], [sflag:$0xB] =	stream.indirect.gather [hbm4b:s4+s8], $0x80, s19, s8, $0xb8;
	[tilespmem:$0x1E400] =	vst v63  }
0xdd: {  	_ =	swait.ge [sflag:s17], $0x50  }
0xde: {  	[sflag:s17] =	ssyncset.done $0x0  }
0xdf: {  	[sflag:s17] =	ssyncadd.s32 $0xFFFFFFB0  }
0xe0: {  	_ =	swait.ge [sflag:s18], $0x50  }
0xe1: {  	[sflag:s18] =	ssyncset.done $0x0  }
0xe2: {  	s12 =	simm.s32 $0x1BC00;
	[sflag:s18] =	ssyncadd.s32 $0xFFFFFFB0  }
0xe3: {  	[tilespmem:s12], [sflag:$0xC] =	stream.indirect.gather [hbm4b:s4+s8], $0x80, s1, s8, $0xb8;
	[tilespmem:$0x1E400] =	vst v63  }
0xe4: {  	_ =	swait.ge [sflag:s20], $0x2800  }
0xe5: {  	[sflag:s20] =	ssyncset.done $0x0  }
0xe6: {  	s1 =	simm.s32 $0x14200;
	[sflag:s20] =	ssyncadd.s32 $0xFFFFD800  }
0xe7: {  	[spmem:s2] =	stream.indirect.scatter.add.f32 [tilespmem:s29], [sflag:$0xD], $0x80, s1, s8, $0xb8;
	[tilespmem:$0x1E400] =	vst v63  }
0xe8: {  	_ =	swait.ge [sflag:s21], $0x2800  }
0xe9: {  	[sflag:s21] =	ssyncset.done $0x0  }
0xea: {  	[sflag:s21] =	ssyncadd.s32 $0xFFFFD800  }
0xeb: {  	[spmem:s2] =	stream.indirect.scatter.add.f32 [tilespmem:s25], [sflag:$0xE], $0x80, s16, s8, $0xb8;
	[tilespmem:$0x1E400] =	vst v63  }
0xec: {  	_ =	swait.ge [sflag:s9], $0x2800  }
0xed: {  	[sflag:s9] =	ssyncset.done $0x0  }
0xee: {  	[sflag:s9] =	ssyncadd.s32 $0xFFFFD800  }
0xef: {  	[spmem:s2] =	stream.indirect.scatter.add.f32 [tilespmem:s31], [sflag:$0xF], $0x80, s0, s8, $0xb8;
	[tilespmem:$0x1E400] =	vst v63  }
0xf0: {  	_ =	swait.ge [sflag:s22], $0x2800  }
0xf1: {  	[sflag:s22] =	ssyncset.done $0x0  }
0xf2: {  	[sflag:s22] =	ssyncadd.s32 $0xFFFFD800  }
0xf3: {  	[spmem:s2] =	stream.indirect.scatter.add.f32 [tilespmem:s12], [sflag:$0x10], $0x80, s7, s8, $0xb8;
	[tilespmem:$0x1E400] =	vst v63  }
0xf4: {  	_ =	swait.ge [sflag:s23], $0x2800  }
0xf5: {  	[sflag:s23] =	ssyncset.done $0x0  }
0xf6: {  	[sflag:s23] =	ssyncadd.s32 $0xFFFFD800  }
0xf7: {  	_ =	swait.ge [sflag:s5], $0x2800  }
0xf8: {  	[sflag:s5] =	ssyncset.done $0x0  }
0xf9: {  	[sflag:s5] =	ssyncadd.s32 $0xFFFFD800  }
0xfa: {  	_ =	swait.ge [sflag:s6], $0x2800  }
0xfb: {  	[sflag:s6] =	ssyncset.done $0x0  }
0xfc: {  	[sflag:s6] =	ssyncadd.s32 $0xFFFFD800  }
0xfd: {  	_ =	swait.ge [sflag:s24], $0x2800  }
0xfe: {  	[sflag:s24] =	ssyncset.done $0x0  }
0xff: {  	s11 =	rddreg [dreg:$0x15];
	[sflag:s24] =	ssyncadd.s32 $0xFFFFD800  }
0x100: {  	[tilespmem:s10], [sflag:$0x1] =	stream.linear.gather [hbm4b:s11+s3], $0x50, $0x38;
	[tilespmem:$0x1E400] =	vst v63  }
0x101: {  	s12 =	rddreg [dreg:$0x16]  }
0x102: {  	[tilespmem:s1], [sflag:$0x5] =	stream.linear.gather [hbm4b:s12+s3], $0x50, $0x38;
	[tilespmem:$0x1E400] =	vst v63  }
0x103: {  	_ =	swait.ge [sflag:s26], $0x50  }
0x104: {  	[sflag:s26] =	ssyncset.done $0x0  }
0x105: {  	[sflag:s26] =	ssyncadd.s32 $0xFFFFFFB0  }
0x106: {  	_ =	swait.ge [sflag:s28], $0x50  }
0x107: {  	[sflag:s28] =	ssyncset.done $0x0  }
0x108: {  	[sflag:s28] =	ssyncadd.s32 $0xFFFFFFB0  }
0x109: {  	[tilespmem:s29], [sflag:$0x9] =	stream.indirect.gather [hbm4b:s4+s8], $0x80, s10, s8, $0xb8;
	[tilespmem:$0x1E400] =	vst v63  }
0x10a: {  	_ =	swait.ge [sflag:s20], $0x2800  }
0x10b: {  	[sflag:s20] =	ssyncset.done $0x0  }
0x10c: {  	[sflag:s20] =	ssyncadd.s32 $0xFFFFD800  }
0x10d: {  	[spmem:s2] =	stream.indirect.scatter.add.f32 [tilespmem:s29], [sflag:$0x11], $0x80, s1, s8, $0xb8;
	[tilespmem:$0x1E400] =	vst v63  }
0x10e: {  	s29 =	simm.s32 $0x11  }
0x10f: {  	_ =	swait.ge [sflag:s29], $0x2800  }
0x110: {  	[sflag:s29] =	ssyncset.done $0x0  }
0x111: {  	[sflag:s29] =	ssyncadd.s32 $0xFFFFD800  }
0x112: {  	[bflag:$0x0] =	sbarrier.arrive $0xFFFF  }
0x113: {  	s25 =	rddreg [dreg:$0xc]  }
0x114: {  	s16 =	rddreg [dreg:$0x17]  }
0x115: {  	s19 =	rddreg [dreg:$0x1b]  }
0x116: {  	[hbm:s16], [sflag:s25] =	dma.local [spmem:s19], $0x2800  }
0x117: {  	_ =	swait.ge [sflag:s29], $0x2800  }
0x118: {  	s28 =	rddreg [dreg:$0x1a]  }
0x119: {  	s31 =	rddreg [dreg:$0x18];
	s0 =	sadd.s32 $0x1, s28  }
0x11a: {  	p0 =	sne.s32 s0, s31  }
.Ltmp1:
0x11b: {  	_ = 	snop;
	(pc) =	sbr.rel @p0 .LBB2_1-.Ltmp1, $3  }
0x11c: {  	_ =	sdelay $0x1  }
0x11d: {  	[sflag:s29] =	ssyncset.done $0x0  }
0x11e: {  	s12 =	rddreg [dreg:$0x9];
	[sflag:s29] =	ssyncadd.s32 $0xFFFFD800  }
0x11f: {  	_ =	sfence.sel $0x180000  }
0x120: {  	[bflag:$0x0] =	sbarrier.arrive $0xFFFF  }
0x121: {  	_ =	strace $0x9000004A  }
0x122: {  	s0 =	stileid.u32;
	[bflag:$0x2] =	sbarrier.arrive $0xFFFF  }
0x123: {  	p0 =	sne.s32 s0, $0x0;
	s0 =	rddreg [dreg:$0x2]  }
0x124: {  	s0 =	sadd.s32 @!p0 $0x100000, s0  }
0x125: {  	[sflag:s0] =	ssyncadd.tile.s32 @!p0 $0x1;
	_ =	shalt  }
.Lfunc_end2:
_tile_overlayer_lowered:
.L_overlay_start_2:
0x126: {  	(tag) =	ssettag $0x2  }
0x127: {  	s0 =	rddreg [dreg:$0x0];
	s2 =	stileid.u32  }
0x128: {  	s1 =	rddreg [dreg:$0x1];
	p0 =	sne.s32 s2, $0x0  }
0x129: {  	s3 =	rddreg [dreg:$0x2];
	[bflag:$0x3] =	sbarrier.arrive $0xFFFF;
	s2 =	simm.s32 @!p0 $0x1C11  }
0x12a: {  	[timem:s3], [sflag:s2] =	dma.local @!p0 [hbm:s0], s1  }
0x12b: {  	s0 =	simm.s32 @!p0 $0x11  }
0x12c: {  	_ =	swait.ge @!p0 [sflag:s0], s1  }
0x12d: {  	s1 =	ssub.s32 @!p0 $0x0, s1;
	[sflag:s0] =	ssyncset.done @!p0 $0x0  }
0x12e: {  	[sflag:s0] =	ssyncadd.s32 @!p0 s1  }
0x12f: {  	[bflag:$0x3] =	sbarrier.arrive $0xFFFF  }
0x130: {  	_ =	shalt  }

// kernel: kernel.16.cloned.1.call-start
scs
__scs_entry_jumppad:
0x0: {  	(pc) =	sbr.rel $0x88, $3  }
0x1: {  	(tag) =	ssettag $0x0;
	lr =	simm.s32 $0x1  }
0x2: {  	[smem:$0x3F8C] =	sst lr;
	_ =	strace $0xD0000000  }
0x3: {  	_ = 	snop  }
0x4: {  	_ = 	snop  }
0x5: {  	_ = 	snop  }
0x6: {  	_ = 	snop  }
0x7: {  	_ = 	snop  }
__scs_overlays_trampoline_lowered:
0x8: {  	[smem:$0x3F9B] =	sst s0  }
0x9: {  	[smem:$0x3F9C] =	sst s1  }
0xa: {  	[smem:$0x3F9D] =	sst s2  }
0xb: {  	[smem:$0x3F9E] =	sst s3  }
0xc: {  	[smem:$0x3F9F] =	sst s4  }
0xd: {  	[smem:$0x3FA0] =	sst s5  }
0xe: {  	[smem:$0x3FA1] =	sst s6  }
0xf: {  	[smem:$0x3FA2] =	sst s7  }
0x10: {  	[smem:$0x3FA3] =	sst s8  }
0x11: {  	[smem:$0x3FA4] =	sst s9;
	s0 =	simm.s32 @!p0 $0x0  }
0x12: {  	s1 =	sld [smem:$0x3F8A];
	s0 =	simm.s32 @p0 $0x1  }
0x13: {  	[smem:$0x3FA5] =	sst s0;
	s0 =	simm.s32 @!p1 $0x0  }
0x14: {  	s2 =	sld [smem:$0x3F89];
	s0 =	simm.s32 @p1 $0x1  }
0x15: {  	[smem:$0x3FA6] =	sst s0;
	s0 =	simm.s32 @!p2 $0x0  }
0x16: {  	s3 =	sld [smem:$0x3FDB];
	s0 =	simm.s32 @p2 $0x1  }
0x17: {  	s4 =	simm.s32 $0x1BF5;
	[smem:$0x3FA8] =	sst s0  }
0x18: {  	s0 =	sld [smem:$0x3F8B];
	_ =	swait.ge [sflag:s4], $0x0  }
0x19: {  	s7 =	sld [smem:$0x3F8C]  }
0x1a: {  	s8 =	sadd.s32 $0xFFFFE003, lr  }
0x1b: {  	s9 =	sadd.s32 $0xFFFFFEF7, lr;
	s5 =	simm.s32 $0xFFFFFFFF;
	p2 =	slt.u32 s8, $0xFFFFF086  }
0x1c: {  	p1 =	slt.u32 s9, $0xF7A;
	s5 =	simm.s32 @!p2 $0x0  }
0x1d: {  	s5 =	simm.s32 @p1 $0x1;
	p0 =	seq.s32 s7, s2  }
0x1e: {  	s7 =	smul.u32 @!p0 $0xF7A, s2;
	p2 =	seq.s32 @!p0 s5, $0x0  }
0x1f: {  	s9 =	smul.u32 $0xF7A, s1;
	s8 =	simm.s32 @!p0 $0x1BF5;
	p2 =	por !p2, p0  }
0x20: {  	[sflag:s8] =	ssyncset.s32 @!p0 $0xFFFFF086;
	s6 =	sadd.s32 @!p0 s3, s7;
	s7 =	simm.s32 @!p0 $0x108  }
0x21: {  	s3 =	sadd.s32 s3, s9;
	s6 =	sadd.s32 @!p0 $0x88, s6;
	s7 =	simm.s32 @p2 $0x1082  }
0x22: {  	[simem:s7], [sflag:s8] =	dma.local @!p0 [hbm:s6], $0xF7A  }
0x23: {  	s9 =	sor.u32 $0xD0000000, s2;
	s6 =	simm.s32 $0x108;
	_ =	swait.ge @!p0 [sflag:s8], $0x0  }
0x24: {  	s3 =	sadd.s32 $0x88, s3;
	s6 =	simm.s32 @!p1 $0x1082;
	[sflag:s4] =	ssyncset.s32 $0xFFFFF086  }
0x25: {  	[simem:s6], [sflag:s4] =	dma.local [hbm:s3], $0xF7A  }
0x26: {  	[smem:$0x3F8C] =	sst s1;
	(tag) =	ssettag s2;
	_ =	strace s9  }
0x27: {  	s1 =	sld [smem:$0x3F9C]  }
0x28: {  	s2 =	sld [smem:$0x3F9D]  }
0x29: {  	s4 =	sld [smem:$0x3F9F]  }
0x2a: {  	p0 =	seq.s32 s5, $0x0;
	s5 =	sld [smem:$0x3FA0]  }
0x2b: {  	s6 =	sld [smem:$0x3FA1]  }
0x2c: {  	s7 =	sld [smem:$0x3FA2]  }
0x2d: {  	s3 =	simm.s32 $0x108;
	s8 =	sld [smem:$0x3FA3]  }
0x2e: {  	s3 =	simm.s32 @!p0 $0x1082;
	s9 =	sld [smem:$0x3FA4]  }
0x2f: {  	lr =	sadd.s32 s0, s3;
	s0 =	sld [smem:$0x3F9B]  }
0x30: {  	s3 =	sld [smem:$0x3F9E]  }
0x31: {  	[smem:$0x3FA7] =	sst s10  }
0x32: {  	s10 =	sld [smem:$0x3FA5];
	_ =	sdelay $0x3  }
0x33: {  	p0 =	seq.s32 s10, $0x1;
	s10 =	sld [smem:$0x3FA7];
	_ =	sdelay $0x3  }
0x34: {  	[smem:$0x3FA7] =	sst s10  }
0x35: {  	s10 =	sld [smem:$0x3FA6];
	_ =	sdelay $0x3  }
0x36: {  	p1 =	seq.s32 s10, $0x1;
	s10 =	sld [smem:$0x3FA7];
	_ =	sdelay $0x3  }
0x37: {  	[smem:$0x3FA7] =	sst s10  }
0x38: {  	s10 =	sld [smem:$0x3FA8]  }
0x39: {  	_ = 	snop;
	(pc) =	sbr.ind lr, $3  }
0x3a: {  	_ = 	snop  }
0x3b: {  	_ = 	snop  }
0x3c: {  	p2 =	seq.s32 s10, $0x1;
	s10 =	sld [smem:$0x3FA7]  }
0x3d: {  	_ =	shalt  }
0x3e: {  	_ =	shalt  }
0x3f: {  	_ =	shalt  }
0x40: {  	_ =	shalt  }
0x41: {  	_ =	shalt  }
0x42: {  	_ =	shalt  }
0x43: {  	_ =	shalt  }
0x44: {  	_ =	shalt  }
0x45: {  	_ =	shalt  }
0x46: {  	_ =	shalt  }
0x47: {  	_ =	shalt  }
0x48: {  	_ =	shalt  }
0x49: {  	_ =	shalt  }
0x4a: {  	_ =	shalt  }
0x4b: {  	_ =	shalt  }
0x4c: {  	_ =	shalt  }
0x4d: {  	_ =	shalt  }
0x4e: {  	_ =	shalt  }
0x4f: {  	_ =	shalt  }
0x50: {  	_ =	shalt  }
0x51: {  	_ =	shalt  }
0x52: {  	_ =	shalt  }
0x53: {  	_ =	shalt  }
0x54: {  	_ =	shalt  }
0x55: {  	_ =	shalt  }
0x56: {  	_ =	shalt  }
0x57: {  	_ =	shalt  }
0x58: {  	_ =	shalt  }
0x59: {  	_ =	shalt  }
0x5a: {  	_ =	shalt  }
0x5b: {  	_ =	shalt  }
0x5c: {  	_ =	shalt  }
0x5d: {  	_ =	shalt  }
0x5e: {  	_ =	shalt  }
0x5f: {  	_ =	shalt  }
0x60: {  	_ =	shalt  }
0x61: {  	_ =	shalt  }
0x62: {  	_ =	shalt  }
0x63: {  	_ =	shalt  }
0x64: {  	_ =	shalt  }
0x65: {  	_ =	shalt  }
0x66: {  	_ =	shalt  }
0x67: {  	_ =	shalt  }
0x68: {  	_ =	shalt  }
0x69: {  	_ =	shalt  }
0x6a: {  	_ =	shalt  }
0x6b: {  	_ =	shalt  }
0x6c: {  	_ =	shalt  }
0x6d: {  	_ =	shalt  }
0x6e: {  	_ =	shalt  }
0x6f: {  	_ =	shalt  }
0x70: {  	_ =	shalt  }
0x71: {  	_ =	shalt  }
0x72: {  	_ =	shalt  }
0x73: {  	_ =	shalt  }
0x74: {  	_ =	shalt  }
0x75: {  	_ =	shalt  }
0x76: {  	_ =	shalt  }
0x77: {  	_ =	shalt  }
0x78: {  	_ =	shalt  }
0x79: {  	_ =	shalt  }
0x7a: {  	_ =	shalt  }
0x7b: {  	_ =	shalt  }
0x7c: {  	_ =	shalt  }
0x7d: {  	_ =	shalt  }
0x7e: {  	_ =	shalt  }
0x7f: {  	_ =	shalt  }
0x80: {  	_ =	shalt  }
0x81: {  	_ =	shalt  }
0x82: {  	_ =	shalt  }
0x83: {  	_ =	shalt  }
0x84: {  	_ =	shalt  }
0x85: {  	_ =	shalt  }
0x86: {  	_ =	shalt  }
0x87: {  	_ =	shalt  }
.Lfunc_end0:
.L_simem_size_0:
called_computation.2_lowered:
.L_overlay_start_0:
0x88: {  	s2 =	sld [smem:$0x3FD9]  }
0x89: {  	s3 =	sld [smem:$0x3FFE];
	_ =	sdelay $0x1  }
0x8a: {  	s1 =	srdreg.scid  }
0x8b: {  	s0 =	sand.u32 $0x1, s1  }
0x8c: {  	s16 =	sshll.u32 s0, $0xA;
	s2 =	sadd.s32 s3, s2  }
0x8d: {  	s2 =	sadd.s32 s2, s16  }
0x8e: {  	[smem:$0x3FB3] =	sst s2  }
0x8f: {  	_ = 	snop  }
0x90: {  	(tm) =	ssettm $0x1  }
0x91: {  	s17 =	sld [smem:$0x3FFB];
	_ =	sdelay $0x3  }
0x92: {  	_ =	strace s17  }
0x93: {  	s2 =	sld [smem:$0x3FFC];
	_ =	sdelay $0x3  }
0x94: {  	_ =	strace s2  }
0x95: {  	s2 =	sld [smem:$0x3FFD];
	_ =	sdelay $0x3  }
0x96: {  	_ =	strace s2  }
0x97: {  	_ =	strace $0x8FFFFFFF  }
0x98: {  	s18 =	sld [smem:$0x3FDB];
	_ =	sdelay $0x1  }
0x99: {  	s19 =	simm.s32 $_scs_section_size  }
0x9a: {  	s4 =	simm.s32 $_size__tile_overlayer_lowered;
	s5 =	simm.s32 $_tile_overlayer_lowered  }
0x9b: {  	s22 =	simm.s32 $0x1BFF;
	s21 =	sshll.u32 s5, $0x1;
	s2 =	sadd.s32 s19, s18  }
0x9c: {  	s6 =	simm.s32 $0x0;
	s20 =	sshll.u32 s4, $0x1;
	s4 =	sadd.s32 s21, s2  }
0x9d: {  	[timem:s6], [sflag:s22] =	dma.local [hbm:s4], s20  }
0x9e: {  	_ =	swait.ge [sflag:s22], s20  }
0x9f: {  	s3 =	ssub.s32 $0x0, s20;
	[sflag:s22] =	ssyncset.done $0x0  }
0xa0: {  	[sflag:s22] =	ssyncadd.s32 s3;
	_ =	sdelay $0x1  }
0xa1: {  	s23 =	simm.s32 $0x1B8B  }
0xa2: {  	_ =	swait.ge [sflag:s23], $0x1  }
0xa3: {  	[sflag:s23] =	ssyncset.done $0x0  }
0xa4: {  	s25 =	simm.s32 $0x1B8E;
	s24 =	sld [smem:$0x3FFE];
	[sflag:s23] =	ssyncadd.s32 $0xFFFFFFFF  }
0xa5: {  	s26 =	simm.s32 $execute0_lowered;
	[smem:$0x3FD2] =	sst s25  }
0xa6: {  	s4 =	sshll.u32 s26, $0x1;
	_ =	strace $0x8000004C;
	[dreg:$0x1] =	wrdreg $0xFFFFFFFF  }
0xa7: {  	s28 =	simm.s32 $_size_execute0_lowered;
	s2 =	sadd.s32 s2, s4;
	[dreg:$0x0] =	wrdreg $0x0  }
0xa8: {  	s4 =	sshll.u32 s28, $0x1;
	[dreg:$0x2] =	wrdreg s2  }
0xa9: {  	[dreg:$0x3] =	wrdreg s4  }
0xaa: {  	[dreg:$0x4] =	wrdreg $0xC0  }
0xab: {  	_ =	task [dreg:s6], $0x5FFFF  }
0xac: {  	[dreg:$0x1] =	wrdreg $0xFFFFFFFF  }
0xad: {  	[dreg:$0x0] =	wrdreg $0x60  }
0xae: {  	[dreg:$0x2] =	wrdreg s24  }
0xaf: {  	[dreg:$0x3] =	wrdreg $0x0  }
0xb0: {  	[dreg:$0x4] =	wrdreg $0x9  }
0xb1: {  	_ =	task.clear_ibuf [dreg:s6], $0x5FFFF;
	_ =	strace $0x9000004C  }
0xb2: {  	s29 =	simm.s32 $0x9;
	_ =	strace $0x8000004E  }
0xb3: {  	_ =	swait.ge [sflag:s29], $0x1  }
0xb4: {  	[sflag:s29] =	ssyncadd.s32 $0xFFFFFFFF  }
0xb5: {  	_ =	strace $0x9000004E  }
0xb6: {  	_ =	sfence  }
0xb7: {  	s30 =	sld [smem:$0x0];
	_ =	sdelay $0x2  }
0xb8: {  	s31 =	sshll.u32 s1, $0xD;
	s1 =	sshrl.u32 s1, $0x2  }
0xb9: {  	s3 =	sand.u32 $0x4000, s31;
	s1 =	sadd.s32 s1, s30  }
0xba: {  	s0 =	sor.u32 s3, s0;
	s1 =	sshll.u32 s1, $0x11  }
0xbb: {  	s0 =	sor.u32 s1, s0  }
0xbc: {  	s0 =	sadd.s32 $0x8F2B, s0  }
0xbd: {  	[sflag:s0] =	ssyncadd.remote.s32 $0x1  }
0xbe: {  	_ =	sfence.sel $0xFFFF  }
0xbf: {  	[dreg:$0x0] =	wrdreg $0xFFFFFFFF;
	(pc) =	sbr.abs _section_cstart, $3  }
0xc0: {  	[dreg:$0x1] =	wrdreg $0xFFFFFFFF  }
0xc1: {  	_ =	task.clear_ibuf [dreg:s6], $0x2FFFF;
	_ =	strace $0x9FFFFFFF  }
0xc2: {  	(tm) =	ssettm $0x7FFFFFFF  }
0xc3: {  	_ =	shalt  }
tec
execute0_lowered:
.L_overlay_start_1:
0x0: {  	(tag) =	ssettag $0x1  }
0x1: {  	s0 =	rddreg [dreg:$0x0]  }
0x2: {  	s2 =	rddreg [dreg:$0x1]  }
0x3: {  	s3 =	simm.s32 $0x0;
	s10 =	stileid.u32;
	s1 =	srdreg.scid  }
0x4: {  	s29 =	simm.s32 $0x11;
	[smem:$0x7FF] =	sst s3;
	s5 =	smul.u32 $0x14000, s10  }
0x5: {  	s1 =	sand.u32 $0x1, s1;
	s4 =	sadd.s32 $0x8E800, s0;
	s8 =	smul.u32 $0x50000, s10  }
0x6: {  	s30 =	sadd.s32 $0x4800, s0;
	s12 =	sadd.s32 $0xE600, s0;
	s26 =	smul.u32 $0x2710, s10  }
0x7: {  	s20 =	sshll.u32 s10, $0x6;
	_ =	strace $0x8000004D;
	s6 =	smul.u32 $0x140000, s1  }
0x8: {  	s18 =	sshll.u32 s1, $0x4;
	s19 =	ssub.s32 $0x2, s1;
	s25 =	sor.u32 $0x1C11, s20  }
0x9: {  	s1 =	smul.u32 $0x27100, s1;
	[dreg:$0x9] =	wrdreg s12;
	s7 =	sshrl.u32 s5, $0x3  }
0xa: {  	s9 =	sshrl.u32 s19, $0x1;
	s8 =	sshrl.u32 s8, $0x2;
	[dreg:$0xc] =	wrdreg s25  }
0xb: {  	s7 =	sadd.s32 s7, s0;
	s5 =	sadd.s32 s5, s6;
	s6 =	sor.u32 s10, s18  }
0xc: {  	s8 =	sadd.s32 s8, s2;
	s1 =	sadd.s32 s26, s1;
	s5 =	sshrl.u32 s5, $0x3  }
0xd: {  	s6 =	smul.u32 $0x2710, s6;
	[dreg:$0xa] =	wrdreg s8;
	s7 =	sadd.s32 $0x18400, s7  }
0xe: {  	s14 =	sadd.s32 $0x230, s1;
	s18 =	sadd.s32 $0x1E0, s1;
	s8 =	simm.s32 $0x50  }
0xf: {  	s0 =	sadd.s32 s5, s0;
	s5 =	ssub.s32 s19, s9;
	s16 =	sshrl.u32 s14, $0x3  }
0x10: {  	[dreg:$0xb] =	wrdreg s7;
	s20 =	sshrl.u32 s18, $0x3;
	s17 =	sadd.s32 s16, s12  }
0x11: {  	s14 =	simm.s32 $0x3;
	s19 =	sadd.s32 s16, s30;
	[dreg:$0x3] =	wrdreg s17  }
0x12: {  	s18 =	simm.s32 $0x8;
	s0 =	sadd.s32 $0xB5A00, s0;
	[dreg:$0x4] =	wrdreg s19  }
0x13: {  	s6 =	sshrl.u32 s6, $0x3;
	s5 =	smax.u32 s5, $0x1;
	[dreg:$0x17] =	wrdreg s0  }
0x14: {  	s9 =	simm.s32 $0xB;
	s21 =	sadd.s32 s30, s6;
	[dreg:$0x18] =	wrdreg s5  }
0x15: {  	s22 =	sadd.s32 s12, s6;
	s23 =	sadd.s32 $0xA, s6;
	[dreg:$0xd] =	wrdreg s21  }
0x16: {  	s24 =	sadd.s32 $0x14, s6;
	[dreg:$0xe] =	wrdreg s22;
	s28 =	sadd.s32 s30, s23  }
0x17: {  	s11 =	sadd.s32 $0x1E, s6;
	s7 =	sadd.s32 s12, s23;
	[dreg:$0xf] =	wrdreg s28  }
0x18: {  	s6 =	sadd.s32 $0x4D8, s6;
	s31 =	sadd.s32 s30, s24;
	[dreg:$0x10] =	wrdreg s7  }
0x19: {  	s17 =	simm.s32 $0x4;
	s10 =	sadd.s32 s12, s24;
	[dreg:$0x11] =	wrdreg s31  }
0x1a: {  	s5 =	simm.s32 $0xE;
	s13 =	sadd.s32 s30, s11;
	[dreg:$0x12] =	wrdreg s10  }
0x1b: {  	s0 =	simm.s32 $0x0;
	s15 =	sadd.s32 s30, s6;
	[dreg:$0x13] =	wrdreg s13  }
0x1c: {  	s6 =	sadd.s32 s12, s6;
	s21 =	sadd.s32 s20, s12;
	[dreg:$0x15] =	wrdreg s15  }
0x1d: {  	s22 =	sadd.s32 $0x190, s1;
	s23 =	sadd.s32 s20, s30;
	[dreg:$0x16] =	wrdreg s6  }
0x1e: {  	s20 =	simm.s32 $0x9;
	s7 =	sadd.s32 s12, s11;
	[dreg:$0x5] =	wrdreg s21  }
0x1f: {  	s24 =	sshrl.u32 s22, $0x3;
	[dreg:$0x6] =	wrdreg s23;
	s31 =	sadd.s32 $0x140, s1  }
0x20: {  	s15 =	simm.s32 $0x7;
	s21 =	simm.s32 $0xA;
	[dreg:$0x14] =	wrdreg s7  }
0x21: {  	s22 =	simm.s32 $0xC;
	s26 =	sadd.s32 s24, s12;
	[dreg:$0x19] =	wrdreg s31  }
0x22: {  	s23 =	simm.s32 $0xD;
	s28 =	sadd.s32 s24, s30;
	[dreg:$0x7] =	wrdreg s26  }
0x23: {  	s6 =	simm.s32 $0xF;
	s24 =	simm.s32 $0x10;
	[dreg:$0x8] =	wrdreg s28  }
.LBB2_1:
0x24: {  	[dreg:$0x1a] =	wrdreg s0  }
0x25: {  	s16 =	rddreg [dreg:$0xa]  }
0x26: {  	s19 =	rddreg [dreg:$0xb];
	s1 =	sshrl.u32 s16, $0x3  }
0x27: {  	[dreg:$0x1b] =	wrdreg s1  }
0x28: {  	[spmem:s1], [sflag:s25] =	dma.local [hbm:s19], $0x2800  }
0x29: {  	_ =	swait.ge [sflag:s29], $0x2800  }
0x2a: {  	[sflag:s29] =	ssyncset.done $0x0  }
0x2b: {  	[sflag:s29] =	ssyncadd.s32 $0xFFFFD800  }
0x2c: {  	[bflag:$0x0] =	sbarrier.arrive $0xFFFF  }
0x2d: {  	s10 =	simm.s32 $0x14000;
	s25 =	rddreg [dreg:$0xd]  }
0x2e: {  	[tilespmem:s10], [sflag:$0x1] =	stream.linear.gather [hbm4b:s25+s3], $0x50, $0x38;
	[tilespmem:$0x1E400] =	vst v63  }
0x2f: {  	s31 =	simm.s32 $0x14200;
	s26 =	rddreg [dreg:$0xe]  }
0x30: {  	[tilespmem:s31], [sflag:$0x5] =	stream.linear.gather [hbm4b:s26+s3], $0x50, $0x38;
	[tilespmem:$0x1E400] =	vst v63  }
0x31: {  	s13 =	simm.s32 $0x14080;
	s29 =	rddreg [dreg:$0xf]  }
0x32: {  	[tilespmem:s13], [sflag:$0x2] =	stream.linear.gather [hbm4b:s29+s3], $0x50, $0x38;
	[tilespmem:$0x1E400] =	vst v63  }
0x33: {  	s16 =	simm.s32 $0x14280;
	s1 =	rddreg [dreg:$0x10]  }
0x34: {  	[tilespmem:s16], [sflag:$0x6] =	stream.linear.gather [hbm4b:s1+s3], $0x50, $0x38;
	[tilespmem:$0x1E400] =	vst v63  }
0x35: {  	s19 =	simm.s32 $0x14100;
	s7 =	rddreg [dreg:$0x11]  }
0x36: {  	[tilespmem:s19], [sflag:$0x3] =	stream.linear.gather [hbm4b:s7+s3], $0x50, $0x38;
	[tilespmem:$0x1E400] =	vst v63  }
0x37: {  	s28 =	simm.s32 $0x14300;
	s11 =	rddreg [dreg:$0x12]  }
0x38: {  	[tilespmem:s28], [sflag:$0x7] =	stream.linear.gather [hbm4b:s11+s3], $0x50, $0x38;
	[tilespmem:$0x1E400] =	vst v63  }
0x39: {  	s25 =	rddreg [dreg:$0x13];
	s1 =	simm.s32 $0x14180  }
0x3a: {  	[tilespmem:s1], [sflag:$0x4] =	stream.linear.gather [hbm4b:s25+s3], $0x50, $0x38;
	[tilespmem:$0x1E400] =	vst v63  }
0x3b: {  	s26 =	rddreg [dreg:$0x14];
	s29 =	simm.s32 $0x1;
	s7 =	simm.s32 $0x14380  }
0x3c: {  	[tilespmem:s7], [sflag:$0x8] =	stream.linear.gather [hbm4b:s26+s3], $0x50, $0x38;
	[tilespmem:$0x1E400] =	vst v63  }
0x3d: {  	_ =	swait.ge [sflag:s29], $0x50  }
0x3e: {  	[sflag:s29] =	ssyncset.done $0x0  }
0x3f: {  	s11 =	simm.s32 $0x5;
	[sflag:s29] =	ssyncadd.s32 $0xFFFFFFB0  }
0x40: {  	_ =	swait.ge [sflag:s11], $0x50  }
0x41: {  	[sflag:s11] =	ssyncset.done $0x0  }
0x42: {  	s25 =	simm.s32 $0x14400;
	[sflag:s11] =	ssyncadd.s32 $0xFFFFFFB0;
	s11 =	simm.s32 $0x2  }
0x43: {  	[tilespmem:s25], [sflag:$0x9] =	stream.indirect.gather [hbm4b:s4+s8], $0x80, s10, s8, $0xb8;
	[tilespmem:$0x1E400] =	vst v63  }
0x44: {  	_ =	swait.ge [sflag:s11], $0x50  }
0x45: {  	[sflag:s11] =	ssyncset.done $0x0  }
0x46: {  	s29 =	simm.s32 $0x6;
	[sflag:s11] =	ssyncadd.s32 $0xFFFFFFB0  }
0x47: {  	_ =	swait.ge [sflag:s29], $0x50  }
0x48: {  	[sflag:s29] =	ssyncset.done $0x0  }
0x49: {  	s11 =	simm.s32 $0x16C00;
	[sflag:s29] =	ssyncadd.s32 $0xFFFFFFB0  }
0x4a: {  	[tilespmem:s11], [sflag:$0xA] =	stream.indirect.gather [hbm4b:s4+s8], $0x80, s13, s8, $0xb8;
	[tilespmem:$0x1E400] =	vst v63  }
0x4b: {  	_ =	swait.ge [sflag:s14], $0x50  }
0x4c: {  	[sflag:s14] =	ssyncset.done $0x0  }
0x4d: {  	[sflag:s14] =	ssyncadd.s32 $0xFFFFFFB0  }
0x4e: {  	_ =	swait.ge [sflag:s15], $0x50  }
0x4f: {  	[sflag:s15] =	ssyncset.done $0x0  }
0x50: {  	s26 =	simm.s32 $0x19400;
	[sflag:s15] =	ssyncadd.s32 $0xFFFFFFB0  }
0x51: {  	[tilespmem:s26], [sflag:$0xB] =	stream.indirect.gather [hbm4b:s4+s8], $0x80, s19, s8, $0xb8;
	[tilespmem:$0x1E400] =	vst v63  }
0x52: {  	_ =	swait.ge [sflag:s17], $0x50  }
0x53: {  	[sflag:s17] =	ssyncset.done $0x0  }
0x54: {  	[sflag:s17] =	ssyncadd.s32 $0xFFFFFFB0  }
0x55: {  	_ =	swait.ge [sflag:s18], $0x50  }
0x56: {  	[sflag:s18] =	ssyncset.done $0x0  }
0x57: {  	s29 =	simm.s32 $0x1BC00;
	[sflag:s18] =	ssyncadd.s32 $0xFFFFFFB0  }
0x58: {  	[tilespmem:s29], [sflag:$0xC] =	stream.indirect.gather [hbm4b:s4+s8], $0x80, s1, s8, $0xb8;
	[tilespmem:$0x1E400] =	vst v63  }
0x59: {  	_ =	swait.ge [sflag:s20], $0x2800  }
0x5a: {  	[sflag:s20] =	ssyncset.done $0x0  }
0x5b: {  	[sflag:s20] =	ssyncadd.s32 $0xFFFFD800  }
0x5c: {  	[spmem:s2] =	stream.indirect.scatter.add.f32 [tilespmem:s25], [sflag:$0xD], $0x80, s31, s8, $0xb8;
	[tilespmem:$0x1E400] =	vst v63  }
0x5d: {  	_ =	swait.ge [sflag:s21], $0x2800  }
0x5e: {  	[sflag:s21] =	ssyncset.done $0x0  }
0x5f: {  	[sflag:s21] =	ssyncadd.s32 $0xFFFFD800  }
0x60: {  	[spmem:s2] =	stream.indirect.scatter.add.f32 [tilespmem:s11], [sflag:$0xE], $0x80, s16, s8, $0xb8;
	[tilespmem:$0x1E400] =	vst v63  }
0x61: {  	_ =	swait.ge [sflag:s9], $0x2800  }
0x62: {  	[sflag:s9] =	ssyncset.done $0x0  }
0x63: {  	[sflag:s9] =	ssyncadd.s32 $0xFFFFD800  }
0x64: {  	[spmem:s2] =	stream.indirect.scatter.add.f32 [tilespmem:s26], [sflag:$0xF], $0x80, s28, s8, $0xb8;
	[tilespmem:$0x1E400] =	vst v63  }
0x65: {  	_ =	swait.ge [sflag:s22], $0x2800  }
0x66: {  	[sflag:s22] =	ssyncset.done $0x0  }
0x67: {  	[sflag:s22] =	ssyncadd.s32 $0xFFFFD800  }
0x68: {  	[spmem:s2] =	stream.indirect.scatter.add.f32 [tilespmem:s29], [sflag:$0x10], $0x80, s7, s8, $0xb8;
	[tilespmem:$0x1E400] =	vst v63  }
0x69: {  	_ =	swait.ge [sflag:s23], $0x2800  }
0x6a: {  	s29 =	rddreg [dreg:$0x19]  }
0x6b: {  	[sflag:s23] =	ssyncset.done $0x0;
	s0 =	sshrl.u32 s29, $0x3  }
0x6c: {  	[sflag:s23] =	ssyncadd.s32 $0xFFFFD800;
	s7 =	sadd.s32 s30, s0  }
0x6d: {  	[tilespmem:s10], [sflag:$0x1] =	stream.linear.gather [hbm4b:s7+s3], $0x50, $0x38;
	[tilespmem:$0x1E400] =	vst v63  }
0x6e: {  	s25 =	sadd.s32 s12, s0  }
0x6f: {  	[tilespmem:s31], [sflag:$0x5] =	stream.linear.gather [hbm4b:s25+s3], $0x50, $0x38;
	[tilespmem:$0x1E400] =	vst v63  }
0x70: {  	_ =	swait.ge [sflag:s5], $0x2800  }
0x71: {  	s10 =	rddreg [dreg:$0x8];
	[sflag:s5] =	ssyncset.done $0x0  }
0x72: {  	s11 =	rddreg [dreg:$0x7];
	[sflag:s5] =	ssyncadd.s32 $0xFFFFD800;
	s25 =	sadd.s32 $0x0, s10  }
0x73: {  	[tilespmem:s13], [sflag:$0x2] =	stream.linear.gather [hbm4b:s25+s3], $0x50, $0x38;
	[tilespmem:$0x1E400] =	vst v63  }
0x74: {  	s12 =	sadd.s32 $0x0, s11  }
0x75: {  	[tilespmem:s16], [sflag:$0x6] =	stream.linear.gather [hbm4b:s12+s3], $0x50, $0x38;
	[tilespmem:$0x1E400] =	vst v63  }
0x76: {  	_ =	swait.ge [sflag:s6], $0x2800  }
0x77: {  	s13 =	rddreg [dreg:$0x6];
	[sflag:s6] =	ssyncset.done $0x0  }
0x78: {  	s16 =	rddreg [dreg:$0x5];
	[sflag:s6] =	ssyncadd.s32 $0xFFFFD800;
	s25 =	sadd.s32 $0x0, s13  }
0x79: {  	[tilespmem:s19], [sflag:$0x3] =	stream.linear.gather [hbm4b:s25+s3], $0x50, $0x38;
	[tilespmem:$0x1E400] =	vst v63  }
0x7a: {  	s19 =	sadd.s32 $0x0, s16  }
0x7b: {  	[tilespmem:s28], [sflag:$0x7] =	stream.linear.gather [hbm4b:s19+s3], $0x50, $0x38;
	[tilespmem:$0x1E400] =	vst v63  }
0x7c: {  	_ =	swait.ge [sflag:s24], $0x2800  }
0x7d: {  	s26 =	rddreg [dreg:$0x4];
	[sflag:s24] =	ssyncset.done $0x0  }
0x7e: {  	s31 =	rddreg [dreg:$0x3];
	[sflag:s24] =	ssyncadd.s32 $0xFFFFD800;
	s25 =	sadd.s32 $0x0, s26  }
0x7f: {  	[tilespmem:s1], [sflag:$0x4] =	stream.linear.gather [hbm4b:s25+s3], $0x50, $0x38;
	[tilespmem:$0x1E400] =	vst v63  }
0x80: {  	s28 =	sadd.s32 $0x0, s31;
	s26 =	sadd.s32 $0x140, s29;
	s25 =	simm.s32 $0x28  }
.LBB2_2:
0x81: {  	s29 =	simm.s32 $0x14380;
	s0 =	simm.s32 $0x1  }
0x82: {  	[tilespmem:s29], [sflag:$0x8] =	stream.linear.gather [hbm4b:s28+s3], $0x50, $0x38;
	[tilespmem:$0x1E400] =	vst v63  }
0x83: {  	_ =	swait.ge [sflag:s0], $0x50  }
0x84: {  	[sflag:s0] =	ssyncset.done $0x0  }
0x85: {  	s19 =	simm.s32 $0x5;
	[sflag:s0] =	ssyncadd.s32 $0xFFFFFFB0  }
0x86: {  	_ =	swait.ge [sflag:s19], $0x50  }
0x87: {  	s10 =	simm.s32 $0x14000;
	[sflag:s19] =	ssyncset.done $0x0  }
0x88: {  	s1 =	simm.s32 $0x14400;
	s31 =	simm.s32 $0x2;
	[sflag:s19] =	ssyncadd.s32 $0xFFFFFFB0  }
0x89: {  	[tilespmem:s1], [sflag:$0x9] =	stream.indirect.gather [hbm4b:s4+s8], $0x80, s10, s8, $0xb8;
	[tilespmem:$0x1E400] =	vst v63  }
0x8a: {  	_ =	swait.ge [sflag:s31], $0x50  }
0x8b: {  	[sflag:s31] =	ssyncset.done $0x0  }
0x8c: {  	s7 =	simm.s32 $0x6;
	[sflag:s31] =	ssyncadd.s32 $0xFFFFFFB0  }
0x8d: {  	_ =	swait.ge [sflag:s7], $0x50  }
0x8e: {  	[sflag:s7] =	ssyncset.done $0x0  }
0x8f: {  	s16 =	simm.s32 $0x14080;
	s31 =	simm.s32 $0x16C00;
	[sflag:s7] =	ssyncadd.s32 $0xFFFFFFB0  }
0x90: {  	[tilespmem:s31], [sflag:$0xA] =	stream.indirect.gather [hbm4b:s4+s8], $0x80, s16, s8, $0xb8;
	[tilespmem:$0x1E400] =	vst v63  }
0x91: {  	_ =	swait.ge [sflag:s14], $0x50  }
0x92: {  	[sflag:s14] =	ssyncset.done $0x0  }
0x93: {  	[sflag:s14] =	ssyncadd.s32 $0xFFFFFFB0  }
0x94: {  	_ =	swait.ge [sflag:s15], $0x50  }
0x95: {  	[sflag:s15] =	ssyncset.done $0x0  }
0x96: {  	s11 =	simm.s32 $0x19400;
	s0 =	simm.s32 $0x14100;
	[sflag:s15] =	ssyncadd.s32 $0xFFFFFFB0  }
0x97: {  	[tilespmem:s11], [sflag:$0xB] =	stream.indirect.gather [hbm4b:s4+s8], $0x80, s0, s8, $0xb8;
	[tilespmem:$0x1E400] =	vst v63  }
0x98: {  	_ =	swait.ge [sflag:s17], $0x50  }
0x99: {  	[sflag:s17] =	ssyncset.done $0x0  }
0x9a: {  	[sflag:s17] =	ssyncadd.s32 $0xFFFFFFB0  }
0x9b: {  	_ =	swait.ge [sflag:s18], $0x50  }
0x9c: {  	[sflag:s18] =	ssyncset.done $0x0  }
0x9d: {  	s12 =	simm.s32 $0x1BC00;
	s7 =	simm.s32 $0x14180;
	[sflag:s18] =	ssyncadd.s32 $0xFFFFFFB0  }
0x9e: {  	[tilespmem:s12], [sflag:$0xC] =	stream.indirect.gather [hbm4b:s4+s8], $0x80, s7, s8, $0xb8;
	[tilespmem:$0x1E400] =	vst v63  }
0x9f: {  	_ =	swait.ge [sflag:s20], $0x2800  }
0xa0: {  	[sflag:s20] =	ssyncset.done $0x0  }
0xa1: {  	s13 =	simm.s32 $0x14200;
	[sflag:s20] =	ssyncadd.s32 $0xFFFFD800  }
0xa2: {  	[spmem:s2] =	stream.indirect.scatter.add.f32 [tilespmem:s1], [sflag:$0xD], $0x80, s13, s8, $0xb8;
	[tilespmem:$0x1E400] =	vst v63  }
0xa3: {  	_ =	swait.ge [sflag:s21], $0x2800  }
0xa4: {  	[sflag:s21] =	ssyncset.done $0x0  }
0xa5: {  	s19 =	simm.s32 $0x14280;
	[sflag:s21] =	ssyncadd.s32 $0xFFFFD800  }
0xa6: {  	[spmem:s2] =	stream.indirect.scatter.add.f32 [tilespmem:s31], [sflag:$0xE], $0x80, s19, s8, $0xb8;
	[tilespmem:$0x1E400] =	vst v63  }
0xa7: {  	_ =	swait.ge [sflag:s9], $0x2800  }
0xa8: {  	[sflag:s9] =	ssyncset.done $0x0  }
0xa9: {  	s1 =	simm.s32 $0x14300;
	[sflag:s9] =	ssyncadd.s32 $0xFFFFD800  }
0xaa: {  	[spmem:s2] =	stream.indirect.scatter.add.f32 [tilespmem:s11], [sflag:$0xF], $0x80, s1, s8, $0xb8;
	[tilespmem:$0x1E400] =	vst v63  }
0xab: {  	_ =	swait.ge [sflag:s22], $0x2800  }
0xac: {  	[sflag:s22] =	ssyncset.done $0x0  }
0xad: {  	[sflag:s22] =	ssyncadd.s32 $0xFFFFD800  }
0xae: {  	[spmem:s2] =	stream.indirect.scatter.add.f32 [tilespmem:s12], [sflag:$0x10], $0x80, s29, s8, $0xb8;
	[tilespmem:$0x1E400] =	vst v63  }
0xaf: {  	_ =	swait.ge [sflag:s23], $0x2800  }
0xb0: {  	s31 =	smov.u32 s30;
	s11 =	sshrl.u32 s26, $0x3;
	[sflag:s23] =	ssyncset.done $0x0  }
0xb1: {  	s30 =	sadd.s32 s30, s11;
	s12 =	rddreg [dreg:$0x9];
	[sflag:s23] =	ssyncadd.s32 $0xFFFFD800  }
0xb2: {  	[tilespmem:s10], [sflag:$0x1] =	stream.linear.gather [hbm4b:s30+s3], $0x50, $0x38;
	[tilespmem:$0x1E400] =	vst v63  }
0xb3: {  	s29 =	sadd.s32 s12, s11  }
0xb4: {  	[tilespmem:s13], [sflag:$0x5] =	stream.linear.gather [hbm4b:s29+s3], $0x50, $0x38;
	[tilespmem:$0x1E400] =	vst v63  }
0xb5: {  	_ =	swait.ge [sflag:s5], $0x2800  }
0xb6: {  	s28 =	smov.u32 s25;
	s11 =	rddreg [dreg:$0x8];
	[sflag:s5] =	ssyncset.done $0x0  }
0xb7: {  	s30 =	rddreg [dreg:$0x7];
	[sflag:s5] =	ssyncadd.s32 $0xFFFFD800;
	s29 =	sadd.s32 s28, s11  }
0xb8: {  	[tilespmem:s16], [sflag:$0x2] =	stream.linear.gather [hbm4b:s29+s3], $0x50, $0x38;
	[tilespmem:$0x1E400] =	vst v63  }
0xb9: {  	s12 =	sadd.s32 s28, s30  }
0xba: {  	[tilespmem:s19], [sflag:$0x6] =	stream.linear.gather [hbm4b:s12+s3], $0x50, $0x38;
	[tilespmem:$0x1E400] =	vst v63  }
0xbb: {  	p0 =	sne.s32 s25, $0x488;
	s25 =	sadd.s32 $0x28, s25;
	_ =	swait.ge [sflag:s6], $0x2800  }
0xbc: {  	s26 =	sadd.s32 $0x140, s26;
	s10 =	rddreg [dreg:$0x6];
	[sflag:s6] =	ssyncset.done $0x0  }
0xbd: {  	s30 =	rddreg [dreg:$0x5];
	[sflag:s6] =	ssyncadd.s32 $0xFFFFD800;
	s29 =	sadd.s32 s28, s10  }
0xbe: {  	[tilespmem:s0], [sflag:$0x3] =	stream.linear.gather [hbm4b:s29+s3], $0x50, $0x38;
	[tilespmem:$0x1E400] =	vst v63  }
0xbf: {  	s13 =	simm.s32 $0x14080;
	s16 =	simm.s32 $0x14280;
	s11 =	sadd.s32 s28, s30  }
0xc0: {  	[tilespmem:s1], [sflag:$0x7] =	stream.linear.gather [hbm4b:s11+s3], $0x50, $0x38;
	[tilespmem:$0x1E400] =	vst v63  }
.Ltmp0:
0xc1: {  	s19 =	simm.s32 $0x14100;
	_ =	swait.ge [sflag:s24], $0x2800;
	(pc) =	sbr.rel @p0 .LBB2_2-.Ltmp0, $4  }
0xc2: {  	s0 =	simm.s32 $0x14300;
	s12 =	rddreg [dreg:$0x4];
	[sflag:s24] =	ssyncset.done $0x0  }
0xc3: {  	s1 =	simm.s32 $0x14180;
	s30 =	rddreg [dreg:$0x3];
	[sflag:s24] =	ssyncadd.s32 $0xFFFFD800  }
0xc4: {  	s29 =	sadd.s32 s28, s12;
	s28 =	sadd.s32 s28, s30;
	s30 =	smov.u32 s31  }
0xc5: {  	[tilespmem:s7], [sflag:$0x4] =	stream.linear.gather [hbm4b:s29+s3], $0x50, $0x38;
	[tilespmem:$0x1E400] =	vst v63  }
0xc6: {  	s7 =	simm.s32 $0x14380;
	s26 =	simm.s32 $0x1  }
0xc7: {  	[tilespmem:s7], [sflag:$0x8] =	stream.linear.gather [hbm4b:s28+s3], $0x50, $0x38;
	[tilespmem:$0x1E400] =	vst v63  }
0xc8: {  	_ =	swait.ge [sflag:s26], $0x50  }
0xc9: {  	[sflag:s26] =	ssyncset.done $0x0  }
0xca: {  	s28 =	simm.s32 $0x5;
	[sflag:s26] =	ssyncadd.s32 $0xFFFFFFB0  }
0xcb: {  	_ =	swait.ge [sflag:s28], $0x50  }
0xcc: {  	s10 =	simm.s32 $0x14000;
	[sflag:s28] =	ssyncset.done $0x0  }
0xcd: {  	s29 =	simm.s32 $0x14400;
	s11 =	simm.s32 $0x2;
	[sflag:s28] =	ssyncadd.s32 $0xFFFFFFB0  }
0xce: {  	[tilespmem:s29], [sflag:$0x9] =	stream.indirect.gather [hbm4b:s4+s8], $0x80, s10, s8, $0xb8;
	[tilespmem:$0x1E400] =	vst v63  }
0xcf: {  	_ =	swait.ge [sflag:s11], $0x50  }
0xd0: {  	[sflag:s11] =	ssyncset.done $0x0  }
0xd1: {  	s25 =	simm.s32 $0x6;
	[sflag:s11] =	ssyncadd.s32 $0xFFFFFFB0  }
0xd2: {  	_ =	swait.ge [sflag:s25], $0x50  }
0xd3: {  	[sflag:s25] =	ssyncset.done $0x0  }
0xd4: {  	[sflag:s25] =	ssyncadd.s32 $0xFFFFFFB0;
	s25 =	simm.s32 $0x16C00  }
0xd5: {  	[tilespmem:s25], [sflag:$0xA] =	stream.indirect.gather [hbm4b:s4+s8], $0x80, s13, s8, $0xb8;
	[tilespmem:$0x1E400] =	vst v63  }
0xd6: {  	_ =	swait.ge [sflag:s14], $0x50  }
0xd7: {  	[sflag:s14] =	ssyncset.done $0x0  }
0xd8: {  	[sflag:s14] =	ssyncadd.s32 $0xFFFFFFB0  }
0xd9: {  	_ =	swait.ge [sflag:s15], $0x50  }
0xda: {  	[sflag:s15] =	ssyncset.done $0x0  }
0xdb: {  	s31 =	simm.s32 $0x19400;
	[sflag:s15] =	ssyncadd.s32 $0xFFFFFFB0  }
0xdc: {  	[tilespmem:s31], [sflag:$0xB] =	stream.indirect.gather [hbm4b:s4+s8], $0x80, s19, s8, $0xb8;
	[tilespmem:$0x1E400] =	vst v63  }
0xdd: {  	_ =	swait.ge [sflag:s17], $0x50  }
0xde: {  	[sflag:s17] =	ssyncset.done $0x0  }
0xdf: {  	[sflag:s17] =	ssyncadd.s32 $0xFFFFFFB0  }
0xe0: {  	_ =	swait.ge [sflag:s18], $0x50  }
0xe1: {  	[sflag:s18] =	ssyncset.done $0x0  }
0xe2: {  	s12 =	simm.s32 $0x1BC00;
	[sflag:s18] =	ssyncadd.s32 $0xFFFFFFB0  }
0xe3: {  	[tilespmem:s12], [sflag:$0xC] =	stream.indirect.gather [hbm4b:s4+s8], $0x80, s1, s8, $0xb8;
	[tilespmem:$0x1E400] =	vst v63  }
0xe4: {  	_ =	swait.ge [sflag:s20], $0x2800  }
0xe5: {  	[sflag:s20] =	ssyncset.done $0x0  }
0xe6: {  	s1 =	simm.s32 $0x14200;
	[sflag:s20] =	ssyncadd.s32 $0xFFFFD800  }
0xe7: {  	[spmem:s2] =	stream.indirect.scatter.add.f32 [tilespmem:s29], [sflag:$0xD], $0x80, s1, s8, $0xb8;
	[tilespmem:$0x1E400] =	vst v63  }
0xe8: {  	_ =	swait.ge [sflag:s21], $0x2800  }
0xe9: {  	[sflag:s21] =	ssyncset.done $0x0  }
0xea: {  	[sflag:s21] =	ssyncadd.s32 $0xFFFFD800  }
0xeb: {  	[spmem:s2] =	stream.indirect.scatter.add.f32 [tilespmem:s25], [sflag:$0xE], $0x80, s16, s8, $0xb8;
	[tilespmem:$0x1E400] =	vst v63  }
0xec: {  	_ =	swait.ge [sflag:s9], $0x2800  }
0xed: {  	[sflag:s9] =	ssyncset.done $0x0  }
0xee: {  	[sflag:s9] =	ssyncadd.s32 $0xFFFFD800  }
0xef: {  	[spmem:s2] =	stream.indirect.scatter.add.f32 [tilespmem:s31], [sflag:$0xF], $0x80, s0, s8, $0xb8;
	[tilespmem:$0x1E400] =	vst v63  }
0xf0: {  	_ =	swait.ge [sflag:s22], $0x2800  }
0xf1: {  	[sflag:s22] =	ssyncset.done $0x0  }
0xf2: {  	[sflag:s22] =	ssyncadd.s32 $0xFFFFD800  }
0xf3: {  	[spmem:s2] =	stream.indirect.scatter.add.f32 [tilespmem:s12], [sflag:$0x10], $0x80, s7, s8, $0xb8;
	[tilespmem:$0x1E400] =	vst v63  }
0xf4: {  	_ =	swait.ge [sflag:s23], $0x2800  }
0xf5: {  	[sflag:s23] =	ssyncset.done $0x0  }
0xf6: {  	[sflag:s23] =	ssyncadd.s32 $0xFFFFD800  }
0xf7: {  	_ =	swait.ge [sflag:s5], $0x2800  }
0xf8: {  	[sflag:s5] =	ssyncset.done $0x0  }
0xf9: {  	[sflag:s5] =	ssyncadd.s32 $0xFFFFD800  }
0xfa: {  	_ =	swait.ge [sflag:s6], $0x2800  }
0xfb: {  	[sflag:s6] =	ssyncset.done $0x0  }
0xfc: {  	[sflag:s6] =	ssyncadd.s32 $0xFFFFD800  }
0xfd: {  	_ =	swait.ge [sflag:s24], $0x2800  }
0xfe: {  	[sflag:s24] =	ssyncset.done $0x0  }
0xff: {  	s11 =	rddreg [dreg:$0x15];
	[sflag:s24] =	ssyncadd.s32 $0xFFFFD800  }
0x100: {  	[tilespmem:s10], [sflag:$0x1] =	stream.linear.gather [hbm4b:s11+s3], $0x50, $0x38;
	[tilespmem:$0x1E400] =	vst v63  }
0x101: {  	s12 =	rddreg [dreg:$0x16]  }
0x102: {  	[tilespmem:s1], [sflag:$0x5] =	stream.linear.gather [hbm4b:s12+s3], $0x50, $0x38;
	[tilespmem:$0x1E400] =	vst v63  }
0x103: {  	_ =	swait.ge [sflag:s26], $0x50  }
0x104: {  	[sflag:s26] =	ssyncset.done $0x0  }
0x105: {  	[sflag:s26] =	ssyncadd.s32 $0xFFFFFFB0  }
0x106: {  	_ =	swait.ge [sflag:s28], $0x50  }
0x107: {  	[sflag:s28] =	ssyncset.done $0x0  }
0x108: {  	[sflag:s28] =	ssyncadd.s32 $0xFFFFFFB0  }
0x109: {  	[tilespmem:s29], [sflag:$0x9] =	stream.indirect.gather [hbm4b:s4+s8], $0x80, s10, s8, $0xb8;
	[tilespmem:$0x1E400] =	vst v63  }
0x10a: {  	_ =	swait.ge [sflag:s20], $0x2800  }
0x10b: {  	[sflag:s20] =	ssyncset.done $0x0  }
0x10c: {  	[sflag:s20] =	ssyncadd.s32 $0xFFFFD800  }
0x10d: {  	[spmem:s2] =	stream.indirect.scatter.add.f32 [tilespmem:s29], [sflag:$0x11], $0x80, s1, s8, $0xb8;
	[tilespmem:$0x1E400] =	vst v63  }
0x10e: {  	s29 =	simm.s32 $0x11  }
0x10f: {  	_ =	swait.ge [sflag:s29], $0x2800  }
0x110: {  	[sflag:s29] =	ssyncset.done $0x0  }
0x111: {  	[sflag:s29] =	ssyncadd.s32 $0xFFFFD800  }
0x112: {  	[bflag:$0x0] =	sbarrier.arrive $0xFFFF  }
0x113: {  	s25 =	rddreg [dreg:$0xc]  }
0x114: {  	s16 =	rddreg [dreg:$0x17]  }
0x115: {  	s19 =	rddreg [dreg:$0x1b]  }
0x116: {  	[hbm:s16], [sflag:s25] =	dma.local [spmem:s19], $0x2800  }
0x117: {  	_ =	swait.ge [sflag:s29], $0x2800  }
0x118: {  	s28 =	rddreg [dreg:$0x1a]  }
0x119: {  	s31 =	rddreg [dreg:$0x18];
	s0 =	sadd.s32 $0x1, s28  }
0x11a: {  	p0 =	sne.s32 s0, s31  }
.Ltmp1:
0x11b: {  	_ = 	snop;
	(pc) =	sbr.rel @p0 .LBB2_1-.Ltmp1, $3  }
0x11c: {  	_ =	sdelay $0x1  }
0x11d: {  	[sflag:s29] =	ssyncset.done $0x0  }
0x11e: {  	s12 =	rddreg [dreg:$0x9];
	[sflag:s29] =	ssyncadd.s32 $0xFFFFD800  }
0x11f: {  	_ =	sfence.sel $0x180000  }
0x120: {  	[bflag:$0x0] =	sbarrier.arrive $0xFFFF  }
0x121: {  	_ =	strace $0x9000004D  }
0x122: {  	s0 =	stileid.u32;
	[bflag:$0x2] =	sbarrier.arrive $0xFFFF  }
0x123: {  	p0 =	sne.s32 s0, $0x0;
	s0 =	rddreg [dreg:$0x2]  }
0x124: {  	s0 =	sadd.s32 @!p0 $0x100000, s0  }
0x125: {  	[sflag:s0] =	ssyncadd.tile.s32 @!p0 $0x1;
	_ =	shalt  }
.Lfunc_end2:
_tile_overlayer_lowered:
.L_overlay_start_2:
0x126: {  	(tag) =	ssettag $0x2  }
0x127: {  	s0 =	rddreg [dreg:$0x0];
	s2 =	stileid.u32  }
0x128: {  	s1 =	rddreg [dreg:$0x1];
	p0 =	sne.s32 s2, $0x0  }
0x129: {  	s3 =	rddreg [dreg:$0x2];
	[bflag:$0x3] =	sbarrier.arrive $0xFFFF;
	s2 =	simm.s32 @!p0 $0x1C11  }
0x12a: {  	[timem:s3], [sflag:s2] =	dma.local @!p0 [hbm:s0], s1  }
0x12b: {  	s0 =	simm.s32 @!p0 $0x11  }
0x12c: {  	_ =	swait.ge @!p0 [sflag:s0], s1  }
0x12d: {  	s1 =	ssub.s32 @!p0 $0x0, s1;
	[sflag:s0] =	ssyncset.done @!p0 $0x0  }
0x12e: {  	[sflag:s0] =	ssyncadd.s32 @!p0 s1  }
0x12f: {  	[bflag:$0x3] =	sbarrier.arrive $0xFFFF  }
0x130: {  	_ =	shalt  }

// kernel: kernel.19.cloned.1.call-start
scs
__scs_entry_jumppad:
0x0: {  	(pc) =	sbr.rel $0x88, $3  }
0x1: {  	(tag) =	ssettag $0x0;
	lr =	simm.s32 $0x1  }
0x2: {  	[smem:$0x3F8C] =	sst lr;
	_ =	strace $0xD0000000  }
0x3: {  	_ = 	snop  }
0x4: {  	_ = 	snop  }
0x5: {  	_ = 	snop  }
0x6: {  	_ = 	snop  }
0x7: {  	_ = 	snop  }
__scs_overlays_trampoline_lowered:
0x8: {  	[smem:$0x3F9B] =	sst s0  }
0x9: {  	[smem:$0x3F9C] =	sst s1  }
0xa: {  	[smem:$0x3F9D] =	sst s2  }
0xb: {  	[smem:$0x3F9E] =	sst s3  }
0xc: {  	[smem:$0x3F9F] =	sst s4  }
0xd: {  	[smem:$0x3FA0] =	sst s5  }
0xe: {  	[smem:$0x3FA1] =	sst s6  }
0xf: {  	[smem:$0x3FA2] =	sst s7  }
0x10: {  	[smem:$0x3FA3] =	sst s8  }
0x11: {  	[smem:$0x3FA4] =	sst s9;
	s0 =	simm.s32 @!p0 $0x0  }
0x12: {  	s1 =	sld [smem:$0x3F8A];
	s0 =	simm.s32 @p0 $0x1  }
0x13: {  	[smem:$0x3FA5] =	sst s0;
	s0 =	simm.s32 @!p1 $0x0  }
0x14: {  	s2 =	sld [smem:$0x3F89];
	s0 =	simm.s32 @p1 $0x1  }
0x15: {  	[smem:$0x3FA6] =	sst s0;
	s0 =	simm.s32 @!p2 $0x0  }
0x16: {  	s3 =	sld [smem:$0x3FDB];
	s0 =	simm.s32 @p2 $0x1  }
0x17: {  	s4 =	simm.s32 $0x1BF5;
	[smem:$0x3FA8] =	sst s0  }
0x18: {  	s0 =	sld [smem:$0x3F8B];
	_ =	swait.ge [sflag:s4], $0x0  }
0x19: {  	s7 =	sld [smem:$0x3F8C]  }
0x1a: {  	s8 =	sadd.s32 $0xFFFFE003, lr  }
0x1b: {  	s9 =	sadd.s32 $0xFFFFFEF7, lr;
	s5 =	simm.s32 $0xFFFFFFFF;
	p2 =	slt.u32 s8, $0xFFFFF086  }
0x1c: {  	p1 =	slt.u32 s9, $0xF7A;
	s5 =	simm.s32 @!p2 $0x0  }
0x1d: {  	s5 =	simm.s32 @p1 $0x1;
	p0 =	seq.s32 s7, s2  }
0x1e: {  	s7 =	smul.u32 @!p0 $0xF7A, s2;
	p2 =	seq.s32 @!p0 s5, $0x0  }
0x1f: {  	s9 =	smul.u32 $0xF7A, s1;
	s8 =	simm.s32 @!p0 $0x1BF5;
	p2 =	por !p2, p0  }
0x20: {  	[sflag:s8] =	ssyncset.s32 @!p0 $0xFFFFF086;
	s6 =	sadd.s32 @!p0 s3, s7;
	s7 =	simm.s32 @!p0 $0x108  }
0x21: {  	s3 =	sadd.s32 s3, s9;
	s6 =	sadd.s32 @!p0 $0x88, s6;
	s7 =	simm.s32 @p2 $0x1082  }
0x22: {  	[simem:s7], [sflag:s8] =	dma.local @!p0 [hbm:s6], $0xF7A  }
0x23: {  	s9 =	sor.u32 $0xD0000000, s2;
	s6 =	simm.s32 $0x108;
	_ =	swait.ge @!p0 [sflag:s8], $0x0  }
0x24: {  	s3 =	sadd.s32 $0x88, s3;
	s6 =	simm.s32 @!p1 $0x1082;
	[sflag:s4] =	ssyncset.s32 $0xFFFFF086  }
0x25: {  	[simem:s6], [sflag:s4] =	dma.local [hbm:s3], $0xF7A  }
0x26: {  	[smem:$0x3F8C] =	sst s1;
	(tag) =	ssettag s2;
	_ =	strace s9  }
0x27: {  	s1 =	sld [smem:$0x3F9C]  }
0x28: {  	s2 =	sld [smem:$0x3F9D]  }
0x29: {  	s4 =	sld [smem:$0x3F9F]  }
0x2a: {  	p0 =	seq.s32 s5, $0x0;
	s5 =	sld [smem:$0x3FA0]  }
0x2b: {  	s6 =	sld [smem:$0x3FA1]  }
0x2c: {  	s7 =	sld [smem:$0x3FA2]  }
0x2d: {  	s3 =	simm.s32 $0x108;
	s8 =	sld [smem:$0x3FA3]  }
0x2e: {  	s3 =	simm.s32 @!p0 $0x1082;
	s9 =	sld [smem:$0x3FA4]  }
0x2f: {  	lr =	sadd.s32 s0, s3;
	s0 =	sld [smem:$0x3F9B]  }
0x30: {  	s3 =	sld [smem:$0x3F9E]  }
0x31: {  	[smem:$0x3FA7] =	sst s10  }
0x32: {  	s10 =	sld [smem:$0x3FA5];
	_ =	sdelay $0x3  }
0x33: {  	p0 =	seq.s32 s10, $0x1;
	s10 =	sld [smem:$0x3FA7];
	_ =	sdelay $0x3  }
0x34: {  	[smem:$0x3FA7] =	sst s10  }
0x35: {  	s10 =	sld [smem:$0x3FA6];
	_ =	sdelay $0x3  }
0x36: {  	p1 =	seq.s32 s10, $0x1;
	s10 =	sld [smem:$0x3FA7];
	_ =	sdelay $0x3  }
0x37: {  	[smem:$0x3FA7] =	sst s10  }
0x38: {  	s10 =	sld [smem:$0x3FA8]  }
0x39: {  	_ = 	snop;
	(pc) =	sbr.ind lr, $3  }
0x3a: {  	_ = 	snop  }
0x3b: {  	_ = 	snop  }
0x3c: {  	p2 =	seq.s32 s10, $0x1;
	s10 =	sld [smem:$0x3FA7]  }
0x3d: {  	_ =	shalt  }
0x3e: {  	_ =	shalt  }
0x3f: {  	_ =	shalt  }
0x40: {  	_ =	shalt  }
0x41: {  	_ =	shalt  }
0x42: {  	_ =	shalt  }
0x43: {  	_ =	shalt  }
0x44: {  	_ =	shalt  }
0x45: {  	_ =	shalt  }
0x46: {  	_ =	shalt  }
0x47: {  	_ =	shalt  }
0x48: {  	_ =	shalt  }
0x49: {  	_ =	shalt  }
0x4a: {  	_ =	shalt  }
0x4b: {  	_ =	shalt  }
0x4c: {  	_ =	shalt  }
0x4d: {  	_ =	shalt  }
0x4e: {  	_ =	shalt  }
0x4f: {  	_ =	shalt  }
0x50: {  	_ =	shalt  }
0x51: {  	_ =	shalt  }
0x52: {  	_ =	shalt  }
0x53: {  	_ =	shalt  }
0x54: {  	_ =	shalt  }
0x55: {  	_ =	shalt  }
0x56: {  	_ =	shalt  }
0x57: {  	_ =	shalt  }
0x58: {  	_ =	shalt  }
0x59: {  	_ =	shalt  }
0x5a: {  	_ =	shalt  }
0x5b: {  	_ =	shalt  }
0x5c: {  	_ =	shalt  }
0x5d: {  	_ =	shalt  }
0x5e: {  	_ =	shalt  }
0x5f: {  	_ =	shalt  }
0x60: {  	_ =	shalt  }
0x61: {  	_ =	shalt  }
0x62: {  	_ =	shalt  }
0x63: {  	_ =	shalt  }
0x64: {  	_ =	shalt  }
0x65: {  	_ =	shalt  }
0x66: {  	_ =	shalt  }
0x67: {  	_ =	shalt  }
0x68: {  	_ =	shalt  }
0x69: {  	_ =	shalt  }
0x6a: {  	_ =	shalt  }
0x6b: {  	_ =	shalt  }
0x6c: {  	_ =	shalt  }
0x6d: {  	_ =	shalt  }
0x6e: {  	_ =	shalt  }
0x6f: {  	_ =	shalt  }
0x70: {  	_ =	shalt  }
0x71: {  	_ =	shalt  }
0x72: {  	_ =	shalt  }
0x73: {  	_ =	shalt  }
0x74: {  	_ =	shalt  }
0x75: {  	_ =	shalt  }
0x76: {  	_ =	shalt  }
0x77: {  	_ =	shalt  }
0x78: {  	_ =	shalt  }
0x79: {  	_ =	shalt  }
0x7a: {  	_ =	shalt  }
0x7b: {  	_ =	shalt  }
0x7c: {  	_ =	shalt  }
0x7d: {  	_ =	shalt  }
0x7e: {  	_ =	shalt  }
0x7f: {  	_ =	shalt  }
0x80: {  	_ =	shalt  }
0x81: {  	_ =	shalt  }
0x82: {  	_ =	shalt  }
0x83: {  	_ =	shalt  }
0x84: {  	_ =	shalt  }
0x85: {  	_ =	shalt  }
0x86: {  	_ =	shalt  }
0x87: {  	_ =	shalt  }
.Lfunc_end0:
.L_simem_size_0:
called_computation.3_lowered:
.L_overlay_start_0:
0x88: {  	s2 =	sld [smem:$0x3FD9]  }
0x89: {  	s3 =	sld [smem:$0x3FFE];
	_ =	sdelay $0x1  }
0x8a: {  	s1 =	srdreg.scid  }
0x8b: {  	s0 =	sand.u32 $0x1, s1  }
0x8c: {  	s17 =	sshll.u32 s0, $0xA;
	s2 =	sadd.s32 s3, s2  }
0x8d: {  	s2 =	sadd.s32 s2, s17  }
0x8e: {  	[smem:$0x3FB3] =	sst s2  }
0x8f: {  	_ = 	snop  }
0x90: {  	s2 =	sld [smem:$0x3FD0];
	(tm) =	ssettm $0x1  }
0x91: {  	s18 =	sld [smem:$0x3FFB];
	_ =	sdelay $0x3  }
0x92: {  	_ =	strace s18  }
0x93: {  	s3 =	sld [smem:$0x3FFC];
	_ =	sdelay $0x3  }
0x94: {  	_ =	strace s3  }
0x95: {  	s3 =	sld [smem:$0x3FFD];
	_ =	sdelay $0x3  }
0x96: {  	_ =	strace s3  }
0x97: {  	_ =	strace $0x8FFFFFFF  }
0x98: {  	s19 =	sld [smem:$0x3FDB];
	_ =	sdelay $0x1  }
0x99: {  	s4 =	simm.s32 $_scs_section_size  }
0x9a: {  	s5 =	simm.s32 $_size__tile_overlayer_lowered;
	s6 =	simm.s32 $_tile_overlayer_lowered  }
0x9b: {  	s22 =	simm.s32 $0x1BFF;
	s21 =	sshll.u32 s6, $0x1;
	s3 =	sadd.s32 s4, s19  }
0x9c: {  	s7 =	simm.s32 $0x0;
	s20 =	sshll.u32 s5, $0x1;
	s5 =	sadd.s32 s21, s3  }
0x9d: {  	[timem:s7], [sflag:s22] =	dma.local [hbm:s5], s20  }
0x9e: {  	_ =	swait.ge [sflag:s22], s20  }
0x9f: {  	s4 =	ssub.s32 $0x0, s20;
	[sflag:s22] =	ssyncset.done $0x0  }
0xa0: {  	[sflag:s22] =	ssyncadd.s32 s4;
	_ =	sdelay $0x1  }
0xa1: {  	s23 =	simm.s32 $0x1B8B  }
0xa2: {  	_ =	swait.ge [sflag:s23], $0x1  }
0xa3: {  	[sflag:s23] =	ssyncset.done $0x0  }
0xa4: {  	s25 =	simm.s32 $0x1B8E;
	s24 =	sld [smem:$0x3FFE];
	[sflag:s23] =	ssyncadd.s32 $0xFFFFFFFF  }
0xa5: {  	s26 =	simm.s32 $execute0_lowered;
	[smem:$0x3FD2] =	sst s25  }
0xa6: {  	s5 =	sshll.u32 s26, $0x1;
	_ =	strace $0x8000004F;
	[dreg:$0x1] =	wrdreg $0xFFFFFFFF  }
0xa7: {  	s28 =	simm.s32 $_size_execute0_lowered;
	s3 =	sadd.s32 s3, s5;
	[dreg:$0x0] =	wrdreg $0x0  }
0xa8: {  	s5 =	sshll.u32 s28, $0x1;
	[dreg:$0x2] =	wrdreg s3  }
0xa9: {  	[dreg:$0x3] =	wrdreg s5  }
0xaa: {  	[dreg:$0x4] =	wrdreg $0xC0  }
0xab: {  	_ =	task [dreg:s7], $0x5FFFF  }
0xac: {  	[dreg:$0x1] =	wrdreg $0xFFFFFFFF  }
0xad: {  	[dreg:$0x0] =	wrdreg $0x60  }
0xae: {  	[dreg:$0x2] =	wrdreg s24  }
0xaf: {  	[dreg:$0x3] =	wrdreg s2  }
0xb0: {  	[dreg:$0x4] =	wrdreg $0x9  }
0xb1: {  	_ =	task.clear_ibuf [dreg:s7], $0x5FFFF;
	_ =	strace $0x9000004F  }
0xb2: {  	s29 =	simm.s32 $0x9;
	_ =	strace $0x80000051  }
0xb3: {  	_ =	swait.ge [sflag:s29], $0x1  }
0xb4: {  	[sflag:s29] =	ssyncadd.s32 $0xFFFFFFFF  }
0xb5: {  	_ =	strace $0x90000051  }
0xb6: {  	_ =	sfence  }
0xb7: {  	s30 =	sld [smem:$0x0];
	_ =	sdelay $0x2  }
0xb8: {  	s31 =	sshll.u32 s1, $0xD;
	s1 =	sshrl.u32 s1, $0x2  }
0xb9: {  	s3 =	sand.u32 $0x4000, s31;
	s1 =	sadd.s32 s1, s30  }
0xba: {  	s0 =	sor.u32 s3, s0;
	s1 =	sshll.u32 s1, $0x11  }
0xbb: {  	s0 =	sor.u32 s1, s0  }
0xbc: {  	s0 =	sadd.s32 $0x8F2B, s0  }
0xbd: {  	[sflag:s0] =	ssyncadd.remote.s32 $0x1  }
0xbe: {  	_ =	sfence.sel $0xFFFF  }
0xbf: {  	[dreg:$0x0] =	wrdreg $0xFFFFFFFF;
	(pc) =	sbr.abs _section_cstart, $3  }
0xc0: {  	[dreg:$0x1] =	wrdreg $0xFFFFFFFF  }
0xc1: {  	_ =	task.clear_ibuf [dreg:s7], $0x2FFFF;
	_ =	strace $0x9FFFFFFF  }
0xc2: {  	(tm) =	ssettm $0x7FFFFFFF  }
0xc3: {  	_ =	shalt  }
tec
execute0_lowered:
.L_overlay_start_1:
0x0: {  	(tag) =	ssettag $0x1  }
0x1: {  	s6 =	rddreg [dreg:$0x0]  }
0x2: {  	s8 =	rddreg [dreg:$0x1]  }
0x3: {  	s3 =	srdreg.scid;
	s2 =	simm.s32 $0x0;
	s1 =	stileid.u32  }
0x4: {  	s14 =	simm.s32 $0x2;
	s15 =	simm.s32 $0x80;
	s16 =	simm.s32 $0x1000  }
0x5: {  	s17 =	simm.s32 $0x5000;
	s18 =	simm.s32 $0x9000;
	s19 =	simm.s32 $0x880  }
0x6: {  	s20 =	simm.s32 $0xD000;
	s21 =	simm.s32 $0x3;
	s22 =	simm.s32 $0x4  }
0x7: {  	s23 =	simm.s32 $0x5;
	s24 =	simm.s32 $0x6;
	s25 =	simm.s32 $0x7  }
0x8: {  	s26 =	simm.s32 $0x8;
	s28 =	simm.s32 $0x0;
	s5 =	sand.u32 $0x1, s3  }
0x9: {  	[smem:$0x7FF] =	sst s2;
	s4 =	sshll.u32 s1, $0xB;
	s3 =	sshll.u32 s5, $0xF  }
0xa: {  	_ =	strace $0x80000050;
	s7 =	ssub.s32 $0x2, s5;
	s5 =	sadd.s32 $0x107A00, s6  }
0xb: {  	s3 =	sor.u32 s4, s3;
	s4 =	sadd.s32 $0x4800, s6;
	s10 =	sshrl.u32 s7, $0x1  }
0xc: {  	s9 =	sshrl.u32 s3, $0x3;
	s11 =	sshll.u32 s3, $0x4;
	s13 =	ssub.s32 s7, s10  }
0xd: {  	s12 =	sadd.s32 s9, s6;
	s6 =	sadd.s32 s5, s11;
	s8 =	sadd.s32 s8, s9  }
0xe: {  	s11 =	smax.u32 s13, $0x1;
	s13 =	simm.s32 $0x1;
	s7 =	sadd.s32 $0x105A00, s12  }
0xf: {  	s9 =	sadd.s32 $0x7000, s6;
	s10 =	sadd.s32 $0x7800, s6;
	s12 =	simm.s32 $0x800  }
.LBB2_1:
0x10: {  	[tilespmem:s2], [sflag:$0x1] =	stream.linear.gather [hbm4b:s7+s2], $0x800, $0x38;
	[tilespmem:$0x11000] =	vst v63  }
0x11: {  	_ = 	snop  }
0x12: {  	[tilespmem:s12], [sflag:$0x2] =	stream.linear.gather [hbm4b:s8+s2], $0x800, $0x38;
	[tilespmem:$0x11000] =	vst v63  }
0x13: {  	_ =	swait.ge [sflag:s13], $0x800  }
0x14: {  	[sflag:s13] =	ssyncset.done $0x0  }
0x15: {  	[sflag:s13] =	ssyncadd.s32 $0xFFFFF800  }
0x16: {  	_ =	swait.ge [sflag:s14], $0x800  }
0x17: {  	[sflag:s14] =	ssyncset.done $0x0  }
0x18: {  	[sflag:s14] =	ssyncadd.s32 $0xFFFFF800  }
0x19: {  	[tilespmem:s16], [sflag:$0x3] =	stream.indirect.gather [hbm4b:s4+s15], $0x80, s2, s15, $0xb8;
	[tilespmem:$0x11000] =	vst v63  }
0x1a: {  	_ = 	snop  }
0x1b: {  	[tilespmem:s17], [sflag:$0x4] =	stream.indirect.gather [hbm4b:s4+s15], $0x80, s12, s15, $0xb8;
	[tilespmem:$0x11000] =	vst v63  }
0x1c: {  	_ = 	snop  }
0x1d: {  	[tilespmem:s18], [sflag:$0x5] =	stream.indirect.gather [hbm4b:s4+s15], $0x80, s15, s15, $0xb8;
	[tilespmem:$0x11000] =	vst v63  }
0x1e: {  	s29 =	simm.s32 $0x0  }
0x1f: {  	[tilespmem:s20], [sflag:$0x6] =	stream.indirect.gather [hbm4b:s4+s15], $0x80, s19, s15, $0xb8;
	[tilespmem:$0x11000] =	vst v63  }
.LBB2_2:
0x20: {  	_ =	swait.ge [sflag:s21], $0x4000  }
0x21: {  	[sflag:s21] =	ssyncset.done $0x0  }
0x22: {  	[sflag:s21] =	ssyncadd.s32 $0xFFFFC000  }
0x23: {  	_ =	swait.ge [sflag:s22], $0x4000  }
0x24: {  	[sflag:s22] =	ssyncset.done $0x0  }
0x25: {  	s30 =	simm.s32 $0x0;
	[sflag:s22] =	ssyncadd.s32 $0xFFFFC000  }
0x26: {  	v7 =	vld [tilespmem:s30+$0x5000]  }
0x27: {  	v11 =	vld [tilespmem:s30+$0x5010]  }
0x28: {  	v5 =	vld [tilespmem:s30+$0x5020]  }
0x29: {  	v4 =	vld [tilespmem:s30+$0x5030]  }
0x2a: {  	v3 =	vld [tilespmem:s30+$0x5040]  }
0x2b: {  	v2 =	vld [tilespmem:s30+$0x5050]  }
0x2c: {  	v1 =	vld [tilespmem:s30+$0x5060]  }
0x2d: {  	v0 =	vld [tilespmem:s30+$0x5070]  }
0x2e: {  	v12 =	vld [tilespmem:s30+$0x1000]  }
0x2f: {  	v13 =	vld [tilespmem:s30+$0x1010]  }
0x30: {  	v10 =	vld [tilespmem:s30+$0x1020]  }
0x31: {  	v9 =	vld [tilespmem:s30+$0x1030]  }
0x32: {  	v8 =	vld [tilespmem:s30+$0x1040]  }
0x33: {  	v6 =	vld [tilespmem:s30+$0x1050];
	v12 =	vmul.f32 v7, v12  }
0x34: {  	s31 =	simm.s32 $0x200;
	v11 =	vmul.f32 v11, v13;
	v7 =	vld [tilespmem:s30+$0x1060]  }
.LBB2_3:
0x35: {  	s0 =	sshra.s32 s31, $0x2;
	p0 =	sne.s32 s31, $0xFE00;
	[tilespmem:s30+$0x1000] =	vst v12;
	v5 =	vmul.f32 v5, v10;
	v10 =	vld [tilespmem:s30+$0x1070]  }
0x36: {  	v12 =	vld [tilespmem:s0+$0x5000];
	[tilespmem:s30+$0x1010] =	vst v11;
	v4 =	vmul.f32 v4, v9  }
0x37: {  	v11 =	vld [tilespmem:s0+$0x5010];
	[tilespmem:s30+$0x1020] =	vst v5;
	v3 =	vmul.f32 v3, v8  }
0x38: {  	v5 =	vld [tilespmem:s0+$0x5020];
	[tilespmem:s30+$0x1030] =	vst v4;
	v2 =	vmul.f32 v2, v6  }
0x39: {  	v4 =	vld [tilespmem:s0+$0x5030];
	[tilespmem:s30+$0x1040] =	vst v3;
	v1 =	vmul.f32 v1, v7  }
0x3a: {  	v3 =	vld [tilespmem:s0+$0x5040];
	[tilespmem:s30+$0x1050] =	vst v2;
	v0 =	vmul.f32 v0, v10  }
0x3b: {  	v2 =	vld [tilespmem:s0+$0x5050];
	[tilespmem:s30+$0x1060] =	vst v1  }
0x3c: {  	v1 =	vld [tilespmem:s0+$0x5060];
	[tilespmem:s30+$0x1070] =	vst v0;
	s30 =	smov.u32 s0  }
0x3d: {  	v0 =	vld [tilespmem:s30+$0x5070]  }
0x3e: {  	v6 =	vld [tilespmem:s30+$0x1000]  }
0x3f: {  	v7 =	vld [tilespmem:s30+$0x1010]  }
.Ltmp0:
0x40: {  	v10 =	vld [tilespmem:s30+$0x1020];
	(pc) =	sbr.rel @p0 .LBB2_3-.Ltmp0, $4  }
0x41: {  	v9 =	vld [tilespmem:s30+$0x1030]  }
0x42: {  	v8 =	vld [tilespmem:s30+$0x1040]  }
0x43: {  	v12 =	vmul.f32 v12, v6;
	v6 =	vld [tilespmem:s30+$0x1050]  }
0x44: {  	s31 =	sadd.s32 $0x200, s31;
	v11 =	vmul.f32 v11, v7;
	v7 =	vld [tilespmem:s30+$0x1060]  }
0x45: {  	[tilespmem:s30+$0x1000] =	vst v12;
	v5 =	vmul.f32 v5, v10;
	v10 =	vld [tilespmem:s30+$0x1070]  }
0x46: {  	[tilespmem:s30+$0x1010] =	vst v11;
	v4 =	vmul.f32 v4, v9  }
0x47: {  	[tilespmem:s30+$0x1020] =	vst v5;
	v3 =	vmul.f32 v3, v8  }
0x48: {  	[tilespmem:s30+$0x1030] =	vst v4;
	v2 =	vmul.f32 v2, v6  }
0x49: {  	[tilespmem:s30+$0x1040] =	vst v3;
	v1 =	vmul.f32 v1, v7  }
0x4a: {  	[tilespmem:s30+$0x1050] =	vst v2;
	v0 =	vmul.f32 v0, v10  }
0x4b: {  	s0 =	sshll.u32 s29, $0xC;
	[tilespmem:s30+$0x1060] =	vst v1  }
0x4c: {  	s0 =	sadd.s32 s0, s6;
	[tilespmem:s30+$0x1070] =	vst v0;
	s30 =	simm.s32 $0x0  }
0x4d: {  	[hbm4b:s0+s30] =	stream.linear.scatter [tilespmem:s16], [sflag:$0x7], $0x4000, $0x38;
	[tilespmem:$0x11000] =	vst v63  }
0x4e: {  	_ =	swait.ge [sflag:s23], $0x4000  }
0x4f: {  	[sflag:s23] =	ssyncset.done $0x0  }
0x50: {  	[sflag:s23] =	ssyncadd.s32 $0xFFFFC000  }
0x51: {  	_ =	swait.ge [sflag:s24], $0x4000  }
0x52: {  	[sflag:s24] =	ssyncset.done $0x0  }
0x53: {  	s30 =	simm.s32 $0x0;
	[sflag:s24] =	ssyncadd.s32 $0xFFFFC000  }
0x54: {  	v6 =	vld [tilespmem:s30+$0xD000]  }
0x55: {  	v11 =	vld [tilespmem:s30+$0xD010]  }
0x56: {  	v5 =	vld [tilespmem:s30+$0xD020]  }
0x57: {  	v4 =	vld [tilespmem:s30+$0xD030]  }
0x58: {  	v3 =	vld [tilespmem:s30+$0xD040]  }
0x59: {  	v2 =	vld [tilespmem:s30+$0xD050]  }
0x5a: {  	v1 =	vld [tilespmem:s30+$0xD060]  }
0x5b: {  	v0 =	vld [tilespmem:s30+$0xD070]  }
0x5c: {  	v12 =	vld [tilespmem:s30+$0x9000]  }
0x5d: {  	v13 =	vld [tilespmem:s30+$0x9010]  }
0x5e: {  	v10 =	vld [tilespmem:s30+$0x9020]  }
0x5f: {  	v9 =	vld [tilespmem:s30+$0x9030]  }
0x60: {  	v8 =	vld [tilespmem:s30+$0x9040]  }
0x61: {  	v7 =	vld [tilespmem:s30+$0x9050];
	v12 =	vmul.f32 v6, v12  }
0x62: {  	s31 =	simm.s32 $0x200;
	v11 =	vmul.f32 v11, v13;
	v6 =	vld [tilespmem:s30+$0x9060]  }
.LBB2_5:
0x63: {  	s0 =	sshra.s32 s31, $0x2;
	p0 =	sne.s32 s31, $0xFE00;
	[tilespmem:s30+$0x9000] =	vst v12;
	v5 =	vmul.f32 v5, v10;
	v10 =	vld [tilespmem:s30+$0x9070]  }
0x64: {  	v12 =	vld [tilespmem:s0+$0xD000];
	[tilespmem:s30+$0x9010] =	vst v11;
	v4 =	vmul.f32 v4, v9  }
0x65: {  	v11 =	vld [tilespmem:s0+$0xD010];
	[tilespmem:s30+$0x9020] =	vst v5;
	v3 =	vmul.f32 v3, v8  }
0x66: {  	v5 =	vld [tilespmem:s0+$0xD020];
	[tilespmem:s30+$0x9030] =	vst v4;
	v2 =	vmul.f32 v2, v7  }
0x67: {  	v4 =	vld [tilespmem:s0+$0xD030];
	[tilespmem:s30+$0x9040] =	vst v3;
	v1 =	vmul.f32 v1, v6  }
0x68: {  	v3 =	vld [tilespmem:s0+$0xD040];
	[tilespmem:s30+$0x9050] =	vst v2;
	v0 =	vmul.f32 v0, v10  }
0x69: {  	v2 =	vld [tilespmem:s0+$0xD050];
	[tilespmem:s30+$0x9060] =	vst v1  }
0x6a: {  	v1 =	vld [tilespmem:s0+$0xD060];
	[tilespmem:s30+$0x9070] =	vst v0;
	s30 =	smov.u32 s0  }
0x6b: {  	v0 =	vld [tilespmem:s30+$0xD070]  }
0x6c: {  	v6 =	vld [tilespmem:s30+$0x9000]  }
0x6d: {  	v13 =	vld [tilespmem:s30+$0x9010]  }
.Ltmp1:
0x6e: {  	v10 =	vld [tilespmem:s30+$0x9020];
	(pc) =	sbr.rel @p0 .LBB2_5-.Ltmp1, $4  }
0x6f: {  	v9 =	vld [tilespmem:s30+$0x9030]  }
0x70: {  	v8 =	vld [tilespmem:s30+$0x9040]  }
0x71: {  	v12 =	vmul.f32 v12, v6;
	v7 =	vld [tilespmem:s30+$0x9050]  }
0x72: {  	s31 =	sadd.s32 $0x200, s31;
	v11 =	vmul.f32 v11, v13;
	v6 =	vld [tilespmem:s30+$0x9060]  }
0x73: {  	[tilespmem:s30+$0x9000] =	vst v12;
	v5 =	vmul.f32 v5, v10;
	v63 =	vld [tilespmem:s30+$0x9070]  }
0x74: {  	[tilespmem:s30+$0x9010] =	vst v11;
	v4 =	vmul.f32 v4, v9  }
0x75: {  	[tilespmem:s30+$0x9020] =	vst v5;
	v3 =	vmul.f32 v3, v8  }
0x76: {  	s0 =	sshll.u32 s29, $0x8;
	[tilespmem:s30+$0x9030] =	vst v4;
	v2 =	vmul.f32 v2, v7  }
0x77: {  	s31 =	sadd.s32 s0, s3;
	[tilespmem:s30+$0x9040] =	vst v3;
	v1 =	vmul.f32 v1, v6  }
0x78: {  	s31 =	sshll.u32 s31, $0x4;
	[tilespmem:s30+$0x9050] =	vst v2;
	v0 =	vmul.f32 v0, v63  }
0x79: {  	s31 =	sadd.s32 s5, s31;
	[tilespmem:s30+$0x9060] =	vst v1  }
0x7a: {  	s31 =	sadd.s32 $0x800, s31;
	[tilespmem:s30+$0x9070] =	vst v0  }
0x7b: {  	[hbm4b:s31+s2] =	stream.linear.scatter [tilespmem:s18], [sflag:$0x8], $0x4000, $0x38;
	[tilespmem:$0x11000] =	vst v63  }
0x7c: {  	_ =	swait.ge [sflag:s25], $0x4000  }
0x7d: {  	[sflag:s25] =	ssyncset.done $0x0  }
0x7e: {  	s31 =	sadd.s32 $0x100, s0;
	[sflag:s25] =	ssyncadd.s32 $0xFFFFC000  }
0x7f: {  	[tilespmem:s16], [sflag:$0x3] =	stream.indirect.gather [hbm4b:s4+s15], $0x80, s31, s15, $0xb8;
	[tilespmem:$0x11000] =	vst v63  }
0x80: {  	s29 =	sadd.s32 $0x1, s29;
	s31 =	sadd.s32 $0x900, s0  }
0x81: {  	[tilespmem:s17], [sflag:$0x4] =	stream.indirect.gather [hbm4b:s4+s15], $0x80, s31, s15, $0xb8;
	[tilespmem:$0x11000] =	vst v63  }
0x82: {  	p0 =	sne.s32 s29, $0x7;
	_ =	swait.ge [sflag:s26], $0x4000  }
.Ltmp2:
0x83: {  	[sflag:s26] =	ssyncset.done $0x0;
	(pc) =	sbr.rel @p0 .LBB2_2-.Ltmp2, $4  }
0x84: {  	s31 =	sadd.s32 $0x180, s0;
	[sflag:s26] =	ssyncadd.s32 $0xFFFFC000  }
0x85: {  	[tilespmem:s18], [sflag:$0x5] =	stream.indirect.gather [hbm4b:s4+s15], $0x80, s31, s15, $0xb8;
	[tilespmem:$0x11000] =	vst v63  }
0x86: {  	s0 =	sadd.s32 $0x980, s0  }
0x87: {  	[tilespmem:s20], [sflag:$0x6] =	stream.indirect.gather [hbm4b:s4+s15], $0x80, s0, s15, $0xb8;
	[tilespmem:$0x11000] =	vst v63  }
0x88: {  	_ =	swait.ge [sflag:s21], $0x4000  }
0x89: {  	[sflag:s21] =	ssyncset.done $0x0  }
0x8a: {  	[sflag:s21] =	ssyncadd.s32 $0xFFFFC000  }
0x8b: {  	_ =	swait.ge [sflag:s22], $0x4000  }
0x8c: {  	[sflag:s22] =	ssyncset.done $0x0  }
0x8d: {  	s29 =	simm.s32 $0x0;
	[sflag:s22] =	ssyncadd.s32 $0xFFFFC000  }
0x8e: {  	v7 =	vld [tilespmem:s29+$0x5000]  }
0x8f: {  	v11 =	vld [tilespmem:s29+$0x5010]  }
0x90: {  	v5 =	vld [tilespmem:s29+$0x5020]  }
0x91: {  	v4 =	vld [tilespmem:s29+$0x5030]  }
0x92: {  	v3 =	vld [tilespmem:s29+$0x5040]  }
0x93: {  	v2 =	vld [tilespmem:s29+$0x5050]  }
0x94: {  	v1 =	vld [tilespmem:s29+$0x5060]  }
0x95: {  	v0 =	vld [tilespmem:s29+$0x5070]  }
0x96: {  	v12 =	vld [tilespmem:s29+$0x1000]  }
0x97: {  	v13 =	vld [tilespmem:s29+$0x1010]  }
0x98: {  	v10 =	vld [tilespmem:s29+$0x1020]  }
0x99: {  	v9 =	vld [tilespmem:s29+$0x1030]  }
0x9a: {  	v8 =	vld [tilespmem:s29+$0x1040]  }
0x9b: {  	v6 =	vld [tilespmem:s29+$0x1050];
	v12 =	vmul.f32 v7, v12  }
0x9c: {  	s30 =	simm.s32 $0x200;
	v11 =	vmul.f32 v11, v13;
	v7 =	vld [tilespmem:s29+$0x1060]  }
.LBB2_8:
0x9d: {  	s0 =	sshra.s32 s30, $0x2;
	p0 =	sne.s32 s30, $0xFE00;
	[tilespmem:s29+$0x1000] =	vst v12;
	v5 =	vmul.f32 v5, v10;
	v10 =	vld [tilespmem:s29+$0x1070]  }
0x9e: {  	v12 =	vld [tilespmem:s0+$0x5000];
	[tilespmem:s29+$0x1010] =	vst v11;
	v4 =	vmul.f32 v4, v9  }
0x9f: {  	v11 =	vld [tilespmem:s0+$0x5010];
	[tilespmem:s29+$0x1020] =	vst v5;
	v3 =	vmul.f32 v3, v8  }
0xa0: {  	v5 =	vld [tilespmem:s0+$0x5020];
	[tilespmem:s29+$0x1030] =	vst v4;
	v2 =	vmul.f32 v2, v6  }
0xa1: {  	v4 =	vld [tilespmem:s0+$0x5030];
	[tilespmem:s29+$0x1040] =	vst v3;
	v1 =	vmul.f32 v1, v7  }
0xa2: {  	v3 =	vld [tilespmem:s0+$0x5040];
	[tilespmem:s29+$0x1050] =	vst v2;
	v0 =	vmul.f32 v0, v10  }
0xa3: {  	v2 =	vld [tilespmem:s0+$0x5050];
	[tilespmem:s29+$0x1060] =	vst v1  }
0xa4: {  	v1 =	vld [tilespmem:s0+$0x5060];
	[tilespmem:s29+$0x1070] =	vst v0;
	s29 =	smov.u32 s0  }
0xa5: {  	v0 =	vld [tilespmem:s29+$0x5070]  }
0xa6: {  	v6 =	vld [tilespmem:s29+$0x1000]  }
0xa7: {  	v7 =	vld [tilespmem:s29+$0x1010]  }
.Ltmp3:
0xa8: {  	v10 =	vld [tilespmem:s29+$0x1020];
	(pc) =	sbr.rel @p0 .LBB2_8-.Ltmp3, $4  }
0xa9: {  	v9 =	vld [tilespmem:s29+$0x1030]  }
0xaa: {  	v8 =	vld [tilespmem:s29+$0x1040]  }
0xab: {  	v12 =	vmul.f32 v12, v6;
	v6 =	vld [tilespmem:s29+$0x1050]  }
0xac: {  	s30 =	sadd.s32 $0x200, s30;
	v11 =	vmul.f32 v11, v7;
	v7 =	vld [tilespmem:s29+$0x1060]  }
0xad: {  	[tilespmem:s29+$0x1000] =	vst v12;
	v5 =	vmul.f32 v5, v10;
	v10 =	vld [tilespmem:s29+$0x1070]  }
0xae: {  	[tilespmem:s29+$0x1010] =	vst v11;
	v4 =	vmul.f32 v4, v9  }
0xaf: {  	[tilespmem:s29+$0x1020] =	vst v5;
	v3 =	vmul.f32 v3, v8  }
0xb0: {  	[tilespmem:s29+$0x1030] =	vst v4;
	v2 =	vmul.f32 v2, v6  }
0xb1: {  	[tilespmem:s29+$0x1040] =	vst v3;
	v1 =	vmul.f32 v1, v7  }
0xb2: {  	[tilespmem:s29+$0x1050] =	vst v2;
	v0 =	vmul.f32 v0, v10  }
0xb3: {  	[tilespmem:s29+$0x1060] =	vst v1  }
0xb4: {  	s0 =	simm.s32 $0x0;
	[tilespmem:s29+$0x1070] =	vst v0  }
0xb5: {  	[hbm4b:s9+s0] =	stream.linear.scatter [tilespmem:s16], [sflag:$0x7], $0x4000, $0x38;
	[tilespmem:$0x11000] =	vst v63  }
0xb6: {  	_ =	swait.ge [sflag:s23], $0x4000  }
0xb7: {  	[sflag:s23] =	ssyncset.done $0x0  }
0xb8: {  	[sflag:s23] =	ssyncadd.s32 $0xFFFFC000  }
0xb9: {  	_ =	swait.ge [sflag:s24], $0x4000  }
0xba: {  	[sflag:s24] =	ssyncset.done $0x0  }
0xbb: {  	s29 =	simm.s32 $0x0;
	[sflag:s24] =	ssyncadd.s32 $0xFFFFC000  }
0xbc: {  	v7 =	vld [tilespmem:s29+$0xD000]  }
0xbd: {  	v11 =	vld [tilespmem:s29+$0xD010]  }
0xbe: {  	v5 =	vld [tilespmem:s29+$0xD020]  }
0xbf: {  	v4 =	vld [tilespmem:s29+$0xD030]  }
0xc0: {  	v3 =	vld [tilespmem:s29+$0xD040]  }
0xc1: {  	v2 =	vld [tilespmem:s29+$0xD050]  }
0xc2: {  	v1 =	vld [tilespmem:s29+$0xD060]  }
0xc3: {  	v0 =	vld [tilespmem:s29+$0xD070]  }
0xc4: {  	v12 =	vld [tilespmem:s29+$0x9000]  }
0xc5: {  	v13 =	vld [tilespmem:s29+$0x9010]  }
0xc6: {  	v10 =	vld [tilespmem:s29+$0x9020]  }
0xc7: {  	v9 =	vld [tilespmem:s29+$0x9030]  }
0xc8: {  	v8 =	vld [tilespmem:s29+$0x9040]  }
0xc9: {  	v6 =	vld [tilespmem:s29+$0x9050];
	v12 =	vmul.f32 v7, v12  }
0xca: {  	s30 =	simm.s32 $0x200;
	v11 =	vmul.f32 v11, v13;
	v7 =	vld [tilespmem:s29+$0x9060]  }
.LBB2_10:
0xcb: {  	s0 =	sshra.s32 s30, $0x2;
	p0 =	sne.s32 s30, $0xFE00;
	[tilespmem:s29+$0x9000] =	vst v12;
	v5 =	vmul.f32 v5, v10;
	v10 =	vld [tilespmem:s29+$0x9070]  }
0xcc: {  	v12 =	vld [tilespmem:s0+$0xD000];
	[tilespmem:s29+$0x9010] =	vst v11;
	v4 =	vmul.f32 v4, v9  }
0xcd: {  	v11 =	vld [tilespmem:s0+$0xD010];
	[tilespmem:s29+$0x9020] =	vst v5;
	v3 =	vmul.f32 v3, v8  }
0xce: {  	v5 =	vld [tilespmem:s0+$0xD020];
	[tilespmem:s29+$0x9030] =	vst v4;
	v2 =	vmul.f32 v2, v6  }
0xcf: {  	v4 =	vld [tilespmem:s0+$0xD030];
	[tilespmem:s29+$0x9040] =	vst v3;
	v1 =	vmul.f32 v1, v7  }
0xd0: {  	v3 =	vld [tilespmem:s0+$0xD040];
	[tilespmem:s29+$0x9050] =	vst v2;
	v0 =	vmul.f32 v0, v10  }
0xd1: {  	v2 =	vld [tilespmem:s0+$0xD050];
	[tilespmem:s29+$0x9060] =	vst v1  }
0xd2: {  	v1 =	vld [tilespmem:s0+$0xD060];
	[tilespmem:s29+$0x9070] =	vst v0;
	s29 =	smov.u32 s0  }
0xd3: {  	v0 =	vld [tilespmem:s29+$0xD070]  }
0xd4: {  	v6 =	vld [tilespmem:s29+$0x9000]  }
0xd5: {  	v7 =	vld [tilespmem:s29+$0x9010]  }
.Ltmp4:
0xd6: {  	v10 =	vld [tilespmem:s29+$0x9020];
	(pc) =	sbr.rel @p0 .LBB2_10-.Ltmp4, $4  }
0xd7: {  	v9 =	vld [tilespmem:s29+$0x9030]  }
0xd8: {  	v8 =	vld [tilespmem:s29+$0x9040]  }
0xd9: {  	v12 =	vmul.f32 v12, v6;
	v6 =	vld [tilespmem:s29+$0x9050]  }
0xda: {  	s30 =	sadd.s32 $0x200, s30;
	v11 =	vmul.f32 v11, v7;
	v7 =	vld [tilespmem:s29+$0x9060]  }
0xdb: {  	[tilespmem:s29+$0x9000] =	vst v12;
	v5 =	vmul.f32 v5, v10;
	v63 =	vld [tilespmem:s29+$0x9070]  }
0xdc: {  	[tilespmem:s29+$0x9010] =	vst v11;
	v4 =	vmul.f32 v4, v9  }
0xdd: {  	[tilespmem:s29+$0x9020] =	vst v5;
	v3 =	vmul.f32 v3, v8  }
0xde: {  	[tilespmem:s29+$0x9030] =	vst v4;
	v2 =	vmul.f32 v2, v6  }
0xdf: {  	[tilespmem:s29+$0x9040] =	vst v3;
	v1 =	vmul.f32 v1, v7  }
0xe0: {  	[tilespmem:s29+$0x9050] =	vst v2;
	v0 =	vmul.f32 v0, v63  }
0xe1: {  	[tilespmem:s29+$0x9060] =	vst v1  }
0xe2: {  	s28 =	sadd.s32 $0x1, s28;
	[tilespmem:s29+$0x9070] =	vst v0  }
0xe3: {  	[hbm4b:s10+s2] =	stream.linear.scatter [tilespmem:s18], [sflag:$0x8], $0x4000, $0x38;
	[tilespmem:$0x11000] =	vst v63  }
0xe4: {  	p0 =	sne.s32 s28, s11;
	_ =	swait.ge [sflag:s25], $0x4000  }
.Ltmp5:
0xe5: {  	[sflag:s25] =	ssyncset.done $0x0;
	(pc) =	sbr.rel @p0 .LBB2_1-.Ltmp5, $4  }
0xe6: {  	[sflag:s25] =	ssyncadd.s32 $0xFFFFC000  }
0xe7: {  	_ =	swait.ge [sflag:s26], $0x4000  }
0xe8: {  	[sflag:s26] =	ssyncset.done $0x0  }
0xe9: {  	[sflag:s26] =	ssyncadd.s32 $0xFFFFC000  }
0xea: {  	_ =	sfence.sel $0x180000  }
0xeb: {  	[bflag:$0x0] =	sbarrier.arrive $0xFFFF  }
0xec: {  	_ =	strace $0x90000050  }
0xed: {  	[bflag:$0x2] =	sbarrier.arrive $0xFFFF  }
0xee: {  	p0 =	sne.s32 s1, $0x0;
	s0 =	rddreg [dreg:$0x2]  }
0xef: {  	s0 =	sadd.s32 @!p0 $0x100000, s0  }
0xf0: {  	[sflag:s0] =	ssyncadd.tile.s32 @!p0 $0x1;
	_ =	shalt  }
.Lfunc_end2:
_tile_overlayer_lowered:
.L_overlay_start_2:
0xf1: {  	(tag) =	ssettag $0x2  }
0xf2: {  	s0 =	rddreg [dreg:$0x0];
	s2 =	stileid.u32  }
0xf3: {  	s1 =	rddreg [dreg:$0x1];
	p0 =	sne.s32 s2, $0x0  }
0xf4: {  	s3 =	rddreg [dreg:$0x2];
	[bflag:$0x3] =	sbarrier.arrive $0xFFFF;
	s2 =	simm.s32 @!p0 $0x1C09  }
0xf5: {  	[timem:s3], [sflag:s2] =	dma.local @!p0 [hbm:s0], s1  }
0xf6: {  	s0 =	simm.s32 @!p0 $0x9  }
0xf7: {  	_ =	swait.ge @!p0 [sflag:s0], s1  }
0xf8: {  	s1 =	ssub.s32 @!p0 $0x0, s1;
	[sflag:s0] =	ssyncset.done @!p0 $0x0  }
0xf9: {  	[sflag:s0] =	ssyncadd.s32 @!p0 s1  }
0xfa: {  	[bflag:$0x3] =	sbarrier.arrive $0xFFFF  }
0xfb: {  	_ =	shalt  }

</sc_bundles>
